<compile_context>
chip_gen: v7x
topology: tpu7x:2x2x1
jax: 0.10.2.dev20260603
libtpu: 0.0.44.dev20260713+nightly
codegen_flags: <defaults>
</compile_context>

<pallas_src>
import functools

import jax
import jax.numpy as jnp
from jax import lax
from jax.experimental import pallas as pl
from jax.experimental.pallas import tpu as pltpu
from jax.experimental.pallas import tpu_sc as plsc

_N = 10000
_NP = 10240
_D = 128
_G = 128
_E = 320000
_NT = 16
_NC = 2
_CH = 128
_SEC = 32
_SECS = ((0, 32), (32, 32), (64, 32), (96, 32), (128, 29))
_CPT = 157
_EPT = _CPT * _CH
_EPB = _EPT * _NT
_RPT = _NP // _NT

_f32 = jnp.float32



def _sc_degree(dst_idx, zeros_np):
    mesh = plsc.VectorSubcoreMesh(core_axis_name="c", subcore_axis_name="s")

    @functools.partial(
        pl.kernel,
        mesh=mesh,
        out_type=jax.ShapeDtypeStruct((_NC, _NP), _f32),
        scratch_types=[
            pltpu.VMEM((_CPT, _CH), jnp.int32),
            pltpu.VMEM((_CH,), _f32),
            pltpu.VMEM_SHARED((_NP,), _f32),
        ],
    )
    def k(dst_hbm, zero_hbm, deg_hbm, idx_v, ones_v, hist_sh):
        c = lax.axis_index("c")
        s = lax.axis_index("s")
        pltpu.sync_copy(dst_hbm.at[c, s], idx_v)
        pltpu.sync_copy(zero_hbm.at[pl.ds(s * _RPT, _RPT)],
                        hist_sh.at[pl.ds(s * _RPT, _RPT)])
        for i in range(_CH // 16):
            ones_v[pl.ds(i * 16, 16)] = jnp.ones((16,), _f32)
        plsc.subcore_barrier()

        def body(j, carry):
            pltpu.sync_copy(ones_v, hist_sh.at[idx_v.at[j]], add=True)
            return carry

        lax.fori_loop(0, _CPT, body, 0)
        plsc.subcore_barrier()
        pltpu.sync_copy(hist_sh.at[pl.ds(s * _RPT, _RPT)],
                        deg_hbm.at[c, pl.ds(s * _RPT, _RPT)])

    return k(dst_idx, zeros_np)


def _sc_scatter(xs, src_idx, dst_idx):
    mesh = plsc.VectorSubcoreMesh(core_axis_name="c", subcore_axis_name="s")

    @functools.partial(
        pl.kernel,
        mesh=mesh,
        out_type=jax.ShapeDtypeStruct((_NC, _NP, _D), _f32),
        scratch_types=[
            pltpu.VMEM((_SEC, _CH), jnp.int32),
            pltpu.VMEM((_SEC, _CH), jnp.int32),
            pltpu.VMEM((_CH, _D), _f32),
            pltpu.VMEM((_CH, _D), _f32),
            pltpu.VMEM_SHARED((_NP, _D), _f32),
            pltpu.SemaphoreType.DMA,
            pltpu.SemaphoreType.DMA,
        ],
    )
    def k(xs_hbm, src_hbm, dst_hbm, acc_hbm,
          srcv, dstv, r0, r1, acc_sh, sem0, sem1):
        c = lax.axis_index("c")
        s = lax.axis_index("s")
        pltpu.sync_copy(xs_hbm.at[c, pl.ds(s * _RPT, _RPT)],
                        acc_sh.at[pl.ds(s * _RPT, _RPT)])
        plsc.subcore_barrier()

        for off, sz in _SECS:
            pltpu.sync_copy(src_hbm.at[c, s, pl.ds(off, sz)],
                            srcv.at[pl.ds(0, sz)])
            pltpu.sync_copy(dst_hbm.at[c, s, pl.ds(off, sz)],
                            dstv.at[pl.ds(0, sz)])
            pltpu.async_copy(xs_hbm.at[c].at[srcv.at[0]], r0, sem0)

            def body(kk, carry):
                j0 = 2 * kk
                j1 = j0 + 1
                pltpu.async_copy(xs_hbm.at[c].at[srcv.at[j1]], r1, sem1)
                pltpu.make_async_copy(xs_hbm.at[c].at[srcv.at[j0]], r0, sem0).wait()
                pltpu.sync_copy(r0, acc_sh.at[dstv.at[j0]], add=True)
                pltpu.async_copy(xs_hbm.at[c].at[srcv.at[j0 + 2]], r0, sem0)
                pltpu.make_async_copy(xs_hbm.at[c].at[srcv.at[j1]], r1, sem1).wait()
                pltpu.sync_copy(r1, acc_sh.at[dstv.at[j1]], add=True)
                return carry

            lax.fori_loop(0, (sz - 1) // 2, body, 0)
            if sz % 2 == 0:
                pltpu.async_copy(xs_hbm.at[c].at[srcv.at[sz - 1]], r1, sem1)
                pltpu.make_async_copy(xs_hbm.at[c].at[srcv.at[sz - 2]],
                                      r0, sem0).wait()
                pltpu.sync_copy(r0, acc_sh.at[dstv.at[sz - 2]], add=True)
                pltpu.make_async_copy(xs_hbm.at[c].at[srcv.at[sz - 1]],
                                      r1, sem1).wait()
                pltpu.sync_copy(r1, acc_sh.at[dstv.at[sz - 1]], add=True)
            else:
                pltpu.make_async_copy(xs_hbm.at[c].at[srcv.at[sz - 1]],
                                      r0, sem0).wait()
                pltpu.sync_copy(r0, acc_sh.at[dstv.at[sz - 1]], add=True)

        plsc.subcore_barrier()
        pltpu.sync_copy(acc_sh.at[pl.ds(s * _RPT, _RPT)],
                        acc_hbm.at[c, pl.ds(s * _RPT, _RPT)])

    return k(xs, src_idx, dst_idx)



_BM = 2048


def _tc_xs1(x01, W, deg):
    M = 2 * _NP

    def body(x_ref, w_ref, d_ref, o_ref):
        dinv = lax.rsqrt(d_ref[...] + 1.0)
        o_ref[...] = jnp.dot(x_ref[...], w_ref[...],
                             preferred_element_type=_f32) * dinv

    return pl.pallas_call(
        body,
        grid=(M // _BM,),
        in_specs=[
            pl.BlockSpec((_BM, _D), lambda i: (i, 0)),
            pl.BlockSpec((_D, _D), lambda i: (0, 0)),
            pl.BlockSpec((_BM, 1), lambda i: (i, 0)),
        ],
        out_specs=pl.BlockSpec((_BM, _D), lambda i: (i, 0)),
        out_shape=jax.ShapeDtypeStruct((M, _D), _f32),
    )(x01, W, deg)


def _tc_xs2(acc, deg, b, W):
    M = 2 * _NP

    def body(a_ref, d_ref, b_ref, w_ref, o_ref):
        dinv = lax.rsqrt(d_ref[...] + 1.0)
        h = jnp.maximum(a_ref[...] * dinv + b_ref[...], 0.0)
        o_ref[...] = jnp.dot(h, w_ref[...],
                             preferred_element_type=_f32) * dinv

    return pl.pallas_call(
        body,
        grid=(M // _BM,),
        in_specs=[
            pl.BlockSpec((_BM, _D), lambda i: (i, 0)),
            pl.BlockSpec((_BM, 1), lambda i: (i, 0)),
            pl.BlockSpec((1, _D), lambda i: (0, 0)),
            pl.BlockSpec((_D, _D), lambda i: (0, 0)),
        ],
        out_specs=pl.BlockSpec((_BM, _D), lambda i: (i, 0)),
        out_shape=jax.ShapeDtypeStruct((M, _D), _f32),
    )(acc, deg, b, W)


def _tc_poolhead(acc2, deg, cb, batchp,
                 w1, b1, w2, b2, g, bta, fcWp, fcbp, ycol, yrow):
    BM = 1024
    M = 2 * _NP
    spb = _NP // BM
    last = M // BM - 1

    def body(a_ref, d_ref, cb_ref, bt_ref,
             w1_ref, b1_ref, w2_ref, b2_ref, g_ref, bt2_ref,
             fw_ref, fb_ref, yc_ref, yr_ref,
             out_ref, loss_ref, p_ref, c_ref):
        i = pl.program_id(0)
        dinv = lax.rsqrt(d_ref[...] + 1.0)
        x2 = jnp.maximum(a_ref[...] * dinv + cb_ref[...], 0.0)
        gids = lax.broadcasted_iota(jnp.int32, (1, _G), 1).astype(_f32)
        m = (bt_ref[...] == gids).astype(_f32)
        pm = lax.dot_general(m, x2, (((0,), (0,)), ((), ())),
                             preferred_element_type=_f32)

        @pl.when(i == 0)
        def _():
            p_ref[0] = pm

        @pl.when((i > 0) & (i < spb))
        def _():
            p_ref[0] += pm

        @pl.when(i == spb)
        def _():
            p_ref[1] = pm

        @pl.when(i > spb)
        def _():
            p_ref[1] += pm

        ones = jnp.ones((BM, _D), _f32)
        cm = lax.dot_general(m, ones, (((0,), (0,)), ((), ())),
                             preferred_element_type=_f32)

        @pl.when(i == 0)
        def _():
            c_ref[...] = cm

        @pl.when((i != 0) & (i < spb))
        def _():
            c_ref[...] += cm

        @pl.when(i == last)
        def _():
            _head(p_ref, c_ref, w1_ref, b1_ref, w2_ref, b2_ref, g_ref,
                  bt2_ref, fw_ref, fb_ref, yc_ref, yr_ref, out_ref, loss_ref)

    def _head(p_ref, c_ref, w1_ref, b1_ref, w2_ref, b2_ref, g_ref, bt_ref,
              fw_ref, fb_ref, yc_ref, yr_ref, out_ref, loss_ref):
        cnt = jnp.maximum(c_ref[...], 1.0)
        x1m = p_ref[0] / cnt
        x2m = p_ref[1] / cnt

        def hfc(xx):
            h = jnp.maximum(jnp.dot(xx, w1_ref[...],
                                    preferred_element_type=_f32)
                            + b1_ref[...], 0.0)
            h = jnp.dot(h, w2_ref[...],
                        preferred_element_type=_f32) + b2_ref[...] + xx
            mu = jnp.mean(h, axis=-1, keepdims=True)
            var = jnp.mean((h - mu) * (h - mu), axis=-1, keepdims=True)
            return g_ref[...] * (h - mu) * lax.rsqrt(var + 1e-6) + bt_ref[...]

        xc = jnp.concatenate(
            [jnp.concatenate([x1m, hfc(x1m)], axis=1),
             jnp.concatenate([x2m, hfc(x2m)], axis=1)], axis=0)

        dot = lax.dot_general(xc, xc, (((1,), (1,)), ((), ())),
                              preferred_element_type=_f32)
        xn = jnp.sqrt(jnp.sum(xc * xc, axis=1, keepdims=True))
        nm = lax.dot_general(xn, xn, (((1,), (1,)), ((), ())),
                             preferred_element_type=_f32)
        cos = jnp.exp(dot / nm / 0.3)
        ri = lax.broadcasted_iota(jnp.int32, (2 * _G, 2 * _G), 0)
        ci = lax.broadcasted_iota(jnp.int32, (2 * _G, 2 * _G), 1)
        cos = jnp.where(ri == ci, 0.0, cos)
        ymat = (yc_ref[...] != yr_ref[...]).astype(_f32)
        neg = cos * ymat
        pos = (cos * (1.0 - ymat))[:_G]
        negsum = jnp.sum(neg, axis=1, keepdims=True)[:_G]
        div = jnp.sum(pos / negsum, axis=1, keepdims=True) / 128.0
        closs = -jnp.sum(jnp.log(div))

        logits = jnp.dot(xc, fw_ref[...],
                         preferred_element_type=_f32) + fb_ref[...]
        valid = lax.broadcasted_iota(jnp.int32, (2 * _G, 128), 1) < 4
        z = jnp.where(valid, logits, -jnp.inf)
        zm = jnp.max(z, axis=1, keepdims=True)
        lse = jnp.log(jnp.sum(jnp.where(valid, jnp.exp(z - zm), 0.0),
                              axis=1, keepdims=True)) + zm
        out_ref[...] = z - lse
        loss_ref[...] = jnp.full((8, 128), closs, _f32)

    cm = lambda i: (0, 0)
    return pl.pallas_call(
        body,
        grid=(M // BM,),
        in_specs=[
            pl.BlockSpec((BM, _D), lambda i: (i, 0)),
            pl.BlockSpec((BM, 1), lambda i: (i, 0)),
            pl.BlockSpec((1, _D), cm),
            pl.BlockSpec((BM, 1), lambda i: (i, 0)),
            pl.BlockSpec((_D, _D), cm),
            pl.BlockSpec((1, _D), cm),
            pl.BlockSpec((_D, _D), cm),
            pl.BlockSpec((1, _D), cm),
            pl.BlockSpec((1, _D), cm),
            pl.BlockSpec((1, _D), cm),
            pl.BlockSpec((2 * _D, 128), cm),
            pl.BlockSpec((1, 128), cm),
            pl.BlockSpec((2 * _G, 1), cm),
            pl.BlockSpec((1, 2 * _G), cm),
        ],
        out_specs=[
            pl.BlockSpec((2 * _G, 128), cm),
            pl.BlockSpec((8, 128), cm),
        ],
        out_shape=[
            jax.ShapeDtypeStruct((2 * _G, 128), _f32),
            jax.ShapeDtypeStruct((8, 128), _f32),
        ],
        scratch_shapes=[
            pltpu.VMEM((2, _G, _D), _f32),
            pltpu.VMEM((_G, _D), _f32),
        ],
    )(acc2, deg, cb, batchp, w1, b1, w2, b2, g, bta, fcWp, fcbp, ycol, yrow)



def kernel(x0, x, edge_index, edge_index2, batch, y1, y2,
           conv1_W, conv1_b, conv2_W, conv2_b,
           h_w1_W, h_w1_b, h_w2_W, h_w2_b, ln_g, ln_b, fc_W, fc_b):
    xp = jnp.zeros((2, _NP, _D), _f32)
    xp = xp.at[0, :_N].set(x0).at[1, :_N].set(x)
    x01 = xp.reshape(2 * _NP, _D)

    pad = _EPB - _E
    padi = jnp.arange(pad, dtype=jnp.int32)
    trash = _N + (padi % 128)

    def prep(v):
        return jnp.concatenate([v, trash]).reshape(_NT, _CPT, _CH)

    dsts = jnp.stack([prep(edge_index[1]), prep(edge_index2[1])])
    degc = _sc_degree(dsts, jnp.zeros((_NP,), _f32))
    srcs = jnp.stack([prep(edge_index[0]), prep(edge_index2[0])])
    deg = degc.reshape(2 * _NP, 1)

    xs1 = _tc_xs1(x01, conv1_W, deg)
    acc1 = _sc_scatter(xs1.reshape(2, _NP, _D), srcs, dsts)
    xs2 = _tc_xs2(acc1.reshape(2 * _NP, _D), deg,
                  conv1_b.reshape(1, _D), conv2_W)
    acc2 = _sc_scatter(xs2.reshape(2, _NP, _D), srcs, dsts)

    bf = batch.astype(_f32)
    batchp = jnp.full((2, _NP), float(_G), _f32)
    batchp = batchp.at[0, :_N].set(bf).at[1, :_N].set(bf)

    fcWp = jnp.zeros((2 * _D, 128), _f32).at[:, :4].set(fc_W)
    fcbp = jnp.zeros((1, 128), _f32).at[0, :4].set(fc_b)
    y = jnp.concatenate([y1, y2])
    yf = y.astype(_f32)
    outp, lossb = _tc_poolhead(acc2.reshape(2 * _NP, _D), deg,
                               conv2_b.reshape(1, _D),
                               batchp.reshape(2 * _NP, 1),
                               h_w1_W, h_w1_b.reshape(1, _D),
                               h_w2_W, h_w2_b.reshape(1, _D),
                               ln_g.reshape(1, _D), ln_b.reshape(1, _D),
                               fcWp, fcbp,
                               yf.reshape(2 * _G, 1), yf.reshape(1, 2 * _G))
    return (outp[:, :4], lossb[0, 0], y)

# --- scband reference (transcript-rebuilt; emitter-appended) ---
"""Pipeline reference for scband-gcn-net-68066641707905 (READ-ONLY COPY).

The authoritative reference and input builder live on the scoring server;
editing this copy changes nothing except your own understanding.
"""

import jax, jax.numpy as jnp
import numpy as np

N = 10000
E = 320000
D = 128
G = 128


def setup_inputs(seed: int = 0) -> dict:
    key = jax.random.key(seed)
    ks = jax.random.split(key, 24)
    s = 0.05
    inp = {
        'x0': jax.random.normal(ks[0], (N, D), jnp.float32),
        'x': jax.random.normal(ks[1], (N, D), jnp.float32),
        'edge_index': jax.random.randint(ks[2], (2, E), 0, N, dtype=jnp.int32),
        'edge_index2': jax.random.randint(ks[3], (2, E), 0, N, dtype=jnp.int32),
        'batch': jnp.sort(jax.random.randint(ks[4], (N,), 0, G, dtype=jnp.int32)),
        'y1': jax.random.randint(ks[5], (G,), 0, 4, dtype=jnp.int32),
        'y2': jax.random.randint(ks[6], (G,), 0, 4, dtype=jnp.int32),
        'conv1_W': jax.random.normal(ks[7], (D, D), jnp.float32) * s,
        'conv1_b': jnp.zeros((D,), jnp.float32),
        'conv2_W': jax.random.normal(ks[8], (D, D), jnp.float32) * s,
        'conv2_b': jnp.zeros((D,), jnp.float32),
        'h_w1_W': jax.random.normal(ks[9], (D, D), jnp.float32) * s,
        'h_w1_b': jnp.zeros((D,), jnp.float32),
        'h_w2_W': jax.random.normal(ks[10], (D, D), jnp.float32) * s,
        'h_w2_b': jnp.zeros((D,), jnp.float32),
        'ln_g': jnp.ones((D,), jnp.float32),
        'ln_b': jnp.zeros((D,), jnp.float32),
        'fc_W': jax.random.normal(ks[11], (2 * D, 4), jnp.float32) * s,
        'fc_b': jnp.zeros((4,), jnp.float32),
    }
    return inp


def gcn_conv(x, ei, W, b):
    n = x.shape[0]
    xw = x @ W
    src = jnp.concatenate([ei[0], jnp.arange(n, dtype=ei.dtype)])
    dst = jnp.concatenate([ei[1], jnp.arange(n, dtype=ei.dtype)])
    deg = jax.ops.segment_sum(jnp.ones(src.shape[0], x.dtype), dst, num_segments=n)
    dinv = jnp.where(deg > 0, deg ** -0.5, 0.0)
    norm = dinv[src] * dinv[dst]
    out = jax.ops.segment_sum(xw[src] * norm[:, None], dst, num_segments=n)
    return out + b


def hard_fc(x, w1W, w1b, w2W, w2b, g, bta):
    r = x
    h = jnp.maximum(x @ w1W + w1b, 0.0) @ w2W + w2b
    h = h + r
    mu = jnp.mean(h, axis=-1, keepdims=True)
    var = jnp.var(h, axis=-1, keepdims=True)
    return g * (h - mu) / jnp.sqrt(var + 1e-06) + bta


def scatter_mean(x, seg, num):
    s = jax.ops.segment_sum(x, seg, num_segments=num)
    c = jax.ops.segment_sum(jnp.ones(x.shape[0], x.dtype), seg, num_segments=num)
    return s / jnp.maximum(c, 1.0)[:, None]


def reference(x0, x, edge_index, edge_index2, batch, y1, y2, conv1_W, conv1_b, conv2_W, conv2_b, h_w1_W, h_w1_b, h_w2_W, h_w2_b, ln_g, ln_b, fc_W, fc_b):
    # branch 1 (training mode: init_x0 with edge_index1)
    x1 = jnp.maximum(gcn_conv(x0, edge_index, conv1_W, conv1_b), 0.0)
    x1 = jnp.maximum(gcn_conv(x1, edge_index, conv2_W, conv2_b), 0.0)
    x1 = scatter_mean(x1, batch, G)
    x1_g = x1
    x1_t = hard_fc(x1, h_w1_W, h_w1_b, h_w2_W, h_w2_b, ln_g, ln_b)
    x1 = jnp.concatenate([x1_g, x1_t], axis=1)
    # branch 2 (training mode: init_x with edge_index2)
    x2 = jnp.maximum(gcn_conv(x, edge_index2, conv1_W, conv1_b), 0.0)
    x2 = jnp.maximum(gcn_conv(x2, edge_index2, conv2_W, conv2_b), 0.0)
    x2 = scatter_mean(x2, batch, G)
    x2_g = x2
    x2_t = hard_fc(x2, h_w1_W, h_w1_b, h_w2_W, h_w2_b, ln_g, ln_b)
    x2 = jnp.concatenate([x2_g, x2_t], axis=1)
    xc = jnp.concatenate([x1, x2], axis=0)
    y = jnp.concatenate([y1, y2], axis=0)
    dot = xc @ xc.T
    xn = jnp.linalg.norm(xc, axis=1, keepdims=True)
    nm = xn @ xn.T
    t = 0.3
    cos = jnp.exp(dot / nm / t)
    cos = cos - jnp.diag(jnp.diag(cos))
    y_mat = (y[:, None] != y[None, :]).astype(jnp.float32)
    neg = cos * y_mat
    pos_y = y_mat * -1.0 + 1.0
    pos = (cos * pos_y)[:G]
    neg_sum = jnp.sum(neg, axis=1, keepdims=True)
    p1_neg = neg_sum[:G]
    div = pos / p1_neg
    div = jnp.sum(div, axis=1, keepdims=True) / 128.0
    cl_loss = -jnp.sum(jnp.log(div))
    logits = xc @ fc_W + fc_b
    out = jax.nn.log_softmax(logits, axis=1)
    return (out, cl_loss, y)

if __name__ == "__main__":
    import jax
    _d = setup_inputs()
    print(jax.jit(kernel)(*tuple(_d.values())))

</pallas_src>

<mosaic_0001>
#map = affine_map<(d0, d1) -> (0, 0, 0, 0)>
#map1 = affine_map<(d0, d1) -> (0)>
#map2 = affine_map<(d0, d1) -> (0, 0)>
module attributes {stable_mosaic.version = 14 : i64} {
  func.func @k(%arg0: i32, %arg1: i32, %arg2: memref<2x16x157x128xi32, #tpu.memory_space<hbm>>, %arg3: memref<10240xf32, #tpu.memory_space<hbm>>, %arg4: memref<2x10240xf32, #tpu.memory_space<hbm>>, %arg5: memref<157x128xi32, #tpu.memory_space<vmem>>, %arg6: memref<128xf32, #tpu.memory_space<vmem>>, %arg7: memref<10240xf32, #tpu.memory_space<vmem_shared>>) attributes {dimension_semantics = [#tpu.dimension_semantics<core_parallel>, #tpu.dimension_semantics<subcore_parallel>], iteration_bounds = array<i64: 2, 16>, scalar_prefetch = 0 : i64, scratch_operands = 3 : i64, tpu.core_type = #tpu.core_type<sc_vector_subcore>, window_params = [{transform_indices = #map}, {transform_indices = #map1}, {transform_indices = #map2}]} {
    "tpu.region"() ({
      %run_scoped3A = tpu.sem_alloc : memref<!tpu.dma_semaphore, #tpu.memory_space<semaphore_mem>>
      %dma_start3A = arith.constant 0 : i32
      %dma_start3A_59 = arith.constant 0 : i32
      %dma_start3A_60 = tpu.memref_slice %arg2[%arg0, %arg1, %dma_start3A, %dma_start3A_59] : memref<2x16x157x128xi32, #tpu.memory_space<hbm>> -> memref<1x1x157x128xi32, #tpu.memory_space<hbm>>
      %dma_start3A_61 = tpu.memref_squeeze %dma_start3A_60 : memref<1x1x157x128xi32, #tpu.memory_space<hbm>> -> memref<157x128xi32, #tpu.memory_space<hbm>>
      %dma_start3A_62 = arith.constant 0 : i32
      %dma_start3A_63 = arith.constant 0 : i32
      %dma_start3A_64 = tpu.memref_slice %arg2[%arg0, %arg1, %dma_start3A_62, %dma_start3A_63] : memref<2x16x157x128xi32, #tpu.memory_space<hbm>> -> memref<1x1x157x128xi32, #tpu.memory_space<hbm>>
      %dma_start3A_65 = tpu.memref_squeeze %dma_start3A_64 : memref<1x1x157x128xi32, #tpu.memory_space<hbm>> -> memref<157x128xi32, #tpu.memory_space<hbm>>
      tpu.enqueue_dma source(%dma_start3A_65 : memref<157x128xi32, #tpu.memory_space<hbm>>) target(%arg5 : memref<157x128xi32, #tpu.memory_space<vmem>>) target_semaphore(%run_scoped3A : memref<!tpu.dma_semaphore, #tpu.memory_space<semaphore_mem>>)
      %dma_wait3A = arith.constant 0 : i32
      %dma_wait3A_66 = arith.constant 0 : i32
      %dma_wait3A_67 = tpu.memref_slice %arg2[%arg0, %arg1, %dma_wait3A, %dma_wait3A_66] : memref<2x16x157x128xi32, #tpu.memory_space<hbm>> -> memref<1x1x157x128xi32, #tpu.memory_space<hbm>>
      %dma_wait3A_68 = tpu.memref_squeeze %dma_wait3A_67 : memref<1x1x157x128xi32, #tpu.memory_space<hbm>> -> memref<157x128xi32, #tpu.memory_space<hbm>>
      %dma_wait3A_69 = arith.constant 0 : i32
      %dma_wait3A_70 = arith.constant 0 : i32
      %dma_wait3A_71 = tpu.memref_slice %arg2[%arg0, %arg1, %dma_wait3A_69, %dma_wait3A_70] : memref<2x16x157x128xi32, #tpu.memory_space<hbm>> -> memref<1x1x157x128xi32, #tpu.memory_space<hbm>>
      %dma_wait3A_72 = tpu.memref_squeeze %dma_wait3A_71 : memref<1x1x157x128xi32, #tpu.memory_space<hbm>> -> memref<157x128xi32, #tpu.memory_space<hbm>>
      tpu.wait_dma2 semaphore(%run_scoped3A : memref<!tpu.dma_semaphore, #tpu.memory_space<semaphore_mem>>) src(%dma_wait3A_72 : memref<157x128xi32, #tpu.memory_space<hbm>>) dst(%arg5 : memref<157x128xi32, #tpu.memory_space<vmem>>)
      tpu.yield
    }) : () -> ()
    %mul3A = arith.constant 640 : i32
    %mul3A_0 = arith.muli %arg1, %mul3A : i32
    %mul3A_1 = arith.constant 640 : i32
    %mul3A_2 = arith.muli %arg1, %mul3A_1 : i32
    "tpu.region"() ({
      %run_scoped3A = tpu.sem_alloc : memref<!tpu.dma_semaphore, #tpu.memory_space<semaphore_mem>>
      %dma_start3A = tpu.memref_slice %arg7[%mul3A_2] : memref<10240xf32, #tpu.memory_space<vmem_shared>> -> memref<640xf32, #tpu.memory_space<vmem_shared>>
      %dma_start3A_59 = tpu.memref_slice %arg3[%mul3A_0] : memref<10240xf32, #tpu.memory_space<hbm>> -> memref<640xf32, #tpu.memory_space<hbm>>
      tpu.enqueue_dma source(%dma_start3A_59 : memref<640xf32, #tpu.memory_space<hbm>>) target(%dma_start3A : memref<640xf32, #tpu.memory_space<vmem_shared>>) target_semaphore(%run_scoped3A : memref<!tpu.dma_semaphore, #tpu.memory_space<semaphore_mem>>)
      %dma_wait3A = tpu.memref_slice %arg7[%mul3A_2] : memref<10240xf32, #tpu.memory_space<vmem_shared>> -> memref<640xf32, #tpu.memory_space<vmem_shared>>
      %dma_wait3A_60 = tpu.memref_slice %arg3[%mul3A_0] : memref<10240xf32, #tpu.memory_space<hbm>> -> memref<640xf32, #tpu.memory_space<hbm>>
      tpu.wait_dma2 semaphore(%run_scoped3A : memref<!tpu.dma_semaphore, #tpu.memory_space<semaphore_mem>>) src(%dma_wait3A_60 : memref<640xf32, #tpu.memory_space<hbm>>) dst(%dma_wait3A : memref<640xf32, #tpu.memory_space<vmem_shared>>)
      tpu.yield
    }) : () -> ()
    %broadcast_in_dim3A = arith.constant 1.000000e+00 : f32
    %broadcast_in_dim3A_3 = vector.broadcast %broadcast_in_dim3A : f32 to vector<16xf32>
    %swap3A = arith.constant 0 : index
    %swap3A_4 = tpu.vector_load %arg6[%swap3A] {strides = array<i32>} : memref<128xf32, #tpu.memory_space<vmem>>, vector<16xf32>,
    %swap3A_5 = vector.shape_cast %swap3A_4 : vector<16xf32> to vector<16xf32>
    %swap3A_6 = vector.shape_cast %broadcast_in_dim3A_3 : vector<16xf32> to vector<16xf32>
    tpu.vector_store %arg6[%swap3A], %swap3A_6 {strides = array<i32>} : memref<128xf32, #tpu.memory_space<vmem>>, vector<16xf32>,
    %broadcast_in_dim3A_7 = arith.constant 1.000000e+00 : f32
    %broadcast_in_dim3A_8 = vector.broadcast %broadcast_in_dim3A_7 : f32 to vector<16xf32>
    %swap3A_9 = arith.constant 16 : index
    %swap3A_10 = tpu.vector_load %arg6[%swap3A_9] {strides = array<i32>} : memref<128xf32, #tpu.memory_space<vmem>>, vector<16xf32>,
    %swap3A_11 = vector.shape_cast %swap3A_10 : vector<16xf32> to vector<16xf32>
    %swap3A_12 = vector.shape_cast %broadcast_in_dim3A_8 : vector<16xf32> to vector<16xf32>
    tpu.vector_store %arg6[%swap3A_9], %swap3A_12 {strides = array<i32>} : memref<128xf32, #tpu.memory_space<vmem>>, vector<16xf32>,
    %broadcast_in_dim3A_13 = arith.constant 1.000000e+00 : f32
    %broadcast_in_dim3A_14 = vector.broadcast %broadcast_in_dim3A_13 : f32 to vector<16xf32>
    %swap3A_15 = arith.constant 32 : index
    %swap3A_16 = tpu.vector_load %arg6[%swap3A_15] {strides = array<i32>} : memref<128xf32, #tpu.memory_space<vmem>>, vector<16xf32>,
    %swap3A_17 = vector.shape_cast %swap3A_16 : vector<16xf32> to vector<16xf32>
    %swap3A_18 = vector.shape_cast %broadcast_in_dim3A_14 : vector<16xf32> to vector<16xf32>
    tpu.vector_store %arg6[%swap3A_15], %swap3A_18 {strides = array<i32>} : memref<128xf32, #tpu.memory_space<vmem>>, vector<16xf32>,
    %broadcast_in_dim3A_19 = arith.constant 1.000000e+00 : f32
    %broadcast_in_dim3A_20 = vector.broadcast %broadcast_in_dim3A_19 : f32 to vector<16xf32>
    %swap3A_21 = arith.constant 48 : index
    %swap3A_22 = tpu.vector_load %arg6[%swap3A_21] {strides = array<i32>} : memref<128xf32, #tpu.memory_space<vmem>>, vector<16xf32>,
    %swap3A_23 = vector.shape_cast %swap3A_22 : vector<16xf32> to vector<16xf32>
    %swap3A_24 = vector.shape_cast %broadcast_in_dim3A_20 : vector<16xf32> to vector<16xf32>
    tpu.vector_store %arg6[%swap3A_21], %swap3A_24 {strides = array<i32>} : memref<128xf32, #tpu.memory_space<vmem>>, vector<16xf32>,
    %broadcast_in_dim3A_25 = arith.constant 1.000000e+00 : f32
    %broadcast_in_dim3A_26 = vector.broadcast %broadcast_in_dim3A_25 : f32 to vector<16xf32>
    %swap3A_27 = arith.constant 64 : index
    %swap3A_28 = tpu.vector_load %arg6[%swap3A_27] {strides = array<i32>} : memref<128xf32, #tpu.memory_space<vmem>>, vector<16xf32>,
    %swap3A_29 = vector.shape_cast %swap3A_28 : vector<16xf32> to vector<16xf32>
    %swap3A_30 = vector.shape_cast %broadcast_in_dim3A_26 : vector<16xf32> to vector<16xf32>
    tpu.vector_store %arg6[%swap3A_27], %swap3A_30 {strides = array<i32>} : memref<128xf32, #tpu.memory_space<vmem>>, vector<16xf32>,
    %broadcast_in_dim3A_31 = arith.constant 1.000000e+00 : f32
    %broadcast_in_dim3A_32 = vector.broadcast %broadcast_in_dim3A_31 : f32 to vector<16xf32>
    %swap3A_33 = arith.constant 80 : index
    %swap3A_34 = tpu.vector_load %arg6[%swap3A_33] {strides = array<i32>} : memref<128xf32, #tpu.memory_space<vmem>>, vector<16xf32>,
    %swap3A_35 = vector.shape_cast %swap3A_34 : vector<16xf32> to vector<16xf32>
    %swap3A_36 = vector.shape_cast %broadcast_in_dim3A_32 : vector<16xf32> to vector<16xf32>
    tpu.vector_store %arg6[%swap3A_33], %swap3A_36 {strides = array<i32>} : memref<128xf32, #tpu.memory_space<vmem>>, vector<16xf32>,
    %broadcast_in_dim3A_37 = arith.constant 1.000000e+00 : f32
    %broadcast_in_dim3A_38 = vector.broadcast %broadcast_in_dim3A_37 : f32 to vector<16xf32>
    %swap3A_39 = arith.constant 96 : index
    %swap3A_40 = tpu.vector_load %arg6[%swap3A_39] {strides = array<i32>} : memref<128xf32, #tpu.memory_space<vmem>>, vector<16xf32>,
    %swap3A_41 = vector.shape_cast %swap3A_40 : vector<16xf32> to vector<16xf32>
    %swap3A_42 = vector.shape_cast %broadcast_in_dim3A_38 : vector<16xf32> to vector<16xf32>
    tpu.vector_store %arg6[%swap3A_39], %swap3A_42 {strides = array<i32>} : memref<128xf32, #tpu.memory_space<vmem>>, vector<16xf32>,
    %broadcast_in_dim3A_43 = arith.constant 1.000000e+00 : f32
    %broadcast_in_dim3A_44 = vector.broadcast %broadcast_in_dim3A_43 : f32 to vector<16xf32>
    %swap3A_45 = arith.constant 112 : index
    %swap3A_46 = tpu.vector_load %arg6[%swap3A_45] {strides = array<i32>} : memref<128xf32, #tpu.memory_space<vmem>>, vector<16xf32>,
    %swap3A_47 = vector.shape_cast %swap3A_46 : vector<16xf32> to vector<16xf32>
    %swap3A_48 = vector.shape_cast %broadcast_in_dim3A_44 : vector<16xf32> to vector<16xf32>
    tpu.vector_store %arg6[%swap3A_45], %swap3A_48 {strides = array<i32>} : memref<128xf32, #tpu.memory_space<vmem>>, vector<16xf32>,
    %barrier3A = arith.constant 0 : index
    tpu.barrier barrier_id(%barrier3A)
    %scan3A = arith.constant 0 : i32
    %scan3A_49 = arith.constant 0 : i32
    %scan3A_50 = arith.constant 157 : i32
    %scan3A_51 = arith.addi %scan3A_49, %scan3A_50 : i32
    %scan3A_52 = arith.constant 1 : i32
    scf.for %scan3A_59 = %scan3A_49 to %scan3A_51 step %scan3A_52  : i32 {
      "tpu.region"() ({
        %run_scoped3A = tpu.sem_alloc : memref<!tpu.dma_semaphore, #tpu.memory_space<semaphore_mem>>
        %dma_start3A = arith.constant 0 : i32
        %dma_start3A_60 = tpu.memref_slice %arg5[%scan3A_59, %dma_start3A] : memref<157x128xi32, #tpu.memory_space<vmem>> -> memref<1x128xi32, #tpu.memory_space<vmem>>
        %dma_start3A_61 = tpu.memref_squeeze %dma_start3A_60 : memref<1x128xi32, #tpu.memory_space<vmem>> -> memref<128xi32, #tpu.memory_space<vmem>>
        %dma_start3A_62 = arith.constant 0 : i32
        %dma_start3A_63 = tpu.memref_slice %arg7[%dma_start3A_62] : memref<10240xf32, #tpu.memory_space<vmem_shared>> -> memref<10240xf32, #tpu.memory_space<vmem_shared>>
        tpu.enqueue_indirect_dma source(%arg6 : memref<128xf32, #tpu.memory_space<vmem>>) target(%dma_start3A_63 : memref<10240xf32, #tpu.memory_space<vmem_shared>>) offsets(%dma_start3A_61 : memref<128xi32, #tpu.memory_space<vmem>>) semaphore(%run_scoped3A : memref<!tpu.dma_semaphore, #tpu.memory_space<semaphore_mem>>) {add = true}
        %dma_wait3A = arith.constant 0 : i32
        %dma_wait3A_64 = tpu.memref_slice %arg5[%scan3A_59, %dma_wait3A] : memref<157x128xi32, #tpu.memory_space<vmem>> -> memref<1x128xi32, #tpu.memory_space<vmem>>
        %dma_wait3A_65 = tpu.memref_squeeze %dma_wait3A_64 : memref<1x128xi32, #tpu.memory_space<vmem>> -> memref<128xi32, #tpu.memory_space<vmem>>
        %dma_wait3A_66 = arith.constant 0 : i32
        %dma_wait3A_67 = tpu.memref_slice %arg7[%dma_wait3A_66] : memref<10240xf32, #tpu.memory_space<vmem_shared>> -> memref<10240xf32, #tpu.memory_space<vmem_shared>>
        tpu.wait_indirect_dma semaphore(%run_scoped3A : memref<!tpu.dma_semaphore, #tpu.memory_space<semaphore_mem>>) src(%arg6 : memref<128xf32, #tpu.memory_space<vmem>>) dst(%dma_wait3A_67 : memref<10240xf32, #tpu.memory_space<vmem_shared>>)
        tpu.yield
      }) : () -> ()
    }
    %scan3A_53 = arith.constant 157 : i32
    %barrier3A_54 = arith.constant 0 : index
    tpu.barrier barrier_id(%barrier3A_54)
    %mul3A_55 = arith.constant 640 : i32
    %mul3A_56 = arith.muli %arg1, %mul3A_55 : i32
    %mul3A_57 = arith.constant 640 : i32
    %mul3A_58 = arith.muli %arg1, %mul3A_57 : i32
    "tpu.region"() ({
      %run_scoped3A = tpu.sem_alloc : memref<!tpu.dma_semaphore, #tpu.memory_space<semaphore_mem>>
      %dma_start3A = tpu.memref_slice %arg4[%arg0, %mul3A_58] : memref<2x10240xf32, #tpu.memory_space<hbm>> -> memref<1x640xf32, #tpu.memory_space<hbm>>
      %dma_start3A_59 = tpu.memref_squeeze %dma_start3A : memref<1x640xf32, #tpu.memory_space<hbm>> -> memref<640xf32, #tpu.memory_space<hbm>>
      %dma_start3A_60 = tpu.memref_slice %arg7[%mul3A_56] : memref<10240xf32, #tpu.memory_space<vmem_shared>> -> memref<640xf32, #tpu.memory_space<vmem_shared>>
      tpu.enqueue_dma source(%dma_start3A_60 : memref<640xf32, #tpu.memory_space<vmem_shared>>) target(%dma_start3A_59 : memref<640xf32, #tpu.memory_space<hbm>>) target_semaphore(%run_scoped3A : memref<!tpu.dma_semaphore, #tpu.memory_space<semaphore_mem>>)
      %dma_wait3A = tpu.memref_slice %arg4[%arg0, %mul3A_58] : memref<2x10240xf32, #tpu.memory_space<hbm>> -> memref<1x640xf32, #tpu.memory_space<hbm>>
      %dma_wait3A_61 = tpu.memref_squeeze %dma_wait3A : memref<1x640xf32, #tpu.memory_space<hbm>> -> memref<640xf32, #tpu.memory_space<hbm>>
      %dma_wait3A_62 = tpu.memref_slice %arg7[%mul3A_56] : memref<10240xf32, #tpu.memory_space<vmem_shared>> -> memref<640xf32, #tpu.memory_space<vmem_shared>>
      tpu.wait_dma2 semaphore(%run_scoped3A : memref<!tpu.dma_semaphore, #tpu.memory_space<semaphore_mem>>) src(%dma_wait3A_62 : memref<640xf32, #tpu.memory_space<vmem_shared>>) dst(%dma_wait3A_61 : memref<640xf32, #tpu.memory_space<hbm>>)
      tpu.yield
    }) : () -> ()
    return
  }
}

#map = affine_map<(d0, d1) -> (0, 0, 0)>
#map1 = affine_map<(d0, d1) -> (0, 0, 0, 0)>
module attributes {stable_mosaic.version = 14 : i64} {
  func.func @k(%arg0: i32, %arg1: i32, %arg2: memref<2x10240x128xf32, #tpu.memory_space<hbm>>, %arg3: memref<2x16x157x128xi32, #tpu.memory_space<hbm>>, %arg4: memref<2x16x157x128xi32, #tpu.memory_space<hbm>>, %arg5: memref<2x10240x128xf32, #tpu.memory_space<hbm>>, %arg6: memref<32x128xi32, #tpu.memory_space<vmem>>, %arg7: memref<32x128xi32, #tpu.memory_space<vmem>>, %arg8: memref<128x128xf32, #tpu.memory_space<vmem>>, %arg9: memref<128x128xf32, #tpu.memory_space<vmem>>, %arg10: memref<10240x128xf32, #tpu.memory_space<vmem_shared>>, %arg11: memref<!tpu.dma_semaphore, #tpu.memory_space<semaphore_mem>>, %arg12: memref<!tpu.dma_semaphore, #tpu.memory_space<semaphore_mem>>) attributes {dimension_semantics = [#tpu.dimension_semantics<core_parallel>, #tpu.dimension_semantics<subcore_parallel>], iteration_bounds = array<i64: 2, 16>, scalar_prefetch = 0 : i64, scratch_operands = 7 : i64, tpu.core_type = #tpu.core_type<sc_vector_subcore>, window_params = [{transform_indices = #map}, {transform_indices = #map1}, {transform_indices = #map1}, {transform_indices = #map}]} {
    %mul3A = arith.constant 640 : i32
    %mul3A_0 = arith.muli %arg1, %mul3A : i32
    %mul3A_1 = arith.constant 640 : i32
    %mul3A_2 = arith.muli %arg1, %mul3A_1 : i32
    "tpu.region"() ({
      %run_scoped3A_241 = tpu.sem_alloc : memref<!tpu.dma_semaphore, #tpu.memory_space<semaphore_mem>>
      %dma_start3A_242 = arith.constant 0 : i32
      %dma_start3A_243 = tpu.memref_slice %arg10[%mul3A_2, %dma_start3A_242] : memref<10240x128xf32, #tpu.memory_space<vmem_shared>> -> memref<640x128xf32, #tpu.memory_space<vmem_shared>>
      %dma_start3A_244 = arith.constant 0 : i32
      %dma_start3A_245 = tpu.memref_slice %arg2[%arg0, %mul3A_0, %dma_start3A_244] : memref<2x10240x128xf32, #tpu.memory_space<hbm>> -> memref<1x640x128xf32, #tpu.memory_space<hbm>>
      %dma_start3A_246 = tpu.memref_squeeze %dma_start3A_245 : memref<1x640x128xf32, #tpu.memory_space<hbm>> -> memref<640x128xf32, #tpu.memory_space<hbm>>
      tpu.enqueue_dma source(%dma_start3A_246 : memref<640x128xf32, #tpu.memory_space<hbm>>) target(%dma_start3A_243 : memref<640x128xf32, #tpu.memory_space<vmem_shared>>) target_semaphore(%run_scoped3A_241 : memref<!tpu.dma_semaphore, #tpu.memory_space<semaphore_mem>>)
      %dma_wait3A_247 = arith.constant 0 : i32
      %dma_wait3A_248 = tpu.memref_slice %arg10[%mul3A_2, %dma_wait3A_247] : memref<10240x128xf32, #tpu.memory_space<vmem_shared>> -> memref<640x128xf32, #tpu.memory_space<vmem_shared>>
      %dma_wait3A_249 = arith.constant 0 : i32
      %dma_wait3A_250 = tpu.memref_slice %arg2[%arg0, %mul3A_0, %dma_wait3A_249] : memref<2x10240x128xf32, #tpu.memory_space<hbm>> -> memref<1x640x128xf32, #tpu.memory_space<hbm>>
      %dma_wait3A_251 = tpu.memref_squeeze %dma_wait3A_250 : memref<1x640x128xf32, #tpu.memory_space<hbm>> -> memref<640x128xf32, #tpu.memory_space<hbm>>
      tpu.wait_dma2 semaphore(%run_scoped3A_241 : memref<!tpu.dma_semaphore, #tpu.memory_space<semaphore_mem>>) src(%dma_wait3A_251 : memref<640x128xf32, #tpu.memory_space<hbm>>) dst(%dma_wait3A_248 : memref<640x128xf32, #tpu.memory_space<vmem_shared>>)
      tpu.yield
    }) : () -> ()
    %barrier3A = arith.constant 0 : index
    tpu.barrier barrier_id(%barrier3A)
    "tpu.region"() ({
      %run_scoped3A_241 = tpu.sem_alloc : memref<!tpu.dma_semaphore, #tpu.memory_space<semaphore_mem>>
      %dma_start3A_242 = arith.constant 0 : i32
      %dma_start3A_243 = arith.constant 0 : i32
      %dma_start3A_244 = tpu.memref_slice %arg6[%dma_start3A_242, %dma_start3A_243] : memref<32x128xi32, #tpu.memory_space<vmem>> -> memref<32x128xi32, #tpu.memory_space<vmem>>
      %dma_start3A_245 = arith.constant 0 : i32
      %dma_start3A_246 = arith.constant 0 : i32
      %dma_start3A_247 = tpu.memref_slice %arg3[%arg0, %arg1, %dma_start3A_245, %dma_start3A_246] : memref<2x16x157x128xi32, #tpu.memory_space<hbm>> -> memref<1x1x32x128xi32, #tpu.memory_space<hbm>>
      %dma_start3A_248 = tpu.memref_squeeze %dma_start3A_247 : memref<1x1x32x128xi32, #tpu.memory_space<hbm>> -> memref<32x128xi32, #tpu.memory_space<hbm>>
      %dma_start3A_249 = arith.constant 0 : i32
      %dma_start3A_250 = arith.constant 0 : i32
      %dma_start3A_251 = tpu.memref_slice %arg6[%dma_start3A_249, %dma_start3A_250] : memref<32x128xi32, #tpu.memory_space<vmem>> -> memref<32x128xi32, #tpu.memory_space<vmem>>
      %dma_start3A_252 = arith.constant 0 : i32
      %dma_start3A_253 = arith.constant 0 : i32
      %dma_start3A_254 = tpu.memref_slice %arg3[%arg0, %arg1, %dma_start3A_252, %dma_start3A_253] : memref<2x16x157x128xi32, #tpu.memory_space<hbm>> -> memref<1x1x32x128xi32, #tpu.memory_space<hbm>>
      %dma_start3A_255 = tpu.memref_squeeze %dma_start3A_254 : memref<1x1x32x128xi32, #tpu.memory_space<hbm>> -> memref<32x128xi32, #tpu.memory_space<hbm>>
      tpu.enqueue_dma source(%dma_start3A_255 : memref<32x128xi32, #tpu.memory_space<hbm>>) target(%dma_start3A_251 : memref<32x128xi32, #tpu.memory_space<vmem>>) target_semaphore(%run_scoped3A_241 : memref<!tpu.dma_semaphore, #tpu.memory_space<semaphore_mem>>)
      %dma_wait3A_256 = arith.constant 0 : i32
      %dma_wait3A_257 = arith.constant 0 : i32
      %dma_wait3A_258 = tpu.memref_slice %arg6[%dma_wait3A_256, %dma_wait3A_257] : memref<32x128xi32, #tpu.memory_space<vmem>> -> memref<32x128xi32, #tpu.memory_space<vmem>>
      %dma_wait3A_259 = arith.constant 0 : i32
      %dma_wait3A_260 = arith.constant 0 : i32
      %dma_wait3A_261 = tpu.memref_slice %arg3[%arg0, %arg1, %dma_wait3A_259, %dma_wait3A_260] : memref<2x16x157x128xi32, #tpu.memory_space<hbm>> -> memref<1x1x32x128xi32, #tpu.memory_space<hbm>>
      %dma_wait3A_262 = tpu.memref_squeeze %dma_wait3A_261 : memref<1x1x32x128xi32, #tpu.memory_space<hbm>> -> memref<32x128xi32, #tpu.memory_space<hbm>>
      %dma_wait3A_263 = arith.constant 0 : i32
      %dma_wait3A_264 = arith.constant 0 : i32
      %dma_wait3A_265 = tpu.memref_slice %arg6[%dma_wait3A_263, %dma_wait3A_264] : memref<32x128xi32, #tpu.memory_space<vmem>> -> memref<32x128xi32, #tpu.memory_space<vmem>>
      %dma_wait3A_266 = arith.constant 0 : i32
      %dma_wait3A_267 = arith.constant 0 : i32
      %dma_wait3A_268 = tpu.memref_slice %arg3[%arg0, %arg1, %dma_wait3A_266, %dma_wait3A_267] : memref<2x16x157x128xi32, #tpu.memory_space<hbm>> -> memref<1x1x32x128xi32, #tpu.memory_space<hbm>>
      %dma_wait3A_269 = tpu.memref_squeeze %dma_wait3A_268 : memref<1x1x32x128xi32, #tpu.memory_space<hbm>> -> memref<32x128xi32, #tpu.memory_space<hbm>>
      tpu.wait_dma2 semaphore(%run_scoped3A_241 : memref<!tpu.dma_semaphore, #tpu.memory_space<semaphore_mem>>) src(%dma_wait3A_269 : memref<32x128xi32, #tpu.memory_space<hbm>>) dst(%dma_wait3A_265 : memref<32x128xi32, #tpu.memory_space<vmem>>)
      tpu.yield
    }) : () -> ()
    "tpu.region"() ({
      %run_scoped3A_241 = tpu.sem_alloc : memref<!tpu.dma_semaphore, #tpu.memory_space<semaphore_mem>>
      %dma_start3A_242 = arith.constant 0 : i32
      %dma_start3A_243 = arith.constant 0 : i32
      %dma_start3A_244 = tpu.memref_slice %arg7[%dma_start3A_242, %dma_start3A_243] : memref<32x128xi32, #tpu.memory_space<vmem>> -> memref<32x128xi32, #tpu.memory_space<vmem>>
      %dma_start3A_245 = arith.constant 0 : i32
      %dma_start3A_246 = arith.constant 0 : i32
      %dma_start3A_247 = tpu.memref_slice %arg4[%arg0, %arg1, %dma_start3A_245, %dma_start3A_246] : memref<2x16x157x128xi32, #tpu.memory_space<hbm>> -> memref<1x1x32x128xi32, #tpu.memory_space<hbm>>
      %dma_start3A_248 = tpu.memref_squeeze %dma_start3A_247 : memref<1x1x32x128xi32, #tpu.memory_space<hbm>> -> memref<32x128xi32, #tpu.memory_space<hbm>>
      %dma_start3A_249 = arith.constant 0 : i32
      %dma_start3A_250 = arith.constant 0 : i32
      %dma_start3A_251 = tpu.memref_slice %arg7[%dma_start3A_249, %dma_start3A_250] : memref<32x128xi32, #tpu.memory_space<vmem>> -> memref<32x128xi32, #tpu.memory_space<vmem>>
      %dma_start3A_252 = arith.constant 0 : i32
      %dma_start3A_253 = arith.constant 0 : i32
      %dma_start3A_254 = tpu.memref_slice %arg4[%arg0, %arg1, %dma_start3A_252, %dma_start3A_253] : memref<2x16x157x128xi32, #tpu.memory_space<hbm>> -> memref<1x1x32x128xi32, #tpu.memory_space<hbm>>
      %dma_start3A_255 = tpu.memref_squeeze %dma_start3A_254 : memref<1x1x32x128xi32, #tpu.memory_space<hbm>> -> memref<32x128xi32, #tpu.memory_space<hbm>>
      tpu.enqueue_dma source(%dma_start3A_255 : memref<32x128xi32, #tpu.memory_space<hbm>>) target(%dma_start3A_251 : memref<32x128xi32, #tpu.memory_space<vmem>>) target_semaphore(%run_scoped3A_241 : memref<!tpu.dma_semaphore, #tpu.memory_space<semaphore_mem>>)
      %dma_wait3A_256 = arith.constant 0 : i32
      %dma_wait3A_257 = arith.constant 0 : i32
      %dma_wait3A_258 = tpu.memref_slice %arg7[%dma_wait3A_256, %dma_wait3A_257] : memref<32x128xi32, #tpu.memory_space<vmem>> -> memref<32x128xi32, #tpu.memory_space<vmem>>
      %dma_wait3A_259 = arith.constant 0 : i32
      %dma_wait3A_260 = arith.constant 0 : i32
      %dma_wait3A_261 = tpu.memref_slice %arg4[%arg0, %arg1, %dma_wait3A_259, %dma_wait3A_260] : memref<2x16x157x128xi32, #tpu.memory_space<hbm>> -> memref<1x1x32x128xi32, #tpu.memory_space<hbm>>
      %dma_wait3A_262 = tpu.memref_squeeze %dma_wait3A_261 : memref<1x1x32x128xi32, #tpu.memory_space<hbm>> -> memref<32x128xi32, #tpu.memory_space<hbm>>
      %dma_wait3A_263 = arith.constant 0 : i32
      %dma_wait3A_264 = arith.constant 0 : i32
      %dma_wait3A_265 = tpu.memref_slice %arg7[%dma_wait3A_263, %dma_wait3A_264] : memref<32x128xi32, #tpu.memory_space<vmem>> -> memref<32x128xi32, #tpu.memory_space<vmem>>
      %dma_wait3A_266 = arith.constant 0 : i32
      %dma_wait3A_267 = arith.constant 0 : i32
      %dma_wait3A_268 = tpu.memref_slice %arg4[%arg0, %arg1, %dma_wait3A_266, %dma_wait3A_267] : memref<2x16x157x128xi32, #tpu.memory_space<hbm>> -> memref<1x1x32x128xi32, #tpu.memory_space<hbm>>
      %dma_wait3A_269 = tpu.memref_squeeze %dma_wait3A_268 : memref<1x1x32x128xi32, #tpu.memory_space<hbm>> -> memref<32x128xi32, #tpu.memory_space<hbm>>
      tpu.wait_dma2 semaphore(%run_scoped3A_241 : memref<!tpu.dma_semaphore, #tpu.memory_space<semaphore_mem>>) src(%dma_wait3A_269 : memref<32x128xi32, #tpu.memory_space<hbm>>) dst(%dma_wait3A_265 : memref<32x128xi32, #tpu.memory_space<vmem>>)
      tpu.yield
    }) : () -> ()
    %dma_start3A = arith.constant 0 : i32
    %dma_start3A_3 = arith.constant 0 : i32
    %dma_start3A_4 = tpu.memref_slice %arg6[%dma_start3A, %dma_start3A_3] : memref<32x128xi32, #tpu.memory_space<vmem>> -> memref<1x128xi32, #tpu.memory_space<vmem>>
    %dma_start3A_5 = tpu.memref_squeeze %dma_start3A_4 : memref<1x128xi32, #tpu.memory_space<vmem>> -> memref<128xi32, #tpu.memory_space<vmem>>
    %dma_start3A_6 = arith.constant 0 : i32
    %dma_start3A_7 = arith.constant 0 : i32
    %dma_start3A_8 = tpu.memref_slice %arg2[%arg0, %dma_start3A_6, %dma_start3A_7] : memref<2x10240x128xf32, #tpu.memory_space<hbm>> -> memref<1x10240x128xf32, #tpu.memory_space<hbm>>
    %dma_start3A_9 = tpu.memref_squeeze %dma_start3A_8 : memref<1x10240x128xf32, #tpu.memory_space<hbm>> -> memref<10240x128xf32, #tpu.memory_space<hbm>>
    %dma_start3A_10 = arith.constant 0 : i32
    %dma_start3A_11 = arith.constant 0 : i32
    %dma_start3A_12 = tpu.memref_slice %dma_start3A_9[%dma_start3A_10, %dma_start3A_11] : memref<10240x128xf32, #tpu.memory_space<hbm>> -> memref<10240x128xf32, #tpu.memory_space<hbm>>
    tpu.enqueue_indirect_dma source(%dma_start3A_12 : memref<10240x128xf32, #tpu.memory_space<hbm>>) target(%arg8 : memref<128x128xf32, #tpu.memory_space<vmem>>) offsets(%dma_start3A_5 : memref<128xi32, #tpu.memory_space<vmem>>) semaphore(%arg11 : memref<!tpu.dma_semaphore, #tpu.memory_space<semaphore_mem>>)
    %scan3A = arith.constant 0 : i32
    %scan3A_13 = arith.constant 0 : i32
    %scan3A_14 = arith.constant 15 : i32
    %scan3A_15 = arith.addi %scan3A_13, %scan3A_14 : i32
    %scan3A_16 = arith.constant 1 : i32
    scf.for %scan3A_241 = %scan3A_13 to %scan3A_15 step %scan3A_16  : i32 {
      %mul3A_242 = arith.constant 2 : i32
      %mul3A_243 = arith.muli %mul3A_242, %scan3A_241 : i32
      %add3A = arith.constant 1 : i32
      %add3A_244 = arith.addi %mul3A_243, %add3A : i32
      %dma_start3A_245 = arith.constant 0 : i32
      %dma_start3A_246 = tpu.memref_slice %arg6[%add3A_244, %dma_start3A_245] : memref<32x128xi32, #tpu.memory_space<vmem>> -> memref<1x128xi32, #tpu.memory_space<vmem>>
      %dma_start3A_247 = tpu.memref_squeeze %dma_start3A_246 : memref<1x128xi32, #tpu.memory_space<vmem>> -> memref<128xi32, #tpu.memory_space<vmem>>
      %dma_start3A_248 = arith.constant 0 : i32
      %dma_start3A_249 = arith.constant 0 : i32
      %dma_start3A_250 = tpu.memref_slice %arg2[%arg0, %dma_start3A_248, %dma_start3A_249] : memref<2x10240x128xf32, #tpu.memory_space<hbm>> -> memref<1x10240x128xf32, #tpu.memory_space<hbm>>
      %dma_start3A_251 = tpu.memref_squeeze %dma_start3A_250 : memref<1x10240x128xf32, #tpu.memory_space<hbm>> -> memref<10240x128xf32, #tpu.memory_space<hbm>>
      %dma_start3A_252 = arith.constant 0 : i32
      %dma_start3A_253 = arith.constant 0 : i32
      %dma_start3A_254 = tpu.memref_slice %dma_start3A_251[%dma_start3A_252, %dma_start3A_253] : memref<10240x128xf32, #tpu.memory_space<hbm>> -> memref<10240x128xf32, #tpu.memory_space<hbm>>
      tpu.enqueue_indirect_dma source(%dma_start3A_254 : memref<10240x128xf32, #tpu.memory_space<hbm>>) target(%arg9 : memref<128x128xf32, #tpu.memory_space<vmem>>) offsets(%dma_start3A_247 : memref<128xi32, #tpu.memory_space<vmem>>) semaphore(%arg12 : memref<!tpu.dma_semaphore, #tpu.memory_space<semaphore_mem>>)
      %dma_wait3A_255 = arith.constant 0 : i32
      %dma_wait3A_256 = tpu.memref_slice %arg6[%mul3A_243, %dma_wait3A_255] : memref<32x128xi32, #tpu.memory_space<vmem>> -> memref<1x128xi32, #tpu.memory_space<vmem>>
      %dma_wait3A_257 = tpu.memref_squeeze %dma_wait3A_256 : memref<1x128xi32, #tpu.memory_space<vmem>> -> memref<128xi32, #tpu.memory_space<vmem>>
      %dma_wait3A_258 = arith.constant 0 : i32
      %dma_wait3A_259 = arith.constant 0 : i32
      %dma_wait3A_260 = tpu.memref_slice %arg2[%arg0, %dma_wait3A_258, %dma_wait3A_259] : memref<2x10240x128xf32, #tpu.memory_space<hbm>> -> memref<1x10240x128xf32, #tpu.memory_space<hbm>>
      %dma_wait3A_261 = tpu.memref_squeeze %dma_wait3A_260 : memref<1x10240x128xf32, #tpu.memory_space<hbm>> -> memref<10240x128xf32, #tpu.memory_space<hbm>>
      %dma_wait3A_262 = arith.constant 0 : i32
      %dma_wait3A_263 = arith.constant 0 : i32
      %dma_wait3A_264 = tpu.memref_slice %dma_wait3A_261[%dma_wait3A_262, %dma_wait3A_263] : memref<10240x128xf32, #tpu.memory_space<hbm>> -> memref<10240x128xf32, #tpu.memory_space<hbm>>
      tpu.wait_indirect_dma semaphore(%arg11 : memref<!tpu.dma_semaphore, #tpu.memory_space<semaphore_mem>>) src(%dma_wait3A_264 : memref<10240x128xf32, #tpu.memory_space<hbm>>) dst(%arg8 : memref<128x128xf32, #tpu.memory_space<vmem>>)
      "tpu.region"() ({
        %run_scoped3A_287 = tpu.sem_alloc : memref<!tpu.dma_semaphore, #tpu.memory_space<semaphore_mem>>
        %dma_start3A_288 = arith.constant 0 : i32
        %dma_start3A_289 = tpu.memref_slice %arg7[%mul3A_243, %dma_start3A_288] : memref<32x128xi32, #tpu.memory_space<vmem>> -> memref<1x128xi32, #tpu.memory_space<vmem>>
        %dma_start3A_290 = tpu.memref_squeeze %dma_start3A_289 : memref<1x128xi32, #tpu.memory_space<vmem>> -> memref<128xi32, #tpu.memory_space<vmem>>
        %dma_start3A_291 = arith.constant 0 : i32
        %dma_start3A_292 = arith.constant 0 : i32
        %dma_start3A_293 = tpu.memref_slice %arg10[%dma_start3A_291, %dma_start3A_292] : memref<10240x128xf32, #tpu.memory_space<vmem_shared>> -> memref<10240x128xf32, #tpu.memory_space<vmem_shared>>
        tpu.enqueue_indirect_dma source(%arg8 : memref<128x128xf32, #tpu.memory_space<vmem>>) target(%dma_start3A_293 : memref<10240x128xf32, #tpu.memory_space<vmem_shared>>) offsets(%dma_start3A_290 : memref<128xi32, #tpu.memory_space<vmem>>) semaphore(%run_scoped3A_287 : memref<!tpu.dma_semaphore, #tpu.memory_space<semaphore_mem>>) {add = true}
        %dma_wait3A_294 = arith.constant 0 : i32
        %dma_wait3A_295 = tpu.memref_slice %arg7[%mul3A_243, %dma_wait3A_294] : memref<32x128xi32, #tpu.memory_space<vmem>> -> memref<1x128xi32, #tpu.memory_space<vmem>>
        %dma_wait3A_296 = tpu.memref_squeeze %dma_wait3A_295 : memref<1x128xi32, #tpu.memory_space<vmem>> -> memref<128xi32, #tpu.memory_space<vmem>>
        %dma_wait3A_297 = arith.constant 0 : i32
        %dma_wait3A_298 = arith.constant 0 : i32
        %dma_wait3A_299 = tpu.memref_slice %arg10[%dma_wait3A_297, %dma_wait3A_298] : memref<10240x128xf32, #tpu.memory_space<vmem_shared>> -> memref<10240x128xf32, #tpu.memory_space<vmem_shared>>
        tpu.wait_indirect_dma semaphore(%run_scoped3A_287 : memref<!tpu.dma_semaphore, #tpu.memory_space<semaphore_mem>>) src(%arg8 : memref<128x128xf32, #tpu.memory_space<vmem>>) dst(%dma_wait3A_299 : memref<10240x128xf32, #tpu.memory_space<vmem_shared>>)
        tpu.yield
      }) : () -> ()
      %add3A_265 = arith.constant 2 : i32
      %add3A_266 = arith.addi %mul3A_243, %add3A_265 : i32
      %dma_start3A_267 = arith.constant 0 : i32
      %dma_start3A_268 = tpu.memref_slice %arg6[%add3A_266, %dma_start3A_267] : memref<32x128xi32, #tpu.memory_space<vmem>> -> memref<1x128xi32, #tpu.memory_space<vmem>>
      %dma_start3A_269 = tpu.memref_squeeze %dma_start3A_268 : memref<1x128xi32, #tpu.memory_space<vmem>> -> memref<128xi32, #tpu.memory_space<vmem>>
      %dma_start3A_270 = arith.constant 0 : i32
      %dma_start3A_271 = arith.constant 0 : i32
      %dma_start3A_272 = tpu.memref_slice %arg2[%arg0, %dma_start3A_270, %dma_start3A_271] : memref<2x10240x128xf32, #tpu.memory_space<hbm>> -> memref<1x10240x128xf32, #tpu.memory_space<hbm>>
      %dma_start3A_273 = tpu.memref_squeeze %dma_start3A_272 : memref<1x10240x128xf32, #tpu.memory_space<hbm>> -> memref<10240x128xf32, #tpu.memory_space<hbm>>
      %dma_start3A_274 = arith.constant 0 : i32
      %dma_start3A_275 = arith.constant 0 : i32
      %dma_start3A_276 = tpu.memref_slice %dma_start3A_273[%dma_start3A_274, %dma_start3A_275] : memref<10240x128xf32, #tpu.memory_space<hbm>> -> memref<10240x128xf32, #tpu.memory_space<hbm>>
      tpu.enqueue_indirect_dma source(%dma_start3A_276 : memref<10240x128xf32, #tpu.memory_space<hbm>>) target(%arg8 : memref<128x128xf32, #tpu.memory_space<vmem>>) offsets(%dma_start3A_269 : memref<128xi32, #tpu.memory_space<vmem>>) semaphore(%arg11 : memref<!tpu.dma_semaphore, #tpu.memory_space<semaphore_mem>>)
      %dma_wait3A_277 = arith.constant 0 : i32
      %dma_wait3A_278 = tpu.memref_slice %arg6[%add3A_244, %dma_wait3A_277] : memref<32x128xi32, #tpu.memory_space<vmem>> -> memref<1x128xi32, #tpu.memory_space<vmem>>
      %dma_wait3A_279 = tpu.memref_squeeze %dma_wait3A_278 : memref<1x128xi32, #tpu.memory_space<vmem>> -> memref<128xi32, #tpu.memory_space<vmem>>
      %dma_wait3A_280 = arith.constant 0 : i32
      %dma_wait3A_281 = arith.constant 0 : i32
      %dma_wait3A_282 = tpu.memref_slice %arg2[%arg0, %dma_wait3A_280, %dma_wait3A_281] : memref<2x10240x128xf32, #tpu.memory_space<hbm>> -> memref<1x10240x128xf32, #tpu.memory_space<hbm>>
      %dma_wait3A_283 = tpu.memref_squeeze %dma_wait3A_282 : memref<1x10240x128xf32, #tpu.memory_space<hbm>> -> memref<10240x128xf32, #tpu.memory_space<hbm>>
      %dma_wait3A_284 = arith.constant 0 : i32
      %dma_wait3A_285 = arith.constant 0 : i32
      %dma_wait3A_286 = tpu.memref_slice %dma_wait3A_283[%dma_wait3A_284, %dma_wait3A_285] : memref<10240x128xf32, #tpu.memory_space<hbm>> -> memref<10240x128xf32, #tpu.memory_space<hbm>>
      tpu.wait_indirect_dma semaphore(%arg12 : memref<!tpu.dma_semaphore, #tpu.memory_space<semaphore_mem>>) src(%dma_wait3A_286 : memref<10240x128xf32, #tpu.memory_space<hbm>>) dst(%arg9 : memref<128x128xf32, #tpu.memory_space<vmem>>)
      "tpu.region"() ({
        %run_scoped3A_287 = tpu.sem_alloc : memref<!tpu.dma_semaphore, #tpu.memory_space<semaphore_mem>>
        %dma_start3A_288 = arith.constant 0 : i32
        %dma_start3A_289 = tpu.memref_slice %arg7[%add3A_244, %dma_start3A_288] : memref<32x128xi32, #tpu.memory_space<vmem>> -> memref<1x128xi32, #tpu.memory_space<vmem>>
        %dma_start3A_290 = tpu.memref_squeeze %dma_start3A_289 : memref<1x128xi32, #tpu.memory_space<vmem>> -> memref<128xi32, #tpu.memory_space<vmem>>
        %dma_start3A_291 = arith.constant 0 : i32
        %dma_start3A_292 = arith.constant 0 : i32
        %dma_start3A_293 = tpu.memref_slice %arg10[%dma_start3A_291, %dma_start3A_292] : memref<10240x128xf32, #tpu.memory_space<vmem_shared>> -> memref<10240x128xf32, #tpu.memory_space<vmem_shared>>
        tpu.enqueue_indirect_dma source(%arg9 : memref<128x128xf32, #tpu.memory_space<vmem>>) target(%dma_start3A_293 : memref<10240x128xf32, #tpu.memory_space<vmem_shared>>) offsets(%dma_start3A_290 : memref<128xi32, #tpu.memory_space<vmem>>) semaphore(%run_scoped3A_287 : memref<!tpu.dma_semaphore, #tpu.memory_space<semaphore_mem>>) {add = true}
        %dma_wait3A_294 = arith.constant 0 : i32
        %dma_wait3A_295 = tpu.memref_slice %arg7[%add3A_244, %dma_wait3A_294] : memref<32x128xi32, #tpu.memory_space<vmem>> -> memref<1x128xi32, #tpu.memory_space<vmem>>
        %dma_wait3A_296 = tpu.memref_squeeze %dma_wait3A_295 : memref<1x128xi32, #tpu.memory_space<vmem>> -> memref<128xi32, #tpu.memory_space<vmem>>
        %dma_wait3A_297 = arith.constant 0 : i32
        %dma_wait3A_298 = arith.constant 0 : i32
        %dma_wait3A_299 = tpu.memref_slice %arg10[%dma_wait3A_297, %dma_wait3A_298] : memref<10240x128xf32, #tpu.memory_space<vmem_shared>> -> memref<10240x128xf32, #tpu.memory_space<vmem_shared>>
        tpu.wait_indirect_dma semaphore(%run_scoped3A_287 : memref<!tpu.dma_semaphore, #tpu.memory_space<semaphore_mem>>) src(%arg9 : memref<128x128xf32, #tpu.memory_space<vmem>>) dst(%dma_wait3A_299 : memref<10240x128xf32, #tpu.memory_space<vmem_shared>>)
        tpu.yield
      }) : () -> ()
    }
    %scan3A_17 = arith.constant 15 : i32
    %dma_start3A_18 = arith.constant 31 : i32
    %dma_start3A_19 = arith.constant 0 : i32
    %dma_start3A_20 = tpu.memref_slice %arg6[%dma_start3A_18, %dma_start3A_19] : memref<32x128xi32, #tpu.memory_space<vmem>> -> memref<1x128xi32, #tpu.memory_space<vmem>>
    %dma_start3A_21 = tpu.memref_squeeze %dma_start3A_20 : memref<1x128xi32, #tpu.memory_space<vmem>> -> memref<128xi32, #tpu.memory_space<vmem>>
    %dma_start3A_22 = arith.constant 0 : i32
    %dma_start3A_23 = arith.constant 0 : i32
    %dma_start3A_24 = tpu.memref_slice %arg2[%arg0, %dma_start3A_22, %dma_start3A_23] : memref<2x10240x128xf32, #tpu.memory_space<hbm>> -> memref<1x10240x128xf32, #tpu.memory_space<hbm>>
    %dma_start3A_25 = tpu.memref_squeeze %dma_start3A_24 : memref<1x10240x128xf32, #tpu.memory_space<hbm>> -> memref<10240x128xf32, #tpu.memory_space<hbm>>
    %dma_start3A_26 = arith.constant 0 : i32
    %dma_start3A_27 = arith.constant 0 : i32
    %dma_start3A_28 = tpu.memref_slice %dma_start3A_25[%dma_start3A_26, %dma_start3A_27] : memref<10240x128xf32, #tpu.memory_space<hbm>> -> memref<10240x128xf32, #tpu.memory_space<hbm>>
    tpu.enqueue_indirect_dma source(%dma_start3A_28 : memref<10240x128xf32, #tpu.memory_space<hbm>>) target(%arg9 : memref<128x128xf32, #tpu.memory_space<vmem>>) offsets(%dma_start3A_21 : memref<128xi32, #tpu.memory_space<vmem>>) semaphore(%arg12 : memref<!tpu.dma_semaphore, #tpu.memory_space<semaphore_mem>>)
    %dma_wait3A = arith.constant 30 : i32
    %dma_wait3A_29 = arith.constant 0 : i32
    %dma_wait3A_30 = tpu.memref_slice %arg6[%dma_wait3A, %dma_wait3A_29] : memref<32x128xi32, #tpu.memory_space<vmem>> -> memref<1x128xi32, #tpu.memory_space<vmem>>
    %dma_wait3A_31 = tpu.memref_squeeze %dma_wait3A_30 : memref<1x128xi32, #tpu.memory_space<vmem>> -> memref<128xi32, #tpu.memory_space<vmem>>
    %dma_wait3A_32 = arith.constant 0 : i32
    %dma_wait3A_33 = arith.constant 0 : i32
    %dma_wait3A_34 = tpu.memref_slice %arg2[%arg0, %dma_wait3A_32, %dma_wait3A_33] : memref<2x10240x128xf32, #tpu.memory_space<hbm>> -> memref<1x10240x128xf32, #tpu.memory_space<hbm>>
    %dma_wait3A_35 = tpu.memref_squeeze %dma_wait3A_34 : memref<1x10240x128xf32, #tpu.memory_space<hbm>> -> memref<10240x128xf32, #tpu.memory_space<hbm>>
    %dma_wait3A_36 = arith.constant 0 : i32
    %dma_wait3A_37 = arith.constant 0 : i32
    %dma_wait3A_38 = tpu.memref_slice %dma_wait3A_35[%dma_wait3A_36, %dma_wait3A_37] : memref<10240x128xf32, #tpu.memory_space<hbm>> -> memref<10240x128xf32, #tpu.memory_space<hbm>>
    tpu.wait_indirect_dma semaphore(%arg11 : memref<!tpu.dma_semaphore, #tpu.memory_space<semaphore_mem>>) src(%dma_wait3A_38 : memref<10240x128xf32, #tpu.memory_space<hbm>>) dst(%arg8 : memref<128x128xf32, #tpu.memory_space<vmem>>)
    %run_scoped3A = arith.constant 30 : i32
    "tpu.region"() ({
      %run_scoped3A_241 = tpu.sem_alloc : memref<!tpu.dma_semaphore, #tpu.memory_space<semaphore_mem>>
      %dma_start3A_242 = arith.constant 0 : i32
      %dma_start3A_243 = tpu.memref_slice %arg7[%run_scoped3A, %dma_start3A_242] : memref<32x128xi32, #tpu.memory_space<vmem>> -> memref<1x128xi32, #tpu.memory_space<vmem>>
      %dma_start3A_244 = tpu.memref_squeeze %dma_start3A_243 : memref<1x128xi32, #tpu.memory_space<vmem>> -> memref<128xi32, #tpu.memory_space<vmem>>
      %dma_start3A_245 = arith.constant 0 : i32
      %dma_start3A_246 = arith.constant 0 : i32
      %dma_start3A_247 = tpu.memref_slice %arg10[%dma_start3A_245, %dma_start3A_246] : memref<10240x128xf32, #tpu.memory_space<vmem_shared>> -> memref<10240x128xf32, #tpu.memory_space<vmem_shared>>
      tpu.enqueue_indirect_dma source(%arg8 : memref<128x128xf32, #tpu.memory_space<vmem>>) target(%dma_start3A_247 : memref<10240x128xf32, #tpu.memory_space<vmem_shared>>) offsets(%dma_start3A_244 : memref<128xi32, #tpu.memory_space<vmem>>) semaphore(%run_scoped3A_241 : memref<!tpu.dma_semaphore, #tpu.memory_space<semaphore_mem>>) {add = true}
      %dma_wait3A_248 = arith.constant 0 : i32
      %dma_wait3A_249 = tpu.memref_slice %arg7[%run_scoped3A, %dma_wait3A_248] : memref<32x128xi32, #tpu.memory_space<vmem>> -> memref<1x128xi32, #tpu.memory_space<vmem>>
      %dma_wait3A_250 = tpu.memref_squeeze %dma_wait3A_249 : memref<1x128xi32, #tpu.memory_space<vmem>> -> memref<128xi32, #tpu.memory_space<vmem>>
      %dma_wait3A_251 = arith.constant 0 : i32
      %dma_wait3A_252 = arith.constant 0 : i32
      %dma_wait3A_253 = tpu.memref_slice %arg10[%dma_wait3A_251, %dma_wait3A_252] : memref<10240x128xf32, #tpu.memory_space<vmem_shared>> -> memref<10240x128xf32, #tpu.memory_space<vmem_shared>>
      tpu.wait_indirect_dma semaphore(%run_scoped3A_241 : memref<!tpu.dma_semaphore, #tpu.memory_space<semaphore_mem>>) src(%arg8 : memref<128x128xf32, #tpu.memory_space<vmem>>) dst(%dma_wait3A_253 : memref<10240x128xf32, #tpu.memory_space<vmem_shared>>)
      tpu.yield
    }) : () -> ()
    %dma_wait3A_39 = arith.constant 31 : i32
    %dma_wait3A_40 = arith.constant 0 : i32
    %dma_wait3A_41 = tpu.memref_slice %arg6[%dma_wait3A_39, %dma_wait3A_40] : memref<32x128xi32, #tpu.memory_space<vmem>> -> memref<1x128xi32, #tpu.memory_space<vmem>>
    %dma_wait3A_42 = tpu.memref_squeeze %dma_wait3A_41 : memref<1x128xi32, #tpu.memory_space<vmem>> -> memref<128xi32, #tpu.memory_space<vmem>>
    %dma_wait3A_43 = arith.constant 0 : i32
    %dma_wait3A_44 = arith.constant 0 : i32
    %dma_wait3A_45 = tpu.memref_slice %arg2[%arg0, %dma_wait3A_43, %dma_wait3A_44] : memref<2x10240x128xf32, #tpu.memory_space<hbm>> -> memref<1x10240x128xf32, #tpu.memory_space<hbm>>
    %dma_wait3A_46 = tpu.memref_squeeze %dma_wait3A_45 : memref<1x10240x128xf32, #tpu.memory_space<hbm>> -> memref<10240x128xf32, #tpu.memory_space<hbm>>
    %dma_wait3A_47 = arith.constant 0 : i32
    %dma_wait3A_48 = arith.constant 0 : i32
    %dma_wait3A_49 = tpu.memref_slice %dma_wait3A_46[%dma_wait3A_47, %dma_wait3A_48] : memref<10240x128xf32, #tpu.memory_space<hbm>> -> memref<10240x128xf32, #tpu.memory_space<hbm>>
    tpu.wait_indirect_dma semaphore(%arg12 : memref<!tpu.dma_semaphore, #tpu.memory_space<semaphore_mem>>) src(%dma_wait3A_49 : memref<10240x128xf32, #tpu.memory_space<hbm>>) dst(%arg9 : memref<128x128xf32, #tpu.memory_space<vmem>>)
    %run_scoped3A_50 = arith.constant 31 : i32
    "tpu.region"() ({
      %run_scoped3A_241 = tpu.sem_alloc : memref<!tpu.dma_semaphore, #tpu.memory_space<semaphore_mem>>
      %dma_start3A_242 = arith.constant 0 : i32
      %dma_start3A_243 = tpu.memref_slice %arg7[%run_scoped3A_50, %dma_start3A_242] : memref<32x128xi32, #tpu.memory_space<vmem>> -> memref<1x128xi32, #tpu.memory_space<vmem>>
      %dma_start3A_244 = tpu.memref_squeeze %dma_start3A_243 : memref<1x128xi32, #tpu.memory_space<vmem>> -> memref<128xi32, #tpu.memory_space<vmem>>
      %dma_start3A_245 = arith.constant 0 : i32
      %dma_start3A_246 = arith.constant 0 : i32
      %dma_start3A_247 = tpu.memref_slice %arg10[%dma_start3A_245, %dma_start3A_246] : memref<10240x128xf32, #tpu.memory_space<vmem_shared>> -> memref<10240x128xf32, #tpu.memory_space<vmem_shared>>
      tpu.enqueue_indirect_dma source(%arg9 : memref<128x128xf32, #tpu.memory_space<vmem>>) target(%dma_start3A_247 : memref<10240x128xf32, #tpu.memory_space<vmem_shared>>) offsets(%dma_start3A_244 : memref<128xi32, #tpu.memory_space<vmem>>) semaphore(%run_scoped3A_241 : memref<!tpu.dma_semaphore, #tpu.memory_space<semaphore_mem>>) {add = true}
      %dma_wait3A_248 = arith.constant 0 : i32
      %dma_wait3A_249 = tpu.memref_slice %arg7[%run_scoped3A_50, %dma_wait3A_248] : memref<32x128xi32, #tpu.memory_space<vmem>> -> memref<1x128xi32, #tpu.memory_space<vmem>>
      %dma_wait3A_250 = tpu.memref_squeeze %dma_wait3A_249 : memref<1x128xi32, #tpu.memory_space<vmem>> -> memref<128xi32, #tpu.memory_space<vmem>>
      %dma_wait3A_251 = arith.constant 0 : i32
      %dma_wait3A_252 = arith.constant 0 : i32
      %dma_wait3A_253 = tpu.memref_slice %arg10[%dma_wait3A_251, %dma_wait3A_252] : memref<10240x128xf32, #tpu.memory_space<vmem_shared>> -> memref<10240x128xf32, #tpu.memory_space<vmem_shared>>
      tpu.wait_indirect_dma semaphore(%run_scoped3A_241 : memref<!tpu.dma_semaphore, #tpu.memory_space<semaphore_mem>>) src(%arg9 : memref<128x128xf32, #tpu.memory_space<vmem>>) dst(%dma_wait3A_253 : memref<10240x128xf32, #tpu.memory_space<vmem_shared>>)
      tpu.yield
    }) : () -> ()
    "tpu.region"() ({
      %run_scoped3A_241 = tpu.sem_alloc : memref<!tpu.dma_semaphore, #tpu.memory_space<semaphore_mem>>
      %dma_start3A_242 = arith.constant 0 : i32
      %dma_start3A_243 = arith.constant 0 : i32
      %dma_start3A_244 = tpu.memref_slice %arg6[%dma_start3A_242, %dma_start3A_243] : memref<32x128xi32, #tpu.memory_space<vmem>> -> memref<32x128xi32, #tpu.memory_space<vmem>>
      %dma_start3A_245 = arith.constant 32 : i32
      %dma_start3A_246 = arith.constant 0 : i32
      %dma_start3A_247 = tpu.memref_slice %arg3[%arg0, %arg1, %dma_start3A_245, %dma_start3A_246] : memref<2x16x157x128xi32, #tpu.memory_space<hbm>> -> memref<1x1x32x128xi32, #tpu.memory_space<hbm>>
      %dma_start3A_248 = tpu.memref_squeeze %dma_start3A_247 : memref<1x1x32x128xi32, #tpu.memory_space<hbm>> -> memref<32x128xi32, #tpu.memory_space<hbm>>
      %dma_start3A_249 = arith.constant 0 : i32
      %dma_start3A_250 = arith.constant 0 : i32
      %dma_start3A_251 = tpu.memref_slice %arg6[%dma_start3A_249, %dma_start3A_250] : memref<32x128xi32, #tpu.memory_space<vmem>> -> memref<32x128xi32, #tpu.memory_space<vmem>>
      %dma_start3A_252 = arith.constant 32 : i32
      %dma_start3A_253 = arith.constant 0 : i32
      %dma_start3A_254 = tpu.memref_slice %arg3[%arg0, %arg1, %dma_start3A_252, %dma_start3A_253] : memref<2x16x157x128xi32, #tpu.memory_space<hbm>> -> memref<1x1x32x128xi32, #tpu.memory_space<hbm>>
      %dma_start3A_255 = tpu.memref_squeeze %dma_start3A_254 : memref<1x1x32x128xi32, #tpu.memory_space<hbm>> -> memref<32x128xi32, #tpu.memory_space<hbm>>
      tpu.enqueue_dma source(%dma_start3A_255 : memref<32x128xi32, #tpu.memory_space<hbm>>) target(%dma_start3A_251 : memref<32x128xi32, #tpu.memory_space<vmem>>) target_semaphore(%run_scoped3A_241 : memref<!tpu.dma_semaphore, #tpu.memory_space<semaphore_mem>>)
      %dma_wait3A_256 = arith.constant 0 : i32
      %dma_wait3A_257 = arith.constant 0 : i32
      %dma_wait3A_258 = tpu.memref_slice %arg6[%dma_wait3A_256, %dma_wait3A_257] : memref<32x128xi32, #tpu.memory_space<vmem>> -> memref<32x128xi32, #tpu.memory_space<vmem>>
      %dma_wait3A_259 = arith.constant 32 : i32
      %dma_wait3A_260 = arith.constant 0 : i32
      %dma_wait3A_261 = tpu.memref_slice %arg3[%arg0, %arg1, %dma_wait3A_259, %dma_wait3A_260] : memref<2x16x157x128xi32, #tpu.memory_space<hbm>> -> memref<1x1x32x128xi32, #tpu.memory_space<hbm>>
      %dma_wait3A_262 = tpu.memref_squeeze %dma_wait3A_261 : memref<1x1x32x128xi32, #tpu.memory_space<hbm>> -> memref<32x128xi32, #tpu.memory_space<hbm>>
      %dma_wait3A_263 = arith.constant 0 : i32
      %dma_wait3A_264 = arith.constant 0 : i32
      %dma_wait3A_265 = tpu.memref_slice %arg6[%dma_wait3A_263, %dma_wait3A_264] : memref<32x128xi32, #tpu.memory_space<vmem>> -> memref<32x128xi32, #tpu.memory_space<vmem>>
      %dma_wait3A_266 = arith.constant 32 : i32
      %dma_wait3A_267 = arith.constant 0 : i32
      %dma_wait3A_268 = tpu.memref_slice %arg3[%arg0, %arg1, %dma_wait3A_266, %dma_wait3A_267] : memref<2x16x157x128xi32, #tpu.memory_space<hbm>> -> memref<1x1x32x128xi32, #tpu.memory_space<hbm>>
      %dma_wait3A_269 = tpu.memref_squeeze %dma_wait3A_268 : memref<1x1x32x128xi32, #tpu.memory_space<hbm>> -> memref<32x128xi32, #tpu.memory_space<hbm>>
      tpu.wait_dma2 semaphore(%run_scoped3A_241 : memref<!tpu.dma_semaphore, #tpu.memory_space<semaphore_mem>>) src(%dma_wait3A_269 : memref<32x128xi32, #tpu.memory_space<hbm>>) dst(%dma_wait3A_265 : memref<32x128xi32, #tpu.memory_space<vmem>>)
      tpu.yield
    }) : () -> ()
    "tpu.region"() ({
      %run_scoped3A_241 = tpu.sem_alloc : memref<!tpu.dma_semaphore, #tpu.memory_space<semaphore_mem>>
      %dma_start3A_242 = arith.constant 0 : i32
      %dma_start3A_243 = arith.constant 0 : i32
      %dma_start3A_244 = tpu.memref_slice %arg7[%dma_start3A_242, %dma_start3A_243] : memref<32x128xi32, #tpu.memory_space<vmem>> -> memref<32x128xi32, #tpu.memory_space<vmem>>
      %dma_start3A_245 = arith.constant 32 : i32
      %dma_start3A_246 = arith.constant 0 : i32
      %dma_start3A_247 = tpu.memref_slice %arg4[%arg0, %arg1, %dma_start3A_245, %dma_start3A_246] : memref<2x16x157x128xi32, #tpu.memory_space<hbm>> -> memref<1x1x32x128xi32, #tpu.memory_space<hbm>>
      %dma_start3A_248 = tpu.memref_squeeze %dma_start3A_247 : memref<1x1x32x128xi32, #tpu.memory_space<hbm>> -> memref<32x128xi32, #tpu.memory_space<hbm>>
      %dma_start3A_249 = arith.constant 0 : i32
      %dma_start3A_250 = arith.constant 0 : i32
      %dma_start3A_251 = tpu.memref_slice %arg7[%dma_start3A_249, %dma_start3A_250] : memref<32x128xi32, #tpu.memory_space<vmem>> -> memref<32x128xi32, #tpu.memory_space<vmem>>
      %dma_start3A_252 = arith.constant 32 : i32
      %dma_start3A_253 = arith.constant 0 : i32
      %dma_start3A_254 = tpu.memref_slice %arg4[%arg0, %arg1, %dma_start3A_252, %dma_start3A_253] : memref<2x16x157x128xi32, #tpu.memory_space<hbm>> -> memref<1x1x32x128xi32, #tpu.memory_space<hbm>>
      %dma_start3A_255 = tpu.memref_squeeze %dma_start3A_254 : memref<1x1x32x128xi32, #tpu.memory_space<hbm>> -> memref<32x128xi32, #tpu.memory_space<hbm>>
      tpu.enqueue_dma source(%dma_start3A_255 : memref<32x128xi32, #tpu.memory_space<hbm>>) target(%dma_start3A_251 : memref<32x128xi32, #tpu.memory_space<vmem>>) target_semaphore(%run_scoped3A_241 : memref<!tpu.dma_semaphore, #tpu.memory_space<semaphore_mem>>)
      %dma_wait3A_256 = arith.constant 0 : i32
      %dma_wait3A_257 = arith.constant 0 : i32
      %dma_wait3A_258 = tpu.memref_slice %arg7[%dma_wait3A_256, %dma_wait3A_257] : memref<32x128xi32, #tpu.memory_space<vmem>> -> memref<32x128xi32, #tpu.memory_space<vmem>>
      %dma_wait3A_259 = arith.constant 32 : i32
      %dma_wait3A_260 = arith.constant 0 : i32
      %dma_wait3A_261 = tpu.memref_slice %arg4[%arg0, %arg1, %dma_wait3A_259, %dma_wait3A_260] : memref<2x16x157x128xi32, #tpu.memory_space<hbm>> -> memref<1x1x32x128xi32, #tpu.memory_space<hbm>>
      %dma_wait3A_262 = tpu.memref_squeeze %dma_wait3A_261 : memref<1x1x32x128xi32, #tpu.memory_space<hbm>> -> memref<32x128xi32, #tpu.memory_space<hbm>>
      %dma_wait3A_263 = arith.constant 0 : i32
      %dma_wait3A_264 = arith.constant 0 : i32
      %dma_wait3A_265 = tpu.memref_slice %arg7[%dma_wait3A_263, %dma_wait3A_264] : memref<32x128xi32, #tpu.memory_space<vmem>> -> memref<32x128xi32, #tpu.memory_space<vmem>>
      %dma_wait3A_266 = arith.constant 32 : i32
      %dma_wait3A_267 = arith.constant 0 : i32
      %dma_wait3A_268 = tpu.memref_slice %arg4[%arg0, %arg1, %dma_wait3A_266, %dma_wait3A_267] : memref<2x16x157x128xi32, #tpu.memory_space<hbm>> -> memref<1x1x32x128xi32, #tpu.memory_space<hbm>>
      %dma_wait3A_269 = tpu.memref_squeeze %dma_wait3A_268 : memref<1x1x32x128xi32, #tpu.memory_space<hbm>> -> memref<32x128xi32, #tpu.memory_space<hbm>>
      tpu.wait_dma2 semaphore(%run_scoped3A_241 : memref<!tpu.dma_semaphore, #tpu.memory_space<semaphore_mem>>) src(%dma_wait3A_269 : memref<32x128xi32, #tpu.memory_space<hbm>>) dst(%dma_wait3A_265 : memref<32x128xi32, #tpu.memory_space<vmem>>)
      tpu.yield
    }) : () -> ()
    %dma_start3A_51 = arith.constant 0 : i32
    %dma_start3A_52 = arith.constant 0 : i32
    %dma_start3A_53 = tpu.memref_slice %arg6[%dma_start3A_51, %dma_start3A_52] : memref<32x128xi32, #tpu.memory_space<vmem>> -> memref<1x128xi32, #tpu.memory_space<vmem>>
    %dma_start3A_54 = tpu.memref_squeeze %dma_start3A_53 : memref<1x128xi32, #tpu.memory_space<vmem>> -> memref<128xi32, #tpu.memory_space<vmem>>
    %dma_start3A_55 = arith.constant 0 : i32
    %dma_start3A_56 = arith.constant 0 : i32
    %dma_start3A_57 = tpu.memref_slice %arg2[%arg0, %dma_start3A_55, %dma_start3A_56] : memref<2x10240x128xf32, #tpu.memory_space<hbm>> -> memref<1x10240x128xf32, #tpu.memory_space<hbm>>
    %dma_start3A_58 = tpu.memref_squeeze %dma_start3A_57 : memref<1x10240x128xf32, #tpu.memory_space<hbm>> -> memref<10240x128xf32, #tpu.memory_space<hbm>>
    %dma_start3A_59 = arith.constant 0 : i32
    %dma_start3A_60 = arith.constant 0 : i32
    %dma_start3A_61 = tpu.memref_slice %dma_start3A_58[%dma_start3A_59, %dma_start3A_60] : memref<10240x128xf32, #tpu.memory_space<hbm>> -> memref<10240x128xf32, #tpu.memory_space<hbm>>
    tpu.enqueue_indirect_dma source(%dma_start3A_61 : memref<10240x128xf32, #tpu.memory_space<hbm>>) target(%arg8 : memref<128x128xf32, #tpu.memory_space<vmem>>) offsets(%dma_start3A_54 : memref<128xi32, #tpu.memory_space<vmem>>) semaphore(%arg11 : memref<!tpu.dma_semaphore, #tpu.memory_space<semaphore_mem>>)
    %scan3A_62 = arith.constant 0 : i32
    %scan3A_63 = arith.constant 0 : i32
    %scan3A_64 = arith.constant 15 : i32
    %scan3A_65 = arith.addi %scan3A_63, %scan3A_64 : i32
    %scan3A_66 = arith.constant 1 : i32
    scf.for %scan3A_241 = %scan3A_63 to %scan3A_65 step %scan3A_66  : i32 {
      %mul3A_242 = arith.constant 2 : i32
      %mul3A_243 = arith.muli %mul3A_242, %scan3A_241 : i32
      %add3A = arith.constant 1 : i32
      %add3A_244 = arith.addi %mul3A_243, %add3A : i32
      %dma_start3A_245 = arith.constant 0 : i32
      %dma_start3A_246 = tpu.memref_slice %arg6[%add3A_244, %dma_start3A_245] : memref<32x128xi32, #tpu.memory_space<vmem>> -> memref<1x128xi32, #tpu.memory_space<vmem>>
      %dma_start3A_247 = tpu.memref_squeeze %dma_start3A_246 : memref<1x128xi32, #tpu.memory_space<vmem>> -> memref<128xi32, #tpu.memory_space<vmem>>
      %dma_start3A_248 = arith.constant 0 : i32
      %dma_start3A_249 = arith.constant 0 : i32
      %dma_start3A_250 = tpu.memref_slice %arg2[%arg0, %dma_start3A_248, %dma_start3A_249] : memref<2x10240x128xf32, #tpu.memory_space<hbm>> -> memref<1x10240x128xf32, #tpu.memory_space<hbm>>
      %dma_start3A_251 = tpu.memref_squeeze %dma_start3A_250 : memref<1x10240x128xf32, #tpu.memory_space<hbm>> -> memref<10240x128xf32, #tpu.memory_space<hbm>>
      %dma_start3A_252 = arith.constant 0 : i32
      %dma_start3A_253 = arith.constant 0 : i32
      %dma_start3A_254 = tpu.memref_slice %dma_start3A_251[%dma_start3A_252, %dma_start3A_253] : memref<10240x128xf32, #tpu.memory_space<hbm>> -> memref<10240x128xf32, #tpu.memory_space<hbm>>
      tpu.enqueue_indirect_dma source(%dma_start3A_254 : memref<10240x128xf32, #tpu.memory_space<hbm>>) target(%arg9 : memref<128x128xf32, #tpu.memory_space<vmem>>) offsets(%dma_start3A_247 : memref<128xi32, #tpu.memory_space<vmem>>) semaphore(%arg12 : memref<!tpu.dma_semaphore, #tpu.memory_space<semaphore_mem>>)
      %dma_wait3A_255 = arith.constant 0 : i32
      %dma_wait3A_256 = tpu.memref_slice %arg6[%mul3A_243, %dma_wait3A_255] : memref<32x128xi32, #tpu.memory_space<vmem>> -> memref<1x128xi32, #tpu.memory_space<vmem>>
      %dma_wait3A_257 = tpu.memref_squeeze %dma_wait3A_256 : memref<1x128xi32, #tpu.memory_space<vmem>> -> memref<128xi32, #tpu.memory_space<vmem>>
      %dma_wait3A_258 = arith.constant 0 : i32
      %dma_wait3A_259 = arith.constant 0 : i32
      %dma_wait3A_260 = tpu.memref_slice %arg2[%arg0, %dma_wait3A_258, %dma_wait3A_259] : memref<2x10240x128xf32, #tpu.memory_space<hbm>> -> memref<1x10240x128xf32, #tpu.memory_space<hbm>>
      %dma_wait3A_261 = tpu.memref_squeeze %dma_wait3A_260 : memref<1x10240x128xf32, #tpu.memory_space<hbm>> -> memref<10240x128xf32, #tpu.memory_space<hbm>>
      %dma_wait3A_262 = arith.constant 0 : i32
      %dma_wait3A_263 = arith.constant 0 : i32
      %dma_wait3A_264 = tpu.memref_slice %dma_wait3A_261[%dma_wait3A_262, %dma_wait3A_263] : memref<10240x128xf32, #tpu.memory_space<hbm>> -> memref<10240x128xf32, #tpu.memory_space<hbm>>
      tpu.wait_indirect_dma semaphore(%arg11 : memref<!tpu.dma_semaphore, #tpu.memory_space<semaphore_mem>>) src(%dma_wait3A_264 : memref<10240x128xf32, #tpu.memory_space<hbm>>) dst(%arg8 : memref<128x128xf32, #tpu.memory_space<vmem>>)
      "tpu.region"() ({
        %run_scoped3A_287 = tpu.sem_alloc : memref<!tpu.dma_semaphore, #tpu.memory_space<semaphore_mem>>
        %dma_start3A_288 = arith.constant 0 : i32
        %dma_start3A_289 = tpu.memref_slice %arg7[%mul3A_243, %dma_start3A_288] : memref<32x128xi32, #tpu.memory_space<vmem>> -> memref<1x128xi32, #tpu.memory_space<vmem>>
        %dma_start3A_290 = tpu.memref_squeeze %dma_start3A_289 : memref<1x128xi32, #tpu.memory_space<vmem>> -> memref<128xi32, #tpu.memory_space<vmem>>
        %dma_start3A_291 = arith.constant 0 : i32
        %dma_start3A_292 = arith.constant 0 : i32
        %dma_start3A_293 = tpu.memref_slice %arg10[%dma_start3A_291, %dma_start3A_292] : memref<10240x128xf32, #tpu.memory_space<vmem_shared>> -> memref<10240x128xf32, #tpu.memory_space<vmem_shared>>
        tpu.enqueue_indirect_dma source(%arg8 : memref<128x128xf32, #tpu.memory_space<vmem>>) target(%dma_start3A_293 : memref<10240x128xf32, #tpu.memory_space<vmem_shared>>) offsets(%dma_start3A_290 : memref<128xi32, #tpu.memory_space<vmem>>) semaphore(%run_scoped3A_287 : memref<!tpu.dma_semaphore, #tpu.memory_space<semaphore_mem>>) {add = true}
        %dma_wait3A_294 = arith.constant 0 : i32
        %dma_wait3A_295 = tpu.memref_slice %arg7[%mul3A_243, %dma_wait3A_294] : memref<32x128xi32, #tpu.memory_space<vmem>> -> memref<1x128xi32, #tpu.memory_space<vmem>>
        %dma_wait3A_296 = tpu.memref_squeeze %dma_wait3A_295 : memref<1x128xi32, #tpu.memory_space<vmem>> -> memref<128xi32, #tpu.memory_space<vmem>>
        %dma_wait3A_297 = arith.constant 0 : i32
        %dma_wait3A_298 = arith.constant 0 : i32
        %dma_wait3A_299 = tpu.memref_slice %arg10[%dma_wait3A_297, %dma_wait3A_298] : memref<10240x128xf32, #tpu.memory_space<vmem_shared>> -> memref<10240x128xf32, #tpu.memory_space<vmem_shared>>
        tpu.wait_indirect_dma semaphore(%run_scoped3A_287 : memref<!tpu.dma_semaphore, #tpu.memory_space<semaphore_mem>>) src(%arg8 : memref<128x128xf32, #tpu.memory_space<vmem>>) dst(%dma_wait3A_299 : memref<10240x128xf32, #tpu.memory_space<vmem_shared>>)
        tpu.yield
      }) : () -> ()
      %add3A_265 = arith.constant 2 : i32
      %add3A_266 = arith.addi %mul3A_243, %add3A_265 : i32
      %dma_start3A_267 = arith.constant 0 : i32
      %dma_start3A_268 = tpu.memref_slice %arg6[%add3A_266, %dma_start3A_267] : memref<32x128xi32, #tpu.memory_space<vmem>> -> memref<1x128xi32, #tpu.memory_space<vmem>>
      %dma_start3A_269 = tpu.memref_squeeze %dma_start3A_268 : memref<1x128xi32, #tpu.memory_space<vmem>> -> memref<128xi32, #tpu.memory_space<vmem>>
      %dma_start3A_270 = arith.constant 0 : i32
      %dma_start3A_271 = arith.constant 0 : i32
      %dma_start3A_272 = tpu.memref_slice %arg2[%arg0, %dma_start3A_270, %dma_start3A_271] : memref<2x10240x128xf32, #tpu.memory_space<hbm>> -> memref<1x10240x128xf32, #tpu.memory_space<hbm>>
      %dma_start3A_273 = tpu.memref_squeeze %dma_start3A_272 : memref<1x10240x128xf32, #tpu.memory_space<hbm>> -> memref<10240x128xf32, #tpu.memory_space<hbm>>
      %dma_start3A_274 = arith.constant 0 : i32
      %dma_start3A_275 = arith.constant 0 : i32
      %dma_start3A_276 = tpu.memref_slice %dma_start3A_273[%dma_start3A_274, %dma_start3A_275] : memref<10240x128xf32, #tpu.memory_space<hbm>> -> memref<10240x128xf32, #tpu.memory_space<hbm>>
      tpu.enqueue_indirect_dma source(%dma_start3A_276 : memref<10240x128xf32, #tpu.memory_space<hbm>>) target(%arg8 : memref<128x128xf32, #tpu.memory_space<vmem>>) offsets(%dma_start3A_269 : memref<128xi32, #tpu.memory_space<vmem>>) semaphore(%arg11 : memref<!tpu.dma_semaphore, #tpu.memory_space<semaphore_mem>>)
      %dma_wait3A_277 = arith.constant 0 : i32
      %dma_wait3A_278 = tpu.memref_slice %arg6[%add3A_244, %dma_wait3A_277] : memref<32x128xi32, #tpu.memory_space<vmem>> -> memref<1x128xi32, #tpu.memory_space<vmem>>
      %dma_wait3A_279 = tpu.memref_squeeze %dma_wait3A_278 : memref<1x128xi32, #tpu.memory_space<vmem>> -> memref<128xi32, #tpu.memory_space<vmem>>
      %dma_wait3A_280 = arith.constant 0 : i32
      %dma_wait3A_281 = arith.constant 0 : i32
      %dma_wait3A_282 = tpu.memref_slice %arg2[%arg0, %dma_wait3A_280, %dma_wait3A_281] : memref<2x10240x128xf32, #tpu.memory_space<hbm>> -> memref<1x10240x128xf32, #tpu.memory_space<hbm>>
      %dma_wait3A_283 = tpu.memref_squeeze %dma_wait3A_282 : memref<1x10240x128xf32, #tpu.memory_space<hbm>> -> memref<10240x128xf32, #tpu.memory_space<hbm>>
      %dma_wait3A_284 = arith.constant 0 : i32
      %dma_wait3A_285 = arith.constant 0 : i32
      %dma_wait3A_286 = tpu.memref_slice %dma_wait3A_283[%dma_wait3A_284, %dma_wait3A_285] : memref<10240x128xf32, #tpu.memory_space<hbm>> -> memref<10240x128xf32, #tpu.memory_space<hbm>>
      tpu.wait_indirect_dma semaphore(%arg12 : memref<!tpu.dma_semaphore, #tpu.memory_space<semaphore_mem>>) src(%dma_wait3A_286 : memref<10240x128xf32, #tpu.memory_space<hbm>>) dst(%arg9 : memref<128x128xf32, #tpu.memory_space<vmem>>)
      "tpu.region"() ({
        %run_scoped3A_287 = tpu.sem_alloc : memref<!tpu.dma_semaphore, #tpu.memory_space<semaphore_mem>>
        %dma_start3A_288 = arith.constant 0 : i32
        %dma_start3A_289 = tpu.memref_slice %arg7[%add3A_244, %dma_start3A_288] : memref<32x128xi32, #tpu.memory_space<vmem>> -> memref<1x128xi32, #tpu.memory_space<vmem>>
        %dma_start3A_290 = tpu.memref_squeeze %dma_start3A_289 : memref<1x128xi32, #tpu.memory_space<vmem>> -> memref<128xi32, #tpu.memory_space<vmem>>
        %dma_start3A_291 = arith.constant 0 : i32
        %dma_start3A_292 = arith.constant 0 : i32
        %dma_start3A_293 = tpu.memref_slice %arg10[%dma_start3A_291, %dma_start3A_292] : memref<10240x128xf32, #tpu.memory_space<vmem_shared>> -> memref<10240x128xf32, #tpu.memory_space<vmem_shared>>
        tpu.enqueue_indirect_dma source(%arg9 : memref<128x128xf32, #tpu.memory_space<vmem>>) target(%dma_start3A_293 : memref<10240x128xf32, #tpu.memory_space<vmem_shared>>) offsets(%dma_start3A_290 : memref<128xi32, #tpu.memory_space<vmem>>) semaphore(%run_scoped3A_287 : memref<!tpu.dma_semaphore, #tpu.memory_space<semaphore_mem>>) {add = true}
        %dma_wait3A_294 = arith.constant 0 : i32
        %dma_wait3A_295 = tpu.memref_slice %arg7[%add3A_244, %dma_wait3A_294] : memref<32x128xi32, #tpu.memory_space<vmem>> -> memref<1x128xi32, #tpu.memory_space<vmem>>
        %dma_wait3A_296 = tpu.memref_squeeze %dma_wait3A_295 : memref<1x128xi32, #tpu.memory_space<vmem>> -> memref<128xi32, #tpu.memory_space<vmem>>
        %dma_wait3A_297 = arith.constant 0 : i32
        %dma_wait3A_298 = arith.constant 0 : i32
        %dma_wait3A_299 = tpu.memref_slice %arg10[%dma_wait3A_297, %dma_wait3A_298] : memref<10240x128xf32, #tpu.memory_space<vmem_shared>> -> memref<10240x128xf32, #tpu.memory_space<vmem_shared>>
        tpu.wait_indirect_dma semaphore(%run_scoped3A_287 : memref<!tpu.dma_semaphore, #tpu.memory_space<semaphore_mem>>) src(%arg9 : memref<128x128xf32, #tpu.memory_space<vmem>>) dst(%dma_wait3A_299 : memref<10240x128xf32, #tpu.memory_space<vmem_shared>>)
        tpu.yield
      }) : () -> ()
    }
    %scan3A_67 = arith.constant 15 : i32
    %dma_start3A_68 = arith.constant 31 : i32
    %dma_start3A_69 = arith.constant 0 : i32
    %dma_start3A_70 = tpu.memref_slice %arg6[%dma_start3A_68, %dma_start3A_69] : memref<32x128xi32, #tpu.memory_space<vmem>> -> memref<1x128xi32, #tpu.memory_space<vmem>>
    %dma_start3A_71 = tpu.memref_squeeze %dma_start3A_70 : memref<1x128xi32, #tpu.memory_space<vmem>> -> memref<128xi32, #tpu.memory_space<vmem>>
    %dma_start3A_72 = arith.constant 0 : i32
    %dma_start3A_73 = arith.constant 0 : i32
    %dma_start3A_74 = tpu.memref_slice %arg2[%arg0, %dma_start3A_72, %dma_start3A_73] : memref<2x10240x128xf32, #tpu.memory_space<hbm>> -> memref<1x10240x128xf32, #tpu.memory_space<hbm>>
    %dma_start3A_75 = tpu.memref_squeeze %dma_start3A_74 : memref<1x10240x128xf32, #tpu.memory_space<hbm>> -> memref<10240x128xf32, #tpu.memory_space<hbm>>
    %dma_start3A_76 = arith.constant 0 : i32
    %dma_start3A_77 = arith.constant 0 : i32
    %dma_start3A_78 = tpu.memref_slice %dma_start3A_75[%dma_start3A_76, %dma_start3A_77] : memref<10240x128xf32, #tpu.memory_space<hbm>> -> memref<10240x128xf32, #tpu.memory_space<hbm>>
    tpu.enqueue_indirect_dma source(%dma_start3A_78 : memref<10240x128xf32, #tpu.memory_space<hbm>>) target(%arg9 : memref<128x128xf32, #tpu.memory_space<vmem>>) offsets(%dma_start3A_71 : memref<128xi32, #tpu.memory_space<vmem>>) semaphore(%arg12 : memref<!tpu.dma_semaphore, #tpu.memory_space<semaphore_mem>>)
    %dma_wait3A_79 = arith.constant 30 : i32
    %dma_wait3A_80 = arith.constant 0 : i32
    %dma_wait3A_81 = tpu.memref_slice %arg6[%dma_wait3A_79, %dma_wait3A_80] : memref<32x128xi32, #tpu.memory_space<vmem>> -> memref<1x128xi32, #tpu.memory_space<vmem>>
    %dma_wait3A_82 = tpu.memref_squeeze %dma_wait3A_81 : memref<1x128xi32, #tpu.memory_space<vmem>> -> memref<128xi32, #tpu.memory_space<vmem>>
    %dma_wait3A_83 = arith.constant 0 : i32
    %dma_wait3A_84 = arith.constant 0 : i32
    %dma_wait3A_85 = tpu.memref_slice %arg2[%arg0, %dma_wait3A_83, %dma_wait3A_84] : memref<2x10240x128xf32, #tpu.memory_space<hbm>> -> memref<1x10240x128xf32, #tpu.memory_space<hbm>>
    %dma_wait3A_86 = tpu.memref_squeeze %dma_wait3A_85 : memref<1x10240x128xf32, #tpu.memory_space<hbm>> -> memref<10240x128xf32, #tpu.memory_space<hbm>>
    %dma_wait3A_87 = arith.constant 0 : i32
    %dma_wait3A_88 = arith.constant 0 : i32
    %dma_wait3A_89 = tpu.memref_slice %dma_wait3A_86[%dma_wait3A_87, %dma_wait3A_88] : memref<10240x128xf32, #tpu.memory_space<hbm>> -> memref<10240x128xf32, #tpu.memory_space<hbm>>
    tpu.wait_indirect_dma semaphore(%arg11 : memref<!tpu.dma_semaphore, #tpu.memory_space<semaphore_mem>>) src(%dma_wait3A_89 : memref<10240x128xf32, #tpu.memory_space<hbm>>) dst(%arg8 : memref<128x128xf32, #tpu.memory_space<vmem>>)
    %run_scoped3A_90 = arith.constant 30 : i32
    "tpu.region"() ({
      %run_scoped3A_241 = tpu.sem_alloc : memref<!tpu.dma_semaphore, #tpu.memory_space<semaphore_mem>>
      %dma_start3A_242 = arith.constant 0 : i32
      %dma_start3A_243 = tpu.memref_slice %arg7[%run_scoped3A_90, %dma_start3A_242] : memref<32x128xi32, #tpu.memory_space<vmem>> -> memref<1x128xi32, #tpu.memory_space<vmem>>
      %dma_start3A_244 = tpu.memref_squeeze %dma_start3A_243 : memref<1x128xi32, #tpu.memory_space<vmem>> -> memref<128xi32, #tpu.memory_space<vmem>>
      %dma_start3A_245 = arith.constant 0 : i32
      %dma_start3A_246 = arith.constant 0 : i32
      %dma_start3A_247 = tpu.memref_slice %arg10[%dma_start3A_245, %dma_start3A_246] : memref<10240x128xf32, #tpu.memory_space<vmem_shared>> -> memref<10240x128xf32, #tpu.memory_space<vmem_shared>>
      tpu.enqueue_indirect_dma source(%arg8 : memref<128x128xf32, #tpu.memory_space<vmem>>) target(%dma_start3A_247 : memref<10240x128xf32, #tpu.memory_space<vmem_shared>>) offsets(%dma_start3A_244 : memref<128xi32, #tpu.memory_space<vmem>>) semaphore(%run_scoped3A_241 : memref<!tpu.dma_semaphore, #tpu.memory_space<semaphore_mem>>) {add = true}
      %dma_wait3A_248 = arith.constant 0 : i32
      %dma_wait3A_249 = tpu.memref_slice %arg7[%run_scoped3A_90, %dma_wait3A_248] : memref<32x128xi32, #tpu.memory_space<vmem>> -> memref<1x128xi32, #tpu.memory_space<vmem>>
      %dma_wait3A_250 = tpu.memref_squeeze %dma_wait3A_249 : memref<1x128xi32, #tpu.memory_space<vmem>> -> memref<128xi32, #tpu.memory_space<vmem>>
      %dma_wait3A_251 = arith.constant 0 : i32
      %dma_wait3A_252 = arith.constant 0 : i32
      %dma_wait3A_253 = tpu.memref_slice %arg10[%dma_wait3A_251, %dma_wait3A_252] : memref<10240x128xf32, #tpu.memory_space<vmem_shared>> -> memref<10240x128xf32, #tpu.memory_space<vmem_shared>>
      tpu.wait_indirect_dma semaphore(%run_scoped3A_241 : memref<!tpu.dma_semaphore, #tpu.memory_space<semaphore_mem>>) src(%arg8 : memref<128x128xf32, #tpu.memory_space<vmem>>) dst(%dma_wait3A_253 : memref<10240x128xf32, #tpu.memory_space<vmem_shared>>)
      tpu.yield
    }) : () -> ()
    %dma_wait3A_91 = arith.constant 31 : i32
    %dma_wait3A_92 = arith.constant 0 : i32
    %dma_wait3A_93 = tpu.memref_slice %arg6[%dma_wait3A_91, %dma_wait3A_92] : memref<32x128xi32, #tpu.memory_space<vmem>> -> memref<1x128xi32, #tpu.memory_space<vmem>>
    %dma_wait3A_94 = tpu.memref_squeeze %dma_wait3A_93 : memref<1x128xi32, #tpu.memory_space<vmem>> -> memref<128xi32, #tpu.memory_space<vmem>>
    %dma_wait3A_95 = arith.constant 0 : i32
    %dma_wait3A_96 = arith.constant 0 : i32
    %dma_wait3A_97 = tpu.memref_slice %arg2[%arg0, %dma_wait3A_95, %dma_wait3A_96] : memref<2x10240x128xf32, #tpu.memory_space<hbm>> -> memref<1x10240x128xf32, #tpu.memory_space<hbm>>
    %dma_wait3A_98 = tpu.memref_squeeze %dma_wait3A_97 : memref<1x10240x128xf32, #tpu.memory_space<hbm>> -> memref<10240x128xf32, #tpu.memory_space<hbm>>
    %dma_wait3A_99 = arith.constant 0 : i32
    %dma_wait3A_100 = arith.constant 0 : i32
    %dma_wait3A_101 = tpu.memref_slice %dma_wait3A_98[%dma_wait3A_99, %dma_wait3A_100] : memref<10240x128xf32, #tpu.memory_space<hbm>> -> memref<10240x128xf32, #tpu.memory_space<hbm>>
    tpu.wait_indirect_dma semaphore(%arg12 : memref<!tpu.dma_semaphore, #tpu.memory_space<semaphore_mem>>) src(%dma_wait3A_101 : memref<10240x128xf32, #tpu.memory_space<hbm>>) dst(%arg9 : memref<128x128xf32, #tpu.memory_space<vmem>>)
    %run_scoped3A_102 = arith.constant 31 : i32
    "tpu.region"() ({
      %run_scoped3A_241 = tpu.sem_alloc : memref<!tpu.dma_semaphore, #tpu.memory_space<semaphore_mem>>
      %dma_start3A_242 = arith.constant 0 : i32
      %dma_start3A_243 = tpu.memref_slice %arg7[%run_scoped3A_102, %dma_start3A_242] : memref<32x128xi32, #tpu.memory_space<vmem>> -> memref<1x128xi32, #tpu.memory_space<vmem>>
      %dma_start3A_244 = tpu.memref_squeeze %dma_start3A_243 : memref<1x128xi32, #tpu.memory_space<vmem>> -> memref<128xi32, #tpu.memory_space<vmem>>
      %dma_start3A_245 = arith.constant 0 : i32
      %dma_start3A_246 = arith.constant 0 : i32
      %dma_start3A_247 = tpu.memref_slice %arg10[%dma_start3A_245, %dma_start3A_246] : memref<10240x128xf32, #tpu.memory_space<vmem_shared>> -> memref<10240x128xf32, #tpu.memory_space<vmem_shared>>
      tpu.enqueue_indirect_dma source(%arg9 : memref<128x128xf32, #tpu.memory_space<vmem>>) target(%dma_start3A_247 : memref<10240x128xf32, #tpu.memory_space<vmem_shared>>) offsets(%dma_start3A_244 : memref<128xi32, #tpu.memory_space<vmem>>) semaphore(%run_scoped3A_241 : memref<!tpu.dma_semaphore, #tpu.memory_space<semaphore_mem>>) {add = true}
      %dma_wait3A_248 = arith.constant 0 : i32
      %dma_wait3A_249 = tpu.memref_slice %arg7[%run_scoped3A_102, %dma_wait3A_248] : memref<32x128xi32, #tpu.memory_space<vmem>> -> memref<1x128xi32, #tpu.memory_space<vmem>>
      %dma_wait3A_250 = tpu.memref_squeeze %dma_wait3A_249 : memref<1x128xi32, #tpu.memory_space<vmem>> -> memref<128xi32, #tpu.memory_space<vmem>>
      %dma_wait3A_251 = arith.constant 0 : i32
      %dma_wait3A_252 = arith.constant 0 : i32
      %dma_wait3A_253 = tpu.memref_slice %arg10[%dma_wait3A_251, %dma_wait3A_252] : memref<10240x128xf32, #tpu.memory_space<vmem_shared>> -> memref<10240x128xf32, #tpu.memory_space<vmem_shared>>
      tpu.wait_indirect_dma semaphore(%run_scoped3A_241 : memref<!tpu.dma_semaphore, #tpu.memory_space<semaphore_mem>>) src(%arg9 : memref<128x128xf32, #tpu.memory_space<vmem>>) dst(%dma_wait3A_253 : memref<10240x128xf32, #tpu.memory_space<vmem_shared>>)
      tpu.yield
    }) : () -> ()
    "tpu.region"() ({
      %run_scoped3A_241 = tpu.sem_alloc : memref<!tpu.dma_semaphore, #tpu.memory_space<semaphore_mem>>
      %dma_start3A_242 = arith.constant 0 : i32
      %dma_start3A_243 = arith.constant 0 : i32
      %dma_start3A_244 = tpu.memref_slice %arg6[%dma_start3A_242, %dma_start3A_243] : memref<32x128xi32, #tpu.memory_space<vmem>> -> memref<32x128xi32, #tpu.memory_space<vmem>>
      %dma_start3A_245 = arith.constant 64 : i32
      %dma_start3A_246 = arith.constant 0 : i32
      %dma_start3A_247 = tpu.memref_slice %arg3[%arg0, %arg1, %dma_start3A_245, %dma_start3A_246] : memref<2x16x157x128xi32, #tpu.memory_space<hbm>> -> memref<1x1x32x128xi32, #tpu.memory_space<hbm>>
      %dma_start3A_248 = tpu.memref_squeeze %dma_start3A_247 : memref<1x1x32x128xi32, #tpu.memory_space<hbm>> -> memref<32x128xi32, #tpu.memory_space<hbm>>
      %dma_start3A_249 = arith.constant 0 : i32
      %dma_start3A_250 = arith.constant 0 : i32
      %dma_start3A_251 = tpu.memref_slice %arg6[%dma_start3A_249, %dma_start3A_250] : memref<32x128xi32, #tpu.memory_space<vmem>> -> memref<32x128xi32, #tpu.memory_space<vmem>>
      %dma_start3A_252 = arith.constant 64 : i32
      %dma_start3A_253 = arith.constant 0 : i32
      %dma_start3A_254 = tpu.memref_slice %arg3[%arg0, %arg1, %dma_start3A_252, %dma_start3A_253] : memref<2x16x157x128xi32, #tpu.memory_space<hbm>> -> memref<1x1x32x128xi32, #tpu.memory_space<hbm>>
      %dma_start3A_255 = tpu.memref_squeeze %dma_start3A_254 : memref<1x1x32x128xi32, #tpu.memory_space<hbm>> -> memref<32x128xi32, #tpu.memory_space<hbm>>
      tpu.enqueue_dma source(%dma_start3A_255 : memref<32x128xi32, #tpu.memory_space<hbm>>) target(%dma_start3A_251 : memref<32x128xi32, #tpu.memory_space<vmem>>) target_semaphore(%run_scoped3A_241 : memref<!tpu.dma_semaphore, #tpu.memory_space<semaphore_mem>>)
      %dma_wait3A_256 = arith.constant 0 : i32
      %dma_wait3A_257 = arith.constant 0 : i32
      %dma_wait3A_258 = tpu.memref_slice %arg6[%dma_wait3A_256, %dma_wait3A_257] : memref<32x128xi32, #tpu.memory_space<vmem>> -> memref<32x128xi32, #tpu.memory_space<vmem>>
      %dma_wait3A_259 = arith.constant 64 : i32
      %dma_wait3A_260 = arith.constant 0 : i32
      %dma_wait3A_261 = tpu.memref_slice %arg3[%arg0, %arg1, %dma_wait3A_259, %dma_wait3A_260] : memref<2x16x157x128xi32, #tpu.memory_space<hbm>> -> memref<1x1x32x128xi32, #tpu.memory_space<hbm>>
      %dma_wait3A_262 = tpu.memref_squeeze %dma_wait3A_261 : memref<1x1x32x128xi32, #tpu.memory_space<hbm>> -> memref<32x128xi32, #tpu.memory_space<hbm>>
      %dma_wait3A_263 = arith.constant 0 : i32
      %dma_wait3A_264 = arith.constant 0 : i32
      %dma_wait3A_265 = tpu.memref_slice %arg6[%dma_wait3A_263, %dma_wait3A_264] : memref<32x128xi32, #tpu.memory_space<vmem>> -> memref<32x128xi32, #tpu.memory_space<vmem>>
      %dma_wait3A_266 = arith.constant 64 : i32
      %dma_wait3A_267 = arith.constant 0 : i32
      %dma_wait3A_268 = tpu.memref_slice %arg3[%arg0, %arg1, %dma_wait3A_266, %dma_wait3A_267] : memref<2x16x157x128xi32, #tpu.memory_space<hbm>> -> memref<1x1x32x128xi32, #tpu.memory_space<hbm>>
      %dma_wait3A_269 = tpu.memref_squeeze %dma_wait3A_268 : memref<1x1x32x128xi32, #tpu.memory_space<hbm>> -> memref<32x128xi32, #tpu.memory_space<hbm>>
      tpu.wait_dma2 semaphore(%run_scoped3A_241 : memref<!tpu.dma_semaphore, #tpu.memory_space<semaphore_mem>>) src(%dma_wait3A_269 : memref<32x128xi32, #tpu.memory_space<hbm>>) dst(%dma_wait3A_265 : memref<32x128xi32, #tpu.memory_space<vmem>>)
      tpu.yield
    }) : () -> ()
    "tpu.region"() ({
      %run_scoped3A_241 = tpu.sem_alloc : memref<!tpu.dma_semaphore, #tpu.memory_space<semaphore_mem>>
      %dma_start3A_242 = arith.constant 0 : i32
      %dma_start3A_243 = arith.constant 0 : i32
      %dma_start3A_244 = tpu.memref_slice %arg7[%dma_start3A_242, %dma_start3A_243] : memref<32x128xi32, #tpu.memory_space<vmem>> -> memref<32x128xi32, #tpu.memory_space<vmem>>
      %dma_start3A_245 = arith.constant 64 : i32
      %dma_start3A_246 = arith.constant 0 : i32
      %dma_start3A_247 = tpu.memref_slice %arg4[%arg0, %arg1, %dma_start3A_245, %dma_start3A_246] : memref<2x16x157x128xi32, #tpu.memory_space<hbm>> -> memref<1x1x32x128xi32, #tpu.memory_space<hbm>>
      %dma_start3A_248 = tpu.memref_squeeze %dma_start3A_247 : memref<1x1x32x128xi32, #tpu.memory_space<hbm>> -> memref<32x128xi32, #tpu.memory_space<hbm>>
      %dma_start3A_249 = arith.constant 0 : i32
      %dma_start3A_250 = arith.constant 0 : i32
      %dma_start3A_251 = tpu.memref_slice %arg7[%dma_start3A_249, %dma_start3A_250] : memref<32x128xi32, #tpu.memory_space<vmem>> -> memref<32x128xi32, #tpu.memory_space<vmem>>
      %dma_start3A_252 = arith.constant 64 : i32
      %dma_start3A_253 = arith.constant 0 : i32
      %dma_start3A_254 = tpu.memref_slice %arg4[%arg0, %arg1, %dma_start3A_252, %dma_start3A_253] : memref<2x16x157x128xi32, #tpu.memory_space<hbm>> -> memref<1x1x32x128xi32, #tpu.memory_space<hbm>>
      %dma_start3A_255 = tpu.memref_squeeze %dma_start3A_254 : memref<1x1x32x128xi32, #tpu.memory_space<hbm>> -> memref<32x128xi32, #tpu.memory_space<hbm>>
      tpu.enqueue_dma source(%dma_start3A_255 : memref<32x128xi32, #tpu.memory_space<hbm>>) target(%dma_start3A_251 : memref<32x128xi32, #tpu.memory_space<vmem>>) target_semaphore(%run_scoped3A_241 : memref<!tpu.dma_semaphore, #tpu.memory_space<semaphore_mem>>)
      %dma_wait3A_256 = arith.constant 0 : i32
      %dma_wait3A_257 = arith.constant 0 : i32
      %dma_wait3A_258 = tpu.memref_slice %arg7[%dma_wait3A_256, %dma_wait3A_257] : memref<32x128xi32, #tpu.memory_space<vmem>> -> memref<32x128xi32, #tpu.memory_space<vmem>>
      %dma_wait3A_259 = arith.constant 64 : i32
      %dma_wait3A_260 = arith.constant 0 : i32
      %dma_wait3A_261 = tpu.memref_slice %arg4[%arg0, %arg1, %dma_wait3A_259, %dma_wait3A_260] : memref<2x16x157x128xi32, #tpu.memory_space<hbm>> -> memref<1x1x32x128xi32, #tpu.memory_space<hbm>>
      %dma_wait3A_262 = tpu.memref_squeeze %dma_wait3A_261 : memref<1x1x32x128xi32, #tpu.memory_space<hbm>> -> memref<32x128xi32, #tpu.memory_space<hbm>>
      %dma_wait3A_263 = arith.constant 0 : i32
      %dma_wait3A_264 = arith.constant 0 : i32
      %dma_wait3A_265 = tpu.memref_slice %arg7[%dma_wait3A_263, %dma_wait3A_264] : memref<32x128xi32, #tpu.memory_space<vmem>> -> memref<32x128xi32, #tpu.memory_space<vmem>>
      %dma_wait3A_266 = arith.constant 64 : i32
      %dma_wait3A_267 = arith.constant 0 : i32
      %dma_wait3A_268 = tpu.memref_slice %arg4[%arg0, %arg1, %dma_wait3A_266, %dma_wait3A_267] : memref<2x16x157x128xi32, #tpu.memory_space<hbm>> -> memref<1x1x32x128xi32, #tpu.memory_space<hbm>>
      %dma_wait3A_269 = tpu.memref_squeeze %dma_wait3A_268 : memref<1x1x32x128xi32, #tpu.memory_space<hbm>> -> memref<32x128xi32, #tpu.memory_space<hbm>>
      tpu.wait_dma2 semaphore(%run_scoped3A_241 : memref<!tpu.dma_semaphore, #tpu.memory_space<semaphore_mem>>) src(%dma_wait3A_269 : memref<32x128xi32, #tpu.memory_space<hbm>>) dst(%dma_wait3A_265 : memref<32x128xi32, #tpu.memory_space<vmem>>)
      tpu.yield
    }) : () -> ()
    %dma_start3A_103 = arith.constant 0 : i32
    %dma_start3A_104 = arith.constant 0 : i32
    %dma_start3A_105 = tpu.memref_slice %arg6[%dma_start3A_103, %dma_start3A_104] : memref<32x128xi32, #tpu.memory_space<vmem>> -> memref<1x128xi32, #tpu.memory_space<vmem>>
    %dma_start3A_106 = tpu.memref_squeeze %dma_start3A_105 : memref<1x128xi32, #tpu.memory_space<vmem>> -> memref<128xi32, #tpu.memory_space<vmem>>
    %dma_start3A_107 = arith.constant 0 : i32
    %dma_start3A_108 = arith.constant 0 : i32
    %dma_start3A_109 = tpu.memref_slice %arg2[%arg0, %dma_start3A_107, %dma_start3A_108] : memref<2x10240x128xf32, #tpu.memory_space<hbm>> -> memref<1x10240x128xf32, #tpu.memory_space<hbm>>
    %dma_start3A_110 = tpu.memref_squeeze %dma_start3A_109 : memref<1x10240x128xf32, #tpu.memory_space<hbm>> -> memref<10240x128xf32, #tpu.memory_space<hbm>>
    %dma_start3A_111 = arith.constant 0 : i32
    %dma_start3A_112 = arith.constant 0 : i32
    %dma_start3A_113 = tpu.memref_slice %dma_start3A_110[%dma_start3A_111, %dma_start3A_112] : memref<10240x128xf32, #tpu.memory_space<hbm>> -> memref<10240x128xf32, #tpu.memory_space<hbm>>
    tpu.enqueue_indirect_dma source(%dma_start3A_113 : memref<10240x128xf32, #tpu.memory_space<hbm>>) target(%arg8 : memref<128x128xf32, #tpu.memory_space<vmem>>) offsets(%dma_start3A_106 : memref<128xi32, #tpu.memory_space<vmem>>) semaphore(%arg11 : memref<!tpu.dma_semaphore, #tpu.memory_space<semaphore_mem>>)
    %scan3A_114 = arith.constant 0 : i32
    %scan3A_115 = arith.constant 0 : i32
    %scan3A_116 = arith.constant 15 : i32
    %scan3A_117 = arith.addi %scan3A_115, %scan3A_116 : i32
    %scan3A_118 = arith.constant 1 : i32
    scf.for %scan3A_241 = %scan3A_115 to %scan3A_117 step %scan3A_118  : i32 {
      %mul3A_242 = arith.constant 2 : i32
      %mul3A_243 = arith.muli %mul3A_242, %scan3A_241 : i32
      %add3A = arith.constant 1 : i32
      %add3A_244 = arith.addi %mul3A_243, %add3A : i32
      %dma_start3A_245 = arith.constant 0 : i32
      %dma_start3A_246 = tpu.memref_slice %arg6[%add3A_244, %dma_start3A_245] : memref<32x128xi32, #tpu.memory_space<vmem>> -> memref<1x128xi32, #tpu.memory_space<vmem>>
      %dma_start3A_247 = tpu.memref_squeeze %dma_start3A_246 : memref<1x128xi32, #tpu.memory_space<vmem>> -> memref<128xi32, #tpu.memory_space<vmem>>
      %dma_start3A_248 = arith.constant 0 : i32
      %dma_start3A_249 = arith.constant 0 : i32
      %dma_start3A_250 = tpu.memref_slice %arg2[%arg0, %dma_start3A_248, %dma_start3A_249] : memref<2x10240x128xf32, #tpu.memory_space<hbm>> -> memref<1x10240x128xf32, #tpu.memory_space<hbm>>
      %dma_start3A_251 = tpu.memref_squeeze %dma_start3A_250 : memref<1x10240x128xf32, #tpu.memory_space<hbm>> -> memref<10240x128xf32, #tpu.memory_space<hbm>>
      %dma_start3A_252 = arith.constant 0 : i32
      %dma_start3A_253 = arith.constant 0 : i32
      %dma_start3A_254 = tpu.memref_slice %dma_start3A_251[%dma_start3A_252, %dma_start3A_253] : memref<10240x128xf32, #tpu.memory_space<hbm>> -> memref<10240x128xf32, #tpu.memory_space<hbm>>
      tpu.enqueue_indirect_dma source(%dma_start3A_254 : memref<10240x128xf32, #tpu.memory_space<hbm>>) target(%arg9 : memref<128x128xf32, #tpu.memory_space<vmem>>) offsets(%dma_start3A_247 : memref<128xi32, #tpu.memory_space<vmem>>) semaphore(%arg12 : memref<!tpu.dma_semaphore, #tpu.memory_space<semaphore_mem>>)
      %dma_wait3A_255 = arith.constant 0 : i32
      %dma_wait3A_256 = tpu.memref_slice %arg6[%mul3A_243, %dma_wait3A_255] : memref<32x128xi32, #tpu.memory_space<vmem>> -> memref<1x128xi32, #tpu.memory_space<vmem>>
      %dma_wait3A_257 = tpu.memref_squeeze %dma_wait3A_256 : memref<1x128xi32, #tpu.memory_space<vmem>> -> memref<128xi32, #tpu.memory_space<vmem>>
      %dma_wait3A_258 = arith.constant 0 : i32
      %dma_wait3A_259 = arith.constant 0 : i32
      %dma_wait3A_260 = tpu.memref_slice %arg2[%arg0, %dma_wait3A_258, %dma_wait3A_259] : memref<2x10240x128xf32, #tpu.memory_space<hbm>> -> memref<1x10240x128xf32, #tpu.memory_space<hbm>>
      %dma_wait3A_261 = tpu.memref_squeeze %dma_wait3A_260 : memref<1x10240x128xf32, #tpu.memory_space<hbm>> -> memref<10240x128xf32, #tpu.memory_space<hbm>>
      %dma_wait3A_262 = arith.constant 0 : i32
      %dma_wait3A_263 = arith.constant 0 : i32
      %dma_wait3A_264 = tpu.memref_slice %dma_wait3A_261[%dma_wait3A_262, %dma_wait3A_263] : memref<10240x128xf32, #tpu.memory_space<hbm>> -> memref<10240x128xf32, #tpu.memory_space<hbm>>
      tpu.wait_indirect_dma semaphore(%arg11 : memref<!tpu.dma_semaphore, #tpu.memory_space<semaphore_mem>>) src(%dma_wait3A_264 : memref<10240x128xf32, #tpu.memory_space<hbm>>) dst(%arg8 : memref<128x128xf32, #tpu.memory_space<vmem>>)
      "tpu.region"() ({
        %run_scoped3A_287 = tpu.sem_alloc : memref<!tpu.dma_semaphore, #tpu.memory_space<semaphore_mem>>
        %dma_start3A_288 = arith.constant 0 : i32
        %dma_start3A_289 = tpu.memref_slice %arg7[%mul3A_243, %dma_start3A_288] : memref<32x128xi32, #tpu.memory_space<vmem>> -> memref<1x128xi32, #tpu.memory_space<vmem>>
        %dma_start3A_290 = tpu.memref_squeeze %dma_start3A_289 : memref<1x128xi32, #tpu.memory_space<vmem>> -> memref<128xi32, #tpu.memory_space<vmem>>
        %dma_start3A_291 = arith.constant 0 : i32
        %dma_start3A_292 = arith.constant 0 : i32
        %dma_start3A_293 = tpu.memref_slice %arg10[%dma_start3A_291, %dma_start3A_292] : memref<10240x128xf32, #tpu.memory_space<vmem_shared>> -> memref<10240x128xf32, #tpu.memory_space<vmem_shared>>
        tpu.enqueue_indirect_dma source(%arg8 : memref<128x128xf32, #tpu.memory_space<vmem>>) target(%dma_start3A_293 : memref<10240x128xf32, #tpu.memory_space<vmem_shared>>) offsets(%dma_start3A_290 : memref<128xi32, #tpu.memory_space<vmem>>) semaphore(%run_scoped3A_287 : memref<!tpu.dma_semaphore, #tpu.memory_space<semaphore_mem>>) {add = true}
        %dma_wait3A_294 = arith.constant 0 : i32
        %dma_wait3A_295 = tpu.memref_slice %arg7[%mul3A_243, %dma_wait3A_294] : memref<32x128xi32, #tpu.memory_space<vmem>> -> memref<1x128xi32, #tpu.memory_space<vmem>>
        %dma_wait3A_296 = tpu.memref_squeeze %dma_wait3A_295 : memref<1x128xi32, #tpu.memory_space<vmem>> -> memref<128xi32, #tpu.memory_space<vmem>>
        %dma_wait3A_297 = arith.constant 0 : i32
        %dma_wait3A_298 = arith.constant 0 : i32
        %dma_wait3A_299 = tpu.memref_slice %arg10[%dma_wait3A_297, %dma_wait3A_298] : memref<10240x128xf32, #tpu.memory_space<vmem_shared>> -> memref<10240x128xf32, #tpu.memory_space<vmem_shared>>
        tpu.wait_indirect_dma semaphore(%run_scoped3A_287 : memref<!tpu.dma_semaphore, #tpu.memory_space<semaphore_mem>>) src(%arg8 : memref<128x128xf32, #tpu.memory_space<vmem>>) dst(%dma_wait3A_299 : memref<10240x128xf32, #tpu.memory_space<vmem_shared>>)
        tpu.yield
      }) : () -> ()
      %add3A_265 = arith.constant 2 : i32
      %add3A_266 = arith.addi %mul3A_243, %add3A_265 : i32
      %dma_start3A_267 = arith.constant 0 : i32
      %dma_start3A_268 = tpu.memref_slice %arg6[%add3A_266, %dma_start3A_267] : memref<32x128xi32, #tpu.memory_space<vmem>> -> memref<1x128xi32, #tpu.memory_space<vmem>>
      %dma_start3A_269 = tpu.memref_squeeze %dma_start3A_268 : memref<1x128xi32, #tpu.memory_space<vmem>> -> memref<128xi32, #tpu.memory_space<vmem>>
      %dma_start3A_270 = arith.constant 0 : i32
      %dma_start3A_271 = arith.constant 0 : i32
      %dma_start3A_272 = tpu.memref_slice %arg2[%arg0, %dma_start3A_270, %dma_start3A_271] : memref<2x10240x128xf32, #tpu.memory_space<hbm>> -> memref<1x10240x128xf32, #tpu.memory_space<hbm>>
      %dma_start3A_273 = tpu.memref_squeeze %dma_start3A_272 : memref<1x10240x128xf32, #tpu.memory_space<hbm>> -> memref<10240x128xf32, #tpu.memory_space<hbm>>
      %dma_start3A_274 = arith.constant 0 : i32
      %dma_start3A_275 = arith.constant 0 : i32
      %dma_start3A_276 = tpu.memref_slice %dma_start3A_273[%dma_start3A_274, %dma_start3A_275] : memref<10240x128xf32, #tpu.memory_space<hbm>> -> memref<10240x128xf32, #tpu.memory_space<hbm>>
      tpu.enqueue_indirect_dma source(%dma_start3A_276 : memref<10240x128xf32, #tpu.memory_space<hbm>>) target(%arg8 : memref<128x128xf32, #tpu.memory_space<vmem>>) offsets(%dma_start3A_269 : memref<128xi32, #tpu.memory_space<vmem>>) semaphore(%arg11 : memref<!tpu.dma_semaphore, #tpu.memory_space<semaphore_mem>>)
      %dma_wait3A_277 = arith.constant 0 : i32
      %dma_wait3A_278 = tpu.memref_slice %arg6[%add3A_244, %dma_wait3A_277] : memref<32x128xi32, #tpu.memory_space<vmem>> -> memref<1x128xi32, #tpu.memory_space<vmem>>
      %dma_wait3A_279 = tpu.memref_squeeze %dma_wait3A_278 : memref<1x128xi32, #tpu.memory_space<vmem>> -> memref<128xi32, #tpu.memory_space<vmem>>
      %dma_wait3A_280 = arith.constant 0 : i32
      %dma_wait3A_281 = arith.constant 0 : i32
      %dma_wait3A_282 = tpu.memref_slice %arg2[%arg0, %dma_wait3A_280, %dma_wait3A_281] : memref<2x10240x128xf32, #tpu.memory_space<hbm>> -> memref<1x10240x128xf32, #tpu.memory_space<hbm>>
      %dma_wait3A_283 = tpu.memref_squeeze %dma_wait3A_282 : memref<1x10240x128xf32, #tpu.memory_space<hbm>> -> memref<10240x128xf32, #tpu.memory_space<hbm>>
      %dma_wait3A_284 = arith.constant 0 : i32
      %dma_wait3A_285 = arith.constant 0 : i32
      %dma_wait3A_286 = tpu.memref_slice %dma_wait3A_283[%dma_wait3A_284, %dma_wait3A_285] : memref<10240x128xf32, #tpu.memory_space<hbm>> -> memref<10240x128xf32, #tpu.memory_space<hbm>>
      tpu.wait_indirect_dma semaphore(%arg12 : memref<!tpu.dma_semaphore, #tpu.memory_space<semaphore_mem>>) src(%dma_wait3A_286 : memref<10240x128xf32, #tpu.memory_space<hbm>>) dst(%arg9 : memref<128x128xf32, #tpu.memory_space<vmem>>)
      "tpu.region"() ({
        %run_scoped3A_287 = tpu.sem_alloc : memref<!tpu.dma_semaphore, #tpu.memory_space<semaphore_mem>>
        %dma_start3A_288 = arith.constant 0 : i32
        %dma_start3A_289 = tpu.memref_slice %arg7[%add3A_244, %dma_start3A_288] : memref<32x128xi32, #tpu.memory_space<vmem>> -> memref<1x128xi32, #tpu.memory_space<vmem>>
        %dma_start3A_290 = tpu.memref_squeeze %dma_start3A_289 : memref<1x128xi32, #tpu.memory_space<vmem>> -> memref<128xi32, #tpu.memory_space<vmem>>
        %dma_start3A_291 = arith.constant 0 : i32
        %dma_start3A_292 = arith.constant 0 : i32
        %dma_start3A_293 = tpu.memref_slice %arg10[%dma_start3A_291, %dma_start3A_292] : memref<10240x128xf32, #tpu.memory_space<vmem_shared>> -> memref<10240x128xf32, #tpu.memory_space<vmem_shared>>
        tpu.enqueue_indirect_dma source(%arg9 : memref<128x128xf32, #tpu.memory_space<vmem>>) target(%dma_start3A_293 : memref<10240x128xf32, #tpu.memory_space<vmem_shared>>) offsets(%dma_start3A_290 : memref<128xi32, #tpu.memory_space<vmem>>) semaphore(%run_scoped3A_287 : memref<!tpu.dma_semaphore, #tpu.memory_space<semaphore_mem>>) {add = true}
        %dma_wait3A_294 = arith.constant 0 : i32
        %dma_wait3A_295 = tpu.memref_slice %arg7[%add3A_244, %dma_wait3A_294] : memref<32x128xi32, #tpu.memory_space<vmem>> -> memref<1x128xi32, #tpu.memory_space<vmem>>
        %dma_wait3A_296 = tpu.memref_squeeze %dma_wait3A_295 : memref<1x128xi32, #tpu.memory_space<vmem>> -> memref<128xi32, #tpu.memory_space<vmem>>
        %dma_wait3A_297 = arith.constant 0 : i32
        %dma_wait3A_298 = arith.constant 0 : i32
        %dma_wait3A_299 = tpu.memref_slice %arg10[%dma_wait3A_297, %dma_wait3A_298] : memref<10240x128xf32, #tpu.memory_space<vmem_shared>> -> memref<10240x128xf32, #tpu.memory_space<vmem_shared>>
        tpu.wait_indirect_dma semaphore(%run_scoped3A_287 : memref<!tpu.dma_semaphore, #tpu.memory_space<semaphore_mem>>) src(%arg9 : memref<128x128xf32, #tpu.memory_space<vmem>>) dst(%dma_wait3A_299 : memref<10240x128xf32, #tpu.memory_space<vmem_shared>>)
        tpu.yield
      }) : () -> ()
    }
    %scan3A_119 = arith.constant 15 : i32
    %dma_start3A_120 = arith.constant 31 : i32
    %dma_start3A_121 = arith.constant 0 : i32
    %dma_start3A_122 = tpu.memref_slice %arg6[%dma_start3A_120, %dma_start3A_121] : memref<32x128xi32, #tpu.memory_space<vmem>> -> memref<1x128xi32, #tpu.memory_space<vmem>>
    %dma_start3A_123 = tpu.memref_squeeze %dma_start3A_122 : memref<1x128xi32, #tpu.memory_space<vmem>> -> memref<128xi32, #tpu.memory_space<vmem>>
    %dma_start3A_124 = arith.constant 0 : i32
    %dma_start3A_125 = arith.constant 0 : i32
    %dma_start3A_126 = tpu.memref_slice %arg2[%arg0, %dma_start3A_124, %dma_start3A_125] : memref<2x10240x128xf32, #tpu.memory_space<hbm>> -> memref<1x10240x128xf32, #tpu.memory_space<hbm>>
    %dma_start3A_127 = tpu.memref_squeeze %dma_start3A_126 : memref<1x10240x128xf32, #tpu.memory_space<hbm>> -> memref<10240x128xf32, #tpu.memory_space<hbm>>
    %dma_start3A_128 = arith.constant 0 : i32
    %dma_start3A_129 = arith.constant 0 : i32
    %dma_start3A_130 = tpu.memref_slice %dma_start3A_127[%dma_start3A_128, %dma_start3A_129] : memref<10240x128xf32, #tpu.memory_space<hbm>> -> memref<10240x128xf32, #tpu.memory_space<hbm>>
    tpu.enqueue_indirect_dma source(%dma_start3A_130 : memref<10240x128xf32, #tpu.memory_space<hbm>>) target(%arg9 : memref<128x128xf32, #tpu.memory_space<vmem>>) offsets(%dma_start3A_123 : memref<128xi32, #tpu.memory_space<vmem>>) semaphore(%arg12 : memref<!tpu.dma_semaphore, #tpu.memory_space<semaphore_mem>>)
    %dma_wait3A_131 = arith.constant 30 : i32
    %dma_wait3A_132 = arith.constant 0 : i32
    %dma_wait3A_133 = tpu.memref_slice %arg6[%dma_wait3A_131, %dma_wait3A_132] : memref<32x128xi32, #tpu.memory_space<vmem>> -> memref<1x128xi32, #tpu.memory_space<vmem>>
    %dma_wait3A_134 = tpu.memref_squeeze %dma_wait3A_133 : memref<1x128xi32, #tpu.memory_space<vmem>> -> memref<128xi32, #tpu.memory_space<vmem>>
    %dma_wait3A_135 = arith.constant 0 : i32
    %dma_wait3A_136 = arith.constant 0 : i32
    %dma_wait3A_137 = tpu.memref_slice %arg2[%arg0, %dma_wait3A_135, %dma_wait3A_136] : memref<2x10240x128xf32, #tpu.memory_space<hbm>> -> memref<1x10240x128xf32, #tpu.memory_space<hbm>>
    %dma_wait3A_138 = tpu.memref_squeeze %dma_wait3A_137 : memref<1x10240x128xf32, #tpu.memory_space<hbm>> -> memref<10240x128xf32, #tpu.memory_space<hbm>>
    %dma_wait3A_139 = arith.constant 0 : i32
    %dma_wait3A_140 = arith.constant 0 : i32
    %dma_wait3A_141 = tpu.memref_slice %dma_wait3A_138[%dma_wait3A_139, %dma_wait3A_140] : memref<10240x128xf32, #tpu.memory_space<hbm>> -> memref<10240x128xf32, #tpu.memory_space<hbm>>
    tpu.wait_indirect_dma semaphore(%arg11 : memref<!tpu.dma_semaphore, #tpu.memory_space<semaphore_mem>>) src(%dma_wait3A_141 : memref<10240x128xf32, #tpu.memory_space<hbm>>) dst(%arg8 : memref<128x128xf32, #tpu.memory_space<vmem>>)
    %run_scoped3A_142 = arith.constant 30 : i32
    "tpu.region"() ({
      %run_scoped3A_241 = tpu.sem_alloc : memref<!tpu.dma_semaphore, #tpu.memory_space<semaphore_mem>>
      %dma_start3A_242 = arith.constant 0 : i32
      %dma_start3A_243 = tpu.memref_slice %arg7[%run_scoped3A_142, %dma_start3A_242] : memref<32x128xi32, #tpu.memory_space<vmem>> -> memref<1x128xi32, #tpu.memory_space<vmem>>
      %dma_start3A_244 = tpu.memref_squeeze %dma_start3A_243 : memref<1x128xi32, #tpu.memory_space<vmem>> -> memref<128xi32, #tpu.memory_space<vmem>>
      %dma_start3A_245 = arith.constant 0 : i32
      %dma_start3A_246 = arith.constant 0 : i32
      %dma_start3A_247 = tpu.memref_slice %arg10[%dma_start3A_245, %dma_start3A_246] : memref<10240x128xf32, #tpu.memory_space<vmem_shared>> -> memref<10240x128xf32, #tpu.memory_space<vmem_shared>>
      tpu.enqueue_indirect_dma source(%arg8 : memref<128x128xf32, #tpu.memory_space<vmem>>) target(%dma_start3A_247 : memref<10240x128xf32, #tpu.memory_space<vmem_shared>>) offsets(%dma_start3A_244 : memref<128xi32, #tpu.memory_space<vmem>>) semaphore(%run_scoped3A_241 : memref<!tpu.dma_semaphore, #tpu.memory_space<semaphore_mem>>) {add = true}
      %dma_wait3A_248 = arith.constant 0 : i32
      %dma_wait3A_249 = tpu.memref_slice %arg7[%run_scoped3A_142, %dma_wait3A_248] : memref<32x128xi32, #tpu.memory_space<vmem>> -> memref<1x128xi32, #tpu.memory_space<vmem>>
      %dma_wait3A_250 = tpu.memref_squeeze %dma_wait3A_249 : memref<1x128xi32, #tpu.memory_space<vmem>> -> memref<128xi32, #tpu.memory_space<vmem>>
      %dma_wait3A_251 = arith.constant 0 : i32
      %dma_wait3A_252 = arith.constant 0 : i32
      %dma_wait3A_253 = tpu.memref_slice %arg10[%dma_wait3A_251, %dma_wait3A_252] : memref<10240x128xf32, #tpu.memory_space<vmem_shared>> -> memref<10240x128xf32, #tpu.memory_space<vmem_shared>>
      tpu.wait_indirect_dma semaphore(%run_scoped3A_241 : memref<!tpu.dma_semaphore, #tpu.memory_space<semaphore_mem>>) src(%arg8 : memref<128x128xf32, #tpu.memory_space<vmem>>) dst(%dma_wait3A_253 : memref<10240x128xf32, #tpu.memory_space<vmem_shared>>)
      tpu.yield
    }) : () -> ()
    %dma_wait3A_143 = arith.constant 31 : i32
    %dma_wait3A_144 = arith.constant 0 : i32
    %dma_wait3A_145 = tpu.memref_slice %arg6[%dma_wait3A_143, %dma_wait3A_144] : memref<32x128xi32, #tpu.memory_space<vmem>> -> memref<1x128xi32, #tpu.memory_space<vmem>>
    %dma_wait3A_146 = tpu.memref_squeeze %dma_wait3A_145 : memref<1x128xi32, #tpu.memory_space<vmem>> -> memref<128xi32, #tpu.memory_space<vmem>>
    %dma_wait3A_147 = arith.constant 0 : i32
    %dma_wait3A_148 = arith.constant 0 : i32
    %dma_wait3A_149 = tpu.memref_slice %arg2[%arg0, %dma_wait3A_147, %dma_wait3A_148] : memref<2x10240x128xf32, #tpu.memory_space<hbm>> -> memref<1x10240x128xf32, #tpu.memory_space<hbm>>
    %dma_wait3A_150 = tpu.memref_squeeze %dma_wait3A_149 : memref<1x10240x128xf32, #tpu.memory_space<hbm>> -> memref<10240x128xf32, #tpu.memory_space<hbm>>
    %dma_wait3A_151 = arith.constant 0 : i32
    %dma_wait3A_152 = arith.constant 0 : i32
    %dma_wait3A_153 = tpu.memref_slice %dma_wait3A_150[%dma_wait3A_151, %dma_wait3A_152] : memref<10240x128xf32, #tpu.memory_space<hbm>> -> memref<10240x128xf32, #tpu.memory_space<hbm>>
    tpu.wait_indirect_dma semaphore(%arg12 : memref<!tpu.dma_semaphore, #tpu.memory_space<semaphore_mem>>) src(%dma_wait3A_153 : memref<10240x128xf32, #tpu.memory_space<hbm>>) dst(%arg9 : memref<128x128xf32, #tpu.memory_space<vmem>>)
    %run_scoped3A_154 = arith.constant 31 : i32
    "tpu.region"() ({
      %run_scoped3A_241 = tpu.sem_alloc : memref<!tpu.dma_semaphore, #tpu.memory_space<semaphore_mem>>
      %dma_start3A_242 = arith.constant 0 : i32
      %dma_start3A_243 = tpu.memref_slice %arg7[%run_scoped3A_154, %dma_start3A_242] : memref<32x128xi32, #tpu.memory_space<vmem>> -> memref<1x128xi32, #tpu.memory_space<vmem>>
      %dma_start3A_244 = tpu.memref_squeeze %dma_start3A_243 : memref<1x128xi32, #tpu.memory_space<vmem>> -> memref<128xi32, #tpu.memory_space<vmem>>
      %dma_start3A_245 = arith.constant 0 : i32
      %dma_start3A_246 = arith.constant 0 : i32
      %dma_start3A_247 = tpu.memref_slice %arg10[%dma_start3A_245, %dma_start3A_246] : memref<10240x128xf32, #tpu.memory_space<vmem_shared>> -> memref<10240x128xf32, #tpu.memory_space<vmem_shared>>
      tpu.enqueue_indirect_dma source(%arg9 : memref<128x128xf32, #tpu.memory_space<vmem>>) target(%dma_start3A_247 : memref<10240x128xf32, #tpu.memory_space<vmem_shared>>) offsets(%dma_start3A_244 : memref<128xi32, #tpu.memory_space<vmem>>) semaphore(%run_scoped3A_241 : memref<!tpu.dma_semaphore, #tpu.memory_space<semaphore_mem>>) {add = true}
      %dma_wait3A_248 = arith.constant 0 : i32
      %dma_wait3A_249 = tpu.memref_slice %arg7[%run_scoped3A_154, %dma_wait3A_248] : memref<32x128xi32, #tpu.memory_space<vmem>> -> memref<1x128xi32, #tpu.memory_space<vmem>>
      %dma_wait3A_250 = tpu.memref_squeeze %dma_wait3A_249 : memref<1x128xi32, #tpu.memory_space<vmem>> -> memref<128xi32, #tpu.memory_space<vmem>>
      %dma_wait3A_251 = arith.constant 0 : i32
      %dma_wait3A_252 = arith.constant 0 : i32
      %dma_wait3A_253 = tpu.memref_slice %arg10[%dma_wait3A_251, %dma_wait3A_252] : memref<10240x128xf32, #tpu.memory_space<vmem_shared>> -> memref<10240x128xf32, #tpu.memory_space<vmem_shared>>
      tpu.wait_indirect_dma semaphore(%run_scoped3A_241 : memref<!tpu.dma_semaphore, #tpu.memory_space<semaphore_mem>>) src(%arg9 : memref<128x128xf32, #tpu.memory_space<vmem>>) dst(%dma_wait3A_253 : memref<10240x128xf32, #tpu.memory_space<vmem_shared>>)
      tpu.yield
    }) : () -> ()
    "tpu.region"() ({
      %run_scoped3A_241 = tpu.sem_alloc : memref<!tpu.dma_semaphore, #tpu.memory_space<semaphore_mem>>
      %dma_start3A_242 = arith.constant 0 : i32
      %dma_start3A_243 = arith.constant 0 : i32
      %dma_start3A_244 = tpu.memref_slice %arg6[%dma_start3A_242, %dma_start3A_243] : memref<32x128xi32, #tpu.memory_space<vmem>> -> memref<32x128xi32, #tpu.memory_space<vmem>>
      %dma_start3A_245 = arith.constant 96 : i32
      %dma_start3A_246 = arith.constant 0 : i32
      %dma_start3A_247 = tpu.memref_slice %arg3[%arg0, %arg1, %dma_start3A_245, %dma_start3A_246] : memref<2x16x157x128xi32, #tpu.memory_space<hbm>> -> memref<1x1x32x128xi32, #tpu.memory_space<hbm>>
      %dma_start3A_248 = tpu.memref_squeeze %dma_start3A_247 : memref<1x1x32x128xi32, #tpu.memory_space<hbm>> -> memref<32x128xi32, #tpu.memory_space<hbm>>
      %dma_start3A_249 = arith.constant 0 : i32
      %dma_start3A_250 = arith.constant 0 : i32
      %dma_start3A_251 = tpu.memref_slice %arg6[%dma_start3A_249, %dma_start3A_250] : memref<32x128xi32, #tpu.memory_space<vmem>> -> memref<32x128xi32, #tpu.memory_space<vmem>>
      %dma_start3A_252 = arith.constant 96 : i32
      %dma_start3A_253 = arith.constant 0 : i32
      %dma_start3A_254 = tpu.memref_slice %arg3[%arg0, %arg1, %dma_start3A_252, %dma_start3A_253] : memref<2x16x157x128xi32, #tpu.memory_space<hbm>> -> memref<1x1x32x128xi32, #tpu.memory_space<hbm>>
      %dma_start3A_255 = tpu.memref_squeeze %dma_start3A_254 : memref<1x1x32x128xi32, #tpu.memory_space<hbm>> -> memref<32x128xi32, #tpu.memory_space<hbm>>
      tpu.enqueue_dma source(%dma_start3A_255 : memref<32x128xi32, #tpu.memory_space<hbm>>) target(%dma_start3A_251 : memref<32x128xi32, #tpu.memory_space<vmem>>) target_semaphore(%run_scoped3A_241 : memref<!tpu.dma_semaphore, #tpu.memory_space<semaphore_mem>>)
      %dma_wait3A_256 = arith.constant 0 : i32
      %dma_wait3A_257 = arith.constant 0 : i32
      %dma_wait3A_258 = tpu.memref_slice %arg6[%dma_wait3A_256, %dma_wait3A_257] : memref<32x128xi32, #tpu.memory_space<vmem>> -> memref<32x128xi32, #tpu.memory_space<vmem>>
      %dma_wait3A_259 = arith.constant 96 : i32
      %dma_wait3A_260 = arith.constant 0 : i32
      %dma_wait3A_261 = tpu.memref_slice %arg3[%arg0, %arg1, %dma_wait3A_259, %dma_wait3A_260] : memref<2x16x157x128xi32, #tpu.memory_space<hbm>> -> memref<1x1x32x128xi32, #tpu.memory_space<hbm>>
      %dma_wait3A_262 = tpu.memref_squeeze %dma_wait3A_261 : memref<1x1x32x128xi32, #tpu.memory_space<hbm>> -> memref<32x128xi32, #tpu.memory_space<hbm>>
      %dma_wait3A_263 = arith.constant 0 : i32
      %dma_wait3A_264 = arith.constant 0 : i32
      %dma_wait3A_265 = tpu.memref_slice %arg6[%dma_wait3A_263, %dma_wait3A_264] : memref<32x128xi32, #tpu.memory_space<vmem>> -> memref<32x128xi32, #tpu.memory_space<vmem>>
      %dma_wait3A_266 = arith.constant 96 : i32
      %dma_wait3A_267 = arith.constant 0 : i32
      %dma_wait3A_268 = tpu.memref_slice %arg3[%arg0, %arg1, %dma_wait3A_266, %dma_wait3A_267] : memref<2x16x157x128xi32, #tpu.memory_space<hbm>> -> memref<1x1x32x128xi32, #tpu.memory_space<hbm>>
      %dma_wait3A_269 = tpu.memref_squeeze %dma_wait3A_268 : memref<1x1x32x128xi32, #tpu.memory_space<hbm>> -> memref<32x128xi32, #tpu.memory_space<hbm>>
      tpu.wait_dma2 semaphore(%run_scoped3A_241 : memref<!tpu.dma_semaphore, #tpu.memory_space<semaphore_mem>>) src(%dma_wait3A_269 : memref<32x128xi32, #tpu.memory_space<hbm>>) dst(%dma_wait3A_265 : memref<32x128xi32, #tpu.memory_space<vmem>>)
      tpu.yield
    }) : () -> ()
    "tpu.region"() ({
      %run_scoped3A_241 = tpu.sem_alloc : memref<!tpu.dma_semaphore, #tpu.memory_space<semaphore_mem>>
      %dma_start3A_242 = arith.constant 0 : i32
      %dma_start3A_243 = arith.constant 0 : i32
      %dma_start3A_244 = tpu.memref_slice %arg7[%dma_start3A_242, %dma_start3A_243] : memref<32x128xi32, #tpu.memory_space<vmem>> -> memref<32x128xi32, #tpu.memory_space<vmem>>
      %dma_start3A_245 = arith.constant 96 : i32
      %dma_start3A_246 = arith.constant 0 : i32
      %dma_start3A_247 = tpu.memref_slice %arg4[%arg0, %arg1, %dma_start3A_245, %dma_start3A_246] : memref<2x16x157x128xi32, #tpu.memory_space<hbm>> -> memref<1x1x32x128xi32, #tpu.memory_space<hbm>>
      %dma_start3A_248 = tpu.memref_squeeze %dma_start3A_247 : memref<1x1x32x128xi32, #tpu.memory_space<hbm>> -> memref<32x128xi32, #tpu.memory_space<hbm>>
      %dma_start3A_249 = arith.constant 0 : i32
      %dma_start3A_250 = arith.constant 0 : i32
      %dma_start3A_251 = tpu.memref_slice %arg7[%dma_start3A_249, %dma_start3A_250] : memref<32x128xi32, #tpu.memory_space<vmem>> -> memref<32x128xi32, #tpu.memory_space<vmem>>
      %dma_start3A_252 = arith.constant 96 : i32
      %dma_start3A_253 = arith.constant 0 : i32
      %dma_start3A_254 = tpu.memref_slice %arg4[%arg0, %arg1, %dma_start3A_252, %dma_start3A_253] : memref<2x16x157x128xi32, #tpu.memory_space<hbm>> -> memref<1x1x32x128xi32, #tpu.memory_space<hbm>>
      %dma_start3A_255 = tpu.memref_squeeze %dma_start3A_254 : memref<1x1x32x128xi32, #tpu.memory_space<hbm>> -> memref<32x128xi32, #tpu.memory_space<hbm>>
      tpu.enqueue_dma source(%dma_start3A_255 : memref<32x128xi32, #tpu.memory_space<hbm>>) target(%dma_start3A_251 : memref<32x128xi32, #tpu.memory_space<vmem>>) target_semaphore(%run_scoped3A_241 : memref<!tpu.dma_semaphore, #tpu.memory_space<semaphore_mem>>)
      %dma_wait3A_256 = arith.constant 0 : i32
      %dma_wait3A_257 = arith.constant 0 : i32
      %dma_wait3A_258 = tpu.memref_slice %arg7[%dma_wait3A_256, %dma_wait3A_257] : memref<32x128xi32, #tpu.memory_space<vmem>> -> memref<32x128xi32, #tpu.memory_space<vmem>>
      %dma_wait3A_259 = arith.constant 96 : i32
      %dma_wait3A_260 = arith.constant 0 : i32
      %dma_wait3A_261 = tpu.memref_slice %arg4[%arg0, %arg1, %dma_wait3A_259, %dma_wait3A_260] : memref<2x16x157x128xi32, #tpu.memory_space<hbm>> -> memref<1x1x32x128xi32, #tpu.memory_space<hbm>>
      %dma_wait3A_262 = tpu.memref_squeeze %dma_wait3A_261 : memref<1x1x32x128xi32, #tpu.memory_space<hbm>> -> memref<32x128xi32, #tpu.memory_space<hbm>>
      %dma_wait3A_263 = arith.constant 0 : i32
      %dma_wait3A_264 = arith.constant 0 : i32
      %dma_wait3A_265 = tpu.memref_slice %arg7[%dma_wait3A_263, %dma_wait3A_264] : memref<32x128xi32, #tpu.memory_space<vmem>> -> memref<32x128xi32, #tpu.memory_space<vmem>>
      %dma_wait3A_266 = arith.constant 96 : i32
      %dma_wait3A_267 = arith.constant 0 : i32
      %dma_wait3A_268 = tpu.memref_slice %arg4[%arg0, %arg1, %dma_wait3A_266, %dma_wait3A_267] : memref<2x16x157x128xi32, #tpu.memory_space<hbm>> -> memref<1x1x32x128xi32, #tpu.memory_space<hbm>>
      %dma_wait3A_269 = tpu.memref_squeeze %dma_wait3A_268 : memref<1x1x32x128xi32, #tpu.memory_space<hbm>> -> memref<32x128xi32, #tpu.memory_space<hbm>>
      tpu.wait_dma2 semaphore(%run_scoped3A_241 : memref<!tpu.dma_semaphore, #tpu.memory_space<semaphore_mem>>) src(%dma_wait3A_269 : memref<32x128xi32, #tpu.memory_space<hbm>>) dst(%dma_wait3A_265 : memref<32x128xi32, #tpu.memory_space<vmem>>)
      tpu.yield
    }) : () -> ()
    %dma_start3A_155 = arith.constant 0 : i32
    %dma_start3A_156 = arith.constant 0 : i32
    %dma_start3A_157 = tpu.memref_slice %arg6[%dma_start3A_155, %dma_start3A_156] : memref<32x128xi32, #tpu.memory_space<vmem>> -> memref<1x128xi32, #tpu.memory_space<vmem>>
    %dma_start3A_158 = tpu.memref_squeeze %dma_start3A_157 : memref<1x128xi32, #tpu.memory_space<vmem>> -> memref<128xi32, #tpu.memory_space<vmem>>
    %dma_start3A_159 = arith.constant 0 : i32
    %dma_start3A_160 = arith.constant 0 : i32
    %dma_start3A_161 = tpu.memref_slice %arg2[%arg0, %dma_start3A_159, %dma_start3A_160] : memref<2x10240x128xf32, #tpu.memory_space<hbm>> -> memref<1x10240x128xf32, #tpu.memory_space<hbm>>
    %dma_start3A_162 = tpu.memref_squeeze %dma_start3A_161 : memref<1x10240x128xf32, #tpu.memory_space<hbm>> -> memref<10240x128xf32, #tpu.memory_space<hbm>>
    %dma_start3A_163 = arith.constant 0 : i32
    %dma_start3A_164 = arith.constant 0 : i32
    %dma_start3A_165 = tpu.memref_slice %dma_start3A_162[%dma_start3A_163, %dma_start3A_164] : memref<10240x128xf32, #tpu.memory_space<hbm>> -> memref<10240x128xf32, #tpu.memory_space<hbm>>
    tpu.enqueue_indirect_dma source(%dma_start3A_165 : memref<10240x128xf32, #tpu.memory_space<hbm>>) target(%arg8 : memref<128x128xf32, #tpu.memory_space<vmem>>) offsets(%dma_start3A_158 : memref<128xi32, #tpu.memory_space<vmem>>) semaphore(%arg11 : memref<!tpu.dma_semaphore, #tpu.memory_space<semaphore_mem>>)
    %scan3A_166 = arith.constant 0 : i32
    %scan3A_167 = arith.constant 0 : i32
    %scan3A_168 = arith.constant 15 : i32
    %scan3A_169 = arith.addi %scan3A_167, %scan3A_168 : i32
    %scan3A_170 = arith.constant 1 : i32
    scf.for %scan3A_241 = %scan3A_167 to %scan3A_169 step %scan3A_170  : i32 {
      %mul3A_242 = arith.constant 2 : i32
      %mul3A_243 = arith.muli %mul3A_242, %scan3A_241 : i32
      %add3A = arith.constant 1 : i32
      %add3A_244 = arith.addi %mul3A_243, %add3A : i32
      %dma_start3A_245 = arith.constant 0 : i32
      %dma_start3A_246 = tpu.memref_slice %arg6[%add3A_244, %dma_start3A_245] : memref<32x128xi32, #tpu.memory_space<vmem>> -> memref<1x128xi32, #tpu.memory_space<vmem>>
      %dma_start3A_247 = tpu.memref_squeeze %dma_start3A_246 : memref<1x128xi32, #tpu.memory_space<vmem>> -> memref<128xi32, #tpu.memory_space<vmem>>
      %dma_start3A_248 = arith.constant 0 : i32
      %dma_start3A_249 = arith.constant 0 : i32
      %dma_start3A_250 = tpu.memref_slice %arg2[%arg0, %dma_start3A_248, %dma_start3A_249] : memref<2x10240x128xf32, #tpu.memory_space<hbm>> -> memref<1x10240x128xf32, #tpu.memory_space<hbm>>
      %dma_start3A_251 = tpu.memref_squeeze %dma_start3A_250 : memref<1x10240x128xf32, #tpu.memory_space<hbm>> -> memref<10240x128xf32, #tpu.memory_space<hbm>>
      %dma_start3A_252 = arith.constant 0 : i32
      %dma_start3A_253 = arith.constant 0 : i32
      %dma_start3A_254 = tpu.memref_slice %dma_start3A_251[%dma_start3A_252, %dma_start3A_253] : memref<10240x128xf32, #tpu.memory_space<hbm>> -> memref<10240x128xf32, #tpu.memory_space<hbm>>
      tpu.enqueue_indirect_dma source(%dma_start3A_254 : memref<10240x128xf32, #tpu.memory_space<hbm>>) target(%arg9 : memref<128x128xf32, #tpu.memory_space<vmem>>) offsets(%dma_start3A_247 : memref<128xi32, #tpu.memory_space<vmem>>) semaphore(%arg12 : memref<!tpu.dma_semaphore, #tpu.memory_space<semaphore_mem>>)
      %dma_wait3A_255 = arith.constant 0 : i32
      %dma_wait3A_256 = tpu.memref_slice %arg6[%mul3A_243, %dma_wait3A_255] : memref<32x128xi32, #tpu.memory_space<vmem>> -> memref<1x128xi32, #tpu.memory_space<vmem>>
      %dma_wait3A_257 = tpu.memref_squeeze %dma_wait3A_256 : memref<1x128xi32, #tpu.memory_space<vmem>> -> memref<128xi32, #tpu.memory_space<vmem>>
      %dma_wait3A_258 = arith.constant 0 : i32
      %dma_wait3A_259 = arith.constant 0 : i32
      %dma_wait3A_260 = tpu.memref_slice %arg2[%arg0, %dma_wait3A_258, %dma_wait3A_259] : memref<2x10240x128xf32, #tpu.memory_space<hbm>> -> memref<1x10240x128xf32, #tpu.memory_space<hbm>>
      %dma_wait3A_261 = tpu.memref_squeeze %dma_wait3A_260 : memref<1x10240x128xf32, #tpu.memory_space<hbm>> -> memref<10240x128xf32, #tpu.memory_space<hbm>>
      %dma_wait3A_262 = arith.constant 0 : i32
      %dma_wait3A_263 = arith.constant 0 : i32
      %dma_wait3A_264 = tpu.memref_slice %dma_wait3A_261[%dma_wait3A_262, %dma_wait3A_263] : memref<10240x128xf32, #tpu.memory_space<hbm>> -> memref<10240x128xf32, #tpu.memory_space<hbm>>
      tpu.wait_indirect_dma semaphore(%arg11 : memref<!tpu.dma_semaphore, #tpu.memory_space<semaphore_mem>>) src(%dma_wait3A_264 : memref<10240x128xf32, #tpu.memory_space<hbm>>) dst(%arg8 : memref<128x128xf32, #tpu.memory_space<vmem>>)
      "tpu.region"() ({
        %run_scoped3A_287 = tpu.sem_alloc : memref<!tpu.dma_semaphore, #tpu.memory_space<semaphore_mem>>
        %dma_start3A_288 = arith.constant 0 : i32
        %dma_start3A_289 = tpu.memref_slice %arg7[%mul3A_243, %dma_start3A_288] : memref<32x128xi32, #tpu.memory_space<vmem>> -> memref<1x128xi32, #tpu.memory_space<vmem>>
        %dma_start3A_290 = tpu.memref_squeeze %dma_start3A_289 : memref<1x128xi32, #tpu.memory_space<vmem>> -> memref<128xi32, #tpu.memory_space<vmem>>
        %dma_start3A_291 = arith.constant 0 : i32
        %dma_start3A_292 = arith.constant 0 : i32
        %dma_start3A_293 = tpu.memref_slice %arg10[%dma_start3A_291, %dma_start3A_292] : memref<10240x128xf32, #tpu.memory_space<vmem_shared>> -> memref<10240x128xf32, #tpu.memory_space<vmem_shared>>
        tpu.enqueue_indirect_dma source(%arg8 : memref<128x128xf32, #tpu.memory_space<vmem>>) target(%dma_start3A_293 : memref<10240x128xf32, #tpu.memory_space<vmem_shared>>) offsets(%dma_start3A_290 : memref<128xi32, #tpu.memory_space<vmem>>) semaphore(%run_scoped3A_287 : memref<!tpu.dma_semaphore, #tpu.memory_space<semaphore_mem>>) {add = true}
        %dma_wait3A_294 = arith.constant 0 : i32
        %dma_wait3A_295 = tpu.memref_slice %arg7[%mul3A_243, %dma_wait3A_294] : memref<32x128xi32, #tpu.memory_space<vmem>> -> memref<1x128xi32, #tpu.memory_space<vmem>>
        %dma_wait3A_296 = tpu.memref_squeeze %dma_wait3A_295 : memref<1x128xi32, #tpu.memory_space<vmem>> -> memref<128xi32, #tpu.memory_space<vmem>>
        %dma_wait3A_297 = arith.constant 0 : i32
        %dma_wait3A_298 = arith.constant 0 : i32
        %dma_wait3A_299 = tpu.memref_slice %arg10[%dma_wait3A_297, %dma_wait3A_298] : memref<10240x128xf32, #tpu.memory_space<vmem_shared>> -> memref<10240x128xf32, #tpu.memory_space<vmem_shared>>
        tpu.wait_indirect_dma semaphore(%run_scoped3A_287 : memref<!tpu.dma_semaphore, #tpu.memory_space<semaphore_mem>>) src(%arg8 : memref<128x128xf32, #tpu.memory_space<vmem>>) dst(%dma_wait3A_299 : memref<10240x128xf32, #tpu.memory_space<vmem_shared>>)
        tpu.yield
      }) : () -> ()
      %add3A_265 = arith.constant 2 : i32
      %add3A_266 = arith.addi %mul3A_243, %add3A_265 : i32
      %dma_start3A_267 = arith.constant 0 : i32
      %dma_start3A_268 = tpu.memref_slice %arg6[%add3A_266, %dma_start3A_267] : memref<32x128xi32, #tpu.memory_space<vmem>> -> memref<1x128xi32, #tpu.memory_space<vmem>>
      %dma_start3A_269 = tpu.memref_squeeze %dma_start3A_268 : memref<1x128xi32, #tpu.memory_space<vmem>> -> memref<128xi32, #tpu.memory_space<vmem>>
      %dma_start3A_270 = arith.constant 0 : i32
      %dma_start3A_271 = arith.constant 0 : i32
      %dma_start3A_272 = tpu.memref_slice %arg2[%arg0, %dma_start3A_270, %dma_start3A_271] : memref<2x10240x128xf32, #tpu.memory_space<hbm>> -> memref<1x10240x128xf32, #tpu.memory_space<hbm>>
      %dma_start3A_273 = tpu.memref_squeeze %dma_start3A_272 : memref<1x10240x128xf32, #tpu.memory_space<hbm>> -> memref<10240x128xf32, #tpu.memory_space<hbm>>
      %dma_start3A_274 = arith.constant 0 : i32
      %dma_start3A_275 = arith.constant 0 : i32
      %dma_start3A_276 = tpu.memref_slice %dma_start3A_273[%dma_start3A_274, %dma_start3A_275] : memref<10240x128xf32, #tpu.memory_space<hbm>> -> memref<10240x128xf32, #tpu.memory_space<hbm>>
      tpu.enqueue_indirect_dma source(%dma_start3A_276 : memref<10240x128xf32, #tpu.memory_space<hbm>>) target(%arg8 : memref<128x128xf32, #tpu.memory_space<vmem>>) offsets(%dma_start3A_269 : memref<128xi32, #tpu.memory_space<vmem>>) semaphore(%arg11 : memref<!tpu.dma_semaphore, #tpu.memory_space<semaphore_mem>>)
      %dma_wait3A_277 = arith.constant 0 : i32
      %dma_wait3A_278 = tpu.memref_slice %arg6[%add3A_244, %dma_wait3A_277] : memref<32x128xi32, #tpu.memory_space<vmem>> -> memref<1x128xi32, #tpu.memory_space<vmem>>
      %dma_wait3A_279 = tpu.memref_squeeze %dma_wait3A_278 : memref<1x128xi32, #tpu.memory_space<vmem>> -> memref<128xi32, #tpu.memory_space<vmem>>
      %dma_wait3A_280 = arith.constant 0 : i32
      %dma_wait3A_281 = arith.constant 0 : i32
      %dma_wait3A_282 = tpu.memref_slice %arg2[%arg0, %dma_wait3A_280, %dma_wait3A_281] : memref<2x10240x128xf32, #tpu.memory_space<hbm>> -> memref<1x10240x128xf32, #tpu.memory_space<hbm>>
      %dma_wait3A_283 = tpu.memref_squeeze %dma_wait3A_282 : memref<1x10240x128xf32, #tpu.memory_space<hbm>> -> memref<10240x128xf32, #tpu.memory_space<hbm>>
      %dma_wait3A_284 = arith.constant 0 : i32
      %dma_wait3A_285 = arith.constant 0 : i32
      %dma_wait3A_286 = tpu.memref_slice %dma_wait3A_283[%dma_wait3A_284, %dma_wait3A_285] : memref<10240x128xf32, #tpu.memory_space<hbm>> -> memref<10240x128xf32, #tpu.memory_space<hbm>>
      tpu.wait_indirect_dma semaphore(%arg12 : memref<!tpu.dma_semaphore, #tpu.memory_space<semaphore_mem>>) src(%dma_wait3A_286 : memref<10240x128xf32, #tpu.memory_space<hbm>>) dst(%arg9 : memref<128x128xf32, #tpu.memory_space<vmem>>)
      "tpu.region"() ({
        %run_scoped3A_287 = tpu.sem_alloc : memref<!tpu.dma_semaphore, #tpu.memory_space<semaphore_mem>>
        %dma_start3A_288 = arith.constant 0 : i32
        %dma_start3A_289 = tpu.memref_slice %arg7[%add3A_244, %dma_start3A_288] : memref<32x128xi32, #tpu.memory_space<vmem>> -> memref<1x128xi32, #tpu.memory_space<vmem>>
        %dma_start3A_290 = tpu.memref_squeeze %dma_start3A_289 : memref<1x128xi32, #tpu.memory_space<vmem>> -> memref<128xi32, #tpu.memory_space<vmem>>
        %dma_start3A_291 = arith.constant 0 : i32
        %dma_start3A_292 = arith.constant 0 : i32
        %dma_start3A_293 = tpu.memref_slice %arg10[%dma_start3A_291, %dma_start3A_292] : memref<10240x128xf32, #tpu.memory_space<vmem_shared>> -> memref<10240x128xf32, #tpu.memory_space<vmem_shared>>
        tpu.enqueue_indirect_dma source(%arg9 : memref<128x128xf32, #tpu.memory_space<vmem>>) target(%dma_start3A_293 : memref<10240x128xf32, #tpu.memory_space<vmem_shared>>) offsets(%dma_start3A_290 : memref<128xi32, #tpu.memory_space<vmem>>) semaphore(%run_scoped3A_287 : memref<!tpu.dma_semaphore, #tpu.memory_space<semaphore_mem>>) {add = true}
        %dma_wait3A_294 = arith.constant 0 : i32
        %dma_wait3A_295 = tpu.memref_slice %arg7[%add3A_244, %dma_wait3A_294] : memref<32x128xi32, #tpu.memory_space<vmem>> -> memref<1x128xi32, #tpu.memory_space<vmem>>
        %dma_wait3A_296 = tpu.memref_squeeze %dma_wait3A_295 : memref<1x128xi32, #tpu.memory_space<vmem>> -> memref<128xi32, #tpu.memory_space<vmem>>
        %dma_wait3A_297 = arith.constant 0 : i32
        %dma_wait3A_298 = arith.constant 0 : i32
        %dma_wait3A_299 = tpu.memref_slice %arg10[%dma_wait3A_297, %dma_wait3A_298] : memref<10240x128xf32, #tpu.memory_space<vmem_shared>> -> memref<10240x128xf32, #tpu.memory_space<vmem_shared>>
        tpu.wait_indirect_dma semaphore(%run_scoped3A_287 : memref<!tpu.dma_semaphore, #tpu.memory_space<semaphore_mem>>) src(%arg9 : memref<128x128xf32, #tpu.memory_space<vmem>>) dst(%dma_wait3A_299 : memref<10240x128xf32, #tpu.memory_space<vmem_shared>>)
        tpu.yield
      }) : () -> ()
    }
    %scan3A_171 = arith.constant 15 : i32
    %dma_start3A_172 = arith.constant 31 : i32
    %dma_start3A_173 = arith.constant 0 : i32
    %dma_start3A_174 = tpu.memref_slice %arg6[%dma_start3A_172, %dma_start3A_173] : memref<32x128xi32, #tpu.memory_space<vmem>> -> memref<1x128xi32, #tpu.memory_space<vmem>>
    %dma_start3A_175 = tpu.memref_squeeze %dma_start3A_174 : memref<1x128xi32, #tpu.memory_space<vmem>> -> memref<128xi32, #tpu.memory_space<vmem>>
    %dma_start3A_176 = arith.constant 0 : i32
    %dma_start3A_177 = arith.constant 0 : i32
    %dma_start3A_178 = tpu.memref_slice %arg2[%arg0, %dma_start3A_176, %dma_start3A_177] : memref<2x10240x128xf32, #tpu.memory_space<hbm>> -> memref<1x10240x128xf32, #tpu.memory_space<hbm>>
    %dma_start3A_179 = tpu.memref_squeeze %dma_start3A_178 : memref<1x10240x128xf32, #tpu.memory_space<hbm>> -> memref<10240x128xf32, #tpu.memory_space<hbm>>
    %dma_start3A_180 = arith.constant 0 : i32
    %dma_start3A_181 = arith.constant 0 : i32
    %dma_start3A_182 = tpu.memref_slice %dma_start3A_179[%dma_start3A_180, %dma_start3A_181] : memref<10240x128xf32, #tpu.memory_space<hbm>> -> memref<10240x128xf32, #tpu.memory_space<hbm>>
    tpu.enqueue_indirect_dma source(%dma_start3A_182 : memref<10240x128xf32, #tpu.memory_space<hbm>>) target(%arg9 : memref<128x128xf32, #tpu.memory_space<vmem>>) offsets(%dma_start3A_175 : memref<128xi32, #tpu.memory_space<vmem>>) semaphore(%arg12 : memref<!tpu.dma_semaphore, #tpu.memory_space<semaphore_mem>>)
    %dma_wait3A_183 = arith.constant 30 : i32
    %dma_wait3A_184 = arith.constant 0 : i32
    %dma_wait3A_185 = tpu.memref_slice %arg6[%dma_wait3A_183, %dma_wait3A_184] : memref<32x128xi32, #tpu.memory_space<vmem>> -> memref<1x128xi32, #tpu.memory_space<vmem>>
    %dma_wait3A_186 = tpu.memref_squeeze %dma_wait3A_185 : memref<1x128xi32, #tpu.memory_space<vmem>> -> memref<128xi32, #tpu.memory_space<vmem>>
    %dma_wait3A_187 = arith.constant 0 : i32
    %dma_wait3A_188 = arith.constant 0 : i32
    %dma_wait3A_189 = tpu.memref_slice %arg2[%arg0, %dma_wait3A_187, %dma_wait3A_188] : memref<2x10240x128xf32, #tpu.memory_space<hbm>> -> memref<1x10240x128xf32, #tpu.memory_space<hbm>>
    %dma_wait3A_190 = tpu.memref_squeeze %dma_wait3A_189 : memref<1x10240x128xf32, #tpu.memory_space<hbm>> -> memref<10240x128xf32, #tpu.memory_space<hbm>>
    %dma_wait3A_191 = arith.constant 0 : i32
    %dma_wait3A_192 = arith.constant 0 : i32
    %dma_wait3A_193 = tpu.memref_slice %dma_wait3A_190[%dma_wait3A_191, %dma_wait3A_192] : memref<10240x128xf32, #tpu.memory_space<hbm>> -> memref<10240x128xf32, #tpu.memory_space<hbm>>
    tpu.wait_indirect_dma semaphore(%arg11 : memref<!tpu.dma_semaphore, #tpu.memory_space<semaphore_mem>>) src(%dma_wait3A_193 : memref<10240x128xf32, #tpu.memory_space<hbm>>) dst(%arg8 : memref<128x128xf32, #tpu.memory_space<vmem>>)
    %run_scoped3A_194 = arith.constant 30 : i32
    "tpu.region"() ({
      %run_scoped3A_241 = tpu.sem_alloc : memref<!tpu.dma_semaphore, #tpu.memory_space<semaphore_mem>>
      %dma_start3A_242 = arith.constant 0 : i32
      %dma_start3A_243 = tpu.memref_slice %arg7[%run_scoped3A_194, %dma_start3A_242] : memref<32x128xi32, #tpu.memory_space<vmem>> -> memref<1x128xi32, #tpu.memory_space<vmem>>
      %dma_start3A_244 = tpu.memref_squeeze %dma_start3A_243 : memref<1x128xi32, #tpu.memory_space<vmem>> -> memref<128xi32, #tpu.memory_space<vmem>>
      %dma_start3A_245 = arith.constant 0 : i32
      %dma_start3A_246 = arith.constant 0 : i32
      %dma_start3A_247 = tpu.memref_slice %arg10[%dma_start3A_245, %dma_start3A_246] : memref<10240x128xf32, #tpu.memory_space<vmem_shared>> -> memref<10240x128xf32, #tpu.memory_space<vmem_shared>>
      tpu.enqueue_indirect_dma source(%arg8 : memref<128x128xf32, #tpu.memory_space<vmem>>) target(%dma_start3A_247 : memref<10240x128xf32, #tpu.memory_space<vmem_shared>>) offsets(%dma_start3A_244 : memref<128xi32, #tpu.memory_space<vmem>>) semaphore(%run_scoped3A_241 : memref<!tpu.dma_semaphore, #tpu.memory_space<semaphore_mem>>) {add = true}
      %dma_wait3A_248 = arith.constant 0 : i32
      %dma_wait3A_249 = tpu.memref_slice %arg7[%run_scoped3A_194, %dma_wait3A_248] : memref<32x128xi32, #tpu.memory_space<vmem>> -> memref<1x128xi32, #tpu.memory_space<vmem>>
      %dma_wait3A_250 = tpu.memref_squeeze %dma_wait3A_249 : memref<1x128xi32, #tpu.memory_space<vmem>> -> memref<128xi32, #tpu.memory_space<vmem>>
      %dma_wait3A_251 = arith.constant 0 : i32
      %dma_wait3A_252 = arith.constant 0 : i32
      %dma_wait3A_253 = tpu.memref_slice %arg10[%dma_wait3A_251, %dma_wait3A_252] : memref<10240x128xf32, #tpu.memory_space<vmem_shared>> -> memref<10240x128xf32, #tpu.memory_space<vmem_shared>>
      tpu.wait_indirect_dma semaphore(%run_scoped3A_241 : memref<!tpu.dma_semaphore, #tpu.memory_space<semaphore_mem>>) src(%arg8 : memref<128x128xf32, #tpu.memory_space<vmem>>) dst(%dma_wait3A_253 : memref<10240x128xf32, #tpu.memory_space<vmem_shared>>)
      tpu.yield
    }) : () -> ()
    %dma_wait3A_195 = arith.constant 31 : i32
    %dma_wait3A_196 = arith.constant 0 : i32
    %dma_wait3A_197 = tpu.memref_slice %arg6[%dma_wait3A_195, %dma_wait3A_196] : memref<32x128xi32, #tpu.memory_space<vmem>> -> memref<1x128xi32, #tpu.memory_space<vmem>>
    %dma_wait3A_198 = tpu.memref_squeeze %dma_wait3A_197 : memref<1x128xi32, #tpu.memory_space<vmem>> -> memref<128xi32, #tpu.memory_space<vmem>>
    %dma_wait3A_199 = arith.constant 0 : i32
    %dma_wait3A_200 = arith.constant 0 : i32
    %dma_wait3A_201 = tpu.memref_slice %arg2[%arg0, %dma_wait3A_199, %dma_wait3A_200] : memref<2x10240x128xf32, #tpu.memory_space<hbm>> -> memref<1x10240x128xf32, #tpu.memory_space<hbm>>
    %dma_wait3A_202 = tpu.memref_squeeze %dma_wait3A_201 : memref<1x10240x128xf32, #tpu.memory_space<hbm>> -> memref<10240x128xf32, #tpu.memory_space<hbm>>
    %dma_wait3A_203 = arith.constant 0 : i32
    %dma_wait3A_204 = arith.constant 0 : i32
    %dma_wait3A_205 = tpu.memref_slice %dma_wait3A_202[%dma_wait3A_203, %dma_wait3A_204] : memref<10240x128xf32, #tpu.memory_space<hbm>> -> memref<10240x128xf32, #tpu.memory_space<hbm>>
    tpu.wait_indirect_dma semaphore(%arg12 : memref<!tpu.dma_semaphore, #tpu.memory_space<semaphore_mem>>) src(%dma_wait3A_205 : memref<10240x128xf32, #tpu.memory_space<hbm>>) dst(%arg9 : memref<128x128xf32, #tpu.memory_space<vmem>>)
    %run_scoped3A_206 = arith.constant 31 : i32
    "tpu.region"() ({
      %run_scoped3A_241 = tpu.sem_alloc : memref<!tpu.dma_semaphore, #tpu.memory_space<semaphore_mem>>
      %dma_start3A_242 = arith.constant 0 : i32
      %dma_start3A_243 = tpu.memref_slice %arg7[%run_scoped3A_206, %dma_start3A_242] : memref<32x128xi32, #tpu.memory_space<vmem>> -> memref<1x128xi32, #tpu.memory_space<vmem>>
      %dma_start3A_244 = tpu.memref_squeeze %dma_start3A_243 : memref<1x128xi32, #tpu.memory_space<vmem>> -> memref<128xi32, #tpu.memory_space<vmem>>
      %dma_start3A_245 = arith.constant 0 : i32
      %dma_start3A_246 = arith.constant 0 : i32
      %dma_start3A_247 = tpu.memref_slice %arg10[%dma_start3A_245, %dma_start3A_246] : memref<10240x128xf32, #tpu.memory_space<vmem_shared>> -> memref<10240x128xf32, #tpu.memory_space<vmem_shared>>
      tpu.enqueue_indirect_dma source(%arg9 : memref<128x128xf32, #tpu.memory_space<vmem>>) target(%dma_start3A_247 : memref<10240x128xf32, #tpu.memory_space<vmem_shared>>) offsets(%dma_start3A_244 : memref<128xi32, #tpu.memory_space<vmem>>) semaphore(%run_scoped3A_241 : memref<!tpu.dma_semaphore, #tpu.memory_space<semaphore_mem>>) {add = true}
      %dma_wait3A_248 = arith.constant 0 : i32
      %dma_wait3A_249 = tpu.memref_slice %arg7[%run_scoped3A_206, %dma_wait3A_248] : memref<32x128xi32, #tpu.memory_space<vmem>> -> memref<1x128xi32, #tpu.memory_space<vmem>>
      %dma_wait3A_250 = tpu.memref_squeeze %dma_wait3A_249 : memref<1x128xi32, #tpu.memory_space<vmem>> -> memref<128xi32, #tpu.memory_space<vmem>>
      %dma_wait3A_251 = arith.constant 0 : i32
      %dma_wait3A_252 = arith.constant 0 : i32
      %dma_wait3A_253 = tpu.memref_slice %arg10[%dma_wait3A_251, %dma_wait3A_252] : memref<10240x128xf32, #tpu.memory_space<vmem_shared>> -> memref<10240x128xf32, #tpu.memory_space<vmem_shared>>
      tpu.wait_indirect_dma semaphore(%run_scoped3A_241 : memref<!tpu.dma_semaphore, #tpu.memory_space<semaphore_mem>>) src(%arg9 : memref<128x128xf32, #tpu.memory_space<vmem>>) dst(%dma_wait3A_253 : memref<10240x128xf32, #tpu.memory_space<vmem_shared>>)
      tpu.yield
    }) : () -> ()
    "tpu.region"() ({
      %run_scoped3A_241 = tpu.sem_alloc : memref<!tpu.dma_semaphore, #tpu.memory_space<semaphore_mem>>
      %dma_start3A_242 = arith.constant 0 : i32
      %dma_start3A_243 = arith.constant 0 : i32
      %dma_start3A_244 = tpu.memref_slice %arg6[%dma_start3A_242, %dma_start3A_243] : memref<32x128xi32, #tpu.memory_space<vmem>> -> memref<29x128xi32, #tpu.memory_space<vmem>>
      %dma_start3A_245 = arith.constant 128 : i32
      %dma_start3A_246 = arith.constant 0 : i32
      %dma_start3A_247 = tpu.memref_slice %arg3[%arg0, %arg1, %dma_start3A_245, %dma_start3A_246] : memref<2x16x157x128xi32, #tpu.memory_space<hbm>> -> memref<1x1x29x128xi32, #tpu.memory_space<hbm>>
      %dma_start3A_248 = tpu.memref_squeeze %dma_start3A_247 : memref<1x1x29x128xi32, #tpu.memory_space<hbm>> -> memref<29x128xi32, #tpu.memory_space<hbm>>
      %dma_start3A_249 = arith.constant 0 : i32
      %dma_start3A_250 = arith.constant 0 : i32
      %dma_start3A_251 = tpu.memref_slice %arg6[%dma_start3A_249, %dma_start3A_250] : memref<32x128xi32, #tpu.memory_space<vmem>> -> memref<29x128xi32, #tpu.memory_space<vmem>>
      %dma_start3A_252 = arith.constant 128 : i32
      %dma_start3A_253 = arith.constant 0 : i32
      %dma_start3A_254 = tpu.memref_slice %arg3[%arg0, %arg1, %dma_start3A_252, %dma_start3A_253] : memref<2x16x157x128xi32, #tpu.memory_space<hbm>> -> memref<1x1x29x128xi32, #tpu.memory_space<hbm>>
      %dma_start3A_255 = tpu.memref_squeeze %dma_start3A_254 : memref<1x1x29x128xi32, #tpu.memory_space<hbm>> -> memref<29x128xi32, #tpu.memory_space<hbm>>
      tpu.enqueue_dma source(%dma_start3A_255 : memref<29x128xi32, #tpu.memory_space<hbm>>) target(%dma_start3A_251 : memref<29x128xi32, #tpu.memory_space<vmem>>) target_semaphore(%run_scoped3A_241 : memref<!tpu.dma_semaphore, #tpu.memory_space<semaphore_mem>>)
      %dma_wait3A_256 = arith.constant 0 : i32
      %dma_wait3A_257 = arith.constant 0 : i32
      %dma_wait3A_258 = tpu.memref_slice %arg6[%dma_wait3A_256, %dma_wait3A_257] : memref<32x128xi32, #tpu.memory_space<vmem>> -> memref<29x128xi32, #tpu.memory_space<vmem>>
      %dma_wait3A_259 = arith.constant 128 : i32
      %dma_wait3A_260 = arith.constant 0 : i32
      %dma_wait3A_261 = tpu.memref_slice %arg3[%arg0, %arg1, %dma_wait3A_259, %dma_wait3A_260] : memref<2x16x157x128xi32, #tpu.memory_space<hbm>> -> memref<1x1x29x128xi32, #tpu.memory_space<hbm>>
      %dma_wait3A_262 = tpu.memref_squeeze %dma_wait3A_261 : memref<1x1x29x128xi32, #tpu.memory_space<hbm>> -> memref<29x128xi32, #tpu.memory_space<hbm>>
      %dma_wait3A_263 = arith.constant 0 : i32
      %dma_wait3A_264 = arith.constant 0 : i32
      %dma_wait3A_265 = tpu.memref_slice %arg6[%dma_wait3A_263, %dma_wait3A_264] : memref<32x128xi32, #tpu.memory_space<vmem>> -> memref<29x128xi32, #tpu.memory_space<vmem>>
      %dma_wait3A_266 = arith.constant 128 : i32
      %dma_wait3A_267 = arith.constant 0 : i32
      %dma_wait3A_268 = tpu.memref_slice %arg3[%arg0, %arg1, %dma_wait3A_266, %dma_wait3A_267] : memref<2x16x157x128xi32, #tpu.memory_space<hbm>> -> memref<1x1x29x128xi32, #tpu.memory_space<hbm>>
      %dma_wait3A_269 = tpu.memref_squeeze %dma_wait3A_268 : memref<1x1x29x128xi32, #tpu.memory_space<hbm>> -> memref<29x128xi32, #tpu.memory_space<hbm>>
      tpu.wait_dma2 semaphore(%run_scoped3A_241 : memref<!tpu.dma_semaphore, #tpu.memory_space<semaphore_mem>>) src(%dma_wait3A_269 : memref<29x128xi32, #tpu.memory_space<hbm>>) dst(%dma_wait3A_265 : memref<29x128xi32, #tpu.memory_space<vmem>>)
      tpu.yield
    }) : () -> ()
    "tpu.region"() ({
      %run_scoped3A_241 = tpu.sem_alloc : memref<!tpu.dma_semaphore, #tpu.memory_space<semaphore_mem>>
      %dma_start3A_242 = arith.constant 0 : i32
      %dma_start3A_243 = arith.constant 0 : i32
      %dma_start3A_244 = tpu.memref_slice %arg7[%dma_start3A_242, %dma_start3A_243] : memref<32x128xi32, #tpu.memory_space<vmem>> -> memref<29x128xi32, #tpu.memory_space<vmem>>
      %dma_start3A_245 = arith.constant 128 : i32
      %dma_start3A_246 = arith.constant 0 : i32
      %dma_start3A_247 = tpu.memref_slice %arg4[%arg0, %arg1, %dma_start3A_245, %dma_start3A_246] : memref<2x16x157x128xi32, #tpu.memory_space<hbm>> -> memref<1x1x29x128xi32, #tpu.memory_space<hbm>>
      %dma_start3A_248 = tpu.memref_squeeze %dma_start3A_247 : memref<1x1x29x128xi32, #tpu.memory_space<hbm>> -> memref<29x128xi32, #tpu.memory_space<hbm>>
      %dma_start3A_249 = arith.constant 0 : i32
      %dma_start3A_250 = arith.constant 0 : i32
      %dma_start3A_251 = tpu.memref_slice %arg7[%dma_start3A_249, %dma_start3A_250] : memref<32x128xi32, #tpu.memory_space<vmem>> -> memref<29x128xi32, #tpu.memory_space<vmem>>
      %dma_start3A_252 = arith.constant 128 : i32
      %dma_start3A_253 = arith.constant 0 : i32
      %dma_start3A_254 = tpu.memref_slice %arg4[%arg0, %arg1, %dma_start3A_252, %dma_start3A_253] : memref<2x16x157x128xi32, #tpu.memory_space<hbm>> -> memref<1x1x29x128xi32, #tpu.memory_space<hbm>>
      %dma_start3A_255 = tpu.memref_squeeze %dma_start3A_254 : memref<1x1x29x128xi32, #tpu.memory_space<hbm>> -> memref<29x128xi32, #tpu.memory_space<hbm>>
      tpu.enqueue_dma source(%dma_start3A_255 : memref<29x128xi32, #tpu.memory_space<hbm>>) target(%dma_start3A_251 : memref<29x128xi32, #tpu.memory_space<vmem>>) target_semaphore(%run_scoped3A_241 : memref<!tpu.dma_semaphore, #tpu.memory_space<semaphore_mem>>)
      %dma_wait3A_256 = arith.constant 0 : i32
      %dma_wait3A_257 = arith.constant 0 : i32
      %dma_wait3A_258 = tpu.memref_slice %arg7[%dma_wait3A_256, %dma_wait3A_257] : memref<32x128xi32, #tpu.memory_space<vmem>> -> memref<29x128xi32, #tpu.memory_space<vmem>>
      %dma_wait3A_259 = arith.constant 128 : i32
      %dma_wait3A_260 = arith.constant 0 : i32
      %dma_wait3A_261 = tpu.memref_slice %arg4[%arg0, %arg1, %dma_wait3A_259, %dma_wait3A_260] : memref<2x16x157x128xi32, #tpu.memory_space<hbm>> -> memref<1x1x29x128xi32, #tpu.memory_space<hbm>>
      %dma_wait3A_262 = tpu.memref_squeeze %dma_wait3A_261 : memref<1x1x29x128xi32, #tpu.memory_space<hbm>> -> memref<29x128xi32, #tpu.memory_space<hbm>>
      %dma_wait3A_263 = arith.constant 0 : i32
      %dma_wait3A_264 = arith.constant 0 : i32
      %dma_wait3A_265 = tpu.memref_slice %arg7[%dma_wait3A_263, %dma_wait3A_264] : memref<32x128xi32, #tpu.memory_space<vmem>> -> memref<29x128xi32, #tpu.memory_space<vmem>>
      %dma_wait3A_266 = arith.constant 128 : i32
      %dma_wait3A_267 = arith.constant 0 : i32
      %dma_wait3A_268 = tpu.memref_slice %arg4[%arg0, %arg1, %dma_wait3A_266, %dma_wait3A_267] : memref<2x16x157x128xi32, #tpu.memory_space<hbm>> -> memref<1x1x29x128xi32, #tpu.memory_space<hbm>>
      %dma_wait3A_269 = tpu.memref_squeeze %dma_wait3A_268 : memref<1x1x29x128xi32, #tpu.memory_space<hbm>> -> memref<29x128xi32, #tpu.memory_space<hbm>>
      tpu.wait_dma2 semaphore(%run_scoped3A_241 : memref<!tpu.dma_semaphore, #tpu.memory_space<semaphore_mem>>) src(%dma_wait3A_269 : memref<29x128xi32, #tpu.memory_space<hbm>>) dst(%dma_wait3A_265 : memref<29x128xi32, #tpu.memory_space<vmem>>)
      tpu.yield
    }) : () -> ()
    %dma_start3A_207 = arith.constant 0 : i32
    %dma_start3A_208 = arith.constant 0 : i32
    %dma_start3A_209 = tpu.memref_slice %arg6[%dma_start3A_207, %dma_start3A_208] : memref<32x128xi32, #tpu.memory_space<vmem>> -> memref<1x128xi32, #tpu.memory_space<vmem>>
    %dma_start3A_210 = tpu.memref_squeeze %dma_start3A_209 : memref<1x128xi32, #tpu.memory_space<vmem>> -> memref<128xi32, #tpu.memory_space<vmem>>
    %dma_start3A_211 = arith.constant 0 : i32
    %dma_start3A_212 = arith.constant 0 : i32
    %dma_start3A_213 = tpu.memref_slice %arg2[%arg0, %dma_start3A_211, %dma_start3A_212] : memref<2x10240x128xf32, #tpu.memory_space<hbm>> -> memref<1x10240x128xf32, #tpu.memory_space<hbm>>
    %dma_start3A_214 = tpu.memref_squeeze %dma_start3A_213 : memref<1x10240x128xf32, #tpu.memory_space<hbm>> -> memref<10240x128xf32, #tpu.memory_space<hbm>>
    %dma_start3A_215 = arith.constant 0 : i32
    %dma_start3A_216 = arith.constant 0 : i32
    %dma_start3A_217 = tpu.memref_slice %dma_start3A_214[%dma_start3A_215, %dma_start3A_216] : memref<10240x128xf32, #tpu.memory_space<hbm>> -> memref<10240x128xf32, #tpu.memory_space<hbm>>
    tpu.enqueue_indirect_dma source(%dma_start3A_217 : memref<10240x128xf32, #tpu.memory_space<hbm>>) target(%arg8 : memref<128x128xf32, #tpu.memory_space<vmem>>) offsets(%dma_start3A_210 : memref<128xi32, #tpu.memory_space<vmem>>) semaphore(%arg11 : memref<!tpu.dma_semaphore, #tpu.memory_space<semaphore_mem>>)
    %scan3A_218 = arith.constant 0 : i32
    %scan3A_219 = arith.constant 0 : i32
    %scan3A_220 = arith.constant 14 : i32
    %scan3A_221 = arith.addi %scan3A_219, %scan3A_220 : i32
    %scan3A_222 = arith.constant 1 : i32
    scf.for %scan3A_241 = %scan3A_219 to %scan3A_221 step %scan3A_222  : i32 {
      %mul3A_242 = arith.constant 2 : i32
      %mul3A_243 = arith.muli %mul3A_242, %scan3A_241 : i32
      %add3A = arith.constant 1 : i32
      %add3A_244 = arith.addi %mul3A_243, %add3A : i32
      %dma_start3A_245 = arith.constant 0 : i32
      %dma_start3A_246 = tpu.memref_slice %arg6[%add3A_244, %dma_start3A_245] : memref<32x128xi32, #tpu.memory_space<vmem>> -> memref<1x128xi32, #tpu.memory_space<vmem>>
      %dma_start3A_247 = tpu.memref_squeeze %dma_start3A_246 : memref<1x128xi32, #tpu.memory_space<vmem>> -> memref<128xi32, #tpu.memory_space<vmem>>
      %dma_start3A_248 = arith.constant 0 : i32
      %dma_start3A_249 = arith.constant 0 : i32
      %dma_start3A_250 = tpu.memref_slice %arg2[%arg0, %dma_start3A_248, %dma_start3A_249] : memref<2x10240x128xf32, #tpu.memory_space<hbm>> -> memref<1x10240x128xf32, #tpu.memory_space<hbm>>
      %dma_start3A_251 = tpu.memref_squeeze %dma_start3A_250 : memref<1x10240x128xf32, #tpu.memory_space<hbm>> -> memref<10240x128xf32, #tpu.memory_space<hbm>>
      %dma_start3A_252 = arith.constant 0 : i32
      %dma_start3A_253 = arith.constant 0 : i32
      %dma_start3A_254 = tpu.memref_slice %dma_start3A_251[%dma_start3A_252, %dma_start3A_253] : memref<10240x128xf32, #tpu.memory_space<hbm>> -> memref<10240x128xf32, #tpu.memory_space<hbm>>
      tpu.enqueue_indirect_dma source(%dma_start3A_254 : memref<10240x128xf32, #tpu.memory_space<hbm>>) target(%arg9 : memref<128x128xf32, #tpu.memory_space<vmem>>) offsets(%dma_start3A_247 : memref<128xi32, #tpu.memory_space<vmem>>) semaphore(%arg12 : memref<!tpu.dma_semaphore, #tpu.memory_space<semaphore_mem>>)
      %dma_wait3A_255 = arith.constant 0 : i32
      %dma_wait3A_256 = tpu.memref_slice %arg6[%mul3A_243, %dma_wait3A_255] : memref<32x128xi32, #tpu.memory_space<vmem>> -> memref<1x128xi32, #tpu.memory_space<vmem>>
      %dma_wait3A_257 = tpu.memref_squeeze %dma_wait3A_256 : memref<1x128xi32, #tpu.memory_space<vmem>> -> memref<128xi32, #tpu.memory_space<vmem>>
      %dma_wait3A_258 = arith.constant 0 : i32
      %dma_wait3A_259 = arith.constant 0 : i32
      %dma_wait3A_260 = tpu.memref_slice %arg2[%arg0, %dma_wait3A_258, %dma_wait3A_259] : memref<2x10240x128xf32, #tpu.memory_space<hbm>> -> memref<1x10240x128xf32, #tpu.memory_space<hbm>>
      %dma_wait3A_261 = tpu.memref_squeeze %dma_wait3A_260 : memref<1x10240x128xf32, #tpu.memory_space<hbm>> -> memref<10240x128xf32, #tpu.memory_space<hbm>>
      %dma_wait3A_262 = arith.constant 0 : i32
      %dma_wait3A_263 = arith.constant 0 : i32
      %dma_wait3A_264 = tpu.memref_slice %dma_wait3A_261[%dma_wait3A_262, %dma_wait3A_263] : memref<10240x128xf32, #tpu.memory_space<hbm>> -> memref<10240x128xf32, #tpu.memory_space<hbm>>
      tpu.wait_indirect_dma semaphore(%arg11 : memref<!tpu.dma_semaphore, #tpu.memory_space<semaphore_mem>>) src(%dma_wait3A_264 : memref<10240x128xf32, #tpu.memory_space<hbm>>) dst(%arg8 : memref<128x128xf32, #tpu.memory_space<vmem>>)
      "tpu.region"() ({
        %run_scoped3A_287 = tpu.sem_alloc : memref<!tpu.dma_semaphore, #tpu.memory_space<semaphore_mem>>
        %dma_start3A_288 = arith.constant 0 : i32
        %dma_start3A_289 = tpu.memref_slice %arg7[%mul3A_243, %dma_start3A_288] : memref<32x128xi32, #tpu.memory_space<vmem>> -> memref<1x128xi32, #tpu.memory_space<vmem>>
        %dma_start3A_290 = tpu.memref_squeeze %dma_start3A_289 : memref<1x128xi32, #tpu.memory_space<vmem>> -> memref<128xi32, #tpu.memory_space<vmem>>
        %dma_start3A_291 = arith.constant 0 : i32
        %dma_start3A_292 = arith.constant 0 : i32
        %dma_start3A_293 = tpu.memref_slice %arg10[%dma_start3A_291, %dma_start3A_292] : memref<10240x128xf32, #tpu.memory_space<vmem_shared>> -> memref<10240x128xf32, #tpu.memory_space<vmem_shared>>
        tpu.enqueue_indirect_dma source(%arg8 : memref<128x128xf32, #tpu.memory_space<vmem>>) target(%dma_start3A_293 : memref<10240x128xf32, #tpu.memory_space<vmem_shared>>) offsets(%dma_start3A_290 : memref<128xi32, #tpu.memory_space<vmem>>) semaphore(%run_scoped3A_287 : memref<!tpu.dma_semaphore, #tpu.memory_space<semaphore_mem>>) {add = true}
        %dma_wait3A_294 = arith.constant 0 : i32
        %dma_wait3A_295 = tpu.memref_slice %arg7[%mul3A_243, %dma_wait3A_294] : memref<32x128xi32, #tpu.memory_space<vmem>> -> memref<1x128xi32, #tpu.memory_space<vmem>>
        %dma_wait3A_296 = tpu.memref_squeeze %dma_wait3A_295 : memref<1x128xi32, #tpu.memory_space<vmem>> -> memref<128xi32, #tpu.memory_space<vmem>>
        %dma_wait3A_297 = arith.constant 0 : i32
        %dma_wait3A_298 = arith.constant 0 : i32
        %dma_wait3A_299 = tpu.memref_slice %arg10[%dma_wait3A_297, %dma_wait3A_298] : memref<10240x128xf32, #tpu.memory_space<vmem_shared>> -> memref<10240x128xf32, #tpu.memory_space<vmem_shared>>
        tpu.wait_indirect_dma semaphore(%run_scoped3A_287 : memref<!tpu.dma_semaphore, #tpu.memory_space<semaphore_mem>>) src(%arg8 : memref<128x128xf32, #tpu.memory_space<vmem>>) dst(%dma_wait3A_299 : memref<10240x128xf32, #tpu.memory_space<vmem_shared>>)
        tpu.yield
      }) : () -> ()
      %add3A_265 = arith.constant 2 : i32
      %add3A_266 = arith.addi %mul3A_243, %add3A_265 : i32
      %dma_start3A_267 = arith.constant 0 : i32
      %dma_start3A_268 = tpu.memref_slice %arg6[%add3A_266, %dma_start3A_267] : memref<32x128xi32, #tpu.memory_space<vmem>> -> memref<1x128xi32, #tpu.memory_space<vmem>>
      %dma_start3A_269 = tpu.memref_squeeze %dma_start3A_268 : memref<1x128xi32, #tpu.memory_space<vmem>> -> memref<128xi32, #tpu.memory_space<vmem>>
      %dma_start3A_270 = arith.constant 0 : i32
      %dma_start3A_271 = arith.constant 0 : i32
      %dma_start3A_272 = tpu.memref_slice %arg2[%arg0, %dma_start3A_270, %dma_start3A_271] : memref<2x10240x128xf32, #tpu.memory_space<hbm>> -> memref<1x10240x128xf32, #tpu.memory_space<hbm>>
      %dma_start3A_273 = tpu.memref_squeeze %dma_start3A_272 : memref<1x10240x128xf32, #tpu.memory_space<hbm>> -> memref<10240x128xf32, #tpu.memory_space<hbm>>
      %dma_start3A_274 = arith.constant 0 : i32
      %dma_start3A_275 = arith.constant 0 : i32
      %dma_start3A_276 = tpu.memref_slice %dma_start3A_273[%dma_start3A_274, %dma_start3A_275] : memref<10240x128xf32, #tpu.memory_space<hbm>> -> memref<10240x128xf32, #tpu.memory_space<hbm>>
      tpu.enqueue_indirect_dma source(%dma_start3A_276 : memref<10240x128xf32, #tpu.memory_space<hbm>>) target(%arg8 : memref<128x128xf32, #tpu.memory_space<vmem>>) offsets(%dma_start3A_269 : memref<128xi32, #tpu.memory_space<vmem>>) semaphore(%arg11 : memref<!tpu.dma_semaphore, #tpu.memory_space<semaphore_mem>>)
      %dma_wait3A_277 = arith.constant 0 : i32
      %dma_wait3A_278 = tpu.memref_slice %arg6[%add3A_244, %dma_wait3A_277] : memref<32x128xi32, #tpu.memory_space<vmem>> -> memref<1x128xi32, #tpu.memory_space<vmem>>
      %dma_wait3A_279 = tpu.memref_squeeze %dma_wait3A_278 : memref<1x128xi32, #tpu.memory_space<vmem>> -> memref<128xi32, #tpu.memory_space<vmem>>
      %dma_wait3A_280 = arith.constant 0 : i32
      %dma_wait3A_281 = arith.constant 0 : i32
      %dma_wait3A_282 = tpu.memref_slice %arg2[%arg0, %dma_wait3A_280, %dma_wait3A_281] : memref<2x10240x128xf32, #tpu.memory_space<hbm>> -> memref<1x10240x128xf32, #tpu.memory_space<hbm>>
      %dma_wait3A_283 = tpu.memref_squeeze %dma_wait3A_282 : memref<1x10240x128xf32, #tpu.memory_space<hbm>> -> memref<10240x128xf32, #tpu.memory_space<hbm>>
      %dma_wait3A_284 = arith.constant 0 : i32
      %dma_wait3A_285 = arith.constant 0 : i32
      %dma_wait3A_286 = tpu.memref_slice %dma_wait3A_283[%dma_wait3A_284, %dma_wait3A_285] : memref<10240x128xf32, #tpu.memory_space<hbm>> -> memref<10240x128xf32, #tpu.memory_space<hbm>>
      tpu.wait_indirect_dma semaphore(%arg12 : memref<!tpu.dma_semaphore, #tpu.memory_space<semaphore_mem>>) src(%dma_wait3A_286 : memref<10240x128xf32, #tpu.memory_space<hbm>>) dst(%arg9 : memref<128x128xf32, #tpu.memory_space<vmem>>)
      "tpu.region"() ({
        %run_scoped3A_287 = tpu.sem_alloc : memref<!tpu.dma_semaphore, #tpu.memory_space<semaphore_mem>>
        %dma_start3A_288 = arith.constant 0 : i32
        %dma_start3A_289 = tpu.memref_slice %arg7[%add3A_244, %dma_start3A_288] : memref<32x128xi32, #tpu.memory_space<vmem>> -> memref<1x128xi32, #tpu.memory_space<vmem>>
        %dma_start3A_290 = tpu.memref_squeeze %dma_start3A_289 : memref<1x128xi32, #tpu.memory_space<vmem>> -> memref<128xi32, #tpu.memory_space<vmem>>
        %dma_start3A_291 = arith.constant 0 : i32
        %dma_start3A_292 = arith.constant 0 : i32
        %dma_start3A_293 = tpu.memref_slice %arg10[%dma_start3A_291, %dma_start3A_292] : memref<10240x128xf32, #tpu.memory_space<vmem_shared>> -> memref<10240x128xf32, #tpu.memory_space<vmem_shared>>
        tpu.enqueue_indirect_dma source(%arg9 : memref<128x128xf32, #tpu.memory_space<vmem>>) target(%dma_start3A_293 : memref<10240x128xf32, #tpu.memory_space<vmem_shared>>) offsets(%dma_start3A_290 : memref<128xi32, #tpu.memory_space<vmem>>) semaphore(%run_scoped3A_287 : memref<!tpu.dma_semaphore, #tpu.memory_space<semaphore_mem>>) {add = true}
        %dma_wait3A_294 = arith.constant 0 : i32
        %dma_wait3A_295 = tpu.memref_slice %arg7[%add3A_244, %dma_wait3A_294] : memref<32x128xi32, #tpu.memory_space<vmem>> -> memref<1x128xi32, #tpu.memory_space<vmem>>
        %dma_wait3A_296 = tpu.memref_squeeze %dma_wait3A_295 : memref<1x128xi32, #tpu.memory_space<vmem>> -> memref<128xi32, #tpu.memory_space<vmem>>
        %dma_wait3A_297 = arith.constant 0 : i32
        %dma_wait3A_298 = arith.constant 0 : i32
        %dma_wait3A_299 = tpu.memref_slice %arg10[%dma_wait3A_297, %dma_wait3A_298] : memref<10240x128xf32, #tpu.memory_space<vmem_shared>> -> memref<10240x128xf32, #tpu.memory_space<vmem_shared>>
        tpu.wait_indirect_dma semaphore(%run_scoped3A_287 : memref<!tpu.dma_semaphore, #tpu.memory_space<semaphore_mem>>) src(%arg9 : memref<128x128xf32, #tpu.memory_space<vmem>>) dst(%dma_wait3A_299 : memref<10240x128xf32, #tpu.memory_space<vmem_shared>>)
        tpu.yield
      }) : () -> ()
    }
    %scan3A_223 = arith.constant 14 : i32
    %dma_wait3A_224 = arith.constant 28 : i32
    %dma_wait3A_225 = arith.constant 0 : i32
    %dma_wait3A_226 = tpu.memref_slice %arg6[%dma_wait3A_224, %dma_wait3A_225] : memref<32x128xi32, #tpu.memory_space<vmem>> -> memref<1x128xi32, #tpu.memory_space<vmem>>
    %dma_wait3A_227 = tpu.memref_squeeze %dma_wait3A_226 : memref<1x128xi32, #tpu.memory_space<vmem>> -> memref<128xi32, #tpu.memory_space<vmem>>
    %dma_wait3A_228 = arith.constant 0 : i32
    %dma_wait3A_229 = arith.constant 0 : i32
    %dma_wait3A_230 = tpu.memref_slice %arg2[%arg0, %dma_wait3A_228, %dma_wait3A_229] : memref<2x10240x128xf32, #tpu.memory_space<hbm>> -> memref<1x10240x128xf32, #tpu.memory_space<hbm>>
    %dma_wait3A_231 = tpu.memref_squeeze %dma_wait3A_230 : memref<1x10240x128xf32, #tpu.memory_space<hbm>> -> memref<10240x128xf32, #tpu.memory_space<hbm>>
    %dma_wait3A_232 = arith.constant 0 : i32
    %dma_wait3A_233 = arith.constant 0 : i32
    %dma_wait3A_234 = tpu.memref_slice %dma_wait3A_231[%dma_wait3A_232, %dma_wait3A_233] : memref<10240x128xf32, #tpu.memory_space<hbm>> -> memref<10240x128xf32, #tpu.memory_space<hbm>>
    tpu.wait_indirect_dma semaphore(%arg11 : memref<!tpu.dma_semaphore, #tpu.memory_space<semaphore_mem>>) src(%dma_wait3A_234 : memref<10240x128xf32, #tpu.memory_space<hbm>>) dst(%arg8 : memref<128x128xf32, #tpu.memory_space<vmem>>)
    %run_scoped3A_235 = arith.constant 28 : i32
    "tpu.region"() ({
      %run_scoped3A_241 = tpu.sem_alloc : memref<!tpu.dma_semaphore, #tpu.memory_space<semaphore_mem>>
      %dma_start3A_242 = arith.constant 0 : i32
      %dma_start3A_243 = tpu.memref_slice %arg7[%run_scoped3A_235, %dma_start3A_242] : memref<32x128xi32, #tpu.memory_space<vmem>> -> memref<1x128xi32, #tpu.memory_space<vmem>>
      %dma_start3A_244 = tpu.memref_squeeze %dma_start3A_243 : memref<1x128xi32, #tpu.memory_space<vmem>> -> memref<128xi32, #tpu.memory_space<vmem>>
      %dma_start3A_245 = arith.constant 0 : i32
      %dma_start3A_246 = arith.constant 0 : i32
      %dma_start3A_247 = tpu.memref_slice %arg10[%dma_start3A_245, %dma_start3A_246] : memref<10240x128xf32, #tpu.memory_space<vmem_shared>> -> memref<10240x128xf32, #tpu.memory_space<vmem_shared>>
      tpu.enqueue_indirect_dma source(%arg8 : memref<128x128xf32, #tpu.memory_space<vmem>>) target(%dma_start3A_247 : memref<10240x128xf32, #tpu.memory_space<vmem_shared>>) offsets(%dma_start3A_244 : memref<128xi32, #tpu.memory_space<vmem>>) semaphore(%run_scoped3A_241 : memref<!tpu.dma_semaphore, #tpu.memory_space<semaphore_mem>>) {add = true}
      %dma_wait3A_248 = arith.constant 0 : i32
      %dma_wait3A_249 = tpu.memref_slice %arg7[%run_scoped3A_235, %dma_wait3A_248] : memref<32x128xi32, #tpu.memory_space<vmem>> -> memref<1x128xi32, #tpu.memory_space<vmem>>
      %dma_wait3A_250 = tpu.memref_squeeze %dma_wait3A_249 : memref<1x128xi32, #tpu.memory_space<vmem>> -> memref<128xi32, #tpu.memory_space<vmem>>
      %dma_wait3A_251 = arith.constant 0 : i32
      %dma_wait3A_252 = arith.constant 0 : i32
      %dma_wait3A_253 = tpu.memref_slice %arg10[%dma_wait3A_251, %dma_wait3A_252] : memref<10240x128xf32, #tpu.memory_space<vmem_shared>> -> memref<10240x128xf32, #tpu.memory_space<vmem_shared>>
      tpu.wait_indirect_dma semaphore(%run_scoped3A_241 : memref<!tpu.dma_semaphore, #tpu.memory_space<semaphore_mem>>) src(%arg8 : memref<128x128xf32, #tpu.memory_space<vmem>>) dst(%dma_wait3A_253 : memref<10240x128xf32, #tpu.memory_space<vmem_shared>>)
      tpu.yield
    }) : () -> ()
    %barrier3A_236 = arith.constant 0 : index
    tpu.barrier barrier_id(%barrier3A_236)
    %mul3A_237 = arith.constant 640 : i32
    %mul3A_238 = arith.muli %arg1, %mul3A_237 : i32
    %mul3A_239 = arith.constant 640 : i32
    %mul3A_240 = arith.muli %arg1, %mul3A_239 : i32
    "tpu.region"() ({
      %run_scoped3A_241 = tpu.sem_alloc : memref<!tpu.dma_semaphore, #tpu.memory_space<semaphore_mem>>
      %dma_start3A_242 = arith.constant 0 : i32
      %dma_start3A_243 = tpu.memref_slice %arg5[%arg0, %mul3A_240, %dma_start3A_242] : memref<2x10240x128xf32, #tpu.memory_space<hbm>> -> memref<1x640x128xf32, #tpu.memory_space<hbm>>
      %dma_start3A_244 = tpu.memref_squeeze %dma_start3A_243 : memref<1x640x128xf32, #tpu.memory_space<hbm>> -> memref<640x128xf32, #tpu.memory_space<hbm>>
      %dma_start3A_245 = arith.constant 0 : i32
      %dma_start3A_246 = tpu.memref_slice %arg10[%mul3A_238, %dma_start3A_245] : memref<10240x128xf32, #tpu.memory_space<vmem_shared>> -> memref<640x128xf32, #tpu.memory_space<vmem_shared>>
      tpu.enqueue_dma source(%dma_start3A_246 : memref<640x128xf32, #tpu.memory_space<vmem_shared>>) target(%dma_start3A_244 : memref<640x128xf32, #tpu.memory_space<hbm>>) target_semaphore(%run_scoped3A_241 : memref<!tpu.dma_semaphore, #tpu.memory_space<semaphore_mem>>)
      %dma_wait3A_247 = arith.constant 0 : i32
      %dma_wait3A_248 = tpu.memref_slice %arg5[%arg0, %mul3A_240, %dma_wait3A_247] : memref<2x10240x128xf32, #tpu.memory_space<hbm>> -> memref<1x640x128xf32, #tpu.memory_space<hbm>>
      %dma_wait3A_249 = tpu.memref_squeeze %dma_wait3A_248 : memref<1x640x128xf32, #tpu.memory_space<hbm>> -> memref<640x128xf32, #tpu.memory_space<hbm>>
      %dma_wait3A_250 = arith.constant 0 : i32
      %dma_wait3A_251 = tpu.memref_slice %arg10[%mul3A_238, %dma_wait3A_250] : memref<10240x128xf32, #tpu.memory_space<vmem_shared>> -> memref<640x128xf32, #tpu.memory_space<vmem_shared>>
      tpu.wait_dma2 semaphore(%run_scoped3A_241 : memref<!tpu.dma_semaphore, #tpu.memory_space<semaphore_mem>>) src(%dma_wait3A_251 : memref<640x128xf32, #tpu.memory_space<vmem_shared>>) dst(%dma_wait3A_249 : memref<640x128xf32, #tpu.memory_space<hbm>>)
      tpu.yield
    }) : () -> ()
    return
  }
}

#map = affine_map<(d0, d1) -> (0, 0, 0)>
#map1 = affine_map<(d0, d1) -> (0, 0, 0, 0)>
module attributes {stable_mosaic.version = 14 : i64} {
  func.func @k(%arg0: i32, %arg1: i32, %arg2: memref<2x10240x128xf32, #tpu.memory_space<hbm>>, %arg3: memref<2x16x157x128xi32, #tpu.memory_space<hbm>>, %arg4: memref<2x16x157x128xi32, #tpu.memory_space<hbm>>, %arg5: memref<2x10240x128xf32, #tpu.memory_space<hbm>>, %arg6: memref<32x128xi32, #tpu.memory_space<vmem>>, %arg7: memref<32x128xi32, #tpu.memory_space<vmem>>, %arg8: memref<128x128xf32, #tpu.memory_space<vmem>>, %arg9: memref<128x128xf32, #tpu.memory_space<vmem>>, %arg10: memref<10240x128xf32, #tpu.memory_space<vmem_shared>>, %arg11: memref<!tpu.dma_semaphore, #tpu.memory_space<semaphore_mem>>, %arg12: memref<!tpu.dma_semaphore, #tpu.memory_space<semaphore_mem>>) attributes {dimension_semantics = [#tpu.dimension_semantics<core_parallel>, #tpu.dimension_semantics<subcore_parallel>], iteration_bounds = array<i64: 2, 16>, scalar_prefetch = 0 : i64, scratch_operands = 7 : i64, tpu.core_type = #tpu.core_type<sc_vector_subcore>, window_params = [{transform_indices = #map}, {transform_indices = #map1}, {transform_indices = #map1}, {transform_indices = #map}]} {
    %mul3A = arith.constant 640 : i32
    %mul3A_0 = arith.muli %arg1, %mul3A : i32
    %mul3A_1 = arith.constant 640 : i32
    %mul3A_2 = arith.muli %arg1, %mul3A_1 : i32
    "tpu.region"() ({
      %run_scoped3A_241 = tpu.sem_alloc : memref<!tpu.dma_semaphore, #tpu.memory_space<semaphore_mem>>
      %dma_start3A_242 = arith.constant 0 : i32
      %dma_start3A_243 = tpu.memref_slice %arg10[%mul3A_2, %dma_start3A_242] : memref<10240x128xf32, #tpu.memory_space<vmem_shared>> -> memref<640x128xf32, #tpu.memory_space<vmem_shared>>
      %dma_start3A_244 = arith.constant 0 : i32
      %dma_start3A_245 = tpu.memref_slice %arg2[%arg0, %mul3A_0, %dma_start3A_244] : memref<2x10240x128xf32, #tpu.memory_space<hbm>> -> memref<1x640x128xf32, #tpu.memory_space<hbm>>
      %dma_start3A_246 = tpu.memref_squeeze %dma_start3A_245 : memref<1x640x128xf32, #tpu.memory_space<hbm>> -> memref<640x128xf32, #tpu.memory_space<hbm>>
      tpu.enqueue_dma source(%dma_start3A_246 : memref<640x128xf32, #tpu.memory_space<hbm>>) target(%dma_start3A_243 : memref<640x128xf32, #tpu.memory_space<vmem_shared>>) target_semaphore(%run_scoped3A_241 : memref<!tpu.dma_semaphore, #tpu.memory_space<semaphore_mem>>)
      %dma_wait3A_247 = arith.constant 0 : i32
      %dma_wait3A_248 = tpu.memref_slice %arg10[%mul3A_2, %dma_wait3A_247] : memref<10240x128xf32, #tpu.memory_space<vmem_shared>> -> memref<640x128xf32, #tpu.memory_space<vmem_shared>>
      %dma_wait3A_249 = arith.constant 0 : i32
      %dma_wait3A_250 = tpu.memref_slice %arg2[%arg0, %mul3A_0, %dma_wait3A_249] : memref<2x10240x128xf32, #tpu.memory_space<hbm>> -> memref<1x640x128xf32, #tpu.memory_space<hbm>>
      %dma_wait3A_251 = tpu.memref_squeeze %dma_wait3A_250 : memref<1x640x128xf32, #tpu.memory_space<hbm>> -> memref<640x128xf32, #tpu.memory_space<hbm>>
      tpu.wait_dma2 semaphore(%run_scoped3A_241 : memref<!tpu.dma_semaphore, #tpu.memory_space<semaphore_mem>>) src(%dma_wait3A_251 : memref<640x128xf32, #tpu.memory_space<hbm>>) dst(%dma_wait3A_248 : memref<640x128xf32, #tpu.memory_space<vmem_shared>>)
      tpu.yield
    }) : () -> ()
    %barrier3A = arith.constant 0 : index
    tpu.barrier barrier_id(%barrier3A)
    "tpu.region"() ({
      %run_scoped3A_241 = tpu.sem_alloc : memref<!tpu.dma_semaphore, #tpu.memory_space<semaphore_mem>>
      %dma_start3A_242 = arith.constant 0 : i32
      %dma_start3A_243 = arith.constant 0 : i32
      %dma_start3A_244 = tpu.memref_slice %arg6[%dma_start3A_242, %dma_start3A_243] : memref<32x128xi32, #tpu.memory_space<vmem>> -> memref<32x128xi32, #tpu.memory_space<vmem>>
      %dma_start3A_245 = arith.constant 0 : i32
      %dma_start3A_246 = arith.constant 0 : i32
      %dma_start3A_247 = tpu.memref_slice %arg3[%arg0, %arg1, %dma_start3A_245, %dma_start3A_246] : memref<2x16x157x128xi32, #tpu.memory_space<hbm>> -> memref<1x1x32x128xi32, #tpu.memory_space<hbm>>
      %dma_start3A_248 = tpu.memref_squeeze %dma_start3A_247 : memref<1x1x32x128xi32, #tpu.memory_space<hbm>> -> memref<32x128xi32, #tpu.memory_space<hbm>>
      %dma_start3A_249 = arith.constant 0 : i32
      %dma_start3A_250 = arith.constant 0 : i32
      %dma_start3A_251 = tpu.memref_slice %arg6[%dma_start3A_249, %dma_start3A_250] : memref<32x128xi32, #tpu.memory_space<vmem>> -> memref<32x128xi32, #tpu.memory_space<vmem>>
      %dma_start3A_252 = arith.constant 0 : i32
      %dma_start3A_253 = arith.constant 0 : i32
      %dma_start3A_254 = tpu.memref_slice %arg3[%arg0, %arg1, %dma_start3A_252, %dma_start3A_253] : memref<2x16x157x128xi32, #tpu.memory_space<hbm>> -> memref<1x1x32x128xi32, #tpu.memory_space<hbm>>
      %dma_start3A_255 = tpu.memref_squeeze %dma_start3A_254 : memref<1x1x32x128xi32, #tpu.memory_space<hbm>> -> memref<32x128xi32, #tpu.memory_space<hbm>>
      tpu.enqueue_dma source(%dma_start3A_255 : memref<32x128xi32, #tpu.memory_space<hbm>>) target(%dma_start3A_251 : memref<32x128xi32, #tpu.memory_space<vmem>>) target_semaphore(%run_scoped3A_241 : memref<!tpu.dma_semaphore, #tpu.memory_space<semaphore_mem>>)
      %dma_wait3A_256 = arith.constant 0 : i32
      %dma_wait3A_257 = arith.constant 0 : i32
      %dma_wait3A_258 = tpu.memref_slice %arg6[%dma_wait3A_256, %dma_wait3A_257] : memref<32x128xi32, #tpu.memory_space<vmem>> -> memref<32x128xi32, #tpu.memory_space<vmem>>
      %dma_wait3A_259 = arith.constant 0 : i32
      %dma_wait3A_260 = arith.constant 0 : i32
      %dma_wait3A_261 = tpu.memref_slice %arg3[%arg0, %arg1, %dma_wait3A_259, %dma_wait3A_260] : memref<2x16x157x128xi32, #tpu.memory_space<hbm>> -> memref<1x1x32x128xi32, #tpu.memory_space<hbm>>
      %dma_wait3A_262 = tpu.memref_squeeze %dma_wait3A_261 : memref<1x1x32x128xi32, #tpu.memory_space<hbm>> -> memref<32x128xi32, #tpu.memory_space<hbm>>
      %dma_wait3A_263 = arith.constant 0 : i32
      %dma_wait3A_264 = arith.constant 0 : i32
      %dma_wait3A_265 = tpu.memref_slice %arg6[%dma_wait3A_263, %dma_wait3A_264] : memref<32x128xi32, #tpu.memory_space<vmem>> -> memref<32x128xi32, #tpu.memory_space<vmem>>
      %dma_wait3A_266 = arith.constant 0 : i32
      %dma_wait3A_267 = arith.constant 0 : i32
      %dma_wait3A_268 = tpu.memref_slice %arg3[%arg0, %arg1, %dma_wait3A_266, %dma_wait3A_267] : memref<2x16x157x128xi32, #tpu.memory_space<hbm>> -> memref<1x1x32x128xi32, #tpu.memory_space<hbm>>
      %dma_wait3A_269 = tpu.memref_squeeze %dma_wait3A_268 : memref<1x1x32x128xi32, #tpu.memory_space<hbm>> -> memref<32x128xi32, #tpu.memory_space<hbm>>
      tpu.wait_dma2 semaphore(%run_scoped3A_241 : memref<!tpu.dma_semaphore, #tpu.memory_space<semaphore_mem>>) src(%dma_wait3A_269 : memref<32x128xi32, #tpu.memory_space<hbm>>) dst(%dma_wait3A_265 : memref<32x128xi32, #tpu.memory_space<vmem>>)
      tpu.yield
    }) : () -> ()
    "tpu.region"() ({
      %run_scoped3A_241 = tpu.sem_alloc : memref<!tpu.dma_semaphore, #tpu.memory_space<semaphore_mem>>
      %dma_start3A_242 = arith.constant 0 : i32
      %dma_start3A_243 = arith.constant 0 : i32
      %dma_start3A_244 = tpu.memref_slice %arg7[%dma_start3A_242, %dma_start3A_243] : memref<32x128xi32, #tpu.memory_space<vmem>> -> memref<32x128xi32, #tpu.memory_space<vmem>>
      %dma_start3A_245 = arith.constant 0 : i32
      %dma_start3A_246 = arith.constant 0 : i32
      %dma_start3A_247 = tpu.memref_slice %arg4[%arg0, %arg1, %dma_start3A_245, %dma_start3A_246] : memref<2x16x157x128xi32, #tpu.memory_space<hbm>> -> memref<1x1x32x128xi32, #tpu.memory_space<hbm>>
      %dma_start3A_248 = tpu.memref_squeeze %dma_start3A_247 : memref<1x1x32x128xi32, #tpu.memory_space<hbm>> -> memref<32x128xi32, #tpu.memory_space<hbm>>
      %dma_start3A_249 = arith.constant 0 : i32
      %dma_start3A_250 = arith.constant 0 : i32
      %dma_start3A_251 = tpu.memref_slice %arg7[%dma_start3A_249, %dma_start3A_250] : memref<32x128xi32, #tpu.memory_space<vmem>> -> memref<32x128xi32, #tpu.memory_space<vmem>>
      %dma_start3A_252 = arith.constant 0 : i32
      %dma_start3A_253 = arith.constant 0 : i32
      %dma_start3A_254 = tpu.memref_slice %arg4[%arg0, %arg1, %dma_start3A_252, %dma_start3A_253] : memref<2x16x157x128xi32, #tpu.memory_space<hbm>> -> memref<1x1x32x128xi32, #tpu.memory_space<hbm>>
      %dma_start3A_255 = tpu.memref_squeeze %dma_start3A_254 : memref<1x1x32x128xi32, #tpu.memory_space<hbm>> -> memref<32x128xi32, #tpu.memory_space<hbm>>
      tpu.enqueue_dma source(%dma_start3A_255 : memref<32x128xi32, #tpu.memory_space<hbm>>) target(%dma_start3A_251 : memref<32x128xi32, #tpu.memory_space<vmem>>) target_semaphore(%run_scoped3A_241 : memref<!tpu.dma_semaphore, #tpu.memory_space<semaphore_mem>>)
      %dma_wait3A_256 = arith.constant 0 : i32
      %dma_wait3A_257 = arith.constant 0 : i32
      %dma_wait3A_258 = tpu.memref_slice %arg7[%dma_wait3A_256, %dma_wait3A_257] : memref<32x128xi32, #tpu.memory_space<vmem>> -> memref<32x128xi32, #tpu.memory_space<vmem>>
      %dma_wait3A_259 = arith.constant 0 : i32
      %dma_wait3A_260 = arith.constant 0 : i32
      %dma_wait3A_261 = tpu.memref_slice %arg4[%arg0, %arg1, %dma_wait3A_259, %dma_wait3A_260] : memref<2x16x157x128xi32, #tpu.memory_space<hbm>> -> memref<1x1x32x128xi32, #tpu.memory_space<hbm>>
      %dma_wait3A_262 = tpu.memref_squeeze %dma_wait3A_261 : memref<1x1x32x128xi32, #tpu.memory_space<hbm>> -> memref<32x128xi32, #tpu.memory_space<hbm>>
      %dma_wait3A_263 = arith.constant 0 : i32
      %dma_wait3A_264 = arith.constant 0 : i32
      %dma_wait3A_265 = tpu.memref_slice %arg7[%dma_wait3A_263, %dma_wait3A_264] : memref<32x128xi32, #tpu.memory_space<vmem>> -> memref<32x128xi32, #tpu.memory_space<vmem>>
      %dma_wait3A_266 = arith.constant 0 : i32
      %dma_wait3A_267 = arith.constant 0 : i32
      %dma_wait3A_268 = tpu.memref_slice %arg4[%arg0, %arg1, %dma_wait3A_266, %dma_wait3A_267] : memref<2x16x157x128xi32, #tpu.memory_space<hbm>> -> memref<1x1x32x128xi32, #tpu.memory_space<hbm>>
      %dma_wait3A_269 = tpu.memref_squeeze %dma_wait3A_268 : memref<1x1x32x128xi32, #tpu.memory_space<hbm>> -> memref<32x128xi32, #tpu.memory_space<hbm>>
      tpu.wait_dma2 semaphore(%run_scoped3A_241 : memref<!tpu.dma_semaphore, #tpu.memory_space<semaphore_mem>>) src(%dma_wait3A_269 : memref<32x128xi32, #tpu.memory_space<hbm>>) dst(%dma_wait3A_265 : memref<32x128xi32, #tpu.memory_space<vmem>>)
      tpu.yield
    }) : () -> ()
    %dma_start3A = arith.constant 0 : i32
    %dma_start3A_3 = arith.constant 0 : i32
    %dma_start3A_4 = tpu.memref_slice %arg6[%dma_start3A, %dma_start3A_3] : memref<32x128xi32, #tpu.memory_space<vmem>> -> memref<1x128xi32, #tpu.memory_space<vmem>>
    %dma_start3A_5 = tpu.memref_squeeze %dma_start3A_4 : memref<1x128xi32, #tpu.memory_space<vmem>> -> memref<128xi32, #tpu.memory_space<vmem>>
    %dma_start3A_6 = arith.constant 0 : i32
    %dma_start3A_7 = arith.constant 0 : i32
    %dma_start3A_8 = tpu.memref_slice %arg2[%arg0, %dma_start3A_6, %dma_start3A_7] : memref<2x10240x128xf32, #tpu.memory_space<hbm>> -> memref<1x10240x128xf32, #tpu.memory_space<hbm>>
    %dma_start3A_9 = tpu.memref_squeeze %dma_start3A_8 : memref<1x10240x128xf32, #tpu.memory_space<hbm>> -> memref<10240x128xf32, #tpu.memory_space<hbm>>
    %dma_start3A_10 = arith.constant 0 : i32
    %dma_start3A_11 = arith.constant 0 : i32
    %dma_start3A_12 = tpu.memref_slice %dma_start3A_9[%dma_start3A_10, %dma_start3A_11] : memref<10240x128xf32, #tpu.memory_space<hbm>> -> memref<10240x128xf32, #tpu.memory_space<hbm>>
    tpu.enqueue_indirect_dma source(%dma_start3A_12 : memref<10240x128xf32, #tpu.memory_space<hbm>>) target(%arg8 : memref<128x128xf32, #tpu.memory_space<vmem>>) offsets(%dma_start3A_5 : memref<128xi32, #tpu.memory_space<vmem>>) semaphore(%arg11 : memref<!tpu.dma_semaphore, #tpu.memory_space<semaphore_mem>>)
    %scan3A = arith.constant 0 : i32
    %scan3A_13 = arith.constant 0 : i32
    %scan3A_14 = arith.constant 15 : i32
    %scan3A_15 = arith.addi %scan3A_13, %scan3A_14 : i32
    %scan3A_16 = arith.constant 1 : i32
    scf.for %scan3A_241 = %scan3A_13 to %scan3A_15 step %scan3A_16  : i32 {
      %mul3A_242 = arith.constant 2 : i32
      %mul3A_243 = arith.muli %mul3A_242, %scan3A_241 : i32
      %add3A = arith.constant 1 : i32
      %add3A_244 = arith.addi %mul3A_243, %add3A : i32
      %dma_start3A_245 = arith.constant 0 : i32
      %dma_start3A_246 = tpu.memref_slice %arg6[%add3A_244, %dma_start3A_245] : memref<32x128xi32, #tpu.memory_space<vmem>> -> memref<1x128xi32, #tpu.memory_space<vmem>>
      %dma_start3A_247 = tpu.memref_squeeze %dma_start3A_246 : memref<1x128xi32, #tpu.memory_space<vmem>> -> memref<128xi32, #tpu.memory_space<vmem>>
      %dma_start3A_248 = arith.constant 0 : i32
      %dma_start3A_249 = arith.constant 0 : i32
      %dma_start3A_250 = tpu.memref_slice %arg2[%arg0, %dma_start3A_248, %dma_start3A_249] : memref<2x10240x128xf32, #tpu.memory_space<hbm>> -> memref<1x10240x128xf32, #tpu.memory_space<hbm>>
      %dma_start3A_251 = tpu.memref_squeeze %dma_start3A_250 : memref<1x10240x128xf32, #tpu.memory_space<hbm>> -> memref<10240x128xf32, #tpu.memory_space<hbm>>
      %dma_start3A_252 = arith.constant 0 : i32
      %dma_start3A_253 = arith.constant 0 : i32
      %dma_start3A_254 = tpu.memref_slice %dma_start3A_251[%dma_start3A_252, %dma_start3A_253] : memref<10240x128xf32, #tpu.memory_space<hbm>> -> memref<10240x128xf32, #tpu.memory_space<hbm>>
      tpu.enqueue_indirect_dma source(%dma_start3A_254 : memref<10240x128xf32, #tpu.memory_space<hbm>>) target(%arg9 : memref<128x128xf32, #tpu.memory_space<vmem>>) offsets(%dma_start3A_247 : memref<128xi32, #tpu.memory_space<vmem>>) semaphore(%arg12 : memref<!tpu.dma_semaphore, #tpu.memory_space<semaphore_mem>>)
      %dma_wait3A_255 = arith.constant 0 : i32
      %dma_wait3A_256 = tpu.memref_slice %arg6[%mul3A_243, %dma_wait3A_255] : memref<32x128xi32, #tpu.memory_space<vmem>> -> memref<1x128xi32, #tpu.memory_space<vmem>>
      %dma_wait3A_257 = tpu.memref_squeeze %dma_wait3A_256 : memref<1x128xi32, #tpu.memory_space<vmem>> -> memref<128xi32, #tpu.memory_space<vmem>>
      %dma_wait3A_258 = arith.constant 0 : i32
      %dma_wait3A_259 = arith.constant 0 : i32
      %dma_wait3A_260 = tpu.memref_slice %arg2[%arg0, %dma_wait3A_258, %dma_wait3A_259] : memref<2x10240x128xf32, #tpu.memory_space<hbm>> -> memref<1x10240x128xf32, #tpu.memory_space<hbm>>
      %dma_wait3A_261 = tpu.memref_squeeze %dma_wait3A_260 : memref<1x10240x128xf32, #tpu.memory_space<hbm>> -> memref<10240x128xf32, #tpu.memory_space<hbm>>
      %dma_wait3A_262 = arith.constant 0 : i32
      %dma_wait3A_263 = arith.constant 0 : i32
      %dma_wait3A_264 = tpu.memref_slice %dma_wait3A_261[%dma_wait3A_262, %dma_wait3A_263] : memref<10240x128xf32, #tpu.memory_space<hbm>> -> memref<10240x128xf32, #tpu.memory_space<hbm>>
      tpu.wait_indirect_dma semaphore(%arg11 : memref<!tpu.dma_semaphore, #tpu.memory_space<semaphore_mem>>) src(%dma_wait3A_264 : memref<10240x128xf32, #tpu.memory_space<hbm>>) dst(%arg8 : memref<128x128xf32, #tpu.memory_space<vmem>>)
      "tpu.region"() ({
        %run_scoped3A_287 = tpu.sem_alloc : memref<!tpu.dma_semaphore, #tpu.memory_space<semaphore_mem>>
        %dma_start3A_288 = arith.constant 0 : i32
        %dma_start3A_289 = tpu.memref_slice %arg7[%mul3A_243, %dma_start3A_288] : memref<32x128xi32, #tpu.memory_space<vmem>> -> memref<1x128xi32, #tpu.memory_space<vmem>>
        %dma_start3A_290 = tpu.memref_squeeze %dma_start3A_289 : memref<1x128xi32, #tpu.memory_space<vmem>> -> memref<128xi32, #tpu.memory_space<vmem>>
        %dma_start3A_291 = arith.constant 0 : i32
        %dma_start3A_292 = arith.constant 0 : i32
        %dma_start3A_293 = tpu.memref_slice %arg10[%dma_start3A_291, %dma_start3A_292] : memref<10240x128xf32, #tpu.memory_space<vmem_shared>> -> memref<10240x128xf32, #tpu.memory_space<vmem_shared>>
        tpu.enqueue_indirect_dma source(%arg8 : memref<128x128xf32, #tpu.memory_space<vmem>>) target(%dma_start3A_293 : memref<10240x128xf32, #tpu.memory_space<vmem_shared>>) offsets(%dma_start3A_290 : memref<128xi32, #tpu.memory_space<vmem>>) semaphore(%run_scoped3A_287 : memref<!tpu.dma_semaphore, #tpu.memory_space<semaphore_mem>>) {add = true}
        %dma_wait3A_294 = arith.constant 0 : i32
        %dma_wait3A_295 = tpu.memref_slice %arg7[%mul3A_243, %dma_wait3A_294] : memref<32x128xi32, #tpu.memory_space<vmem>> -> memref<1x128xi32, #tpu.memory_space<vmem>>
        %dma_wait3A_296 = tpu.memref_squeeze %dma_wait3A_295 : memref<1x128xi32, #tpu.memory_space<vmem>> -> memref<128xi32, #tpu.memory_space<vmem>>
        %dma_wait3A_297 = arith.constant 0 : i32
        %dma_wait3A_298 = arith.constant 0 : i32
        %dma_wait3A_299 = tpu.memref_slice %arg10[%dma_wait3A_297, %dma_wait3A_298] : memref<10240x128xf32, #tpu.memory_space<vmem_shared>> -> memref<10240x128xf32, #tpu.memory_space<vmem_shared>>
        tpu.wait_indirect_dma semaphore(%run_scoped3A_287 : memref<!tpu.dma_semaphore, #tpu.memory_space<semaphore_mem>>) src(%arg8 : memref<128x128xf32, #tpu.memory_space<vmem>>) dst(%dma_wait3A_299 : memref<10240x128xf32, #tpu.memory_space<vmem_shared>>)
        tpu.yield
      }) : () -> ()
      %add3A_265 = arith.constant 2 : i32
      %add3A_266 = arith.addi %mul3A_243, %add3A_265 : i32
      %dma_start3A_267 = arith.constant 0 : i32
      %dma_start3A_268 = tpu.memref_slice %arg6[%add3A_266, %dma_start3A_267] : memref<32x128xi32, #tpu.memory_space<vmem>> -> memref<1x128xi32, #tpu.memory_space<vmem>>
      %dma_start3A_269 = tpu.memref_squeeze %dma_start3A_268 : memref<1x128xi32, #tpu.memory_space<vmem>> -> memref<128xi32, #tpu.memory_space<vmem>>
      %dma_start3A_270 = arith.constant 0 : i32
      %dma_start3A_271 = arith.constant 0 : i32
      %dma_start3A_272 = tpu.memref_slice %arg2[%arg0, %dma_start3A_270, %dma_start3A_271] : memref<2x10240x128xf32, #tpu.memory_space<hbm>> -> memref<1x10240x128xf32, #tpu.memory_space<hbm>>
      %dma_start3A_273 = tpu.memref_squeeze %dma_start3A_272 : memref<1x10240x128xf32, #tpu.memory_space<hbm>> -> memref<10240x128xf32, #tpu.memory_space<hbm>>
      %dma_start3A_274 = arith.constant 0 : i32
      %dma_start3A_275 = arith.constant 0 : i32
      %dma_start3A_276 = tpu.memref_slice %dma_start3A_273[%dma_start3A_274, %dma_start3A_275] : memref<10240x128xf32, #tpu.memory_space<hbm>> -> memref<10240x128xf32, #tpu.memory_space<hbm>>
      tpu.enqueue_indirect_dma source(%dma_start3A_276 : memref<10240x128xf32, #tpu.memory_space<hbm>>) target(%arg8 : memref<128x128xf32, #tpu.memory_space<vmem>>) offsets(%dma_start3A_269 : memref<128xi32, #tpu.memory_space<vmem>>) semaphore(%arg11 : memref<!tpu.dma_semaphore, #tpu.memory_space<semaphore_mem>>)
      %dma_wait3A_277 = arith.constant 0 : i32
      %dma_wait3A_278 = tpu.memref_slice %arg6[%add3A_244, %dma_wait3A_277] : memref<32x128xi32, #tpu.memory_space<vmem>> -> memref<1x128xi32, #tpu.memory_space<vmem>>
      %dma_wait3A_279 = tpu.memref_squeeze %dma_wait3A_278 : memref<1x128xi32, #tpu.memory_space<vmem>> -> memref<128xi32, #tpu.memory_space<vmem>>
      %dma_wait3A_280 = arith.constant 0 : i32
      %dma_wait3A_281 = arith.constant 0 : i32
      %dma_wait3A_282 = tpu.memref_slice %arg2[%arg0, %dma_wait3A_280, %dma_wait3A_281] : memref<2x10240x128xf32, #tpu.memory_space<hbm>> -> memref<1x10240x128xf32, #tpu.memory_space<hbm>>
      %dma_wait3A_283 = tpu.memref_squeeze %dma_wait3A_282 : memref<1x10240x128xf32, #tpu.memory_space<hbm>> -> memref<10240x128xf32, #tpu.memory_space<hbm>>
      %dma_wait3A_284 = arith.constant 0 : i32
      %dma_wait3A_285 = arith.constant 0 : i32
      %dma_wait3A_286 = tpu.memref_slice %dma_wait3A_283[%dma_wait3A_284, %dma_wait3A_285] : memref<10240x128xf32, #tpu.memory_space<hbm>> -> memref<10240x128xf32, #tpu.memory_space<hbm>>
      tpu.wait_indirect_dma semaphore(%arg12 : memref<!tpu.dma_semaphore, #tpu.memory_space<semaphore_mem>>) src(%dma_wait3A_286 : memref<10240x128xf32, #tpu.memory_space<hbm>>) dst(%arg9 : memref<128x128xf32, #tpu.memory_space<vmem>>)
      "tpu.region"() ({
        %run_scoped3A_287 = tpu.sem_alloc : memref<!tpu.dma_semaphore, #tpu.memory_space<semaphore_mem>>
        %dma_start3A_288 = arith.constant 0 : i32
        %dma_start3A_289 = tpu.memref_slice %arg7[%add3A_244, %dma_start3A_288] : memref<32x128xi32, #tpu.memory_space<vmem>> -> memref<1x128xi32, #tpu.memory_space<vmem>>
        %dma_start3A_290 = tpu.memref_squeeze %dma_start3A_289 : memref<1x128xi32, #tpu.memory_space<vmem>> -> memref<128xi32, #tpu.memory_space<vmem>>
        %dma_start3A_291 = arith.constant 0 : i32
        %dma_start3A_292 = arith.constant 0 : i32
        %dma_start3A_293 = tpu.memref_slice %arg10[%dma_start3A_291, %dma_start3A_292] : memref<10240x128xf32, #tpu.memory_space<vmem_shared>> -> memref<10240x128xf32, #tpu.memory_space<vmem_shared>>
        tpu.enqueue_indirect_dma source(%arg9 : memref<128x128xf32, #tpu.memory_space<vmem>>) target(%dma_start3A_293 : memref<10240x128xf32, #tpu.memory_space<vmem_shared>>) offsets(%dma_start3A_290 : memref<128xi32, #tpu.memory_space<vmem>>) semaphore(%run_scoped3A_287 : memref<!tpu.dma_semaphore, #tpu.memory_space<semaphore_mem>>) {add = true}
        %dma_wait3A_294 = arith.constant 0 : i32
        %dma_wait3A_295 = tpu.memref_slice %arg7[%add3A_244, %dma_wait3A_294] : memref<32x128xi32, #tpu.memory_space<vmem>> -> memref<1x128xi32, #tpu.memory_space<vmem>>
        %dma_wait3A_296 = tpu.memref_squeeze %dma_wait3A_295 : memref<1x128xi32, #tpu.memory_space<vmem>> -> memref<128xi32, #tpu.memory_space<vmem>>
        %dma_wait3A_297 = arith.constant 0 : i32
        %dma_wait3A_298 = arith.constant 0 : i32
        %dma_wait3A_299 = tpu.memref_slice %arg10[%dma_wait3A_297, %dma_wait3A_298] : memref<10240x128xf32, #tpu.memory_space<vmem_shared>> -> memref<10240x128xf32, #tpu.memory_space<vmem_shared>>
        tpu.wait_indirect_dma semaphore(%run_scoped3A_287 : memref<!tpu.dma_semaphore, #tpu.memory_space<semaphore_mem>>) src(%arg9 : memref<128x128xf32, #tpu.memory_space<vmem>>) dst(%dma_wait3A_299 : memref<10240x128xf32, #tpu.memory_space<vmem_shared>>)
        tpu.yield
      }) : () -> ()
    }
    %scan3A_17 = arith.constant 15 : i32
    %dma_start3A_18 = arith.constant 31 : i32
    %dma_start3A_19 = arith.constant 0 : i32
    %dma_start3A_20 = tpu.memref_slice %arg6[%dma_start3A_18, %dma_start3A_19] : memref<32x128xi32, #tpu.memory_space<vmem>> -> memref<1x128xi32, #tpu.memory_space<vmem>>
    %dma_start3A_21 = tpu.memref_squeeze %dma_start3A_20 : memref<1x128xi32, #tpu.memory_space<vmem>> -> memref<128xi32, #tpu.memory_space<vmem>>
    %dma_start3A_22 = arith.constant 0 : i32
    %dma_start3A_23 = arith.constant 0 : i32
    %dma_start3A_24 = tpu.memref_slice %arg2[%arg0, %dma_start3A_22, %dma_start3A_23] : memref<2x10240x128xf32, #tpu.memory_space<hbm>> -> memref<1x10240x128xf32, #tpu.memory_space<hbm>>
    %dma_start3A_25 = tpu.memref_squeeze %dma_start3A_24 : memref<1x10240x128xf32, #tpu.memory_space<hbm>> -> memref<10240x128xf32, #tpu.memory_space<hbm>>
    %dma_start3A_26 = arith.constant 0 : i32
    %dma_start3A_27 = arith.constant 0 : i32
    %dma_start3A_28 = tpu.memref_slice %dma_start3A_25[%dma_start3A_26, %dma_start3A_27] : memref<10240x128xf32, #tpu.memory_space<hbm>> -> memref<10240x128xf32, #tpu.memory_space<hbm>>
    tpu.enqueue_indirect_dma source(%dma_start3A_28 : memref<10240x128xf32, #tpu.memory_space<hbm>>) target(%arg9 : memref<128x128xf32, #tpu.memory_space<vmem>>) offsets(%dma_start3A_21 : memref<128xi32, #tpu.memory_space<vmem>>) semaphore(%arg12 : memref<!tpu.dma_semaphore, #tpu.memory_space<semaphore_mem>>)
    %dma_wait3A = arith.constant 30 : i32
    %dma_wait3A_29 = arith.constant 0 : i32
    %dma_wait3A_30 = tpu.memref_slice %arg6[%dma_wait3A, %dma_wait3A_29] : memref<32x128xi32, #tpu.memory_space<vmem>> -> memref<1x128xi32, #tpu.memory_space<vmem>>
    %dma_wait3A_31 = tpu.memref_squeeze %dma_wait3A_30 : memref<1x128xi32, #tpu.memory_space<vmem>> -> memref<128xi32, #tpu.memory_space<vmem>>
    %dma_wait3A_32 = arith.constant 0 : i32
    %dma_wait3A_33 = arith.constant 0 : i32
    %dma_wait3A_34 = tpu.memref_slice %arg2[%arg0, %dma_wait3A_32, %dma_wait3A_33] : memref<2x10240x128xf32, #tpu.memory_space<hbm>> -> memref<1x10240x128xf32, #tpu.memory_space<hbm>>
    %dma_wait3A_35 = tpu.memref_squeeze %dma_wait3A_34 : memref<1x10240x128xf32, #tpu.memory_space<hbm>> -> memref<10240x128xf32, #tpu.memory_space<hbm>>
    %dma_wait3A_36 = arith.constant 0 : i32
    %dma_wait3A_37 = arith.constant 0 : i32
    %dma_wait3A_38 = tpu.memref_slice %dma_wait3A_35[%dma_wait3A_36, %dma_wait3A_37] : memref<10240x128xf32, #tpu.memory_space<hbm>> -> memref<10240x128xf32, #tpu.memory_space<hbm>>
    tpu.wait_indirect_dma semaphore(%arg11 : memref<!tpu.dma_semaphore, #tpu.memory_space<semaphore_mem>>) src(%dma_wait3A_38 : memref<10240x128xf32, #tpu.memory_space<hbm>>) dst(%arg8 : memref<128x128xf32, #tpu.memory_space<vmem>>)
    %run_scoped3A = arith.constant 30 : i32
    "tpu.region"() ({
      %run_scoped3A_241 = tpu.sem_alloc : memref<!tpu.dma_semaphore, #tpu.memory_space<semaphore_mem>>
      %dma_start3A_242 = arith.constant 0 : i32
      %dma_start3A_243 = tpu.memref_slice %arg7[%run_scoped3A, %dma_start3A_242] : memref<32x128xi32, #tpu.memory_space<vmem>> -> memref<1x128xi32, #tpu.memory_space<vmem>>
      %dma_start3A_244 = tpu.memref_squeeze %dma_start3A_243 : memref<1x128xi32, #tpu.memory_space<vmem>> -> memref<128xi32, #tpu.memory_space<vmem>>
      %dma_start3A_245 = arith.constant 0 : i32
      %dma_start3A_246 = arith.constant 0 : i32
      %dma_start3A_247 = tpu.memref_slice %arg10[%dma_start3A_245, %dma_start3A_246] : memref<10240x128xf32, #tpu.memory_space<vmem_shared>> -> memref<10240x128xf32, #tpu.memory_space<vmem_shared>>
      tpu.enqueue_indirect_dma source(%arg8 : memref<128x128xf32, #tpu.memory_space<vmem>>) target(%dma_start3A_247 : memref<10240x128xf32, #tpu.memory_space<vmem_shared>>) offsets(%dma_start3A_244 : memref<128xi32, #tpu.memory_space<vmem>>) semaphore(%run_scoped3A_241 : memref<!tpu.dma_semaphore, #tpu.memory_space<semaphore_mem>>) {add = true}
      %dma_wait3A_248 = arith.constant 0 : i32
      %dma_wait3A_249 = tpu.memref_slice %arg7[%run_scoped3A, %dma_wait3A_248] : memref<32x128xi32, #tpu.memory_space<vmem>> -> memref<1x128xi32, #tpu.memory_space<vmem>>
      %dma_wait3A_250 = tpu.memref_squeeze %dma_wait3A_249 : memref<1x128xi32, #tpu.memory_space<vmem>> -> memref<128xi32, #tpu.memory_space<vmem>>
      %dma_wait3A_251 = arith.constant 0 : i32
      %dma_wait3A_252 = arith.constant 0 : i32
      %dma_wait3A_253 = tpu.memref_slice %arg10[%dma_wait3A_251, %dma_wait3A_252] : memref<10240x128xf32, #tpu.memory_space<vmem_shared>> -> memref<10240x128xf32, #tpu.memory_space<vmem_shared>>
      tpu.wait_indirect_dma semaphore(%run_scoped3A_241 : memref<!tpu.dma_semaphore, #tpu.memory_space<semaphore_mem>>) src(%arg8 : memref<128x128xf32, #tpu.memory_space<vmem>>) dst(%dma_wait3A_253 : memref<10240x128xf32, #tpu.memory_space<vmem_shared>>)
      tpu.yield
    }) : () -> ()
    %dma_wait3A_39 = arith.constant 31 : i32
    %dma_wait3A_40 = arith.constant 0 : i32
    %dma_wait3A_41 = tpu.memref_slice %arg6[%dma_wait3A_39, %dma_wait3A_40] : memref<32x128xi32, #tpu.memory_space<vmem>> -> memref<1x128xi32, #tpu.memory_space<vmem>>
    %dma_wait3A_42 = tpu.memref_squeeze %dma_wait3A_41 : memref<1x128xi32, #tpu.memory_space<vmem>> -> memref<128xi32, #tpu.memory_space<vmem>>
    %dma_wait3A_43 = arith.constant 0 : i32
    %dma_wait3A_44 = arith.constant 0 : i32
    %dma_wait3A_45 = tpu.memref_slice %arg2[%arg0, %dma_wait3A_43, %dma_wait3A_44] : memref<2x10240x128xf32, #tpu.memory_space<hbm>> -> memref<1x10240x128xf32, #tpu.memory_space<hbm>>
    %dma_wait3A_46 = tpu.memref_squeeze %dma_wait3A_45 : memref<1x10240x128xf32, #tpu.memory_space<hbm>> -> memref<10240x128xf32, #tpu.memory_space<hbm>>
    %dma_wait3A_47 = arith.constant 0 : i32
    %dma_wait3A_48 = arith.constant 0 : i32
    %dma_wait3A_49 = tpu.memref_slice %dma_wait3A_46[%dma_wait3A_47, %dma_wait3A_48] : memref<10240x128xf32, #tpu.memory_space<hbm>> -> memref<10240x128xf32, #tpu.memory_space<hbm>>
    tpu.wait_indirect_dma semaphore(%arg12 : memref<!tpu.dma_semaphore, #tpu.memory_space<semaphore_mem>>) src(%dma_wait3A_49 : memref<10240x128xf32, #tpu.memory_space<hbm>>) dst(%arg9 : memref<128x128xf32, #tpu.memory_space<vmem>>)
    %run_scoped3A_50 = arith.constant 31 : i32
    "tpu.region"() ({
      %run_scoped3A_241 = tpu.sem_alloc : memref<!tpu.dma_semaphore, #tpu.memory_space<semaphore_mem>>
      %dma_start3A_242 = arith.constant 0 : i32
      %dma_start3A_243 = tpu.memref_slice %arg7[%run_scoped3A_50, %dma_start3A_242] : memref<32x128xi32, #tpu.memory_space<vmem>> -> memref<1x128xi32, #tpu.memory_space<vmem>>
      %dma_start3A_244 = tpu.memref_squeeze %dma_start3A_243 : memref<1x128xi32, #tpu.memory_space<vmem>> -> memref<128xi32, #tpu.memory_space<vmem>>
      %dma_start3A_245 = arith.constant 0 : i32
      %dma_start3A_246 = arith.constant 0 : i32
      %dma_start3A_247 = tpu.memref_slice %arg10[%dma_start3A_245, %dma_start3A_246] : memref<10240x128xf32, #tpu.memory_space<vmem_shared>> -> memref<10240x128xf32, #tpu.memory_space<vmem_shared>>
      tpu.enqueue_indirect_dma source(%arg9 : memref<128x128xf32, #tpu.memory_space<vmem>>) target(%dma_start3A_247 : memref<10240x128xf32, #tpu.memory_space<vmem_shared>>) offsets(%dma_start3A_244 : memref<128xi32, #tpu.memory_space<vmem>>) semaphore(%run_scoped3A_241 : memref<!tpu.dma_semaphore, #tpu.memory_space<semaphore_mem>>) {add = true}
      %dma_wait3A_248 = arith.constant 0 : i32
      %dma_wait3A_249 = tpu.memref_slice %arg7[%run_scoped3A_50, %dma_wait3A_248] : memref<32x128xi32, #tpu.memory_space<vmem>> -> memref<1x128xi32, #tpu.memory_space<vmem>>
      %dma_wait3A_250 = tpu.memref_squeeze %dma_wait3A_249 : memref<1x128xi32, #tpu.memory_space<vmem>> -> memref<128xi32, #tpu.memory_space<vmem>>
      %dma_wait3A_251 = arith.constant 0 : i32
      %dma_wait3A_252 = arith.constant 0 : i32
      %dma_wait3A_253 = tpu.memref_slice %arg10[%dma_wait3A_251, %dma_wait3A_252] : memref<10240x128xf32, #tpu.memory_space<vmem_shared>> -> memref<10240x128xf32, #tpu.memory_space<vmem_shared>>
      tpu.wait_indirect_dma semaphore(%run_scoped3A_241 : memref<!tpu.dma_semaphore, #tpu.memory_space<semaphore_mem>>) src(%arg9 : memref<128x128xf32, #tpu.memory_space<vmem>>) dst(%dma_wait3A_253 : memref<10240x128xf32, #tpu.memory_space<vmem_shared>>)
      tpu.yield
    }) : () -> ()
    "tpu.region"() ({
      %run_scoped3A_241 = tpu.sem_alloc : memref<!tpu.dma_semaphore, #tpu.memory_space<semaphore_mem>>
      %dma_start3A_242 = arith.constant 0 : i32
      %dma_start3A_243 = arith.constant 0 : i32
      %dma_start3A_244 = tpu.memref_slice %arg6[%dma_start3A_242, %dma_start3A_243] : memref<32x128xi32, #tpu.memory_space<vmem>> -> memref<32x128xi32, #tpu.memory_space<vmem>>
      %dma_start3A_245 = arith.constant 32 : i32
      %dma_start3A_246 = arith.constant 0 : i32
      %dma_start3A_247 = tpu.memref_slice %arg3[%arg0, %arg1, %dma_start3A_245, %dma_start3A_246] : memref<2x16x157x128xi32, #tpu.memory_space<hbm>> -> memref<1x1x32x128xi32, #tpu.memory_space<hbm>>
      %dma_start3A_248 = tpu.memref_squeeze %dma_start3A_247 : memref<1x1x32x128xi32, #tpu.memory_space<hbm>> -> memref<32x128xi32, #tpu.memory_space<hbm>>
      %dma_start3A_249 = arith.constant 0 : i32
      %dma_start3A_250 = arith.constant 0 : i32
      %dma_start3A_251 = tpu.memref_slice %arg6[%dma_start3A_249, %dma_start3A_250] : memref<32x128xi32, #tpu.memory_space<vmem>> -> memref<32x128xi32, #tpu.memory_space<vmem>>
      %dma_start3A_252 = arith.constant 32 : i32
      %dma_start3A_253 = arith.constant 0 : i32
      %dma_start3A_254 = tpu.memref_slice %arg3[%arg0, %arg1, %dma_start3A_252, %dma_start3A_253] : memref<2x16x157x128xi32, #tpu.memory_space<hbm>> -> memref<1x1x32x128xi32, #tpu.memory_space<hbm>>
      %dma_start3A_255 = tpu.memref_squeeze %dma_start3A_254 : memref<1x1x32x128xi32, #tpu.memory_space<hbm>> -> memref<32x128xi32, #tpu.memory_space<hbm>>
      tpu.enqueue_dma source(%dma_start3A_255 : memref<32x128xi32, #tpu.memory_space<hbm>>) target(%dma_start3A_251 : memref<32x128xi32, #tpu.memory_space<vmem>>) target_semaphore(%run_scoped3A_241 : memref<!tpu.dma_semaphore, #tpu.memory_space<semaphore_mem>>)
      %dma_wait3A_256 = arith.constant 0 : i32
      %dma_wait3A_257 = arith.constant 0 : i32
      %dma_wait3A_258 = tpu.memref_slice %arg6[%dma_wait3A_256, %dma_wait3A_257] : memref<32x128xi32, #tpu.memory_space<vmem>> -> memref<32x128xi32, #tpu.memory_space<vmem>>
      %dma_wait3A_259 = arith.constant 32 : i32
      %dma_wait3A_260 = arith.constant 0 : i32
      %dma_wait3A_261 = tpu.memref_slice %arg3[%arg0, %arg1, %dma_wait3A_259, %dma_wait3A_260] : memref<2x16x157x128xi32, #tpu.memory_space<hbm>> -> memref<1x1x32x128xi32, #tpu.memory_space<hbm>>
      %dma_wait3A_262 = tpu.memref_squeeze %dma_wait3A_261 : memref<1x1x32x128xi32, #tpu.memory_space<hbm>> -> memref<32x128xi32, #tpu.memory_space<hbm>>
      %dma_wait3A_263 = arith.constant 0 : i32
      %dma_wait3A_264 = arith.constant 0 : i32
      %dma_wait3A_265 = tpu.memref_slice %arg6[%dma_wait3A_263, %dma_wait3A_264] : memref<32x128xi32, #tpu.memory_space<vmem>> -> memref<32x128xi32, #tpu.memory_space<vmem>>
      %dma_wait3A_266 = arith.constant 32 : i32
      %dma_wait3A_267 = arith.constant 0 : i32
      %dma_wait3A_268 = tpu.memref_slice %arg3[%arg0, %arg1, %dma_wait3A_266, %dma_wait3A_267] : memref<2x16x157x128xi32, #tpu.memory_space<hbm>> -> memref<1x1x32x128xi32, #tpu.memory_space<hbm>>
      %dma_wait3A_269 = tpu.memref_squeeze %dma_wait3A_268 : memref<1x1x32x128xi32, #tpu.memory_space<hbm>> -> memref<32x128xi32, #tpu.memory_space<hbm>>
      tpu.wait_dma2 semaphore(%run_scoped3A_241 : memref<!tpu.dma_semaphore, #tpu.memory_space<semaphore_mem>>) src(%dma_wait3A_269 : memref<32x128xi32, #tpu.memory_space<hbm>>) dst(%dma_wait3A_265 : memref<32x128xi32, #tpu.memory_space<vmem>>)
      tpu.yield
    }) : () -> ()
    "tpu.region"() ({
      %run_scoped3A_241 = tpu.sem_alloc : memref<!tpu.dma_semaphore, #tpu.memory_space<semaphore_mem>>
      %dma_start3A_242 = arith.constant 0 : i32
      %dma_start3A_243 = arith.constant 0 : i32
      %dma_start3A_244 = tpu.memref_slice %arg7[%dma_start3A_242, %dma_start3A_243] : memref<32x128xi32, #tpu.memory_space<vmem>> -> memref<32x128xi32, #tpu.memory_space<vmem>>
      %dma_start3A_245 = arith.constant 32 : i32
      %dma_start3A_246 = arith.constant 0 : i32
      %dma_start3A_247 = tpu.memref_slice %arg4[%arg0, %arg1, %dma_start3A_245, %dma_start3A_246] : memref<2x16x157x128xi32, #tpu.memory_space<hbm>> -> memref<1x1x32x128xi32, #tpu.memory_space<hbm>>
      %dma_start3A_248 = tpu.memref_squeeze %dma_start3A_247 : memref<1x1x32x128xi32, #tpu.memory_space<hbm>> -> memref<32x128xi32, #tpu.memory_space<hbm>>
      %dma_start3A_249 = arith.constant 0 : i32
      %dma_start3A_250 = arith.constant 0 : i32
      %dma_start3A_251 = tpu.memref_slice %arg7[%dma_start3A_249, %dma_start3A_250] : memref<32x128xi32, #tpu.memory_space<vmem>> -> memref<32x128xi32, #tpu.memory_space<vmem>>
      %dma_start3A_252 = arith.constant 32 : i32
      %dma_start3A_253 = arith.constant 0 : i32
      %dma_start3A_254 = tpu.memref_slice %arg4[%arg0, %arg1, %dma_start3A_252, %dma_start3A_253] : memref<2x16x157x128xi32, #tpu.memory_space<hbm>> -> memref<1x1x32x128xi32, #tpu.memory_space<hbm>>
      %dma_start3A_255 = tpu.memref_squeeze %dma_start3A_254 : memref<1x1x32x128xi32, #tpu.memory_space<hbm>> -> memref<32x128xi32, #tpu.memory_space<hbm>>
      tpu.enqueue_dma source(%dma_start3A_255 : memref<32x128xi32, #tpu.memory_space<hbm>>) target(%dma_start3A_251 : memref<32x128xi32, #tpu.memory_space<vmem>>) target_semaphore(%run_scoped3A_241 : memref<!tpu.dma_semaphore, #tpu.memory_space<semaphore_mem>>)
      %dma_wait3A_256 = arith.constant 0 : i32
      %dma_wait3A_257 = arith.constant 0 : i32
      %dma_wait3A_258 = tpu.memref_slice %arg7[%dma_wait3A_256, %dma_wait3A_257] : memref<32x128xi32, #tpu.memory_space<vmem>> -> memref<32x128xi32, #tpu.memory_space<vmem>>
      %dma_wait3A_259 = arith.constant 32 : i32
      %dma_wait3A_260 = arith.constant 0 : i32
      %dma_wait3A_261 = tpu.memref_slice %arg4[%arg0, %arg1, %dma_wait3A_259, %dma_wait3A_260] : memref<2x16x157x128xi32, #tpu.memory_space<hbm>> -> memref<1x1x32x128xi32, #tpu.memory_space<hbm>>
      %dma_wait3A_262 = tpu.memref_squeeze %dma_wait3A_261 : memref<1x1x32x128xi32, #tpu.memory_space<hbm>> -> memref<32x128xi32, #tpu.memory_space<hbm>>
      %dma_wait3A_263 = arith.constant 0 : i32
      %dma_wait3A_264 = arith.constant 0 : i32
      %dma_wait3A_265 = tpu.memref_slice %arg7[%dma_wait3A_263, %dma_wait3A_264] : memref<32x128xi32, #tpu.memory_space<vmem>> -> memref<32x128xi32, #tpu.memory_space<vmem>>
      %dma_wait3A_266 = arith.constant 32 : i32
      %dma_wait3A_267 = arith.constant 0 : i32
      %dma_wait3A_268 = tpu.memref_slice %arg4[%arg0, %arg1, %dma_wait3A_266, %dma_wait3A_267] : memref<2x16x157x128xi32, #tpu.memory_space<hbm>> -> memref<1x1x32x128xi32, #tpu.memory_space<hbm>>
      %dma_wait3A_269 = tpu.memref_squeeze %dma_wait3A_268 : memref<1x1x32x128xi32, #tpu.memory_space<hbm>> -> memref<32x128xi32, #tpu.memory_space<hbm>>
      tpu.wait_dma2 semaphore(%run_scoped3A_241 : memref<!tpu.dma_semaphore, #tpu.memory_space<semaphore_mem>>) src(%dma_wait3A_269 : memref<32x128xi32, #tpu.memory_space<hbm>>) dst(%dma_wait3A_265 : memref<32x128xi32, #tpu.memory_space<vmem>>)
      tpu.yield
    }) : () -> ()
    %dma_start3A_51 = arith.constant 0 : i32
    %dma_start3A_52 = arith.constant 0 : i32
    %dma_start3A_53 = tpu.memref_slice %arg6[%dma_start3A_51, %dma_start3A_52] : memref<32x128xi32, #tpu.memory_space<vmem>> -> memref<1x128xi32, #tpu.memory_space<vmem>>
    %dma_start3A_54 = tpu.memref_squeeze %dma_start3A_53 : memref<1x128xi32, #tpu.memory_space<vmem>> -> memref<128xi32, #tpu.memory_space<vmem>>
    %dma_start3A_55 = arith.constant 0 : i32
    %dma_start3A_56 = arith.constant 0 : i32
    %dma_start3A_57 = tpu.memref_slice %arg2[%arg0, %dma_start3A_55, %dma_start3A_56] : memref<2x10240x128xf32, #tpu.memory_space<hbm>> -> memref<1x10240x128xf32, #tpu.memory_space<hbm>>
    %dma_start3A_58 = tpu.memref_squeeze %dma_start3A_57 : memref<1x10240x128xf32, #tpu.memory_space<hbm>> -> memref<10240x128xf32, #tpu.memory_space<hbm>>
    %dma_start3A_59 = arith.constant 0 : i32
    %dma_start3A_60 = arith.constant 0 : i32
    %dma_start3A_61 = tpu.memref_slice %dma_start3A_58[%dma_start3A_59, %dma_start3A_60] : memref<10240x128xf32, #tpu.memory_space<hbm>> -> memref<10240x128xf32, #tpu.memory_space<hbm>>
    tpu.enqueue_indirect_dma source(%dma_start3A_61 : memref<10240x128xf32, #tpu.memory_space<hbm>>) target(%arg8 : memref<128x128xf32, #tpu.memory_space<vmem>>) offsets(%dma_start3A_54 : memref<128xi32, #tpu.memory_space<vmem>>) semaphore(%arg11 : memref<!tpu.dma_semaphore, #tpu.memory_space<semaphore_mem>>)
    %scan3A_62 = arith.constant 0 : i32
    %scan3A_63 = arith.constant 0 : i32
    %scan3A_64 = arith.constant 15 : i32
    %scan3A_65 = arith.addi %scan3A_63, %scan3A_64 : i32
    %scan3A_66 = arith.constant 1 : i32
    scf.for %scan3A_241 = %scan3A_63 to %scan3A_65 step %scan3A_66  : i32 {
      %mul3A_242 = arith.constant 2 : i32
      %mul3A_243 = arith.muli %mul3A_242, %scan3A_241 : i32
      %add3A = arith.constant 1 : i32
      %add3A_244 = arith.addi %mul3A_243, %add3A : i32
      %dma_start3A_245 = arith.constant 0 : i32
      %dma_start3A_246 = tpu.memref_slice %arg6[%add3A_244, %dma_start3A_245] : memref<32x128xi32, #tpu.memory_space<vmem>> -> memref<1x128xi32, #tpu.memory_space<vmem>>
      %dma_start3A_247 = tpu.memref_squeeze %dma_start3A_246 : memref<1x128xi32, #tpu.memory_space<vmem>> -> memref<128xi32, #tpu.memory_space<vmem>>
      %dma_start3A_248 = arith.constant 0 : i32
      %dma_start3A_249 = arith.constant 0 : i32
      %dma_start3A_250 = tpu.memref_slice %arg2[%arg0, %dma_start3A_248, %dma_start3A_249] : memref<2x10240x128xf32, #tpu.memory_space<hbm>> -> memref<1x10240x128xf32, #tpu.memory_space<hbm>>
      %dma_start3A_251 = tpu.memref_squeeze %dma_start3A_250 : memref<1x10240x128xf32, #tpu.memory_space<hbm>> -> memref<10240x128xf32, #tpu.memory_space<hbm>>
      %dma_start3A_252 = arith.constant 0 : i32
      %dma_start3A_253 = arith.constant 0 : i32
      %dma_start3A_254 = tpu.memref_slice %dma_start3A_251[%dma_start3A_252, %dma_start3A_253] : memref<10240x128xf32, #tpu.memory_space<hbm>> -> memref<10240x128xf32, #tpu.memory_space<hbm>>
      tpu.enqueue_indirect_dma source(%dma_start3A_254 : memref<10240x128xf32, #tpu.memory_space<hbm>>) target(%arg9 : memref<128x128xf32, #tpu.memory_space<vmem>>) offsets(%dma_start3A_247 : memref<128xi32, #tpu.memory_space<vmem>>) semaphore(%arg12 : memref<!tpu.dma_semaphore, #tpu.memory_space<semaphore_mem>>)
      %dma_wait3A_255 = arith.constant 0 : i32
      %dma_wait3A_256 = tpu.memref_slice %arg6[%mul3A_243, %dma_wait3A_255] : memref<32x128xi32, #tpu.memory_space<vmem>> -> memref<1x128xi32, #tpu.memory_space<vmem>>
      %dma_wait3A_257 = tpu.memref_squeeze %dma_wait3A_256 : memref<1x128xi32, #tpu.memory_space<vmem>> -> memref<128xi32, #tpu.memory_space<vmem>>
      %dma_wait3A_258 = arith.constant 0 : i32
      %dma_wait3A_259 = arith.constant 0 : i32
      %dma_wait3A_260 = tpu.memref_slice %arg2[%arg0, %dma_wait3A_258, %dma_wait3A_259] : memref<2x10240x128xf32, #tpu.memory_space<hbm>> -> memref<1x10240x128xf32, #tpu.memory_space<hbm>>
      %dma_wait3A_261 = tpu.memref_squeeze %dma_wait3A_260 : memref<1x10240x128xf32, #tpu.memory_space<hbm>> -> memref<10240x128xf32, #tpu.memory_space<hbm>>
      %dma_wait3A_262 = arith.constant 0 : i32
      %dma_wait3A_263 = arith.constant 0 : i32
      %dma_wait3A_264 = tpu.memref_slice %dma_wait3A_261[%dma_wait3A_262, %dma_wait3A_263] : memref<10240x128xf32, #tpu.memory_space<hbm>> -> memref<10240x128xf32, #tpu.memory_space<hbm>>
      tpu.wait_indirect_dma semaphore(%arg11 : memref<!tpu.dma_semaphore, #tpu.memory_space<semaphore_mem>>) src(%dma_wait3A_264 : memref<10240x128xf32, #tpu.memory_space<hbm>>) dst(%arg8 : memref<128x128xf32, #tpu.memory_space<vmem>>)
      "tpu.region"() ({
        %run_scoped3A_287 = tpu.sem_alloc : memref<!tpu.dma_semaphore, #tpu.memory_space<semaphore_mem>>
        %dma_start3A_288 = arith.constant 0 : i32
        %dma_start3A_289 = tpu.memref_slice %arg7[%mul3A_243, %dma_start3A_288] : memref<32x128xi32, #tpu.memory_space<vmem>> -> memref<1x128xi32, #tpu.memory_space<vmem>>
        %dma_start3A_290 = tpu.memref_squeeze %dma_start3A_289 : memref<1x128xi32, #tpu.memory_space<vmem>> -> memref<128xi32, #tpu.memory_space<vmem>>
        %dma_start3A_291 = arith.constant 0 : i32
        %dma_start3A_292 = arith.constant 0 : i32
        %dma_start3A_293 = tpu.memref_slice %arg10[%dma_start3A_291, %dma_start3A_292] : memref<10240x128xf32, #tpu.memory_space<vmem_shared>> -> memref<10240x128xf32, #tpu.memory_space<vmem_shared>>
        tpu.enqueue_indirect_dma source(%arg8 : memref<128x128xf32, #tpu.memory_space<vmem>>) target(%dma_start3A_293 : memref<10240x128xf32, #tpu.memory_space<vmem_shared>>) offsets(%dma_start3A_290 : memref<128xi32, #tpu.memory_space<vmem>>) semaphore(%run_scoped3A_287 : memref<!tpu.dma_semaphore, #tpu.memory_space<semaphore_mem>>) {add = true}
        %dma_wait3A_294 = arith.constant 0 : i32
        %dma_wait3A_295 = tpu.memref_slice %arg7[%mul3A_243, %dma_wait3A_294] : memref<32x128xi32, #tpu.memory_space<vmem>> -> memref<1x128xi32, #tpu.memory_space<vmem>>
        %dma_wait3A_296 = tpu.memref_squeeze %dma_wait3A_295 : memref<1x128xi32, #tpu.memory_space<vmem>> -> memref<128xi32, #tpu.memory_space<vmem>>
        %dma_wait3A_297 = arith.constant 0 : i32
        %dma_wait3A_298 = arith.constant 0 : i32
        %dma_wait3A_299 = tpu.memref_slice %arg10[%dma_wait3A_297, %dma_wait3A_298] : memref<10240x128xf32, #tpu.memory_space<vmem_shared>> -> memref<10240x128xf32, #tpu.memory_space<vmem_shared>>
        tpu.wait_indirect_dma semaphore(%run_scoped3A_287 : memref<!tpu.dma_semaphore, #tpu.memory_space<semaphore_mem>>) src(%arg8 : memref<128x128xf32, #tpu.memory_space<vmem>>) dst(%dma_wait3A_299 : memref<10240x128xf32, #tpu.memory_space<vmem_shared>>)
        tpu.yield
      }) : () -> ()
      %add3A_265 = arith.constant 2 : i32
      %add3A_266 = arith.addi %mul3A_243, %add3A_265 : i32
      %dma_start3A_267 = arith.constant 0 : i32
      %dma_start3A_268 = tpu.memref_slice %arg6[%add3A_266, %dma_start3A_267] : memref<32x128xi32, #tpu.memory_space<vmem>> -> memref<1x128xi32, #tpu.memory_space<vmem>>
      %dma_start3A_269 = tpu.memref_squeeze %dma_start3A_268 : memref<1x128xi32, #tpu.memory_space<vmem>> -> memref<128xi32, #tpu.memory_space<vmem>>
      %dma_start3A_270 = arith.constant 0 : i32
      %dma_start3A_271 = arith.constant 0 : i32
      %dma_start3A_272 = tpu.memref_slice %arg2[%arg0, %dma_start3A_270, %dma_start3A_271] : memref<2x10240x128xf32, #tpu.memory_space<hbm>> -> memref<1x10240x128xf32, #tpu.memory_space<hbm>>
      %dma_start3A_273 = tpu.memref_squeeze %dma_start3A_272 : memref<1x10240x128xf32, #tpu.memory_space<hbm>> -> memref<10240x128xf32, #tpu.memory_space<hbm>>
      %dma_start3A_274 = arith.constant 0 : i32
      %dma_start3A_275 = arith.constant 0 : i32
      %dma_start3A_276 = tpu.memref_slice %dma_start3A_273[%dma_start3A_274, %dma_start3A_275] : memref<10240x128xf32, #tpu.memory_space<hbm>> -> memref<10240x128xf32, #tpu.memory_space<hbm>>
      tpu.enqueue_indirect_dma source(%dma_start3A_276 : memref<10240x128xf32, #tpu.memory_space<hbm>>) target(%arg8 : memref<128x128xf32, #tpu.memory_space<vmem>>) offsets(%dma_start3A_269 : memref<128xi32, #tpu.memory_space<vmem>>) semaphore(%arg11 : memref<!tpu.dma_semaphore, #tpu.memory_space<semaphore_mem>>)
      %dma_wait3A_277 = arith.constant 0 : i32
      %dma_wait3A_278 = tpu.memref_slice %arg6[%add3A_244, %dma_wait3A_277] : memref<32x128xi32, #tpu.memory_space<vmem>> -> memref<1x128xi32, #tpu.memory_space<vmem>>
      %dma_wait3A_279 = tpu.memref_squeeze %dma_wait3A_278 : memref<1x128xi32, #tpu.memory_space<vmem>> -> memref<128xi32, #tpu.memory_space<vmem>>
      %dma_wait3A_280 = arith.constant 0 : i32
      %dma_wait3A_281 = arith.constant 0 : i32
      %dma_wait3A_282 = tpu.memref_slice %arg2[%arg0, %dma_wait3A_280, %dma_wait3A_281] : memref<2x10240x128xf32, #tpu.memory_space<hbm>> -> memref<1x10240x128xf32, #tpu.memory_space<hbm>>
      %dma_wait3A_283 = tpu.memref_squeeze %dma_wait3A_282 : memref<1x10240x128xf32, #tpu.memory_space<hbm>> -> memref<10240x128xf32, #tpu.memory_space<hbm>>
      %dma_wait3A_284 = arith.constant 0 : i32
      %dma_wait3A_285 = arith.constant 0 : i32
      %dma_wait3A_286 = tpu.memref_slice %dma_wait3A_283[%dma_wait3A_284, %dma_wait3A_285] : memref<10240x128xf32, #tpu.memory_space<hbm>> -> memref<10240x128xf32, #tpu.memory_space<hbm>>
      tpu.wait_indirect_dma semaphore(%arg12 : memref<!tpu.dma_semaphore, #tpu.memory_space<semaphore_mem>>) src(%dma_wait3A_286 : memref<10240x128xf32, #tpu.memory_space<hbm>>) dst(%arg9 : memref<128x128xf32, #tpu.memory_space<vmem>>)
      "tpu.region"() ({
        %run_scoped3A_287 = tpu.sem_alloc : memref<!tpu.dma_semaphore, #tpu.memory_space<semaphore_mem>>
        %dma_start3A_288 = arith.constant 0 : i32
        %dma_start3A_289 = tpu.memref_slice %arg7[%add3A_244, %dma_start3A_288] : memref<32x128xi32, #tpu.memory_space<vmem>> -> memref<1x128xi32, #tpu.memory_space<vmem>>
        %dma_start3A_290 = tpu.memref_squeeze %dma_start3A_289 : memref<1x128xi32, #tpu.memory_space<vmem>> -> memref<128xi32, #tpu.memory_space<vmem>>
        %dma_start3A_291 = arith.constant 0 : i32
        %dma_start3A_292 = arith.constant 0 : i32
        %dma_start3A_293 = tpu.memref_slice %arg10[%dma_start3A_291, %dma_start3A_292] : memref<10240x128xf32, #tpu.memory_space<vmem_shared>> -> memref<10240x128xf32, #tpu.memory_space<vmem_shared>>
        tpu.enqueue_indirect_dma source(%arg9 : memref<128x128xf32, #tpu.memory_space<vmem>>) target(%dma_start3A_293 : memref<10240x128xf32, #tpu.memory_space<vmem_shared>>) offsets(%dma_start3A_290 : memref<128xi32, #tpu.memory_space<vmem>>) semaphore(%run_scoped3A_287 : memref<!tpu.dma_semaphore, #tpu.memory_space<semaphore_mem>>) {add = true}
        %dma_wait3A_294 = arith.constant 0 : i32
        %dma_wait3A_295 = tpu.memref_slice %arg7[%add3A_244, %dma_wait3A_294] : memref<32x128xi32, #tpu.memory_space<vmem>> -> memref<1x128xi32, #tpu.memory_space<vmem>>
        %dma_wait3A_296 = tpu.memref_squeeze %dma_wait3A_295 : memref<1x128xi32, #tpu.memory_space<vmem>> -> memref<128xi32, #tpu.memory_space<vmem>>
        %dma_wait3A_297 = arith.constant 0 : i32
        %dma_wait3A_298 = arith.constant 0 : i32
        %dma_wait3A_299 = tpu.memref_slice %arg10[%dma_wait3A_297, %dma_wait3A_298] : memref<10240x128xf32, #tpu.memory_space<vmem_shared>> -> memref<10240x128xf32, #tpu.memory_space<vmem_shared>>
        tpu.wait_indirect_dma semaphore(%run_scoped3A_287 : memref<!tpu.dma_semaphore, #tpu.memory_space<semaphore_mem>>) src(%arg9 : memref<128x128xf32, #tpu.memory_space<vmem>>) dst(%dma_wait3A_299 : memref<10240x128xf32, #tpu.memory_space<vmem_shared>>)
        tpu.yield
      }) : () -> ()
    }
    %scan3A_67 = arith.constant 15 : i32
    %dma_start3A_68 = arith.constant 31 : i32
    %dma_start3A_69 = arith.constant 0 : i32
    %dma_start3A_70 = tpu.memref_slice %arg6[%dma_start3A_68, %dma_start3A_69] : memref<32x128xi32, #tpu.memory_space<vmem>> -> memref<1x128xi32, #tpu.memory_space<vmem>>
    %dma_start3A_71 = tpu.memref_squeeze %dma_start3A_70 : memref<1x128xi32, #tpu.memory_space<vmem>> -> memref<128xi32, #tpu.memory_space<vmem>>
    %dma_start3A_72 = arith.constant 0 : i32
    %dma_start3A_73 = arith.constant 0 : i32
    %dma_start3A_74 = tpu.memref_slice %arg2[%arg0, %dma_start3A_72, %dma_start3A_73] : memref<2x10240x128xf32, #tpu.memory_space<hbm>> -> memref<1x10240x128xf32, #tpu.memory_space<hbm>>
    %dma_start3A_75 = tpu.memref_squeeze %dma_start3A_74 : memref<1x10240x128xf32, #tpu.memory_space<hbm>> -> memref<10240x128xf32, #tpu.memory_space<hbm>>
    %dma_start3A_76 = arith.constant 0 : i32
    %dma_start3A_77 = arith.constant 0 : i32
    %dma_start3A_78 = tpu.memref_slice %dma_start3A_75[%dma_start3A_76, %dma_start3A_77] : memref<10240x128xf32, #tpu.memory_space<hbm>> -> memref<10240x128xf32, #tpu.memory_space<hbm>>
    tpu.enqueue_indirect_dma source(%dma_start3A_78 : memref<10240x128xf32, #tpu.memory_space<hbm>>) target(%arg9 : memref<128x128xf32, #tpu.memory_space<vmem>>) offsets(%dma_start3A_71 : memref<128xi32, #tpu.memory_space<vmem>>) semaphore(%arg12 : memref<!tpu.dma_semaphore, #tpu.memory_space<semaphore_mem>>)
    %dma_wait3A_79 = arith.constant 30 : i32
    %dma_wait3A_80 = arith.constant 0 : i32
    %dma_wait3A_81 = tpu.memref_slice %arg6[%dma_wait3A_79, %dma_wait3A_80] : memref<32x128xi32, #tpu.memory_space<vmem>> -> memref<1x128xi32, #tpu.memory_space<vmem>>
    %dma_wait3A_82 = tpu.memref_squeeze %dma_wait3A_81 : memref<1x128xi32, #tpu.memory_space<vmem>> -> memref<128xi32, #tpu.memory_space<vmem>>
    %dma_wait3A_83 = arith.constant 0 : i32
    %dma_wait3A_84 = arith.constant 0 : i32
    %dma_wait3A_85 = tpu.memref_slice %arg2[%arg0, %dma_wait3A_83, %dma_wait3A_84] : memref<2x10240x128xf32, #tpu.memory_space<hbm>> -> memref<1x10240x128xf32, #tpu.memory_space<hbm>>
    %dma_wait3A_86 = tpu.memref_squeeze %dma_wait3A_85 : memref<1x10240x128xf32, #tpu.memory_space<hbm>> -> memref<10240x128xf32, #tpu.memory_space<hbm>>
    %dma_wait3A_87 = arith.constant 0 : i32
    %dma_wait3A_88 = arith.constant 0 : i32
    %dma_wait3A_89 = tpu.memref_slice %dma_wait3A_86[%dma_wait3A_87, %dma_wait3A_88] : memref<10240x128xf32, #tpu.memory_space<hbm>> -> memref<10240x128xf32, #tpu.memory_space<hbm>>
    tpu.wait_indirect_dma semaphore(%arg11 : memref<!tpu.dma_semaphore, #tpu.memory_space<semaphore_mem>>) src(%dma_wait3A_89 : memref<10240x128xf32, #tpu.memory_space<hbm>>) dst(%arg8 : memref<128x128xf32, #tpu.memory_space<vmem>>)
    %run_scoped3A_90 = arith.constant 30 : i32
    "tpu.region"() ({
      %run_scoped3A_241 = tpu.sem_alloc : memref<!tpu.dma_semaphore, #tpu.memory_space<semaphore_mem>>
      %dma_start3A_242 = arith.constant 0 : i32
      %dma_start3A_243 = tpu.memref_slice %arg7[%run_scoped3A_90, %dma_start3A_242] : memref<32x128xi32, #tpu.memory_space<vmem>> -> memref<1x128xi32, #tpu.memory_space<vmem>>
      %dma_start3A_244 = tpu.memref_squeeze %dma_start3A_243 : memref<1x128xi32, #tpu.memory_space<vmem>> -> memref<128xi32, #tpu.memory_space<vmem>>
      %dma_start3A_245 = arith.constant 0 : i32
      %dma_start3A_246 = arith.constant 0 : i32
      %dma_start3A_247 = tpu.memref_slice %arg10[%dma_start3A_245, %dma_start3A_246] : memref<10240x128xf32, #tpu.memory_space<vmem_shared>> -> memref<10240x128xf32, #tpu.memory_space<vmem_shared>>
      tpu.enqueue_indirect_dma source(%arg8 : memref<128x128xf32, #tpu.memory_space<vmem>>) target(%dma_start3A_247 : memref<10240x128xf32, #tpu.memory_space<vmem_shared>>) offsets(%dma_start3A_244 : memref<128xi32, #tpu.memory_space<vmem>>) semaphore(%run_scoped3A_241 : memref<!tpu.dma_semaphore, #tpu.memory_space<semaphore_mem>>) {add = true}
      %dma_wait3A_248 = arith.constant 0 : i32
      %dma_wait3A_249 = tpu.memref_slice %arg7[%run_scoped3A_90, %dma_wait3A_248] : memref<32x128xi32, #tpu.memory_space<vmem>> -> memref<1x128xi32, #tpu.memory_space<vmem>>
      %dma_wait3A_250 = tpu.memref_squeeze %dma_wait3A_249 : memref<1x128xi32, #tpu.memory_space<vmem>> -> memref<128xi32, #tpu.memory_space<vmem>>
      %dma_wait3A_251 = arith.constant 0 : i32
      %dma_wait3A_252 = arith.constant 0 : i32
      %dma_wait3A_253 = tpu.memref_slice %arg10[%dma_wait3A_251, %dma_wait3A_252] : memref<10240x128xf32, #tpu.memory_space<vmem_shared>> -> memref<10240x128xf32, #tpu.memory_space<vmem_shared>>
      tpu.wait_indirect_dma semaphore(%run_scoped3A_241 : memref<!tpu.dma_semaphore, #tpu.memory_space<semaphore_mem>>) src(%arg8 : memref<128x128xf32, #tpu.memory_space<vmem>>) dst(%dma_wait3A_253 : memref<10240x128xf32, #tpu.memory_space<vmem_shared>>)
      tpu.yield
    }) : () -> ()
    %dma_wait3A_91 = arith.constant 31 : i32
    %dma_wait3A_92 = arith.constant 0 : i32
    %dma_wait3A_93 = tpu.memref_slice %arg6[%dma_wait3A_91, %dma_wait3A_92] : memref<32x128xi32, #tpu.memory_space<vmem>> -> memref<1x128xi32, #tpu.memory_space<vmem>>
    %dma_wait3A_94 = tpu.memref_squeeze %dma_wait3A_93 : memref<1x128xi32, #tpu.memory_space<vmem>> -> memref<128xi32, #tpu.memory_space<vmem>>
    %dma_wait3A_95 = arith.constant 0 : i32
    %dma_wait3A_96 = arith.constant 0 : i32
    %dma_wait3A_97 = tpu.memref_slice %arg2[%arg0, %dma_wait3A_95, %dma_wait3A_96] : memref<2x10240x128xf32, #tpu.memory_space<hbm>> -> memref<1x10240x128xf32, #tpu.memory_space<hbm>>
    %dma_wait3A_98 = tpu.memref_squeeze %dma_wait3A_97 : memref<1x10240x128xf32, #tpu.memory_space<hbm>> -> memref<10240x128xf32, #tpu.memory_space<hbm>>
    %dma_wait3A_99 = arith.constant 0 : i32
    %dma_wait3A_100 = arith.constant 0 : i32
    %dma_wait3A_101 = tpu.memref_slice %dma_wait3A_98[%dma_wait3A_99, %dma_wait3A_100] : memref<10240x128xf32, #tpu.memory_space<hbm>> -> memref<10240x128xf32, #tpu.memory_space<hbm>>
    tpu.wait_indirect_dma semaphore(%arg12 : memref<!tpu.dma_semaphore, #tpu.memory_space<semaphore_mem>>) src(%dma_wait3A_101 : memref<10240x128xf32, #tpu.memory_space<hbm>>) dst(%arg9 : memref<128x128xf32, #tpu.memory_space<vmem>>)
    %run_scoped3A_102 = arith.constant 31 : i32
    "tpu.region"() ({
      %run_scoped3A_241 = tpu.sem_alloc : memref<!tpu.dma_semaphore, #tpu.memory_space<semaphore_mem>>
      %dma_start3A_242 = arith.constant 0 : i32
      %dma_start3A_243 = tpu.memref_slice %arg7[%run_scoped3A_102, %dma_start3A_242] : memref<32x128xi32, #tpu.memory_space<vmem>> -> memref<1x128xi32, #tpu.memory_space<vmem>>
      %dma_start3A_244 = tpu.memref_squeeze %dma_start3A_243 : memref<1x128xi32, #tpu.memory_space<vmem>> -> memref<128xi32, #tpu.memory_space<vmem>>
      %dma_start3A_245 = arith.constant 0 : i32
      %dma_start3A_246 = arith.constant 0 : i32
      %dma_start3A_247 = tpu.memref_slice %arg10[%dma_start3A_245, %dma_start3A_246] : memref<10240x128xf32, #tpu.memory_space<vmem_shared>> -> memref<10240x128xf32, #tpu.memory_space<vmem_shared>>
      tpu.enqueue_indirect_dma source(%arg9 : memref<128x128xf32, #tpu.memory_space<vmem>>) target(%dma_start3A_247 : memref<10240x128xf32, #tpu.memory_space<vmem_shared>>) offsets(%dma_start3A_244 : memref<128xi32, #tpu.memory_space<vmem>>) semaphore(%run_scoped3A_241 : memref<!tpu.dma_semaphore, #tpu.memory_space<semaphore_mem>>) {add = true}
      %dma_wait3A_248 = arith.constant 0 : i32
      %dma_wait3A_249 = tpu.memref_slice %arg7[%run_scoped3A_102, %dma_wait3A_248] : memref<32x128xi32, #tpu.memory_space<vmem>> -> memref<1x128xi32, #tpu.memory_space<vmem>>
      %dma_wait3A_250 = tpu.memref_squeeze %dma_wait3A_249 : memref<1x128xi32, #tpu.memory_space<vmem>> -> memref<128xi32, #tpu.memory_space<vmem>>
      %dma_wait3A_251 = arith.constant 0 : i32
      %dma_wait3A_252 = arith.constant 0 : i32
      %dma_wait3A_253 = tpu.memref_slice %arg10[%dma_wait3A_251, %dma_wait3A_252] : memref<10240x128xf32, #tpu.memory_space<vmem_shared>> -> memref<10240x128xf32, #tpu.memory_space<vmem_shared>>
      tpu.wait_indirect_dma semaphore(%run_scoped3A_241 : memref<!tpu.dma_semaphore, #tpu.memory_space<semaphore_mem>>) src(%arg9 : memref<128x128xf32, #tpu.memory_space<vmem>>) dst(%dma_wait3A_253 : memref<10240x128xf32, #tpu.memory_space<vmem_shared>>)
      tpu.yield
    }) : () -> ()
    "tpu.region"() ({
      %run_scoped3A_241 = tpu.sem_alloc : memref<!tpu.dma_semaphore, #tpu.memory_space<semaphore_mem>>
      %dma_start3A_242 = arith.constant 0 : i32
      %dma_start3A_243 = arith.constant 0 : i32
      %dma_start3A_244 = tpu.memref_slice %arg6[%dma_start3A_242, %dma_start3A_243] : memref<32x128xi32, #tpu.memory_space<vmem>> -> memref<32x128xi32, #tpu.memory_space<vmem>>
      %dma_start3A_245 = arith.constant 64 : i32
      %dma_start3A_246 = arith.constant 0 : i32
      %dma_start3A_247 = tpu.memref_slice %arg3[%arg0, %arg1, %dma_start3A_245, %dma_start3A_246] : memref<2x16x157x128xi32, #tpu.memory_space<hbm>> -> memref<1x1x32x128xi32, #tpu.memory_space<hbm>>
      %dma_start3A_248 = tpu.memref_squeeze %dma_start3A_247 : memref<1x1x32x128xi32, #tpu.memory_space<hbm>> -> memref<32x128xi32, #tpu.memory_space<hbm>>
      %dma_start3A_249 = arith.constant 0 : i32
      %dma_start3A_250 = arith.constant 0 : i32
      %dma_start3A_251 = tpu.memref_slice %arg6[%dma_start3A_249, %dma_start3A_250] : memref<32x128xi32, #tpu.memory_space<vmem>> -> memref<32x128xi32, #tpu.memory_space<vmem>>
      %dma_start3A_252 = arith.constant 64 : i32
      %dma_start3A_253 = arith.constant 0 : i32
      %dma_start3A_254 = tpu.memref_slice %arg3[%arg0, %arg1, %dma_start3A_252, %dma_start3A_253] : memref<2x16x157x128xi32, #tpu.memory_space<hbm>> -> memref<1x1x32x128xi32, #tpu.memory_space<hbm>>
      %dma_start3A_255 = tpu.memref_squeeze %dma_start3A_254 : memref<1x1x32x128xi32, #tpu.memory_space<hbm>> -> memref<32x128xi32, #tpu.memory_space<hbm>>
      tpu.enqueue_dma source(%dma_start3A_255 : memref<32x128xi32, #tpu.memory_space<hbm>>) target(%dma_start3A_251 : memref<32x128xi32, #tpu.memory_space<vmem>>) target_semaphore(%run_scoped3A_241 : memref<!tpu.dma_semaphore, #tpu.memory_space<semaphore_mem>>)
      %dma_wait3A_256 = arith.constant 0 : i32
      %dma_wait3A_257 = arith.constant 0 : i32
      %dma_wait3A_258 = tpu.memref_slice %arg6[%dma_wait3A_256, %dma_wait3A_257] : memref<32x128xi32, #tpu.memory_space<vmem>> -> memref<32x128xi32, #tpu.memory_space<vmem>>
      %dma_wait3A_259 = arith.constant 64 : i32
      %dma_wait3A_260 = arith.constant 0 : i32
      %dma_wait3A_261 = tpu.memref_slice %arg3[%arg0, %arg1, %dma_wait3A_259, %dma_wait3A_260] : memref<2x16x157x128xi32, #tpu.memory_space<hbm>> -> memref<1x1x32x128xi32, #tpu.memory_space<hbm>>
      %dma_wait3A_262 = tpu.memref_squeeze %dma_wait3A_261 : memref<1x1x32x128xi32, #tpu.memory_space<hbm>> -> memref<32x128xi32, #tpu.memory_space<hbm>>
      %dma_wait3A_263 = arith.constant 0 : i32
      %dma_wait3A_264 = arith.constant 0 : i32
      %dma_wait3A_265 = tpu.memref_slice %arg6[%dma_wait3A_263, %dma_wait3A_264] : memref<32x128xi32, #tpu.memory_space<vmem>> -> memref<32x128xi32, #tpu.memory_space<vmem>>
      %dma_wait3A_266 = arith.constant 64 : i32
      %dma_wait3A_267 = arith.constant 0 : i32
      %dma_wait3A_268 = tpu.memref_slice %arg3[%arg0, %arg1, %dma_wait3A_266, %dma_wait3A_267] : memref<2x16x157x128xi32, #tpu.memory_space<hbm>> -> memref<1x1x32x128xi32, #tpu.memory_space<hbm>>
      %dma_wait3A_269 = tpu.memref_squeeze %dma_wait3A_268 : memref<1x1x32x128xi32, #tpu.memory_space<hbm>> -> memref<32x128xi32, #tpu.memory_space<hbm>>
      tpu.wait_dma2 semaphore(%run_scoped3A_241 : memref<!tpu.dma_semaphore, #tpu.memory_space<semaphore_mem>>) src(%dma_wait3A_269 : memref<32x128xi32, #tpu.memory_space<hbm>>) dst(%dma_wait3A_265 : memref<32x128xi32, #tpu.memory_space<vmem>>)
      tpu.yield
    }) : () -> ()
    "tpu.region"() ({
      %run_scoped3A_241 = tpu.sem_alloc : memref<!tpu.dma_semaphore, #tpu.memory_space<semaphore_mem>>
      %dma_start3A_242 = arith.constant 0 : i32
      %dma_start3A_243 = arith.constant 0 : i32
      %dma_start3A_244 = tpu.memref_slice %arg7[%dma_start3A_242, %dma_start3A_243] : memref<32x128xi32, #tpu.memory_space<vmem>> -> memref<32x128xi32, #tpu.memory_space<vmem>>
      %dma_start3A_245 = arith.constant 64 : i32
      %dma_start3A_246 = arith.constant 0 : i32
      %dma_start3A_247 = tpu.memref_slice %arg4[%arg0, %arg1, %dma_start3A_245, %dma_start3A_246] : memref<2x16x157x128xi32, #tpu.memory_space<hbm>> -> memref<1x1x32x128xi32, #tpu.memory_space<hbm>>
      %dma_start3A_248 = tpu.memref_squeeze %dma_start3A_247 : memref<1x1x32x128xi32, #tpu.memory_space<hbm>> -> memref<32x128xi32, #tpu.memory_space<hbm>>
      %dma_start3A_249 = arith.constant 0 : i32
      %dma_start3A_250 = arith.constant 0 : i32
      %dma_start3A_251 = tpu.memref_slice %arg7[%dma_start3A_249, %dma_start3A_250] : memref<32x128xi32, #tpu.memory_space<vmem>> -> memref<32x128xi32, #tpu.memory_space<vmem>>
      %dma_start3A_252 = arith.constant 64 : i32
      %dma_start3A_253 = arith.constant 0 : i32
      %dma_start3A_254 = tpu.memref_slice %arg4[%arg0, %arg1, %dma_start3A_252, %dma_start3A_253] : memref<2x16x157x128xi32, #tpu.memory_space<hbm>> -> memref<1x1x32x128xi32, #tpu.memory_space<hbm>>
      %dma_start3A_255 = tpu.memref_squeeze %dma_start3A_254 : memref<1x1x32x128xi32, #tpu.memory_space<hbm>> -> memref<32x128xi32, #tpu.memory_space<hbm>>
      tpu.enqueue_dma source(%dma_start3A_255 : memref<32x128xi32, #tpu.memory_space<hbm>>) target(%dma_start3A_251 : memref<32x128xi32, #tpu.memory_space<vmem>>) target_semaphore(%run_scoped3A_241 : memref<!tpu.dma_semaphore, #tpu.memory_space<semaphore_mem>>)
      %dma_wait3A_256 = arith.constant 0 : i32
      %dma_wait3A_257 = arith.constant 0 : i32
      %dma_wait3A_258 = tpu.memref_slice %arg7[%dma_wait3A_256, %dma_wait3A_257] : memref<32x128xi32, #tpu.memory_space<vmem>> -> memref<32x128xi32, #tpu.memory_space<vmem>>
      %dma_wait3A_259 = arith.constant 64 : i32
      %dma_wait3A_260 = arith.constant 0 : i32
      %dma_wait3A_261 = tpu.memref_slice %arg4[%arg0, %arg1, %dma_wait3A_259, %dma_wait3A_260] : memref<2x16x157x128xi32, #tpu.memory_space<hbm>> -> memref<1x1x32x128xi32, #tpu.memory_space<hbm>>
      %dma_wait3A_262 = tpu.memref_squeeze %dma_wait3A_261 : memref<1x1x32x128xi32, #tpu.memory_space<hbm>> -> memref<32x128xi32, #tpu.memory_space<hbm>>
      %dma_wait3A_263 = arith.constant 0 : i32
      %dma_wait3A_264 = arith.constant 0 : i32
      %dma_wait3A_265 = tpu.memref_slice %arg7[%dma_wait3A_263, %dma_wait3A_264] : memref<32x128xi32, #tpu.memory_space<vmem>> -> memref<32x128xi32, #tpu.memory_space<vmem>>
      %dma_wait3A_266 = arith.constant 64 : i32
      %dma_wait3A_267 = arith.constant 0 : i32
      %dma_wait3A_268 = tpu.memref_slice %arg4[%arg0, %arg1, %dma_wait3A_266, %dma_wait3A_267] : memref<2x16x157x128xi32, #tpu.memory_space<hbm>> -> memref<1x1x32x128xi32, #tpu.memory_space<hbm>>
      %dma_wait3A_269 = tpu.memref_squeeze %dma_wait3A_268 : memref<1x1x32x128xi32, #tpu.memory_space<hbm>> -> memref<32x128xi32, #tpu.memory_space<hbm>>
      tpu.wait_dma2 semaphore(%run_scoped3A_241 : memref<!tpu.dma_semaphore, #tpu.memory_space<semaphore_mem>>) src(%dma_wait3A_269 : memref<32x128xi32, #tpu.memory_space<hbm>>) dst(%dma_wait3A_265 : memref<32x128xi32, #tpu.memory_space<vmem>>)
      tpu.yield
    }) : () -> ()
    %dma_start3A_103 = arith.constant 0 : i32
    %dma_start3A_104 = arith.constant 0 : i32
    %dma_start3A_105 = tpu.memref_slice %arg6[%dma_start3A_103, %dma_start3A_104] : memref<32x128xi32, #tpu.memory_space<vmem>> -> memref<1x128xi32, #tpu.memory_space<vmem>>
    %dma_start3A_106 = tpu.memref_squeeze %dma_start3A_105 : memref<1x128xi32, #tpu.memory_space<vmem>> -> memref<128xi32, #tpu.memory_space<vmem>>
    %dma_start3A_107 = arith.constant 0 : i32
    %dma_start3A_108 = arith.constant 0 : i32
    %dma_start3A_109 = tpu.memref_slice %arg2[%arg0, %dma_start3A_107, %dma_start3A_108] : memref<2x10240x128xf32, #tpu.memory_space<hbm>> -> memref<1x10240x128xf32, #tpu.memory_space<hbm>>
    %dma_start3A_110 = tpu.memref_squeeze %dma_start3A_109 : memref<1x10240x128xf32, #tpu.memory_space<hbm>> -> memref<10240x128xf32, #tpu.memory_space<hbm>>
    %dma_start3A_111 = arith.constant 0 : i32
    %dma_start3A_112 = arith.constant 0 : i32
    %dma_start3A_113 = tpu.memref_slice %dma_start3A_110[%dma_start3A_111, %dma_start3A_112] : memref<10240x128xf32, #tpu.memory_space<hbm>> -> memref<10240x128xf32, #tpu.memory_space<hbm>>
    tpu.enqueue_indirect_dma source(%dma_start3A_113 : memref<10240x128xf32, #tpu.memory_space<hbm>>) target(%arg8 : memref<128x128xf32, #tpu.memory_space<vmem>>) offsets(%dma_start3A_106 : memref<128xi32, #tpu.memory_space<vmem>>) semaphore(%arg11 : memref<!tpu.dma_semaphore, #tpu.memory_space<semaphore_mem>>)
    %scan3A_114 = arith.constant 0 : i32
    %scan3A_115 = arith.constant 0 : i32
    %scan3A_116 = arith.constant 15 : i32
    %scan3A_117 = arith.addi %scan3A_115, %scan3A_116 : i32
    %scan3A_118 = arith.constant 1 : i32
    scf.for %scan3A_241 = %scan3A_115 to %scan3A_117 step %scan3A_118  : i32 {
      %mul3A_242 = arith.constant 2 : i32
      %mul3A_243 = arith.muli %mul3A_242, %scan3A_241 : i32
      %add3A = arith.constant 1 : i32
      %add3A_244 = arith.addi %mul3A_243, %add3A : i32
      %dma_start3A_245 = arith.constant 0 : i32
      %dma_start3A_246 = tpu.memref_slice %arg6[%add3A_244, %dma_start3A_245] : memref<32x128xi32, #tpu.memory_space<vmem>> -> memref<1x128xi32, #tpu.memory_space<vmem>>
      %dma_start3A_247 = tpu.memref_squeeze %dma_start3A_246 : memref<1x128xi32, #tpu.memory_space<vmem>> -> memref<128xi32, #tpu.memory_space<vmem>>
      %dma_start3A_248 = arith.constant 0 : i32
      %dma_start3A_249 = arith.constant 0 : i32
      %dma_start3A_250 = tpu.memref_slice %arg2[%arg0, %dma_start3A_248, %dma_start3A_249] : memref<2x10240x128xf32, #tpu.memory_space<hbm>> -> memref<1x10240x128xf32, #tpu.memory_space<hbm>>
      %dma_start3A_251 = tpu.memref_squeeze %dma_start3A_250 : memref<1x10240x128xf32, #tpu.memory_space<hbm>> -> memref<10240x128xf32, #tpu.memory_space<hbm>>
      %dma_start3A_252 = arith.constant 0 : i32
      %dma_start3A_253 = arith.constant 0 : i32
      %dma_start3A_254 = tpu.memref_slice %dma_start3A_251[%dma_start3A_252, %dma_start3A_253] : memref<10240x128xf32, #tpu.memory_space<hbm>> -> memref<10240x128xf32, #tpu.memory_space<hbm>>
      tpu.enqueue_indirect_dma source(%dma_start3A_254 : memref<10240x128xf32, #tpu.memory_space<hbm>>) target(%arg9 : memref<128x128xf32, #tpu.memory_space<vmem>>) offsets(%dma_start3A_247 : memref<128xi32, #tpu.memory_space<vmem>>) semaphore(%arg12 : memref<!tpu.dma_semaphore, #tpu.memory_space<semaphore_mem>>)
      %dma_wait3A_255 = arith.constant 0 : i32
      %dma_wait3A_256 = tpu.memref_slice %arg6[%mul3A_243, %dma_wait3A_255] : memref<32x128xi32, #tpu.memory_space<vmem>> -> memref<1x128xi32, #tpu.memory_space<vmem>>
      %dma_wait3A_257 = tpu.memref_squeeze %dma_wait3A_256 : memref<1x128xi32, #tpu.memory_space<vmem>> -> memref<128xi32, #tpu.memory_space<vmem>>
      %dma_wait3A_258 = arith.constant 0 : i32
      %dma_wait3A_259 = arith.constant 0 : i32
      %dma_wait3A_260 = tpu.memref_slice %arg2[%arg0, %dma_wait3A_258, %dma_wait3A_259] : memref<2x10240x128xf32, #tpu.memory_space<hbm>> -> memref<1x10240x128xf32, #tpu.memory_space<hbm>>
      %dma_wait3A_261 = tpu.memref_squeeze %dma_wait3A_260 : memref<1x10240x128xf32, #tpu.memory_space<hbm>> -> memref<10240x128xf32, #tpu.memory_space<hbm>>
      %dma_wait3A_262 = arith.constant 0 : i32
      %dma_wait3A_263 = arith.constant 0 : i32
      %dma_wait3A_264 = tpu.memref_slice %dma_wait3A_261[%dma_wait3A_262, %dma_wait3A_263] : memref<10240x128xf32, #tpu.memory_space<hbm>> -> memref<10240x128xf32, #tpu.memory_space<hbm>>
      tpu.wait_indirect_dma semaphore(%arg11 : memref<!tpu.dma_semaphore, #tpu.memory_space<semaphore_mem>>) src(%dma_wait3A_264 : memref<10240x128xf32, #tpu.memory_space<hbm>>) dst(%arg8 : memref<128x128xf32, #tpu.memory_space<vmem>>)
      "tpu.region"() ({
        %run_scoped3A_287 = tpu.sem_alloc : memref<!tpu.dma_semaphore, #tpu.memory_space<semaphore_mem>>
        %dma_start3A_288 = arith.constant 0 : i32
        %dma_start3A_289 = tpu.memref_slice %arg7[%mul3A_243, %dma_start3A_288] : memref<32x128xi32, #tpu.memory_space<vmem>> -> memref<1x128xi32, #tpu.memory_space<vmem>>
        %dma_start3A_290 = tpu.memref_squeeze %dma_start3A_289 : memref<1x128xi32, #tpu.memory_space<vmem>> -> memref<128xi32, #tpu.memory_space<vmem>>
        %dma_start3A_291 = arith.constant 0 : i32
        %dma_start3A_292 = arith.constant 0 : i32
        %dma_start3A_293 = tpu.memref_slice %arg10[%dma_start3A_291, %dma_start3A_292] : memref<10240x128xf32, #tpu.memory_space<vmem_shared>> -> memref<10240x128xf32, #tpu.memory_space<vmem_shared>>
        tpu.enqueue_indirect_dma source(%arg8 : memref<128x128xf32, #tpu.memory_space<vmem>>) target(%dma_start3A_293 : memref<10240x128xf32, #tpu.memory_space<vmem_shared>>) offsets(%dma_start3A_290 : memref<128xi32, #tpu.memory_space<vmem>>) semaphore(%run_scoped3A_287 : memref<!tpu.dma_semaphore, #tpu.memory_space<semaphore_mem>>) {add = true}
        %dma_wait3A_294 = arith.constant 0 : i32
        %dma_wait3A_295 = tpu.memref_slice %arg7[%mul3A_243, %dma_wait3A_294] : memref<32x128xi32, #tpu.memory_space<vmem>> -> memref<1x128xi32, #tpu.memory_space<vmem>>
        %dma_wait3A_296 = tpu.memref_squeeze %dma_wait3A_295 : memref<1x128xi32, #tpu.memory_space<vmem>> -> memref<128xi32, #tpu.memory_space<vmem>>
        %dma_wait3A_297 = arith.constant 0 : i32
        %dma_wait3A_298 = arith.constant 0 : i32
        %dma_wait3A_299 = tpu.memref_slice %arg10[%dma_wait3A_297, %dma_wait3A_298] : memref<10240x128xf32, #tpu.memory_space<vmem_shared>> -> memref<10240x128xf32, #tpu.memory_space<vmem_shared>>
        tpu.wait_indirect_dma semaphore(%run_scoped3A_287 : memref<!tpu.dma_semaphore, #tpu.memory_space<semaphore_mem>>) src(%arg8 : memref<128x128xf32, #tpu.memory_space<vmem>>) dst(%dma_wait3A_299 : memref<10240x128xf32, #tpu.memory_space<vmem_shared>>)
        tpu.yield
      }) : () -> ()
      %add3A_265 = arith.constant 2 : i32
      %add3A_266 = arith.addi %mul3A_243, %add3A_265 : i32
      %dma_start3A_267 = arith.constant 0 : i32
      %dma_start3A_268 = tpu.memref_slice %arg6[%add3A_266, %dma_start3A_267] : memref<32x128xi32, #tpu.memory_space<vmem>> -> memref<1x128xi32, #tpu.memory_space<vmem>>
      %dma_start3A_269 = tpu.memref_squeeze %dma_start3A_268 : memref<1x128xi32, #tpu.memory_space<vmem>> -> memref<128xi32, #tpu.memory_space<vmem>>
      %dma_start3A_270 = arith.constant 0 : i32
      %dma_start3A_271 = arith.constant 0 : i32
      %dma_start3A_272 = tpu.memref_slice %arg2[%arg0, %dma_start3A_270, %dma_start3A_271] : memref<2x10240x128xf32, #tpu.memory_space<hbm>> -> memref<1x10240x128xf32, #tpu.memory_space<hbm>>
      %dma_start3A_273 = tpu.memref_squeeze %dma_start3A_272 : memref<1x10240x128xf32, #tpu.memory_space<hbm>> -> memref<10240x128xf32, #tpu.memory_space<hbm>>
      %dma_start3A_274 = arith.constant 0 : i32
      %dma_start3A_275 = arith.constant 0 : i32
      %dma_start3A_276 = tpu.memref_slice %dma_start3A_273[%dma_start3A_274, %dma_start3A_275] : memref<10240x128xf32, #tpu.memory_space<hbm>> -> memref<10240x128xf32, #tpu.memory_space<hbm>>
      tpu.enqueue_indirect_dma source(%dma_start3A_276 : memref<10240x128xf32, #tpu.memory_space<hbm>>) target(%arg8 : memref<128x128xf32, #tpu.memory_space<vmem>>) offsets(%dma_start3A_269 : memref<128xi32, #tpu.memory_space<vmem>>) semaphore(%arg11 : memref<!tpu.dma_semaphore, #tpu.memory_space<semaphore_mem>>)
      %dma_wait3A_277 = arith.constant 0 : i32
      %dma_wait3A_278 = tpu.memref_slice %arg6[%add3A_244, %dma_wait3A_277] : memref<32x128xi32, #tpu.memory_space<vmem>> -> memref<1x128xi32, #tpu.memory_space<vmem>>
      %dma_wait3A_279 = tpu.memref_squeeze %dma_wait3A_278 : memref<1x128xi32, #tpu.memory_space<vmem>> -> memref<128xi32, #tpu.memory_space<vmem>>
      %dma_wait3A_280 = arith.constant 0 : i32
      %dma_wait3A_281 = arith.constant 0 : i32
      %dma_wait3A_282 = tpu.memref_slice %arg2[%arg0, %dma_wait3A_280, %dma_wait3A_281] : memref<2x10240x128xf32, #tpu.memory_space<hbm>> -> memref<1x10240x128xf32, #tpu.memory_space<hbm>>
      %dma_wait3A_283 = tpu.memref_squeeze %dma_wait3A_282 : memref<1x10240x128xf32, #tpu.memory_space<hbm>> -> memref<10240x128xf32, #tpu.memory_space<hbm>>
      %dma_wait3A_284 = arith.constant 0 : i32
      %dma_wait3A_285 = arith.constant 0 : i32
      %dma_wait3A_286 = tpu.memref_slice %dma_wait3A_283[%dma_wait3A_284, %dma_wait3A_285] : memref<10240x128xf32, #tpu.memory_space<hbm>> -> memref<10240x128xf32, #tpu.memory_space<hbm>>
      tpu.wait_indirect_dma semaphore(%arg12 : memref<!tpu.dma_semaphore, #tpu.memory_space<semaphore_mem>>) src(%dma_wait3A_286 : memref<10240x128xf32, #tpu.memory_space<hbm>>) dst(%arg9 : memref<128x128xf32, #tpu.memory_space<vmem>>)
      "tpu.region"() ({
        %run_scoped3A_287 = tpu.sem_alloc : memref<!tpu.dma_semaphore, #tpu.memory_space<semaphore_mem>>
        %dma_start3A_288 = arith.constant 0 : i32
        %dma_start3A_289 = tpu.memref_slice %arg7[%add3A_244, %dma_start3A_288] : memref<32x128xi32, #tpu.memory_space<vmem>> -> memref<1x128xi32, #tpu.memory_space<vmem>>
        %dma_start3A_290 = tpu.memref_squeeze %dma_start3A_289 : memref<1x128xi32, #tpu.memory_space<vmem>> -> memref<128xi32, #tpu.memory_space<vmem>>
        %dma_start3A_291 = arith.constant 0 : i32
        %dma_start3A_292 = arith.constant 0 : i32
        %dma_start3A_293 = tpu.memref_slice %arg10[%dma_start3A_291, %dma_start3A_292] : memref<10240x128xf32, #tpu.memory_space<vmem_shared>> -> memref<10240x128xf32, #tpu.memory_space<vmem_shared>>
        tpu.enqueue_indirect_dma source(%arg9 : memref<128x128xf32, #tpu.memory_space<vmem>>) target(%dma_start3A_293 : memref<10240x128xf32, #tpu.memory_space<vmem_shared>>) offsets(%dma_start3A_290 : memref<128xi32, #tpu.memory_space<vmem>>) semaphore(%run_scoped3A_287 : memref<!tpu.dma_semaphore, #tpu.memory_space<semaphore_mem>>) {add = true}
        %dma_wait3A_294 = arith.constant 0 : i32
        %dma_wait3A_295 = tpu.memref_slice %arg7[%add3A_244, %dma_wait3A_294] : memref<32x128xi32, #tpu.memory_space<vmem>> -> memref<1x128xi32, #tpu.memory_space<vmem>>
        %dma_wait3A_296 = tpu.memref_squeeze %dma_wait3A_295 : memref<1x128xi32, #tpu.memory_space<vmem>> -> memref<128xi32, #tpu.memory_space<vmem>>
        %dma_wait3A_297 = arith.constant 0 : i32
        %dma_wait3A_298 = arith.constant 0 : i32
        %dma_wait3A_299 = tpu.memref_slice %arg10[%dma_wait3A_297, %dma_wait3A_298] : memref<10240x128xf32, #tpu.memory_space<vmem_shared>> -> memref<10240x128xf32, #tpu.memory_space<vmem_shared>>
        tpu.wait_indirect_dma semaphore(%run_scoped3A_287 : memref<!tpu.dma_semaphore, #tpu.memory_space<semaphore_mem>>) src(%arg9 : memref<128x128xf32, #tpu.memory_space<vmem>>) dst(%dma_wait3A_299 : memref<10240x128xf32, #tpu.memory_space<vmem_shared>>)
        tpu.yield
      }) : () -> ()
    }
    %scan3A_119 = arith.constant 15 : i32
    %dma_start3A_120 = arith.constant 31 : i32
    %dma_start3A_121 = arith.constant 0 : i32
    %dma_start3A_122 = tpu.memref_slice %arg6[%dma_start3A_120, %dma_start3A_121] : memref<32x128xi32, #tpu.memory_space<vmem>> -> memref<1x128xi32, #tpu.memory_space<vmem>>
    %dma_start3A_123 = tpu.memref_squeeze %dma_start3A_122 : memref<1x128xi32, #tpu.memory_space<vmem>> -> memref<128xi32, #tpu.memory_space<vmem>>
    %dma_start3A_124 = arith.constant 0 : i32
    %dma_start3A_125 = arith.constant 0 : i32
    %dma_start3A_126 = tpu.memref_slice %arg2[%arg0, %dma_start3A_124, %dma_start3A_125] : memref<2x10240x128xf32, #tpu.memory_space<hbm>> -> memref<1x10240x128xf32, #tpu.memory_space<hbm>>
    %dma_start3A_127 = tpu.memref_squeeze %dma_start3A_126 : memref<1x10240x128xf32, #tpu.memory_space<hbm>> -> memref<10240x128xf32, #tpu.memory_space<hbm>>
    %dma_start3A_128 = arith.constant 0 : i32
    %dma_start3A_129 = arith.constant 0 : i32
    %dma_start3A_130 = tpu.memref_slice %dma_start3A_127[%dma_start3A_128, %dma_start3A_129] : memref<10240x128xf32, #tpu.memory_space<hbm>> -> memref<10240x128xf32, #tpu.memory_space<hbm>>
    tpu.enqueue_indirect_dma source(%dma_start3A_130 : memref<10240x128xf32, #tpu.memory_space<hbm>>) target(%arg9 : memref<128x128xf32, #tpu.memory_space<vmem>>) offsets(%dma_start3A_123 : memref<128xi32, #tpu.memory_space<vmem>>) semaphore(%arg12 : memref<!tpu.dma_semaphore, #tpu.memory_space<semaphore_mem>>)
    %dma_wait3A_131 = arith.constant 30 : i32
    %dma_wait3A_132 = arith.constant 0 : i32
    %dma_wait3A_133 = tpu.memref_slice %arg6[%dma_wait3A_131, %dma_wait3A_132] : memref<32x128xi32, #tpu.memory_space<vmem>> -> memref<1x128xi32, #tpu.memory_space<vmem>>
    %dma_wait3A_134 = tpu.memref_squeeze %dma_wait3A_133 : memref<1x128xi32, #tpu.memory_space<vmem>> -> memref<128xi32, #tpu.memory_space<vmem>>
    %dma_wait3A_135 = arith.constant 0 : i32
    %dma_wait3A_136 = arith.constant 0 : i32
    %dma_wait3A_137 = tpu.memref_slice %arg2[%arg0, %dma_wait3A_135, %dma_wait3A_136] : memref<2x10240x128xf32, #tpu.memory_space<hbm>> -> memref<1x10240x128xf32, #tpu.memory_space<hbm>>
    %dma_wait3A_138 = tpu.memref_squeeze %dma_wait3A_137 : memref<1x10240x128xf32, #tpu.memory_space<hbm>> -> memref<10240x128xf32, #tpu.memory_space<hbm>>
    %dma_wait3A_139 = arith.constant 0 : i32
    %dma_wait3A_140 = arith.constant 0 : i32
    %dma_wait3A_141 = tpu.memref_slice %dma_wait3A_138[%dma_wait3A_139, %dma_wait3A_140] : memref<10240x128xf32, #tpu.memory_space<hbm>> -> memref<10240x128xf32, #tpu.memory_space<hbm>>
    tpu.wait_indirect_dma semaphore(%arg11 : memref<!tpu.dma_semaphore, #tpu.memory_space<semaphore_mem>>) src(%dma_wait3A_141 : memref<10240x128xf32, #tpu.memory_space<hbm>>) dst(%arg8 : memref<128x128xf32, #tpu.memory_space<vmem>>)
    %run_scoped3A_142 = arith.constant 30 : i32
    "tpu.region"() ({
      %run_scoped3A_241 = tpu.sem_alloc : memref<!tpu.dma_semaphore, #tpu.memory_space<semaphore_mem>>
      %dma_start3A_242 = arith.constant 0 : i32
      %dma_start3A_243 = tpu.memref_slice %arg7[%run_scoped3A_142, %dma_start3A_242] : memref<32x128xi32, #tpu.memory_space<vmem>> -> memref<1x128xi32, #tpu.memory_space<vmem>>
      %dma_start3A_244 = tpu.memref_squeeze %dma_start3A_243 : memref<1x128xi32, #tpu.memory_space<vmem>> -> memref<128xi32, #tpu.memory_space<vmem>>
      %dma_start3A_245 = arith.constant 0 : i32
      %dma_start3A_246 = arith.constant 0 : i32
      %dma_start3A_247 = tpu.memref_slice %arg10[%dma_start3A_245, %dma_start3A_246] : memref<10240x128xf32, #tpu.memory_space<vmem_shared>> -> memref<10240x128xf32, #tpu.memory_space<vmem_shared>>
      tpu.enqueue_indirect_dma source(%arg8 : memref<128x128xf32, #tpu.memory_space<vmem>>) target(%dma_start3A_247 : memref<10240x128xf32, #tpu.memory_space<vmem_shared>>) offsets(%dma_start3A_244 : memref<128xi32, #tpu.memory_space<vmem>>) semaphore(%run_scoped3A_241 : memref<!tpu.dma_semaphore, #tpu.memory_space<semaphore_mem>>) {add = true}
      %dma_wait3A_248 = arith.constant 0 : i32
      %dma_wait3A_249 = tpu.memref_slice %arg7[%run_scoped3A_142, %dma_wait3A_248] : memref<32x128xi32, #tpu.memory_space<vmem>> -> memref<1x128xi32, #tpu.memory_space<vmem>>
      %dma_wait3A_250 = tpu.memref_squeeze %dma_wait3A_249 : memref<1x128xi32, #tpu.memory_space<vmem>> -> memref<128xi32, #tpu.memory_space<vmem>>
      %dma_wait3A_251 = arith.constant 0 : i32
      %dma_wait3A_252 = arith.constant 0 : i32
      %dma_wait3A_253 = tpu.memref_slice %arg10[%dma_wait3A_251, %dma_wait3A_252] : memref<10240x128xf32, #tpu.memory_space<vmem_shared>> -> memref<10240x128xf32, #tpu.memory_space<vmem_shared>>
      tpu.wait_indirect_dma semaphore(%run_scoped3A_241 : memref<!tpu.dma_semaphore, #tpu.memory_space<semaphore_mem>>) src(%arg8 : memref<128x128xf32, #tpu.memory_space<vmem>>) dst(%dma_wait3A_253 : memref<10240x128xf32, #tpu.memory_space<vmem_shared>>)
      tpu.yield
    }) : () -> ()
    %dma_wait3A_143 = arith.constant 31 : i32
    %dma_wait3A_144 = arith.constant 0 : i32
    %dma_wait3A_145 = tpu.memref_slice %arg6[%dma_wait3A_143, %dma_wait3A_144] : memref<32x128xi32, #tpu.memory_space<vmem>> -> memref<1x128xi32, #tpu.memory_space<vmem>>
    %dma_wait3A_146 = tpu.memref_squeeze %dma_wait3A_145 : memref<1x128xi32, #tpu.memory_space<vmem>> -> memref<128xi32, #tpu.memory_space<vmem>>
    %dma_wait3A_147 = arith.constant 0 : i32
    %dma_wait3A_148 = arith.constant 0 : i32
    %dma_wait3A_149 = tpu.memref_slice %arg2[%arg0, %dma_wait3A_147, %dma_wait3A_148] : memref<2x10240x128xf32, #tpu.memory_space<hbm>> -> memref<1x10240x128xf32, #tpu.memory_space<hbm>>
    %dma_wait3A_150 = tpu.memref_squeeze %dma_wait3A_149 : memref<1x10240x128xf32, #tpu.memory_space<hbm>> -> memref<10240x128xf32, #tpu.memory_space<hbm>>
    %dma_wait3A_151 = arith.constant 0 : i32
    %dma_wait3A_152 = arith.constant 0 : i32
    %dma_wait3A_153 = tpu.memref_slice %dma_wait3A_150[%dma_wait3A_151, %dma_wait3A_152] : memref<10240x128xf32, #tpu.memory_space<hbm>> -> memref<10240x128xf32, #tpu.memory_space<hbm>>
    tpu.wait_indirect_dma semaphore(%arg12 : memref<!tpu.dma_semaphore, #tpu.memory_space<semaphore_mem>>) src(%dma_wait3A_153 : memref<10240x128xf32, #tpu.memory_space<hbm>>) dst(%arg9 : memref<128x128xf32, #tpu.memory_space<vmem>>)
    %run_scoped3A_154 = arith.constant 31 : i32
    "tpu.region"() ({
      %run_scoped3A_241 = tpu.sem_alloc : memref<!tpu.dma_semaphore, #tpu.memory_space<semaphore_mem>>
      %dma_start3A_242 = arith.constant 0 : i32
      %dma_start3A_243 = tpu.memref_slice %arg7[%run_scoped3A_154, %dma_start3A_242] : memref<32x128xi32, #tpu.memory_space<vmem>> -> memref<1x128xi32, #tpu.memory_space<vmem>>
      %dma_start3A_244 = tpu.memref_squeeze %dma_start3A_243 : memref<1x128xi32, #tpu.memory_space<vmem>> -> memref<128xi32, #tpu.memory_space<vmem>>
      %dma_start3A_245 = arith.constant 0 : i32
      %dma_start3A_246 = arith.constant 0 : i32
      %dma_start3A_247 = tpu.memref_slice %arg10[%dma_start3A_245, %dma_start3A_246] : memref<10240x128xf32, #tpu.memory_space<vmem_shared>> -> memref<10240x128xf32, #tpu.memory_space<vmem_shared>>
      tpu.enqueue_indirect_dma source(%arg9 : memref<128x128xf32, #tpu.memory_space<vmem>>) target(%dma_start3A_247 : memref<10240x128xf32, #tpu.memory_space<vmem_shared>>) offsets(%dma_start3A_244 : memref<128xi32, #tpu.memory_space<vmem>>) semaphore(%run_scoped3A_241 : memref<!tpu.dma_semaphore, #tpu.memory_space<semaphore_mem>>) {add = true}
      %dma_wait3A_248 = arith.constant 0 : i32
      %dma_wait3A_249 = tpu.memref_slice %arg7[%run_scoped3A_154, %dma_wait3A_248] : memref<32x128xi32, #tpu.memory_space<vmem>> -> memref<1x128xi32, #tpu.memory_space<vmem>>
      %dma_wait3A_250 = tpu.memref_squeeze %dma_wait3A_249 : memref<1x128xi32, #tpu.memory_space<vmem>> -> memref<128xi32, #tpu.memory_space<vmem>>
      %dma_wait3A_251 = arith.constant 0 : i32
      %dma_wait3A_252 = arith.constant 0 : i32
      %dma_wait3A_253 = tpu.memref_slice %arg10[%dma_wait3A_251, %dma_wait3A_252] : memref<10240x128xf32, #tpu.memory_space<vmem_shared>> -> memref<10240x128xf32, #tpu.memory_space<vmem_shared>>
      tpu.wait_indirect_dma semaphore(%run_scoped3A_241 : memref<!tpu.dma_semaphore, #tpu.memory_space<semaphore_mem>>) src(%arg9 : memref<128x128xf32, #tpu.memory_space<vmem>>) dst(%dma_wait3A_253 : memref<10240x128xf32, #tpu.memory_space<vmem_shared>>)
      tpu.yield
    }) : () -> ()
    "tpu.region"() ({
      %run_scoped3A_241 = tpu.sem_alloc : memref<!tpu.dma_semaphore, #tpu.memory_space<semaphore_mem>>
      %dma_start3A_242 = arith.constant 0 : i32
      %dma_start3A_243 = arith.constant 0 : i32
      %dma_start3A_244 = tpu.memref_slice %arg6[%dma_start3A_242, %dma_start3A_243] : memref<32x128xi32, #tpu.memory_space<vmem>> -> memref<32x128xi32, #tpu.memory_space<vmem>>
      %dma_start3A_245 = arith.constant 96 : i32
      %dma_start3A_246 = arith.constant 0 : i32
      %dma_start3A_247 = tpu.memref_slice %arg3[%arg0, %arg1, %dma_start3A_245, %dma_start3A_246] : memref<2x16x157x128xi32, #tpu.memory_space<hbm>> -> memref<1x1x32x128xi32, #tpu.memory_space<hbm>>
      %dma_start3A_248 = tpu.memref_squeeze %dma_start3A_247 : memref<1x1x32x128xi32, #tpu.memory_space<hbm>> -> memref<32x128xi32, #tpu.memory_space<hbm>>
      %dma_start3A_249 = arith.constant 0 : i32
      %dma_start3A_250 = arith.constant 0 : i32
      %dma_start3A_251 = tpu.memref_slice %arg6[%dma_start3A_249, %dma_start3A_250] : memref<32x128xi32, #tpu.memory_space<vmem>> -> memref<32x128xi32, #tpu.memory_space<vmem>>
      %dma_start3A_252 = arith.constant 96 : i32
      %dma_start3A_253 = arith.constant 0 : i32
      %dma_start3A_254 = tpu.memref_slice %arg3[%arg0, %arg1, %dma_start3A_252, %dma_start3A_253] : memref<2x16x157x128xi32, #tpu.memory_space<hbm>> -> memref<1x1x32x128xi32, #tpu.memory_space<hbm>>
      %dma_start3A_255 = tpu.memref_squeeze %dma_start3A_254 : memref<1x1x32x128xi32, #tpu.memory_space<hbm>> -> memref<32x128xi32, #tpu.memory_space<hbm>>
      tpu.enqueue_dma source(%dma_start3A_255 : memref<32x128xi32, #tpu.memory_space<hbm>>) target(%dma_start3A_251 : memref<32x128xi32, #tpu.memory_space<vmem>>) target_semaphore(%run_scoped3A_241 : memref<!tpu.dma_semaphore, #tpu.memory_space<semaphore_mem>>)
      %dma_wait3A_256 = arith.constant 0 : i32
      %dma_wait3A_257 = arith.constant 0 : i32
      %dma_wait3A_258 = tpu.memref_slice %arg6[%dma_wait3A_256, %dma_wait3A_257] : memref<32x128xi32, #tpu.memory_space<vmem>> -> memref<32x128xi32, #tpu.memory_space<vmem>>
      %dma_wait3A_259 = arith.constant 96 : i32
      %dma_wait3A_260 = arith.constant 0 : i32
      %dma_wait3A_261 = tpu.memref_slice %arg3[%arg0, %arg1, %dma_wait3A_259, %dma_wait3A_260] : memref<2x16x157x128xi32, #tpu.memory_space<hbm>> -> memref<1x1x32x128xi32, #tpu.memory_space<hbm>>
      %dma_wait3A_262 = tpu.memref_squeeze %dma_wait3A_261 : memref<1x1x32x128xi32, #tpu.memory_space<hbm>> -> memref<32x128xi32, #tpu.memory_space<hbm>>
      %dma_wait3A_263 = arith.constant 0 : i32
      %dma_wait3A_264 = arith.constant 0 : i32
      %dma_wait3A_265 = tpu.memref_slice %arg6[%dma_wait3A_263, %dma_wait3A_264] : memref<32x128xi32, #tpu.memory_space<vmem>> -> memref<32x128xi32, #tpu.memory_space<vmem>>
      %dma_wait3A_266 = arith.constant 96 : i32
      %dma_wait3A_267 = arith.constant 0 : i32
      %dma_wait3A_268 = tpu.memref_slice %arg3[%arg0, %arg1, %dma_wait3A_266, %dma_wait3A_267] : memref<2x16x157x128xi32, #tpu.memory_space<hbm>> -> memref<1x1x32x128xi32, #tpu.memory_space<hbm>>
      %dma_wait3A_269 = tpu.memref_squeeze %dma_wait3A_268 : memref<1x1x32x128xi32, #tpu.memory_space<hbm>> -> memref<32x128xi32, #tpu.memory_space<hbm>>
      tpu.wait_dma2 semaphore(%run_scoped3A_241 : memref<!tpu.dma_semaphore, #tpu.memory_space<semaphore_mem>>) src(%dma_wait3A_269 : memref<32x128xi32, #tpu.memory_space<hbm>>) dst(%dma_wait3A_265 : memref<32x128xi32, #tpu.memory_space<vmem>>)
      tpu.yield
    }) : () -> ()
    "tpu.region"() ({
      %run_scoped3A_241 = tpu.sem_alloc : memref<!tpu.dma_semaphore, #tpu.memory_space<semaphore_mem>>
      %dma_start3A_242 = arith.constant 0 : i32
      %dma_start3A_243 = arith.constant 0 : i32
      %dma_start3A_244 = tpu.memref_slice %arg7[%dma_start3A_242, %dma_start3A_243] : memref<32x128xi32, #tpu.memory_space<vmem>> -> memref<32x128xi32, #tpu.memory_space<vmem>>
      %dma_start3A_245 = arith.constant 96 : i32
      %dma_start3A_246 = arith.constant 0 : i32
      %dma_start3A_247 = tpu.memref_slice %arg4[%arg0, %arg1, %dma_start3A_245, %dma_start3A_246] : memref<2x16x157x128xi32, #tpu.memory_space<hbm>> -> memref<1x1x32x128xi32, #tpu.memory_space<hbm>>
      %dma_start3A_248 = tpu.memref_squeeze %dma_start3A_247 : memref<1x1x32x128xi32, #tpu.memory_space<hbm>> -> memref<32x128xi32, #tpu.memory_space<hbm>>
      %dma_start3A_249 = arith.constant 0 : i32
      %dma_start3A_250 = arith.constant 0 : i32
      %dma_start3A_251 = tpu.memref_slice %arg7[%dma_start3A_249, %dma_start3A_250] : memref<32x128xi32, #tpu.memory_space<vmem>> -> memref<32x128xi32, #tpu.memory_space<vmem>>
      %dma_start3A_252 = arith.constant 96 : i32
      %dma_start3A_253 = arith.constant 0 : i32
      %dma_start3A_254 = tpu.memref_slice %arg4[%arg0, %arg1, %dma_start3A_252, %dma_start3A_253] : memref<2x16x157x128xi32, #tpu.memory_space<hbm>> -> memref<1x1x32x128xi32, #tpu.memory_space<hbm>>
      %dma_start3A_255 = tpu.memref_squeeze %dma_start3A_254 : memref<1x1x32x128xi32, #tpu.memory_space<hbm>> -> memref<32x128xi32, #tpu.memory_space<hbm>>
      tpu.enqueue_dma source(%dma_start3A_255 : memref<32x128xi32, #tpu.memory_space<hbm>>) target(%dma_start3A_251 : memref<32x128xi32, #tpu.memory_space<vmem>>) target_semaphore(%run_scoped3A_241 : memref<!tpu.dma_semaphore, #tpu.memory_space<semaphore_mem>>)
      %dma_wait3A_256 = arith.constant 0 : i32
      %dma_wait3A_257 = arith.constant 0 : i32
      %dma_wait3A_258 = tpu.memref_slice %arg7[%dma_wait3A_256, %dma_wait3A_257] : memref<32x128xi32, #tpu.memory_space<vmem>> -> memref<32x128xi32, #tpu.memory_space<vmem>>
      %dma_wait3A_259 = arith.constant 96 : i32
      %dma_wait3A_260 = arith.constant 0 : i32
      %dma_wait3A_261 = tpu.memref_slice %arg4[%arg0, %arg1, %dma_wait3A_259, %dma_wait3A_260] : memref<2x16x157x128xi32, #tpu.memory_space<hbm>> -> memref<1x1x32x128xi32, #tpu.memory_space<hbm>>
      %dma_wait3A_262 = tpu.memref_squeeze %dma_wait3A_261 : memref<1x1x32x128xi32, #tpu.memory_space<hbm>> -> memref<32x128xi32, #tpu.memory_space<hbm>>
      %dma_wait3A_263 = arith.constant 0 : i32
      %dma_wait3A_264 = arith.constant 0 : i32
      %dma_wait3A_265 = tpu.memref_slice %arg7[%dma_wait3A_263, %dma_wait3A_264] : memref<32x128xi32, #tpu.memory_space<vmem>> -> memref<32x128xi32, #tpu.memory_space<vmem>>
      %dma_wait3A_266 = arith.constant 96 : i32
      %dma_wait3A_267 = arith.constant 0 : i32
      %dma_wait3A_268 = tpu.memref_slice %arg4[%arg0, %arg1, %dma_wait3A_266, %dma_wait3A_267] : memref<2x16x157x128xi32, #tpu.memory_space<hbm>> -> memref<1x1x32x128xi32, #tpu.memory_space<hbm>>
      %dma_wait3A_269 = tpu.memref_squeeze %dma_wait3A_268 : memref<1x1x32x128xi32, #tpu.memory_space<hbm>> -> memref<32x128xi32, #tpu.memory_space<hbm>>
      tpu.wait_dma2 semaphore(%run_scoped3A_241 : memref<!tpu.dma_semaphore, #tpu.memory_space<semaphore_mem>>) src(%dma_wait3A_269 : memref<32x128xi32, #tpu.memory_space<hbm>>) dst(%dma_wait3A_265 : memref<32x128xi32, #tpu.memory_space<vmem>>)
      tpu.yield
    }) : () -> ()
    %dma_start3A_155 = arith.constant 0 : i32
    %dma_start3A_156 = arith.constant 0 : i32
    %dma_start3A_157 = tpu.memref_slice %arg6[%dma_start3A_155, %dma_start3A_156] : memref<32x128xi32, #tpu.memory_space<vmem>> -> memref<1x128xi32, #tpu.memory_space<vmem>>
    %dma_start3A_158 = tpu.memref_squeeze %dma_start3A_157 : memref<1x128xi32, #tpu.memory_space<vmem>> -> memref<128xi32, #tpu.memory_space<vmem>>
    %dma_start3A_159 = arith.constant 0 : i32
    %dma_start3A_160 = arith.constant 0 : i32
    %dma_start3A_161 = tpu.memref_slice %arg2[%arg0, %dma_start3A_159, %dma_start3A_160] : memref<2x10240x128xf32, #tpu.memory_space<hbm>> -> memref<1x10240x128xf32, #tpu.memory_space<hbm>>
    %dma_start3A_162 = tpu.memref_squeeze %dma_start3A_161 : memref<1x10240x128xf32, #tpu.memory_space<hbm>> -> memref<10240x128xf32, #tpu.memory_space<hbm>>
    %dma_start3A_163 = arith.constant 0 : i32
    %dma_start3A_164 = arith.constant 0 : i32
    %dma_start3A_165 = tpu.memref_slice %dma_start3A_162[%dma_start3A_163, %dma_start3A_164] : memref<10240x128xf32, #tpu.memory_space<hbm>> -> memref<10240x128xf32, #tpu.memory_space<hbm>>
    tpu.enqueue_indirect_dma source(%dma_start3A_165 : memref<10240x128xf32, #tpu.memory_space<hbm>>) target(%arg8 : memref<128x128xf32, #tpu.memory_space<vmem>>) offsets(%dma_start3A_158 : memref<128xi32, #tpu.memory_space<vmem>>) semaphore(%arg11 : memref<!tpu.dma_semaphore, #tpu.memory_space<semaphore_mem>>)
    %scan3A_166 = arith.constant 0 : i32
    %scan3A_167 = arith.constant 0 : i32
    %scan3A_168 = arith.constant 15 : i32
    %scan3A_169 = arith.addi %scan3A_167, %scan3A_168 : i32
    %scan3A_170 = arith.constant 1 : i32
    scf.for %scan3A_241 = %scan3A_167 to %scan3A_169 step %scan3A_170  : i32 {
      %mul3A_242 = arith.constant 2 : i32
      %mul3A_243 = arith.muli %mul3A_242, %scan3A_241 : i32
      %add3A = arith.constant 1 : i32
      %add3A_244 = arith.addi %mul3A_243, %add3A : i32
      %dma_start3A_245 = arith.constant 0 : i32
      %dma_start3A_246 = tpu.memref_slice %arg6[%add3A_244, %dma_start3A_245] : memref<32x128xi32, #tpu.memory_space<vmem>> -> memref<1x128xi32, #tpu.memory_space<vmem>>
      %dma_start3A_247 = tpu.memref_squeeze %dma_start3A_246 : memref<1x128xi32, #tpu.memory_space<vmem>> -> memref<128xi32, #tpu.memory_space<vmem>>
      %dma_start3A_248 = arith.constant 0 : i32
      %dma_start3A_249 = arith.constant 0 : i32
      %dma_start3A_250 = tpu.memref_slice %arg2[%arg0, %dma_start3A_248, %dma_start3A_249] : memref<2x10240x128xf32, #tpu.memory_space<hbm>> -> memref<1x10240x128xf32, #tpu.memory_space<hbm>>
      %dma_start3A_251 = tpu.memref_squeeze %dma_start3A_250 : memref<1x10240x128xf32, #tpu.memory_space<hbm>> -> memref<10240x128xf32, #tpu.memory_space<hbm>>
      %dma_start3A_252 = arith.constant 0 : i32
      %dma_start3A_253 = arith.constant 0 : i32
      %dma_start3A_254 = tpu.memref_slice %dma_start3A_251[%dma_start3A_252, %dma_start3A_253] : memref<10240x128xf32, #tpu.memory_space<hbm>> -> memref<10240x128xf32, #tpu.memory_space<hbm>>
      tpu.enqueue_indirect_dma source(%dma_start3A_254 : memref<10240x128xf32, #tpu.memory_space<hbm>>) target(%arg9 : memref<128x128xf32, #tpu.memory_space<vmem>>) offsets(%dma_start3A_247 : memref<128xi32, #tpu.memory_space<vmem>>) semaphore(%arg12 : memref<!tpu.dma_semaphore, #tpu.memory_space<semaphore_mem>>)
      %dma_wait3A_255 = arith.constant 0 : i32
      %dma_wait3A_256 = tpu.memref_slice %arg6[%mul3A_243, %dma_wait3A_255] : memref<32x128xi32, #tpu.memory_space<vmem>> -> memref<1x128xi32, #tpu.memory_space<vmem>>
      %dma_wait3A_257 = tpu.memref_squeeze %dma_wait3A_256 : memref<1x128xi32, #tpu.memory_space<vmem>> -> memref<128xi32, #tpu.memory_space<vmem>>
      %dma_wait3A_258 = arith.constant 0 : i32
      %dma_wait3A_259 = arith.constant 0 : i32
      %dma_wait3A_260 = tpu.memref_slice %arg2[%arg0, %dma_wait3A_258, %dma_wait3A_259] : memref<2x10240x128xf32, #tpu.memory_space<hbm>> -> memref<1x10240x128xf32, #tpu.memory_space<hbm>>
      %dma_wait3A_261 = tpu.memref_squeeze %dma_wait3A_260 : memref<1x10240x128xf32, #tpu.memory_space<hbm>> -> memref<10240x128xf32, #tpu.memory_space<hbm>>
      %dma_wait3A_262 = arith.constant 0 : i32
      %dma_wait3A_263 = arith.constant 0 : i32
      %dma_wait3A_264 = tpu.memref_slice %dma_wait3A_261[%dma_wait3A_262, %dma_wait3A_263] : memref<10240x128xf32, #tpu.memory_space<hbm>> -> memref<10240x128xf32, #tpu.memory_space<hbm>>
      tpu.wait_indirect_dma semaphore(%arg11 : memref<!tpu.dma_semaphore, #tpu.memory_space<semaphore_mem>>) src(%dma_wait3A_264 : memref<10240x128xf32, #tpu.memory_space<hbm>>) dst(%arg8 : memref<128x128xf32, #tpu.memory_space<vmem>>)
      "tpu.region"() ({
        %run_scoped3A_287 = tpu.sem_alloc : memref<!tpu.dma_semaphore, #tpu.memory_space<semaphore_mem>>
        %dma_start3A_288 = arith.constant 0 : i32
        %dma_start3A_289 = tpu.memref_slice %arg7[%mul3A_243, %dma_start3A_288] : memref<32x128xi32, #tpu.memory_space<vmem>> -> memref<1x128xi32, #tpu.memory_space<vmem>>
        %dma_start3A_290 = tpu.memref_squeeze %dma_start3A_289 : memref<1x128xi32, #tpu.memory_space<vmem>> -> memref<128xi32, #tpu.memory_space<vmem>>
        %dma_start3A_291 = arith.constant 0 : i32
        %dma_start3A_292 = arith.constant 0 : i32
        %dma_start3A_293 = tpu.memref_slice %arg10[%dma_start3A_291, %dma_start3A_292] : memref<10240x128xf32, #tpu.memory_space<vmem_shared>> -> memref<10240x128xf32, #tpu.memory_space<vmem_shared>>
        tpu.enqueue_indirect_dma source(%arg8 : memref<128x128xf32, #tpu.memory_space<vmem>>) target(%dma_start3A_293 : memref<10240x128xf32, #tpu.memory_space<vmem_shared>>) offsets(%dma_start3A_290 : memref<128xi32, #tpu.memory_space<vmem>>) semaphore(%run_scoped3A_287 : memref<!tpu.dma_semaphore, #tpu.memory_space<semaphore_mem>>) {add = true}
        %dma_wait3A_294 = arith.constant 0 : i32
        %dma_wait3A_295 = tpu.memref_slice %arg7[%mul3A_243, %dma_wait3A_294] : memref<32x128xi32, #tpu.memory_space<vmem>> -> memref<1x128xi32, #tpu.memory_space<vmem>>
        %dma_wait3A_296 = tpu.memref_squeeze %dma_wait3A_295 : memref<1x128xi32, #tpu.memory_space<vmem>> -> memref<128xi32, #tpu.memory_space<vmem>>
        %dma_wait3A_297 = arith.constant 0 : i32
        %dma_wait3A_298 = arith.constant 0 : i32
        %dma_wait3A_299 = tpu.memref_slice %arg10[%dma_wait3A_297, %dma_wait3A_298] : memref<10240x128xf32, #tpu.memory_space<vmem_shared>> -> memref<10240x128xf32, #tpu.memory_space<vmem_shared>>
        tpu.wait_indirect_dma semaphore(%run_scoped3A_287 : memref<!tpu.dma_semaphore, #tpu.memory_space<semaphore_mem>>) src(%arg8 : memref<128x128xf32, #tpu.memory_space<vmem>>) dst(%dma_wait3A_299 : memref<10240x128xf32, #tpu.memory_space<vmem_shared>>)
        tpu.yield
      }) : () -> ()
      %add3A_265 = arith.constant 2 : i32
      %add3A_266 = arith.addi %mul3A_243, %add3A_265 : i32
      %dma_start3A_267 = arith.constant 0 : i32
      %dma_start3A_268 = tpu.memref_slice %arg6[%add3A_266, %dma_start3A_267] : memref<32x128xi32, #tpu.memory_space<vmem>> -> memref<1x128xi32, #tpu.memory_space<vmem>>
      %dma_start3A_269 = tpu.memref_squeeze %dma_start3A_268 : memref<1x128xi32, #tpu.memory_space<vmem>> -> memref<128xi32, #tpu.memory_space<vmem>>
      %dma_start3A_270 = arith.constant 0 : i32
      %dma_start3A_271 = arith.constant 0 : i32
      %dma_start3A_272 = tpu.memref_slice %arg2[%arg0, %dma_start3A_270, %dma_start3A_271] : memref<2x10240x128xf32, #tpu.memory_space<hbm>> -> memref<1x10240x128xf32, #tpu.memory_space<hbm>>
      %dma_start3A_273 = tpu.memref_squeeze %dma_start3A_272 : memref<1x10240x128xf32, #tpu.memory_space<hbm>> -> memref<10240x128xf32, #tpu.memory_space<hbm>>
      %dma_start3A_274 = arith.constant 0 : i32
      %dma_start3A_275 = arith.constant 0 : i32
      %dma_start3A_276 = tpu.memref_slice %dma_start3A_273[%dma_start3A_274, %dma_start3A_275] : memref<10240x128xf32, #tpu.memory_space<hbm>> -> memref<10240x128xf32, #tpu.memory_space<hbm>>
      tpu.enqueue_indirect_dma source(%dma_start3A_276 : memref<10240x128xf32, #tpu.memory_space<hbm>>) target(%arg8 : memref<128x128xf32, #tpu.memory_space<vmem>>) offsets(%dma_start3A_269 : memref<128xi32, #tpu.memory_space<vmem>>) semaphore(%arg11 : memref<!tpu.dma_semaphore, #tpu.memory_space<semaphore_mem>>)
      %dma_wait3A_277 = arith.constant 0 : i32
      %dma_wait3A_278 = tpu.memref_slice %arg6[%add3A_244, %dma_wait3A_277] : memref<32x128xi32, #tpu.memory_space<vmem>> -> memref<1x128xi32, #tpu.memory_space<vmem>>
      %dma_wait3A_279 = tpu.memref_squeeze %dma_wait3A_278 : memref<1x128xi32, #tpu.memory_space<vmem>> -> memref<128xi32, #tpu.memory_space<vmem>>
      %dma_wait3A_280 = arith.constant 0 : i32
      %dma_wait3A_281 = arith.constant 0 : i32
      %dma_wait3A_282 = tpu.memref_slice %arg2[%arg0, %dma_wait3A_280, %dma_wait3A_281] : memref<2x10240x128xf32, #tpu.memory_space<hbm>> -> memref<1x10240x128xf32, #tpu.memory_space<hbm>>
      %dma_wait3A_283 = tpu.memref_squeeze %dma_wait3A_282 : memref<1x10240x128xf32, #tpu.memory_space<hbm>> -> memref<10240x128xf32, #tpu.memory_space<hbm>>
      %dma_wait3A_284 = arith.constant 0 : i32
      %dma_wait3A_285 = arith.constant 0 : i32
      %dma_wait3A_286 = tpu.memref_slice %dma_wait3A_283[%dma_wait3A_284, %dma_wait3A_285] : memref<10240x128xf32, #tpu.memory_space<hbm>> -> memref<10240x128xf32, #tpu.memory_space<hbm>>
      tpu.wait_indirect_dma semaphore(%arg12 : memref<!tpu.dma_semaphore, #tpu.memory_space<semaphore_mem>>) src(%dma_wait3A_286 : memref<10240x128xf32, #tpu.memory_space<hbm>>) dst(%arg9 : memref<128x128xf32, #tpu.memory_space<vmem>>)
      "tpu.region"() ({
        %run_scoped3A_287 = tpu.sem_alloc : memref<!tpu.dma_semaphore, #tpu.memory_space<semaphore_mem>>
        %dma_start3A_288 = arith.constant 0 : i32
        %dma_start3A_289 = tpu.memref_slice %arg7[%add3A_244, %dma_start3A_288] : memref<32x128xi32, #tpu.memory_space<vmem>> -> memref<1x128xi32, #tpu.memory_space<vmem>>
        %dma_start3A_290 = tpu.memref_squeeze %dma_start3A_289 : memref<1x128xi32, #tpu.memory_space<vmem>> -> memref<128xi32, #tpu.memory_space<vmem>>
        %dma_start3A_291 = arith.constant 0 : i32
        %dma_start3A_292 = arith.constant 0 : i32
        %dma_start3A_293 = tpu.memref_slice %arg10[%dma_start3A_291, %dma_start3A_292] : memref<10240x128xf32, #tpu.memory_space<vmem_shared>> -> memref<10240x128xf32, #tpu.memory_space<vmem_shared>>
        tpu.enqueue_indirect_dma source(%arg9 : memref<128x128xf32, #tpu.memory_space<vmem>>) target(%dma_start3A_293 : memref<10240x128xf32, #tpu.memory_space<vmem_shared>>) offsets(%dma_start3A_290 : memref<128xi32, #tpu.memory_space<vmem>>) semaphore(%run_scoped3A_287 : memref<!tpu.dma_semaphore, #tpu.memory_space<semaphore_mem>>) {add = true}
        %dma_wait3A_294 = arith.constant 0 : i32
        %dma_wait3A_295 = tpu.memref_slice %arg7[%add3A_244, %dma_wait3A_294] : memref<32x128xi32, #tpu.memory_space<vmem>> -> memref<1x128xi32, #tpu.memory_space<vmem>>
        %dma_wait3A_296 = tpu.memref_squeeze %dma_wait3A_295 : memref<1x128xi32, #tpu.memory_space<vmem>> -> memref<128xi32, #tpu.memory_space<vmem>>
        %dma_wait3A_297 = arith.constant 0 : i32
        %dma_wait3A_298 = arith.constant 0 : i32
        %dma_wait3A_299 = tpu.memref_slice %arg10[%dma_wait3A_297, %dma_wait3A_298] : memref<10240x128xf32, #tpu.memory_space<vmem_shared>> -> memref<10240x128xf32, #tpu.memory_space<vmem_shared>>
        tpu.wait_indirect_dma semaphore(%run_scoped3A_287 : memref<!tpu.dma_semaphore, #tpu.memory_space<semaphore_mem>>) src(%arg9 : memref<128x128xf32, #tpu.memory_space<vmem>>) dst(%dma_wait3A_299 : memref<10240x128xf32, #tpu.memory_space<vmem_shared>>)
        tpu.yield
      }) : () -> ()
    }
    %scan3A_171 = arith.constant 15 : i32
    %dma_start3A_172 = arith.constant 31 : i32
    %dma_start3A_173 = arith.constant 0 : i32
    %dma_start3A_174 = tpu.memref_slice %arg6[%dma_start3A_172, %dma_start3A_173] : memref<32x128xi32, #tpu.memory_space<vmem>> -> memref<1x128xi32, #tpu.memory_space<vmem>>
    %dma_start3A_175 = tpu.memref_squeeze %dma_start3A_174 : memref<1x128xi32, #tpu.memory_space<vmem>> -> memref<128xi32, #tpu.memory_space<vmem>>
    %dma_start3A_176 = arith.constant 0 : i32
    %dma_start3A_177 = arith.constant 0 : i32
    %dma_start3A_178 = tpu.memref_slice %arg2[%arg0, %dma_start3A_176, %dma_start3A_177] : memref<2x10240x128xf32, #tpu.memory_space<hbm>> -> memref<1x10240x128xf32, #tpu.memory_space<hbm>>
    %dma_start3A_179 = tpu.memref_squeeze %dma_start3A_178 : memref<1x10240x128xf32, #tpu.memory_space<hbm>> -> memref<10240x128xf32, #tpu.memory_space<hbm>>
    %dma_start3A_180 = arith.constant 0 : i32
    %dma_start3A_181 = arith.constant 0 : i32
    %dma_start3A_182 = tpu.memref_slice %dma_start3A_179[%dma_start3A_180, %dma_start3A_181] : memref<10240x128xf32, #tpu.memory_space<hbm>> -> memref<10240x128xf32, #tpu.memory_space<hbm>>
    tpu.enqueue_indirect_dma source(%dma_start3A_182 : memref<10240x128xf32, #tpu.memory_space<hbm>>) target(%arg9 : memref<128x128xf32, #tpu.memory_space<vmem>>) offsets(%dma_start3A_175 : memref<128xi32, #tpu.memory_space<vmem>>) semaphore(%arg12 : memref<!tpu.dma_semaphore, #tpu.memory_space<semaphore_mem>>)
    %dma_wait3A_183 = arith.constant 30 : i32
    %dma_wait3A_184 = arith.constant 0 : i32
    %dma_wait3A_185 = tpu.memref_slice %arg6[%dma_wait3A_183, %dma_wait3A_184] : memref<32x128xi32, #tpu.memory_space<vmem>> -> memref<1x128xi32, #tpu.memory_space<vmem>>
    %dma_wait3A_186 = tpu.memref_squeeze %dma_wait3A_185 : memref<1x128xi32, #tpu.memory_space<vmem>> -> memref<128xi32, #tpu.memory_space<vmem>>
    %dma_wait3A_187 = arith.constant 0 : i32
    %dma_wait3A_188 = arith.constant 0 : i32
    %dma_wait3A_189 = tpu.memref_slice %arg2[%arg0, %dma_wait3A_187, %dma_wait3A_188] : memref<2x10240x128xf32, #tpu.memory_space<hbm>> -> memref<1x10240x128xf32, #tpu.memory_space<hbm>>
    %dma_wait3A_190 = tpu.memref_squeeze %dma_wait3A_189 : memref<1x10240x128xf32, #tpu.memory_space<hbm>> -> memref<10240x128xf32, #tpu.memory_space<hbm>>
    %dma_wait3A_191 = arith.constant 0 : i32
    %dma_wait3A_192 = arith.constant 0 : i32
    %dma_wait3A_193 = tpu.memref_slice %dma_wait3A_190[%dma_wait3A_191, %dma_wait3A_192] : memref<10240x128xf32, #tpu.memory_space<hbm>> -> memref<10240x128xf32, #tpu.memory_space<hbm>>
    tpu.wait_indirect_dma semaphore(%arg11 : memref<!tpu.dma_semaphore, #tpu.memory_space<semaphore_mem>>) src(%dma_wait3A_193 : memref<10240x128xf32, #tpu.memory_space<hbm>>) dst(%arg8 : memref<128x128xf32, #tpu.memory_space<vmem>>)
    %run_scoped3A_194 = arith.constant 30 : i32
    "tpu.region"() ({
      %run_scoped3A_241 = tpu.sem_alloc : memref<!tpu.dma_semaphore, #tpu.memory_space<semaphore_mem>>
      %dma_start3A_242 = arith.constant 0 : i32
      %dma_start3A_243 = tpu.memref_slice %arg7[%run_scoped3A_194, %dma_start3A_242] : memref<32x128xi32, #tpu.memory_space<vmem>> -> memref<1x128xi32, #tpu.memory_space<vmem>>
      %dma_start3A_244 = tpu.memref_squeeze %dma_start3A_243 : memref<1x128xi32, #tpu.memory_space<vmem>> -> memref<128xi32, #tpu.memory_space<vmem>>
      %dma_start3A_245 = arith.constant 0 : i32
      %dma_start3A_246 = arith.constant 0 : i32
      %dma_start3A_247 = tpu.memref_slice %arg10[%dma_start3A_245, %dma_start3A_246] : memref<10240x128xf32, #tpu.memory_space<vmem_shared>> -> memref<10240x128xf32, #tpu.memory_space<vmem_shared>>
      tpu.enqueue_indirect_dma source(%arg8 : memref<128x128xf32, #tpu.memory_space<vmem>>) target(%dma_start3A_247 : memref<10240x128xf32, #tpu.memory_space<vmem_shared>>) offsets(%dma_start3A_244 : memref<128xi32, #tpu.memory_space<vmem>>) semaphore(%run_scoped3A_241 : memref<!tpu.dma_semaphore, #tpu.memory_space<semaphore_mem>>) {add = true}
      %dma_wait3A_248 = arith.constant 0 : i32
      %dma_wait3A_249 = tpu.memref_slice %arg7[%run_scoped3A_194, %dma_wait3A_248] : memref<32x128xi32, #tpu.memory_space<vmem>> -> memref<1x128xi32, #tpu.memory_space<vmem>>
      %dma_wait3A_250 = tpu.memref_squeeze %dma_wait3A_249 : memref<1x128xi32, #tpu.memory_space<vmem>> -> memref<128xi32, #tpu.memory_space<vmem>>
      %dma_wait3A_251 = arith.constant 0 : i32
      %dma_wait3A_252 = arith.constant 0 : i32
      %dma_wait3A_253 = tpu.memref_slice %arg10[%dma_wait3A_251, %dma_wait3A_252] : memref<10240x128xf32, #tpu.memory_space<vmem_shared>> -> memref<10240x128xf32, #tpu.memory_space<vmem_shared>>
      tpu.wait_indirect_dma semaphore(%run_scoped3A_241 : memref<!tpu.dma_semaphore, #tpu.memory_space<semaphore_mem>>) src(%arg8 : memref<128x128xf32, #tpu.memory_space<vmem>>) dst(%dma_wait3A_253 : memref<10240x128xf32, #tpu.memory_space<vmem_shared>>)
      tpu.yield
    }) : () -> ()
    %dma_wait3A_195 = arith.constant 31 : i32
    %dma_wait3A_196 = arith.constant 0 : i32
    %dma_wait3A_197 = tpu.memref_slice %arg6[%dma_wait3A_195, %dma_wait3A_196] : memref<32x128xi32, #tpu.memory_space<vmem>> -> memref<1x128xi32, #tpu.memory_space<vmem>>
    %dma_wait3A_198 = tpu.memref_squeeze %dma_wait3A_197 : memref<1x128xi32, #tpu.memory_space<vmem>> -> memref<128xi32, #tpu.memory_space<vmem>>
    %dma_wait3A_199 = arith.constant 0 : i32
    %dma_wait3A_200 = arith.constant 0 : i32
    %dma_wait3A_201 = tpu.memref_slice %arg2[%arg0, %dma_wait3A_199, %dma_wait3A_200] : memref<2x10240x128xf32, #tpu.memory_space<hbm>> -> memref<1x10240x128xf32, #tpu.memory_space<hbm>>
    %dma_wait3A_202 = tpu.memref_squeeze %dma_wait3A_201 : memref<1x10240x128xf32, #tpu.memory_space<hbm>> -> memref<10240x128xf32, #tpu.memory_space<hbm>>
    %dma_wait3A_203 = arith.constant 0 : i32
    %dma_wait3A_204 = arith.constant 0 : i32
    %dma_wait3A_205 = tpu.memref_slice %dma_wait3A_202[%dma_wait3A_203, %dma_wait3A_204] : memref<10240x128xf32, #tpu.memory_space<hbm>> -> memref<10240x128xf32, #tpu.memory_space<hbm>>
    tpu.wait_indirect_dma semaphore(%arg12 : memref<!tpu.dma_semaphore, #tpu.memory_space<semaphore_mem>>) src(%dma_wait3A_205 : memref<10240x128xf32, #tpu.memory_space<hbm>>) dst(%arg9 : memref<128x128xf32, #tpu.memory_space<vmem>>)
    %run_scoped3A_206 = arith.constant 31 : i32
    "tpu.region"() ({
      %run_scoped3A_241 = tpu.sem_alloc : memref<!tpu.dma_semaphore, #tpu.memory_space<semaphore_mem>>
      %dma_start3A_242 = arith.constant 0 : i32
      %dma_start3A_243 = tpu.memref_slice %arg7[%run_scoped3A_206, %dma_start3A_242] : memref<32x128xi32, #tpu.memory_space<vmem>> -> memref<1x128xi32, #tpu.memory_space<vmem>>
      %dma_start3A_244 = tpu.memref_squeeze %dma_start3A_243 : memref<1x128xi32, #tpu.memory_space<vmem>> -> memref<128xi32, #tpu.memory_space<vmem>>
      %dma_start3A_245 = arith.constant 0 : i32
      %dma_start3A_246 = arith.constant 0 : i32
      %dma_start3A_247 = tpu.memref_slice %arg10[%dma_start3A_245, %dma_start3A_246] : memref<10240x128xf32, #tpu.memory_space<vmem_shared>> -> memref<10240x128xf32, #tpu.memory_space<vmem_shared>>
      tpu.enqueue_indirect_dma source(%arg9 : memref<128x128xf32, #tpu.memory_space<vmem>>) target(%dma_start3A_247 : memref<10240x128xf32, #tpu.memory_space<vmem_shared>>) offsets(%dma_start3A_244 : memref<128xi32, #tpu.memory_space<vmem>>) semaphore(%run_scoped3A_241 : memref<!tpu.dma_semaphore, #tpu.memory_space<semaphore_mem>>) {add = true}
      %dma_wait3A_248 = arith.constant 0 : i32
      %dma_wait3A_249 = tpu.memref_slice %arg7[%run_scoped3A_206, %dma_wait3A_248] : memref<32x128xi32, #tpu.memory_space<vmem>> -> memref<1x128xi32, #tpu.memory_space<vmem>>
      %dma_wait3A_250 = tpu.memref_squeeze %dma_wait3A_249 : memref<1x128xi32, #tpu.memory_space<vmem>> -> memref<128xi32, #tpu.memory_space<vmem>>
      %dma_wait3A_251 = arith.constant 0 : i32
      %dma_wait3A_252 = arith.constant 0 : i32
      %dma_wait3A_253 = tpu.memref_slice %arg10[%dma_wait3A_251, %dma_wait3A_252] : memref<10240x128xf32, #tpu.memory_space<vmem_shared>> -> memref<10240x128xf32, #tpu.memory_space<vmem_shared>>
      tpu.wait_indirect_dma semaphore(%run_scoped3A_241 : memref<!tpu.dma_semaphore, #tpu.memory_space<semaphore_mem>>) src(%arg9 : memref<128x128xf32, #tpu.memory_space<vmem>>) dst(%dma_wait3A_253 : memref<10240x128xf32, #tpu.memory_space<vmem_shared>>)
      tpu.yield
    }) : () -> ()
    "tpu.region"() ({
      %run_scoped3A_241 = tpu.sem_alloc : memref<!tpu.dma_semaphore, #tpu.memory_space<semaphore_mem>>
      %dma_start3A_242 = arith.constant 0 : i32
      %dma_start3A_243 = arith.constant 0 : i32
      %dma_start3A_244 = tpu.memref_slice %arg6[%dma_start3A_242, %dma_start3A_243] : memref<32x128xi32, #tpu.memory_space<vmem>> -> memref<29x128xi32, #tpu.memory_space<vmem>>
      %dma_start3A_245 = arith.constant 128 : i32
      %dma_start3A_246 = arith.constant 0 : i32
      %dma_start3A_247 = tpu.memref_slice %arg3[%arg0, %arg1, %dma_start3A_245, %dma_start3A_246] : memref<2x16x157x128xi32, #tpu.memory_space<hbm>> -> memref<1x1x29x128xi32, #tpu.memory_space<hbm>>
      %dma_start3A_248 = tpu.memref_squeeze %dma_start3A_247 : memref<1x1x29x128xi32, #tpu.memory_space<hbm>> -> memref<29x128xi32, #tpu.memory_space<hbm>>
      %dma_start3A_249 = arith.constant 0 : i32
      %dma_start3A_250 = arith.constant 0 : i32
      %dma_start3A_251 = tpu.memref_slice %arg6[%dma_start3A_249, %dma_start3A_250] : memref<32x128xi32, #tpu.memory_space<vmem>> -> memref<29x128xi32, #tpu.memory_space<vmem>>
      %dma_start3A_252 = arith.constant 128 : i32
      %dma_start3A_253 = arith.constant 0 : i32
      %dma_start3A_254 = tpu.memref_slice %arg3[%arg0, %arg1, %dma_start3A_252, %dma_start3A_253] : memref<2x16x157x128xi32, #tpu.memory_space<hbm>> -> memref<1x1x29x128xi32, #tpu.memory_space<hbm>>
      %dma_start3A_255 = tpu.memref_squeeze %dma_start3A_254 : memref<1x1x29x128xi32, #tpu.memory_space<hbm>> -> memref<29x128xi32, #tpu.memory_space<hbm>>
      tpu.enqueue_dma source(%dma_start3A_255 : memref<29x128xi32, #tpu.memory_space<hbm>>) target(%dma_start3A_251 : memref<29x128xi32, #tpu.memory_space<vmem>>) target_semaphore(%run_scoped3A_241 : memref<!tpu.dma_semaphore, #tpu.memory_space<semaphore_mem>>)
      %dma_wait3A_256 = arith.constant 0 : i32
      %dma_wait3A_257 = arith.constant 0 : i32
      %dma_wait3A_258 = tpu.memref_slice %arg6[%dma_wait3A_256, %dma_wait3A_257] : memref<32x128xi32, #tpu.memory_space<vmem>> -> memref<29x128xi32, #tpu.memory_space<vmem>>
      %dma_wait3A_259 = arith.constant 128 : i32
      %dma_wait3A_260 = arith.constant 0 : i32
      %dma_wait3A_261 = tpu.memref_slice %arg3[%arg0, %arg1, %dma_wait3A_259, %dma_wait3A_260] : memref<2x16x157x128xi32, #tpu.memory_space<hbm>> -> memref<1x1x29x128xi32, #tpu.memory_space<hbm>>
      %dma_wait3A_262 = tpu.memref_squeeze %dma_wait3A_261 : memref<1x1x29x128xi32, #tpu.memory_space<hbm>> -> memref<29x128xi32, #tpu.memory_space<hbm>>
      %dma_wait3A_263 = arith.constant 0 : i32
      %dma_wait3A_264 = arith.constant 0 : i32
      %dma_wait3A_265 = tpu.memref_slice %arg6[%dma_wait3A_263, %dma_wait3A_264] : memref<32x128xi32, #tpu.memory_space<vmem>> -> memref<29x128xi32, #tpu.memory_space<vmem>>
      %dma_wait3A_266 = arith.constant 128 : i32
      %dma_wait3A_267 = arith.constant 0 : i32
      %dma_wait3A_268 = tpu.memref_slice %arg3[%arg0, %arg1, %dma_wait3A_266, %dma_wait3A_267] : memref<2x16x157x128xi32, #tpu.memory_space<hbm>> -> memref<1x1x29x128xi32, #tpu.memory_space<hbm>>
      %dma_wait3A_269 = tpu.memref_squeeze %dma_wait3A_268 : memref<1x1x29x128xi32, #tpu.memory_space<hbm>> -> memref<29x128xi32, #tpu.memory_space<hbm>>
      tpu.wait_dma2 semaphore(%run_scoped3A_241 : memref<!tpu.dma_semaphore, #tpu.memory_space<semaphore_mem>>) src(%dma_wait3A_269 : memref<29x128xi32, #tpu.memory_space<hbm>>) dst(%dma_wait3A_265 : memref<29x128xi32, #tpu.memory_space<vmem>>)
      tpu.yield
    }) : () -> ()
    "tpu.region"() ({
      %run_scoped3A_241 = tpu.sem_alloc : memref<!tpu.dma_semaphore, #tpu.memory_space<semaphore_mem>>
      %dma_start3A_242 = arith.constant 0 : i32
      %dma_start3A_243 = arith.constant 0 : i32
      %dma_start3A_244 = tpu.memref_slice %arg7[%dma_start3A_242, %dma_start3A_243] : memref<32x128xi32, #tpu.memory_space<vmem>> -> memref<29x128xi32, #tpu.memory_space<vmem>>
      %dma_start3A_245 = arith.constant 128 : i32
      %dma_start3A_246 = arith.constant 0 : i32
      %dma_start3A_247 = tpu.memref_slice %arg4[%arg0, %arg1, %dma_start3A_245, %dma_start3A_246] : memref<2x16x157x128xi32, #tpu.memory_space<hbm>> -> memref<1x1x29x128xi32, #tpu.memory_space<hbm>>
      %dma_start3A_248 = tpu.memref_squeeze %dma_start3A_247 : memref<1x1x29x128xi32, #tpu.memory_space<hbm>> -> memref<29x128xi32, #tpu.memory_space<hbm>>
      %dma_start3A_249 = arith.constant 0 : i32
      %dma_start3A_250 = arith.constant 0 : i32
      %dma_start3A_251 = tpu.memref_slice %arg7[%dma_start3A_249, %dma_start3A_250] : memref<32x128xi32, #tpu.memory_space<vmem>> -> memref<29x128xi32, #tpu.memory_space<vmem>>
      %dma_start3A_252 = arith.constant 128 : i32
      %dma_start3A_253 = arith.constant 0 : i32
      %dma_start3A_254 = tpu.memref_slice %arg4[%arg0, %arg1, %dma_start3A_252, %dma_start3A_253] : memref<2x16x157x128xi32, #tpu.memory_space<hbm>> -> memref<1x1x29x128xi32, #tpu.memory_space<hbm>>
      %dma_start3A_255 = tpu.memref_squeeze %dma_start3A_254 : memref<1x1x29x128xi32, #tpu.memory_space<hbm>> -> memref<29x128xi32, #tpu.memory_space<hbm>>
      tpu.enqueue_dma source(%dma_start3A_255 : memref<29x128xi32, #tpu.memory_space<hbm>>) target(%dma_start3A_251 : memref<29x128xi32, #tpu.memory_space<vmem>>) target_semaphore(%run_scoped3A_241 : memref<!tpu.dma_semaphore, #tpu.memory_space<semaphore_mem>>)
      %dma_wait3A_256 = arith.constant 0 : i32
      %dma_wait3A_257 = arith.constant 0 : i32
      %dma_wait3A_258 = tpu.memref_slice %arg7[%dma_wait3A_256, %dma_wait3A_257] : memref<32x128xi32, #tpu.memory_space<vmem>> -> memref<29x128xi32, #tpu.memory_space<vmem>>
      %dma_wait3A_259 = arith.constant 128 : i32
      %dma_wait3A_260 = arith.constant 0 : i32
      %dma_wait3A_261 = tpu.memref_slice %arg4[%arg0, %arg1, %dma_wait3A_259, %dma_wait3A_260] : memref<2x16x157x128xi32, #tpu.memory_space<hbm>> -> memref<1x1x29x128xi32, #tpu.memory_space<hbm>>
      %dma_wait3A_262 = tpu.memref_squeeze %dma_wait3A_261 : memref<1x1x29x128xi32, #tpu.memory_space<hbm>> -> memref<29x128xi32, #tpu.memory_space<hbm>>
      %dma_wait3A_263 = arith.constant 0 : i32
      %dma_wait3A_264 = arith.constant 0 : i32
      %dma_wait3A_265 = tpu.memref_slice %arg7[%dma_wait3A_263, %dma_wait3A_264] : memref<32x128xi32, #tpu.memory_space<vmem>> -> memref<29x128xi32, #tpu.memory_space<vmem>>
      %dma_wait3A_266 = arith.constant 128 : i32
      %dma_wait3A_267 = arith.constant 0 : i32
      %dma_wait3A_268 = tpu.memref_slice %arg4[%arg0, %arg1, %dma_wait3A_266, %dma_wait3A_267] : memref<2x16x157x128xi32, #tpu.memory_space<hbm>> -> memref<1x1x29x128xi32, #tpu.memory_space<hbm>>
      %dma_wait3A_269 = tpu.memref_squeeze %dma_wait3A_268 : memref<1x1x29x128xi32, #tpu.memory_space<hbm>> -> memref<29x128xi32, #tpu.memory_space<hbm>>
      tpu.wait_dma2 semaphore(%run_scoped3A_241 : memref<!tpu.dma_semaphore, #tpu.memory_space<semaphore_mem>>) src(%dma_wait3A_269 : memref<29x128xi32, #tpu.memory_space<hbm>>) dst(%dma_wait3A_265 : memref<29x128xi32, #tpu.memory_space<vmem>>)
      tpu.yield
    }) : () -> ()
    %dma_start3A_207 = arith.constant 0 : i32
    %dma_start3A_208 = arith.constant 0 : i32
    %dma_start3A_209 = tpu.memref_slice %arg6[%dma_start3A_207, %dma_start3A_208] : memref<32x128xi32, #tpu.memory_space<vmem>> -> memref<1x128xi32, #tpu.memory_space<vmem>>
    %dma_start3A_210 = tpu.memref_squeeze %dma_start3A_209 : memref<1x128xi32, #tpu.memory_space<vmem>> -> memref<128xi32, #tpu.memory_space<vmem>>
    %dma_start3A_211 = arith.constant 0 : i32
    %dma_start3A_212 = arith.constant 0 : i32
    %dma_start3A_213 = tpu.memref_slice %arg2[%arg0, %dma_start3A_211, %dma_start3A_212] : memref<2x10240x128xf32, #tpu.memory_space<hbm>> -> memref<1x10240x128xf32, #tpu.memory_space<hbm>>
    %dma_start3A_214 = tpu.memref_squeeze %dma_start3A_213 : memref<1x10240x128xf32, #tpu.memory_space<hbm>> -> memref<10240x128xf32, #tpu.memory_space<hbm>>
    %dma_start3A_215 = arith.constant 0 : i32
    %dma_start3A_216 = arith.constant 0 : i32
    %dma_start3A_217 = tpu.memref_slice %dma_start3A_214[%dma_start3A_215, %dma_start3A_216] : memref<10240x128xf32, #tpu.memory_space<hbm>> -> memref<10240x128xf32, #tpu.memory_space<hbm>>
    tpu.enqueue_indirect_dma source(%dma_start3A_217 : memref<10240x128xf32, #tpu.memory_space<hbm>>) target(%arg8 : memref<128x128xf32, #tpu.memory_space<vmem>>) offsets(%dma_start3A_210 : memref<128xi32, #tpu.memory_space<vmem>>) semaphore(%arg11 : memref<!tpu.dma_semaphore, #tpu.memory_space<semaphore_mem>>)
    %scan3A_218 = arith.constant 0 : i32
    %scan3A_219 = arith.constant 0 : i32
    %scan3A_220 = arith.constant 14 : i32
    %scan3A_221 = arith.addi %scan3A_219, %scan3A_220 : i32
    %scan3A_222 = arith.constant 1 : i32
    scf.for %scan3A_241 = %scan3A_219 to %scan3A_221 step %scan3A_222  : i32 {
      %mul3A_242 = arith.constant 2 : i32
      %mul3A_243 = arith.muli %mul3A_242, %scan3A_241 : i32
      %add3A = arith.constant 1 : i32
      %add3A_244 = arith.addi %mul3A_243, %add3A : i32
      %dma_start3A_245 = arith.constant 0 : i32
      %dma_start3A_246 = tpu.memref_slice %arg6[%add3A_244, %dma_start3A_245] : memref<32x128xi32, #tpu.memory_space<vmem>> -> memref<1x128xi32, #tpu.memory_space<vmem>>
      %dma_start3A_247 = tpu.memref_squeeze %dma_start3A_246 : memref<1x128xi32, #tpu.memory_space<vmem>> -> memref<128xi32, #tpu.memory_space<vmem>>
      %dma_start3A_248 = arith.constant 0 : i32
      %dma_start3A_249 = arith.constant 0 : i32
      %dma_start3A_250 = tpu.memref_slice %arg2[%arg0, %dma_start3A_248, %dma_start3A_249] : memref<2x10240x128xf32, #tpu.memory_space<hbm>> -> memref<1x10240x128xf32, #tpu.memory_space<hbm>>
      %dma_start3A_251 = tpu.memref_squeeze %dma_start3A_250 : memref<1x10240x128xf32, #tpu.memory_space<hbm>> -> memref<10240x128xf32, #tpu.memory_space<hbm>>
      %dma_start3A_252 = arith.constant 0 : i32
      %dma_start3A_253 = arith.constant 0 : i32
      %dma_start3A_254 = tpu.memref_slice %dma_start3A_251[%dma_start3A_252, %dma_start3A_253] : memref<10240x128xf32, #tpu.memory_space<hbm>> -> memref<10240x128xf32, #tpu.memory_space<hbm>>
      tpu.enqueue_indirect_dma source(%dma_start3A_254 : memref<10240x128xf32, #tpu.memory_space<hbm>>) target(%arg9 : memref<128x128xf32, #tpu.memory_space<vmem>>) offsets(%dma_start3A_247 : memref<128xi32, #tpu.memory_space<vmem>>) semaphore(%arg12 : memref<!tpu.dma_semaphore, #tpu.memory_space<semaphore_mem>>)
      %dma_wait3A_255 = arith.constant 0 : i32
      %dma_wait3A_256 = tpu.memref_slice %arg6[%mul3A_243, %dma_wait3A_255] : memref<32x128xi32, #tpu.memory_space<vmem>> -> memref<1x128xi32, #tpu.memory_space<vmem>>
      %dma_wait3A_257 = tpu.memref_squeeze %dma_wait3A_256 : memref<1x128xi32, #tpu.memory_space<vmem>> -> memref<128xi32, #tpu.memory_space<vmem>>
      %dma_wait3A_258 = arith.constant 0 : i32
      %dma_wait3A_259 = arith.constant 0 : i32
      %dma_wait3A_260 = tpu.memref_slice %arg2[%arg0, %dma_wait3A_258, %dma_wait3A_259] : memref<2x10240x128xf32, #tpu.memory_space<hbm>> -> memref<1x10240x128xf32, #tpu.memory_space<hbm>>
      %dma_wait3A_261 = tpu.memref_squeeze %dma_wait3A_260 : memref<1x10240x128xf32, #tpu.memory_space<hbm>> -> memref<10240x128xf32, #tpu.memory_space<hbm>>
      %dma_wait3A_262 = arith.constant 0 : i32
      %dma_wait3A_263 = arith.constant 0 : i32
      %dma_wait3A_264 = tpu.memref_slice %dma_wait3A_261[%dma_wait3A_262, %dma_wait3A_263] : memref<10240x128xf32, #tpu.memory_space<hbm>> -> memref<10240x128xf32, #tpu.memory_space<hbm>>
      tpu.wait_indirect_dma semaphore(%arg11 : memref<!tpu.dma_semaphore, #tpu.memory_space<semaphore_mem>>) src(%dma_wait3A_264 : memref<10240x128xf32, #tpu.memory_space<hbm>>) dst(%arg8 : memref<128x128xf32, #tpu.memory_space<vmem>>)
      "tpu.region"() ({
        %run_scoped3A_287 = tpu.sem_alloc : memref<!tpu.dma_semaphore, #tpu.memory_space<semaphore_mem>>
        %dma_start3A_288 = arith.constant 0 : i32
        %dma_start3A_289 = tpu.memref_slice %arg7[%mul3A_243, %dma_start3A_288] : memref<32x128xi32, #tpu.memory_space<vmem>> -> memref<1x128xi32, #tpu.memory_space<vmem>>
        %dma_start3A_290 = tpu.memref_squeeze %dma_start3A_289 : memref<1x128xi32, #tpu.memory_space<vmem>> -> memref<128xi32, #tpu.memory_space<vmem>>
        %dma_start3A_291 = arith.constant 0 : i32
        %dma_start3A_292 = arith.constant 0 : i32
        %dma_start3A_293 = tpu.memref_slice %arg10[%dma_start3A_291, %dma_start3A_292] : memref<10240x128xf32, #tpu.memory_space<vmem_shared>> -> memref<10240x128xf32, #tpu.memory_space<vmem_shared>>
        tpu.enqueue_indirect_dma source(%arg8 : memref<128x128xf32, #tpu.memory_space<vmem>>) target(%dma_start3A_293 : memref<10240x128xf32, #tpu.memory_space<vmem_shared>>) offsets(%dma_start3A_290 : memref<128xi32, #tpu.memory_space<vmem>>) semaphore(%run_scoped3A_287 : memref<!tpu.dma_semaphore, #tpu.memory_space<semaphore_mem>>) {add = true}
        %dma_wait3A_294 = arith.constant 0 : i32
        %dma_wait3A_295 = tpu.memref_slice %arg7[%mul3A_243, %dma_wait3A_294] : memref<32x128xi32, #tpu.memory_space<vmem>> -> memref<1x128xi32, #tpu.memory_space<vmem>>
        %dma_wait3A_296 = tpu.memref_squeeze %dma_wait3A_295 : memref<1x128xi32, #tpu.memory_space<vmem>> -> memref<128xi32, #tpu.memory_space<vmem>>
        %dma_wait3A_297 = arith.constant 0 : i32
        %dma_wait3A_298 = arith.constant 0 : i32
        %dma_wait3A_299 = tpu.memref_slice %arg10[%dma_wait3A_297, %dma_wait3A_298] : memref<10240x128xf32, #tpu.memory_space<vmem_shared>> -> memref<10240x128xf32, #tpu.memory_space<vmem_shared>>
        tpu.wait_indirect_dma semaphore(%run_scoped3A_287 : memref<!tpu.dma_semaphore, #tpu.memory_space<semaphore_mem>>) src(%arg8 : memref<128x128xf32, #tpu.memory_space<vmem>>) dst(%dma_wait3A_299 : memref<10240x128xf32, #tpu.memory_space<vmem_shared>>)
        tpu.yield
      }) : () -> ()
      %add3A_265 = arith.constant 2 : i32
      %add3A_266 = arith.addi %mul3A_243, %add3A_265 : i32
      %dma_start3A_267 = arith.constant 0 : i32
      %dma_start3A_268 = tpu.memref_slice %arg6[%add3A_266, %dma_start3A_267] : memref<32x128xi32, #tpu.memory_space<vmem>> -> memref<1x128xi32, #tpu.memory_space<vmem>>
      %dma_start3A_269 = tpu.memref_squeeze %dma_start3A_268 : memref<1x128xi32, #tpu.memory_space<vmem>> -> memref<128xi32, #tpu.memory_space<vmem>>
      %dma_start3A_270 = arith.constant 0 : i32
      %dma_start3A_271 = arith.constant 0 : i32
      %dma_start3A_272 = tpu.memref_slice %arg2[%arg0, %dma_start3A_270, %dma_start3A_271] : memref<2x10240x128xf32, #tpu.memory_space<hbm>> -> memref<1x10240x128xf32, #tpu.memory_space<hbm>>
      %dma_start3A_273 = tpu.memref_squeeze %dma_start3A_272 : memref<1x10240x128xf32, #tpu.memory_space<hbm>> -> memref<10240x128xf32, #tpu.memory_space<hbm>>
      %dma_start3A_274 = arith.constant 0 : i32
      %dma_start3A_275 = arith.constant 0 : i32
      %dma_start3A_276 = tpu.memref_slice %dma_start3A_273[%dma_start3A_274, %dma_start3A_275] : memref<10240x128xf32, #tpu.memory_space<hbm>> -> memref<10240x128xf32, #tpu.memory_space<hbm>>
      tpu.enqueue_indirect_dma source(%dma_start3A_276 : memref<10240x128xf32, #tpu.memory_space<hbm>>) target(%arg8 : memref<128x128xf32, #tpu.memory_space<vmem>>) offsets(%dma_start3A_269 : memref<128xi32, #tpu.memory_space<vmem>>) semaphore(%arg11 : memref<!tpu.dma_semaphore, #tpu.memory_space<semaphore_mem>>)
      %dma_wait3A_277 = arith.constant 0 : i32
      %dma_wait3A_278 = tpu.memref_slice %arg6[%add3A_244, %dma_wait3A_277] : memref<32x128xi32, #tpu.memory_space<vmem>> -> memref<1x128xi32, #tpu.memory_space<vmem>>
      %dma_wait3A_279 = tpu.memref_squeeze %dma_wait3A_278 : memref<1x128xi32, #tpu.memory_space<vmem>> -> memref<128xi32, #tpu.memory_space<vmem>>
      %dma_wait3A_280 = arith.constant 0 : i32
      %dma_wait3A_281 = arith.constant 0 : i32
      %dma_wait3A_282 = tpu.memref_slice %arg2[%arg0, %dma_wait3A_280, %dma_wait3A_281] : memref<2x10240x128xf32, #tpu.memory_space<hbm>> -> memref<1x10240x128xf32, #tpu.memory_space<hbm>>
      %dma_wait3A_283 = tpu.memref_squeeze %dma_wait3A_282 : memref<1x10240x128xf32, #tpu.memory_space<hbm>> -> memref<10240x128xf32, #tpu.memory_space<hbm>>
      %dma_wait3A_284 = arith.constant 0 : i32
      %dma_wait3A_285 = arith.constant 0 : i32
      %dma_wait3A_286 = tpu.memref_slice %dma_wait3A_283[%dma_wait3A_284, %dma_wait3A_285] : memref<10240x128xf32, #tpu.memory_space<hbm>> -> memref<10240x128xf32, #tpu.memory_space<hbm>>
      tpu.wait_indirect_dma semaphore(%arg12 : memref<!tpu.dma_semaphore, #tpu.memory_space<semaphore_mem>>) src(%dma_wait3A_286 : memref<10240x128xf32, #tpu.memory_space<hbm>>) dst(%arg9 : memref<128x128xf32, #tpu.memory_space<vmem>>)
      "tpu.region"() ({
        %run_scoped3A_287 = tpu.sem_alloc : memref<!tpu.dma_semaphore, #tpu.memory_space<semaphore_mem>>
        %dma_start3A_288 = arith.constant 0 : i32
        %dma_start3A_289 = tpu.memref_slice %arg7[%add3A_244, %dma_start3A_288] : memref<32x128xi32, #tpu.memory_space<vmem>> -> memref<1x128xi32, #tpu.memory_space<vmem>>
        %dma_start3A_290 = tpu.memref_squeeze %dma_start3A_289 : memref<1x128xi32, #tpu.memory_space<vmem>> -> memref<128xi32, #tpu.memory_space<vmem>>
        %dma_start3A_291 = arith.constant 0 : i32
        %dma_start3A_292 = arith.constant 0 : i32
        %dma_start3A_293 = tpu.memref_slice %arg10[%dma_start3A_291, %dma_start3A_292] : memref<10240x128xf32, #tpu.memory_space<vmem_shared>> -> memref<10240x128xf32, #tpu.memory_space<vmem_shared>>
        tpu.enqueue_indirect_dma source(%arg9 : memref<128x128xf32, #tpu.memory_space<vmem>>) target(%dma_start3A_293 : memref<10240x128xf32, #tpu.memory_space<vmem_shared>>) offsets(%dma_start3A_290 : memref<128xi32, #tpu.memory_space<vmem>>) semaphore(%run_scoped3A_287 : memref<!tpu.dma_semaphore, #tpu.memory_space<semaphore_mem>>) {add = true}
        %dma_wait3A_294 = arith.constant 0 : i32
        %dma_wait3A_295 = tpu.memref_slice %arg7[%add3A_244, %dma_wait3A_294] : memref<32x128xi32, #tpu.memory_space<vmem>> -> memref<1x128xi32, #tpu.memory_space<vmem>>
        %dma_wait3A_296 = tpu.memref_squeeze %dma_wait3A_295 : memref<1x128xi32, #tpu.memory_space<vmem>> -> memref<128xi32, #tpu.memory_space<vmem>>
        %dma_wait3A_297 = arith.constant 0 : i32
        %dma_wait3A_298 = arith.constant 0 : i32
        %dma_wait3A_299 = tpu.memref_slice %arg10[%dma_wait3A_297, %dma_wait3A_298] : memref<10240x128xf32, #tpu.memory_space<vmem_shared>> -> memref<10240x128xf32, #tpu.memory_space<vmem_shared>>
        tpu.wait_indirect_dma semaphore(%run_scoped3A_287 : memref<!tpu.dma_semaphore, #tpu.memory_space<semaphore_mem>>) src(%arg9 : memref<128x128xf32, #tpu.memory_space<vmem>>) dst(%dma_wait3A_299 : memref<10240x128xf32, #tpu.memory_space<vmem_shared>>)
        tpu.yield
      }) : () -> ()
    }
    %scan3A_223 = arith.constant 14 : i32
    %dma_wait3A_224 = arith.constant 28 : i32
    %dma_wait3A_225 = arith.constant 0 : i32
    %dma_wait3A_226 = tpu.memref_slice %arg6[%dma_wait3A_224, %dma_wait3A_225] : memref<32x128xi32, #tpu.memory_space<vmem>> -> memref<1x128xi32, #tpu.memory_space<vmem>>
    %dma_wait3A_227 = tpu.memref_squeeze %dma_wait3A_226 : memref<1x128xi32, #tpu.memory_space<vmem>> -> memref<128xi32, #tpu.memory_space<vmem>>
    %dma_wait3A_228 = arith.constant 0 : i32
    %dma_wait3A_229 = arith.constant 0 : i32
    %dma_wait3A_230 = tpu.memref_slice %arg2[%arg0, %dma_wait3A_228, %dma_wait3A_229] : memref<2x10240x128xf32, #tpu.memory_space<hbm>> -> memref<1x10240x128xf32, #tpu.memory_space<hbm>>
    %dma_wait3A_231 = tpu.memref_squeeze %dma_wait3A_230 : memref<1x10240x128xf32, #tpu.memory_space<hbm>> -> memref<10240x128xf32, #tpu.memory_space<hbm>>
    %dma_wait3A_232 = arith.constant 0 : i32
    %dma_wait3A_233 = arith.constant 0 : i32
    %dma_wait3A_234 = tpu.memref_slice %dma_wait3A_231[%dma_wait3A_232, %dma_wait3A_233] : memref<10240x128xf32, #tpu.memory_space<hbm>> -> memref<10240x128xf32, #tpu.memory_space<hbm>>
    tpu.wait_indirect_dma semaphore(%arg11 : memref<!tpu.dma_semaphore, #tpu.memory_space<semaphore_mem>>) src(%dma_wait3A_234 : memref<10240x128xf32, #tpu.memory_space<hbm>>) dst(%arg8 : memref<128x128xf32, #tpu.memory_space<vmem>>)
    %run_scoped3A_235 = arith.constant 28 : i32
    "tpu.region"() ({
      %run_scoped3A_241 = tpu.sem_alloc : memref<!tpu.dma_semaphore, #tpu.memory_space<semaphore_mem>>
      %dma_start3A_242 = arith.constant 0 : i32
      %dma_start3A_243 = tpu.memref_slice %arg7[%run_scoped3A_235, %dma_start3A_242] : memref<32x128xi32, #tpu.memory_space<vmem>> -> memref<1x128xi32, #tpu.memory_space<vmem>>
      %dma_start3A_244 = tpu.memref_squeeze %dma_start3A_243 : memref<1x128xi32, #tpu.memory_space<vmem>> -> memref<128xi32, #tpu.memory_space<vmem>>
      %dma_start3A_245 = arith.constant 0 : i32
      %dma_start3A_246 = arith.constant 0 : i32
      %dma_start3A_247 = tpu.memref_slice %arg10[%dma_start3A_245, %dma_start3A_246] : memref<10240x128xf32, #tpu.memory_space<vmem_shared>> -> memref<10240x128xf32, #tpu.memory_space<vmem_shared>>
      tpu.enqueue_indirect_dma source(%arg8 : memref<128x128xf32, #tpu.memory_space<vmem>>) target(%dma_start3A_247 : memref<10240x128xf32, #tpu.memory_space<vmem_shared>>) offsets(%dma_start3A_244 : memref<128xi32, #tpu.memory_space<vmem>>) semaphore(%run_scoped3A_241 : memref<!tpu.dma_semaphore, #tpu.memory_space<semaphore_mem>>) {add = true}
      %dma_wait3A_248 = arith.constant 0 : i32
      %dma_wait3A_249 = tpu.memref_slice %arg7[%run_scoped3A_235, %dma_wait3A_248] : memref<32x128xi32, #tpu.memory_space<vmem>> -> memref<1x128xi32, #tpu.memory_space<vmem>>
      %dma_wait3A_250 = tpu.memref_squeeze %dma_wait3A_249 : memref<1x128xi32, #tpu.memory_space<vmem>> -> memref<128xi32, #tpu.memory_space<vmem>>
      %dma_wait3A_251 = arith.constant 0 : i32
      %dma_wait3A_252 = arith.constant 0 : i32
      %dma_wait3A_253 = tpu.memref_slice %arg10[%dma_wait3A_251, %dma_wait3A_252] : memref<10240x128xf32, #tpu.memory_space<vmem_shared>> -> memref<10240x128xf32, #tpu.memory_space<vmem_shared>>
      tpu.wait_indirect_dma semaphore(%run_scoped3A_241 : memref<!tpu.dma_semaphore, #tpu.memory_space<semaphore_mem>>) src(%arg8 : memref<128x128xf32, #tpu.memory_space<vmem>>) dst(%dma_wait3A_253 : memref<10240x128xf32, #tpu.memory_space<vmem_shared>>)
      tpu.yield
    }) : () -> ()
    %barrier3A_236 = arith.constant 0 : index
    tpu.barrier barrier_id(%barrier3A_236)
    %mul3A_237 = arith.constant 640 : i32
    %mul3A_238 = arith.muli %arg1, %mul3A_237 : i32
    %mul3A_239 = arith.constant 640 : i32
    %mul3A_240 = arith.muli %arg1, %mul3A_239 : i32
    "tpu.region"() ({
      %run_scoped3A_241 = tpu.sem_alloc : memref<!tpu.dma_semaphore, #tpu.memory_space<semaphore_mem>>
      %dma_start3A_242 = arith.constant 0 : i32
      %dma_start3A_243 = tpu.memref_slice %arg5[%arg0, %mul3A_240, %dma_start3A_242] : memref<2x10240x128xf32, #tpu.memory_space<hbm>> -> memref<1x640x128xf32, #tpu.memory_space<hbm>>
      %dma_start3A_244 = tpu.memref_squeeze %dma_start3A_243 : memref<1x640x128xf32, #tpu.memory_space<hbm>> -> memref<640x128xf32, #tpu.memory_space<hbm>>
      %dma_start3A_245 = arith.constant 0 : i32
      %dma_start3A_246 = tpu.memref_slice %arg10[%mul3A_238, %dma_start3A_245] : memref<10240x128xf32, #tpu.memory_space<vmem_shared>> -> memref<640x128xf32, #tpu.memory_space<vmem_shared>>
      tpu.enqueue_dma source(%dma_start3A_246 : memref<640x128xf32, #tpu.memory_space<vmem_shared>>) target(%dma_start3A_244 : memref<640x128xf32, #tpu.memory_space<hbm>>) target_semaphore(%run_scoped3A_241 : memref<!tpu.dma_semaphore, #tpu.memory_space<semaphore_mem>>)
      %dma_wait3A_247 = arith.constant 0 : i32
      %dma_wait3A_248 = tpu.memref_slice %arg5[%arg0, %mul3A_240, %dma_wait3A_247] : memref<2x10240x128xf32, #tpu.memory_space<hbm>> -> memref<1x640x128xf32, #tpu.memory_space<hbm>>
      %dma_wait3A_249 = tpu.memref_squeeze %dma_wait3A_248 : memref<1x640x128xf32, #tpu.memory_space<hbm>> -> memref<640x128xf32, #tpu.memory_space<hbm>>
      %dma_wait3A_250 = arith.constant 0 : i32
      %dma_wait3A_251 = tpu.memref_slice %arg10[%mul3A_238, %dma_wait3A_250] : memref<10240x128xf32, #tpu.memory_space<vmem_shared>> -> memref<640x128xf32, #tpu.memory_space<vmem_shared>>
      tpu.wait_dma2 semaphore(%run_scoped3A_241 : memref<!tpu.dma_semaphore, #tpu.memory_space<semaphore_mem>>) src(%dma_wait3A_251 : memref<640x128xf32, #tpu.memory_space<vmem_shared>>) dst(%dma_wait3A_249 : memref<640x128xf32, #tpu.memory_space<hbm>>)
      tpu.yield
    }) : () -> ()
    return
  }
}

module attributes {stable_mosaic.version = 14 : i64} {
  func.func @body(%arg0: i32, %arg1: memref<2048x128xf32, #tpu.memory_space<vmem>>, %arg2: memref<128x128xf32, #tpu.memory_space<vmem>>, %arg3: memref<2048x1xf32, #tpu.memory_space<vmem>>, %arg4: memref<2048x128xf32, #tpu.memory_space<vmem>>) attributes {dimension_semantics = [#tpu.dimension_semantics<arbitrary>], iteration_bounds = array<i64: 10>, scalar_prefetch = 0 : i64, scratch_operands = 0 : i64, tpu.core_type = #tpu.core_type<tc>, window_params = [{transform_indices = @transform_0, window_bounds = array<i64: 2048, 128>}, {pipeline_mode = #tpu.pipeline_mode<synchronous>, transform_indices = @transform_1, window_bounds = array<i64: 128, 128>}, {transform_indices = @transform_2, window_bounds = array<i64: 2048, 1>}, {transform_indices = @transform_3, window_bounds = array<i64: 2048, 128>}]} {
    %get3A = arith.constant 0 : index
    %get3A_0 = arith.constant 0 : index
    %get3A_1 = vector.load %arg3[%get3A, %get3A_0] : memref<2048x1xf32, #tpu.memory_space<vmem>>, vector<2048x1xf32>
    %add3A = arith.constant 1.000000e+00 : f32
    %add3A_2 = vector.broadcast %add3A : f32 to vector<2048x1xf32>
    %add3A_3 = arith.addf %get3A_1, %add3A_2 : vector<2048x1xf32>
    %rsqrt3A = math.rsqrt %add3A_3 : vector<2048x1xf32>
    %get3A_4 = arith.constant 0 : index
    %get3A_5 = arith.constant 0 : index
    %get3A_6 = vector.load %arg1[%get3A_4, %get3A_5] : memref<2048x128xf32, #tpu.memory_space<vmem>>, vector<2048x128xf32>
    %get3A_7 = arith.constant 0 : index
    %get3A_8 = arith.constant 0 : index
    %get3A_9 = vector.load %arg2[%get3A_7, %get3A_8] : memref<128x128xf32, #tpu.memory_space<vmem>>, vector<128x128xf32>
    %dot_general3A = arith.constant dense<0.000000e+00> : vector<2048x128xf32>
    %dot_general3A_10 = tpu.matmul %get3A_6, %get3A_9, %dot_general3A {dimension_numbers = #tpu.dot_dimension_numbers<[1], [0], [0], [1], [0, 0, 1, 1], [], []>, transpose_lhs_hint = false} : vector<2048x128xf32>, vector<128x128xf32>, vector<2048x128xf32> -> vector<2048x128xf32>
    %mul3A = vector.broadcast %rsqrt3A : vector<2048x1xf32> to vector<2048x128xf32>
    %mul3A_11 = arith.mulf %dot_general3A_10, %mul3A : vector<2048x128xf32>
    %swap3A = arith.constant 0 : index
    %swap3A_12 = arith.constant 0 : index
    %swap3A_13 = vector.load %arg4[%swap3A, %swap3A_12] : memref<2048x128xf32, #tpu.memory_space<vmem>>, vector<2048x128xf32>
    tpu.vector_store %arg4[%swap3A, %swap3A_12], %mul3A_11 {strides = array<i32>} : memref<2048x128xf32, #tpu.memory_space<vmem>>, vector<2048x128xf32>,
    return
  }
  func.func @transform_0(%arg0: i32) -> (i32, i32) {
    %c0_i32 = arith.constant 0 : i32
    %c0_i32_0 = arith.constant 0 : i32
    return %arg0, %c0_i32 : i32, i32
  }
  func.func @transform_1(%arg0: i32) -> (i32, i32) {
    %c0_i32 = arith.constant 0 : i32
    %c0_i32_0 = arith.constant 0 : i32
    %c0_i32_1 = arith.constant 0 : i32
    return %c0_i32, %c0_i32_0 : i32, i32
  }
  func.func @transform_2(%arg0: i32) -> (i32, i32) {
    %c0_i32 = arith.constant 0 : i32
    %c0_i32_0 = arith.constant 0 : i32
    return %arg0, %c0_i32 : i32, i32
  }
  func.func @transform_3(%arg0: i32) -> (i32, i32) {
    %c0_i32 = arith.constant 0 : i32
    %c0_i32_0 = arith.constant 0 : i32
    return %arg0, %c0_i32 : i32, i32
  }
}

module attributes {stable_mosaic.version = 14 : i64} {
  func.func @body(%arg0: i32, %arg1: memref<2048x128xf32, #tpu.memory_space<vmem>>, %arg2: memref<2048x1xf32, #tpu.memory_space<vmem>>, %arg3: memref<1x128xf32, #tpu.memory_space<vmem>>, %arg4: memref<128x128xf32, #tpu.memory_space<vmem>>, %arg5: memref<2048x128xf32, #tpu.memory_space<vmem>>) attributes {dimension_semantics = [#tpu.dimension_semantics<arbitrary>], iteration_bounds = array<i64: 10>, scalar_prefetch = 0 : i64, scratch_operands = 0 : i64, tpu.core_type = #tpu.core_type<tc>, window_params = [{transform_indices = @transform_0, window_bounds = array<i64: 2048, 128>}, {transform_indices = @transform_1, window_bounds = array<i64: 2048, 1>}, {pipeline_mode = #tpu.pipeline_mode<synchronous>, transform_indices = @transform_2, window_bounds = array<i64: 1, 128>}, {pipeline_mode = #tpu.pipeline_mode<synchronous>, transform_indices = @transform_3, window_bounds = array<i64: 128, 128>}, {transform_indices = @transform_4, window_bounds = array<i64: 2048, 128>}]} {
    %get3A = arith.constant 0 : index
    %get3A_0 = arith.constant 0 : index
    %get3A_1 = vector.load %arg2[%get3A, %get3A_0] : memref<2048x1xf32, #tpu.memory_space<vmem>>, vector<2048x1xf32>
    %add3A = arith.constant 1.000000e+00 : f32
    %add3A_2 = vector.broadcast %add3A : f32 to vector<2048x1xf32>
    %add3A_3 = arith.addf %get3A_1, %add3A_2 : vector<2048x1xf32>
    %rsqrt3A = math.rsqrt %add3A_3 : vector<2048x1xf32>
    %get3A_4 = arith.constant 0 : index
    %get3A_5 = arith.constant 0 : index
    %get3A_6 = vector.load %arg1[%get3A_4, %get3A_5] : memref<2048x128xf32, #tpu.memory_space<vmem>>, vector<2048x128xf32>
    %mul3A = vector.broadcast %rsqrt3A : vector<2048x1xf32> to vector<2048x128xf32>
    %mul3A_7 = arith.mulf %get3A_6, %mul3A : vector<2048x128xf32>
    %get3A_8 = arith.constant 0 : index
    %get3A_9 = arith.constant 0 : index
    %get3A_10 = vector.load %arg3[%get3A_8, %get3A_9] : memref<1x128xf32, #tpu.memory_space<vmem>>, vector<1x128xf32>
    %add3A_11 = vector.broadcast %get3A_10 : vector<1x128xf32> to vector<2048x128xf32>
    %add3A_12 = arith.addf %mul3A_7, %add3A_11 : vector<2048x128xf32>
    %max3A = arith.constant 0.000000e+00 : f32
    %max3A_13 = vector.broadcast %max3A : f32 to vector<2048x128xf32>
    %max3A_14 = arith.maximumf %add3A_12, %max3A_13 : vector<2048x128xf32>
    %get3A_15 = arith.constant 0 : index
    %get3A_16 = arith.constant 0 : index
    %get3A_17 = vector.load %arg4[%get3A_15, %get3A_16] : memref<128x128xf32, #tpu.memory_space<vmem>>, vector<128x128xf32>
    %dot_general3A = arith.constant dense<0.000000e+00> : vector<2048x128xf32>
    %dot_general3A_18 = tpu.matmul %max3A_14, %get3A_17, %dot_general3A {dimension_numbers = #tpu.dot_dimension_numbers<[1], [0], [0], [1], [0, 0, 1, 1], [], []>, transpose_lhs_hint = false} : vector<2048x128xf32>, vector<128x128xf32>, vector<2048x128xf32> -> vector<2048x128xf32>
    %mul3A_19 = vector.broadcast %rsqrt3A : vector<2048x1xf32> to vector<2048x128xf32>
    %mul3A_20 = arith.mulf %dot_general3A_18, %mul3A_19 : vector<2048x128xf32>
    %swap3A = arith.constant 0 : index
    %swap3A_21 = arith.constant 0 : index
    %swap3A_22 = vector.load %arg5[%swap3A, %swap3A_21] : memref<2048x128xf32, #tpu.memory_space<vmem>>, vector<2048x128xf32>
    tpu.vector_store %arg5[%swap3A, %swap3A_21], %mul3A_20 {strides = array<i32>} : memref<2048x128xf32, #tpu.memory_space<vmem>>, vector<2048x128xf32>,
    return
  }
  func.func @transform_0(%arg0: i32) -> (i32, i32) {
    %c0_i32 = arith.constant 0 : i32
    %c0_i32_0 = arith.constant 0 : i32
    return %arg0, %c0_i32 : i32, i32
  }
  func.func @transform_1(%arg0: i32) -> (i32, i32) {
    %c0_i32 = arith.constant 0 : i32
    %c0_i32_0 = arith.constant 0 : i32
    return %arg0, %c0_i32 : i32, i32
  }
  func.func @transform_2(%arg0: i32) -> (i32, i32) {
    %c0_i32 = arith.constant 0 : i32
    %c0_i32_0 = arith.constant 0 : i32
    %c0_i32_1 = arith.constant 0 : i32
    return %c0_i32, %c0_i32_0 : i32, i32
  }
  func.func @transform_3(%arg0: i32) -> (i32, i32) {
    %c0_i32 = arith.constant 0 : i32
    %c0_i32_0 = arith.constant 0 : i32
    %c0_i32_1 = arith.constant 0 : i32
    return %c0_i32, %c0_i32_0 : i32, i32
  }
  func.func @transform_4(%arg0: i32) -> (i32, i32) {
    %c0_i32 = arith.constant 0 : i32
    %c0_i32_0 = arith.constant 0 : i32
    return %arg0, %c0_i32 : i32, i32
  }
}

module attributes {stable_mosaic.version = 14 : i64} {
  func.func @body(%arg0: i32, %arg1: memref<1024x128xf32, #tpu.memory_space<vmem>>, %arg2: memref<1024x1xf32, #tpu.memory_space<vmem>>, %arg3: memref<1x128xf32, #tpu.memory_space<vmem>>, %arg4: memref<1024x1xf32, #tpu.memory_space<vmem>>, %arg5: memref<128x128xf32, #tpu.memory_space<vmem>>, %arg6: memref<1x128xf32, #tpu.memory_space<vmem>>, %arg7: memref<128x128xf32, #tpu.memory_space<vmem>>, %arg8: memref<1x128xf32, #tpu.memory_space<vmem>>, %arg9: memref<1x128xf32, #tpu.memory_space<vmem>>, %arg10: memref<1x128xf32, #tpu.memory_space<vmem>>, %arg11: memref<256x128xf32, #tpu.memory_space<vmem>>, %arg12: memref<1x128xf32, #tpu.memory_space<vmem>>, %arg13: memref<256x1xf32, #tpu.memory_space<vmem>>, %arg14: memref<1x256xf32, #tpu.memory_space<vmem>>, %arg15: memref<256x128xf32, #tpu.memory_space<vmem>>, %arg16: memref<8x128xf32, #tpu.memory_space<vmem>>, %arg17: memref<2x128x128xf32, #tpu.memory_space<vmem>>, %arg18: memref<128x128xf32, #tpu.memory_space<vmem>>) attributes {dimension_semantics = [#tpu.dimension_semantics<arbitrary>], iteration_bounds = array<i64: 20>, scalar_prefetch = 0 : i64, scratch_operands = 2 : i64, tpu.core_type = #tpu.core_type<tc>, window_params = [{transform_indices = @transform_0, window_bounds = array<i64: 1024, 128>}, {transform_indices = @transform_1, window_bounds = array<i64: 1024, 1>}, {pipeline_mode = #tpu.pipeline_mode<synchronous>, transform_indices = @transform_2, window_bounds = array<i64: 1, 128>}, {transform_indices = @transform_3, window_bounds = array<i64: 1024, 1>}, {pipeline_mode = #tpu.pipeline_mode<synchronous>, transform_indices = @transform_4, window_bounds = array<i64: 128, 128>}, {pipeline_mode = #tpu.pipeline_mode<synchronous>, transform_indices = @transform_5, window_bounds = array<i64: 1, 128>}, {pipeline_mode = #tpu.pipeline_mode<synchronous>, transform_indices = @transform_6, window_bounds = array<i64: 128, 128>}, {pipeline_mode = #tpu.pipeline_mode<synchronous>, transform_indices = @transform_7, window_bounds = array<i64: 1, 128>}, {pipeline_mode = #tpu.pipeline_mode<synchronous>, transform_indices = @transform_8, window_bounds = array<i64: 1, 128>}, {pipeline_mode = #tpu.pipeline_mode<synchronous>, transform_indices = @transform_9, window_bounds = array<i64: 1, 128>}, {pipeline_mode = #tpu.pipeline_mode<synchronous>, transform_indices = @transform_10, window_bounds = array<i64: 256, 128>}, {pipeline_mode = #tpu.pipeline_mode<synchronous>, transform_indices = @transform_11, window_bounds = array<i64: 1, 128>}, {pipeline_mode = #tpu.pipeline_mode<synchronous>, transform_indices = @transform_12, window_bounds = array<i64: 256, 1>}, {pipeline_mode = #tpu.pipeline_mode<synchronous>, transform_indices = @transform_13, window_bounds = array<i64: 1, 256>}, {pipeline_mode = #tpu.pipeline_mode<synchronous>, transform_indices = @transform_14, window_bounds = array<i64: 256, 128>}, {pipeline_mode = #tpu.pipeline_mode<synchronous>, transform_indices = @transform_15, window_bounds = array<i64: 8, 128>}]} {
    %get3A = arith.constant 0 : index
    %get3A_0 = arith.constant 0 : index
    %get3A_1 = vector.load %arg2[%get3A, %get3A_0] : memref<1024x1xf32, #tpu.memory_space<vmem>>, vector<1024x1xf32>
    %add3A = arith.constant 1.000000e+00 : f32
    %add3A_2 = vector.broadcast %add3A : f32 to vector<1024x1xf32>
    %add3A_3 = arith.addf %get3A_1, %add3A_2 : vector<1024x1xf32>
    %rsqrt3A = math.rsqrt %add3A_3 : vector<1024x1xf32>
    %get3A_4 = arith.constant 0 : index
    %get3A_5 = arith.constant 0 : index
    %get3A_6 = vector.load %arg1[%get3A_4, %get3A_5] : memref<1024x128xf32, #tpu.memory_space<vmem>>, vector<1024x128xf32>
    %mul3A = vector.broadcast %rsqrt3A : vector<1024x1xf32> to vector<1024x128xf32>
    %mul3A_7 = arith.mulf %get3A_6, %mul3A : vector<1024x128xf32>
    %get3A_8 = arith.constant 0 : index
    %get3A_9 = arith.constant 0 : index
    %get3A_10 = vector.load %arg3[%get3A_8, %get3A_9] : memref<1x128xf32, #tpu.memory_space<vmem>>, vector<1x128xf32>
    %add3A_11 = vector.broadcast %get3A_10 : vector<1x128xf32> to vector<1024x128xf32>
    %add3A_12 = arith.addf %mul3A_7, %add3A_11 : vector<1024x128xf32>
    %max3A = arith.constant 0.000000e+00 : f32
    %max3A_13 = vector.broadcast %max3A : f32 to vector<1024x128xf32>
    %max3A_14 = arith.maximumf %add3A_12, %max3A_13 : vector<1024x128xf32>
    %iota3A = tpu.iota {dimensions = array<i32: 1>} : vector<1x128xi32>
    %convert_element_type3A = arith.sitofp %iota3A : vector<1x128xi32> to vector<1x128xf32>
    %get3A_15 = arith.constant 0 : index
    %get3A_16 = arith.constant 0 : index
    %get3A_17 = vector.load %arg4[%get3A_15, %get3A_16] : memref<1024x1xf32, #tpu.memory_space<vmem>>, vector<1024x1xf32>
    %eq3A = vector.broadcast %get3A_17 : vector<1024x1xf32> to vector<1024x128xf32>
    %eq3A_18 = vector.broadcast %convert_element_type3A : vector<1x128xf32> to vector<1024x128xf32>
    %eq3A_19 = arith.cmpf oeq, %eq3A, %eq3A_18 : vector<1024x128xf32>
    %convert_element_type3A_20 = arith.extui %eq3A_19 : vector<1024x128xi1> to vector<1024x128xi32>
    %convert_element_type3A_21 = arith.sitofp %convert_element_type3A_20 : vector<1024x128xi32> to vector<1024x128xf32>
    %dot_general3A = arith.constant dense<0.000000e+00> : vector<128x128xf32>
    %dot_general3A_22 = tpu.matmul %convert_element_type3A_21, %max3A_14, %dot_general3A {dimension_numbers = #tpu.dot_dimension_numbers<[0], [0], [1], [1], [0, 1, 1, 1], [], []>, transpose_lhs_hint = false} : vector<1024x128xf32>, vector<1024x128xf32>, vector<128x128xf32> -> vector<128x128xf32>
    %eq3A_23 = arith.constant 0 : i32
    %eq3A_24 = arith.cmpi eq, %arg0, %eq3A_23 : i32
    %convert_element_type3A_25 = arith.extui %eq3A_24 : i1 to i32
    %cond3A = arith.constant 0 : i32
    %cond3A_26 = arith.cmpi ne, %convert_element_type3A_25, %cond3A : i32
    scf.if %cond3A_26 {
      %swap3A = arith.constant 0 : index
      %swap3A_62 = arith.constant 0 : index
      %swap3A_63 = arith.constant 0 : index
      %swap3A_64 = vector.load %arg17[%swap3A, %swap3A_62, %swap3A_63] : memref<2x128x128xf32, #tpu.memory_space<vmem>>, vector<1x128x128xf32>
      %swap3A_65 = vector.shape_cast %swap3A_64 : vector<1x128x128xf32> to vector<128x128xf32>
      %swap3A_66 = vector.shape_cast %dot_general3A_22 : vector<128x128xf32> to vector<1x128x128xf32>
      tpu.vector_store %arg17[%swap3A, %swap3A_62, %swap3A_63], %swap3A_66 {strides = array<i32>} : memref<2x128x128xf32, #tpu.memory_space<vmem>>, vector<1x128x128xf32>,
    } else {
    }
    %gt3A = arith.constant 0 : i32
    %gt3A_27 = arith.cmpi sgt, %arg0, %gt3A : i32
    %lt3A = arith.constant 10 : i32
    %lt3A_28 = arith.cmpi slt, %arg0, %lt3A : i32
    %and3A = arith.andi %gt3A_27, %lt3A_28 : i1
    %convert_element_type3A_29 = arith.extui %and3A : i1 to i32
    %cond3A_30 = arith.constant 0 : i32
    %cond3A_31 = arith.cmpi ne, %convert_element_type3A_29, %cond3A_30 : i32
    scf.if %cond3A_31 {
      %get3A_62 = arith.constant 0 : index
      %get3A_63 = arith.constant 0 : index
      %get3A_64 = arith.constant 0 : index
      %get3A_65 = vector.load %arg17[%get3A_62, %get3A_63, %get3A_64] : memref<2x128x128xf32, #tpu.memory_space<vmem>>, vector<1x128x128xf32>
      %get3A_66 = vector.shape_cast %get3A_65 : vector<1x128x128xf32> to vector<128x128xf32>
      %add3A_67 = arith.addf %get3A_66, %dot_general3A_22 : vector<128x128xf32>
      %swap3A = arith.constant 0 : index
      %swap3A_68 = arith.constant 0 : index
      %swap3A_69 = arith.constant 0 : index
      %swap3A_70 = vector.load %arg17[%swap3A, %swap3A_68, %swap3A_69] : memref<2x128x128xf32, #tpu.memory_space<vmem>>, vector<1x128x128xf32>
      %swap3A_71 = vector.shape_cast %swap3A_70 : vector<1x128x128xf32> to vector<128x128xf32>
      %swap3A_72 = vector.shape_cast %add3A_67 : vector<128x128xf32> to vector<1x128x128xf32>
      tpu.vector_store %arg17[%swap3A, %swap3A_68, %swap3A_69], %swap3A_72 {strides = array<i32>} : memref<2x128x128xf32, #tpu.memory_space<vmem>>, vector<1x128x128xf32>,
    } else {
    }
    %eq3A_32 = arith.constant 10 : i32
    %eq3A_33 = arith.cmpi eq, %arg0, %eq3A_32 : i32
    %convert_element_type3A_34 = arith.extui %eq3A_33 : i1 to i32
    %cond3A_35 = arith.constant 0 : i32
    %cond3A_36 = arith.cmpi ne, %convert_element_type3A_34, %cond3A_35 : i32
    scf.if %cond3A_36 {
      %swap3A = arith.constant 1 : index
      %swap3A_62 = arith.constant 0 : index
      %swap3A_63 = arith.constant 0 : index
      %swap3A_64 = vector.load %arg17[%swap3A, %swap3A_62, %swap3A_63] : memref<2x128x128xf32, #tpu.memory_space<vmem>>, vector<1x128x128xf32>
      %swap3A_65 = vector.shape_cast %swap3A_64 : vector<1x128x128xf32> to vector<128x128xf32>
      %swap3A_66 = vector.shape_cast %dot_general3A_22 : vector<128x128xf32> to vector<1x128x128xf32>
      tpu.vector_store %arg17[%swap3A, %swap3A_62, %swap3A_63], %swap3A_66 {strides = array<i32>} : memref<2x128x128xf32, #tpu.memory_space<vmem>>, vector<1x128x128xf32>,
    } else {
    }
    %gt3A_37 = arith.constant 10 : i32
    %gt3A_38 = arith.cmpi sgt, %arg0, %gt3A_37 : i32
    %convert_element_type3A_39 = arith.extui %gt3A_38 : i1 to i32
    %cond3A_40 = arith.constant 0 : i32
    %cond3A_41 = arith.cmpi ne, %convert_element_type3A_39, %cond3A_40 : i32
    scf.if %cond3A_41 {
      %get3A_62 = arith.constant 1 : index
      %get3A_63 = arith.constant 0 : index
      %get3A_64 = arith.constant 0 : index
      %get3A_65 = vector.load %arg17[%get3A_62, %get3A_63, %get3A_64] : memref<2x128x128xf32, #tpu.memory_space<vmem>>, vector<1x128x128xf32>
      %get3A_66 = vector.shape_cast %get3A_65 : vector<1x128x128xf32> to vector<128x128xf32>
      %add3A_67 = arith.addf %get3A_66, %dot_general3A_22 : vector<128x128xf32>
      %swap3A = arith.constant 1 : index
      %swap3A_68 = arith.constant 0 : index
      %swap3A_69 = arith.constant 0 : index
      %swap3A_70 = vector.load %arg17[%swap3A, %swap3A_68, %swap3A_69] : memref<2x128x128xf32, #tpu.memory_space<vmem>>, vector<1x128x128xf32>
      %swap3A_71 = vector.shape_cast %swap3A_70 : vector<1x128x128xf32> to vector<128x128xf32>
      %swap3A_72 = vector.shape_cast %add3A_67 : vector<128x128xf32> to vector<1x128x128xf32>
      tpu.vector_store %arg17[%swap3A, %swap3A_68, %swap3A_69], %swap3A_72 {strides = array<i32>} : memref<2x128x128xf32, #tpu.memory_space<vmem>>, vector<1x128x128xf32>,
    } else {
    }
    %broadcast_in_dim3A = arith.constant 1.000000e+00 : f32
    %broadcast_in_dim3A_42 = vector.broadcast %broadcast_in_dim3A : f32 to vector<1024x128xf32>
    %dot_general3A_43 = arith.constant dense<0.000000e+00> : vector<128x128xf32>
    %dot_general3A_44 = tpu.matmul %convert_element_type3A_21, %broadcast_in_dim3A_42, %dot_general3A_43 {dimension_numbers = #tpu.dot_dimension_numbers<[0], [0], [1], [1], [0, 1, 1, 1], [], []>, transpose_lhs_hint = false} : vector<1024x128xf32>, vector<1024x128xf32>, vector<128x128xf32> -> vector<128x128xf32>
    %eq3A_45 = arith.constant 0 : i32
    %eq3A_46 = arith.cmpi eq, %arg0, %eq3A_45 : i32
    %convert_element_type3A_47 = arith.extui %eq3A_46 : i1 to i32
    %cond3A_48 = arith.constant 0 : i32
    %cond3A_49 = arith.cmpi ne, %convert_element_type3A_47, %cond3A_48 : i32
    scf.if %cond3A_49 {
      %swap3A = arith.constant 0 : index
      %swap3A_62 = arith.constant 0 : index
      %swap3A_63 = vector.load %arg18[%swap3A, %swap3A_62] : memref<128x128xf32, #tpu.memory_space<vmem>>, vector<128x128xf32>
      tpu.vector_store %arg18[%swap3A, %swap3A_62], %dot_general3A_44 {strides = array<i32>} : memref<128x128xf32, #tpu.memory_space<vmem>>, vector<128x128xf32>,
    } else {
    }
    %ne3A = arith.constant 0 : i32
    %ne3A_50 = arith.cmpi ne, %arg0, %ne3A : i32
    %lt3A_51 = arith.constant 10 : i32
    %lt3A_52 = arith.cmpi slt, %arg0, %lt3A_51 : i32
    %and3A_53 = arith.andi %ne3A_50, %lt3A_52 : i1
    %convert_element_type3A_54 = arith.extui %and3A_53 : i1 to i32
    %cond3A_55 = arith.constant 0 : i32
    %cond3A_56 = arith.cmpi ne, %convert_element_type3A_54, %cond3A_55 : i32
    scf.if %cond3A_56 {
      %get3A_62 = arith.constant 0 : index
      %get3A_63 = arith.constant 0 : index
      %get3A_64 = vector.load %arg18[%get3A_62, %get3A_63] : memref<128x128xf32, #tpu.memory_space<vmem>>, vector<128x128xf32>
      %add3A_65 = arith.addf %get3A_64, %dot_general3A_44 : vector<128x128xf32>
      %swap3A = arith.constant 0 : index
      %swap3A_66 = arith.constant 0 : index
      %swap3A_67 = vector.load %arg18[%swap3A, %swap3A_66] : memref<128x128xf32, #tpu.memory_space<vmem>>, vector<128x128xf32>
      tpu.vector_store %arg18[%swap3A, %swap3A_66], %add3A_65 {strides = array<i32>} : memref<128x128xf32, #tpu.memory_space<vmem>>, vector<128x128xf32>,
    } else {
    }
    %eq3A_57 = arith.constant 19 : i32
    %eq3A_58 = arith.cmpi eq, %arg0, %eq3A_57 : i32
    %convert_element_type3A_59 = arith.extui %eq3A_58 : i1 to i32
    %cond3A_60 = arith.constant 0 : i32
    %cond3A_61 = arith.cmpi ne, %convert_element_type3A_59, %cond3A_60 : i32
    scf.if %cond3A_61 {
      %get3A_62 = arith.constant 0 : index
      %get3A_63 = arith.constant 0 : index
      %get3A_64 = vector.load %arg18[%get3A_62, %get3A_63] : memref<128x128xf32, #tpu.memory_space<vmem>>, vector<128x128xf32>
      %max3A_65 = arith.constant 1.000000e+00 : f32
      %max3A_66 = vector.broadcast %max3A_65 : f32 to vector<128x128xf32>
      %max3A_67 = arith.maximumf %get3A_64, %max3A_66 : vector<128x128xf32>
      %get3A_68 = arith.constant 0 : index
      %get3A_69 = arith.constant 0 : index
      %get3A_70 = arith.constant 0 : index
      %get3A_71 = vector.load %arg17[%get3A_68, %get3A_69, %get3A_70] : memref<2x128x128xf32, #tpu.memory_space<vmem>>, vector<1x128x128xf32>
      %get3A_72 = vector.shape_cast %get3A_71 : vector<1x128x128xf32> to vector<128x128xf32>
      %div3A = arith.divf %get3A_72, %max3A_67 : vector<128x128xf32>
      %get3A_73 = arith.constant 1 : index
      %get3A_74 = arith.constant 0 : index
      %get3A_75 = arith.constant 0 : index
      %get3A_76 = vector.load %arg17[%get3A_73, %get3A_74, %get3A_75] : memref<2x128x128xf32, #tpu.memory_space<vmem>>, vector<1x128x128xf32>
      %get3A_77 = vector.shape_cast %get3A_76 : vector<1x128x128xf32> to vector<128x128xf32>
      %div3A_78 = arith.divf %get3A_77, %max3A_67 : vector<128x128xf32>
      %get3A_79 = arith.constant 0 : index
      %get3A_80 = arith.constant 0 : index
      %get3A_81 = vector.load %arg5[%get3A_79, %get3A_80] : memref<128x128xf32, #tpu.memory_space<vmem>>, vector<128x128xf32>
      %dot_general3A_82 = arith.constant dense<0.000000e+00> : vector<128x128xf32>
      %dot_general3A_83 = tpu.matmul %div3A, %get3A_81, %dot_general3A_82 {dimension_numbers = #tpu.dot_dimension_numbers<[1], [0], [0], [1], [0, 0, 1, 1], [], []>, transpose_lhs_hint = false} : vector<128x128xf32>, vector<128x128xf32>, vector<128x128xf32> -> vector<128x128xf32>
      %get3A_84 = arith.constant 0 : index
      %get3A_85 = arith.constant 0 : index
      %get3A_86 = vector.load %arg6[%get3A_84, %get3A_85] : memref<1x128xf32, #tpu.memory_space<vmem>>, vector<1x128xf32>
      %add3A_87 = vector.broadcast %get3A_86 : vector<1x128xf32> to vector<128x128xf32>
      %add3A_88 = arith.addf %dot_general3A_83, %add3A_87 : vector<128x128xf32>
      %max3A_89 = arith.constant 0.000000e+00 : f32
      %max3A_90 = vector.broadcast %max3A_89 : f32 to vector<128x128xf32>
      %max3A_91 = arith.maximumf %add3A_88, %max3A_90 : vector<128x128xf32>
      %get3A_92 = arith.constant 0 : index
      %get3A_93 = arith.constant 0 : index
      %get3A_94 = vector.load %arg7[%get3A_92, %get3A_93] : memref<128x128xf32, #tpu.memory_space<vmem>>, vector<128x128xf32>
      %dot_general3A_95 = arith.constant dense<0.000000e+00> : vector<128x128xf32>
      %dot_general3A_96 = tpu.matmul %max3A_91, %get3A_94, %dot_general3A_95 {dimension_numbers = #tpu.dot_dimension_numbers<[1], [0], [0], [1], [0, 0, 1, 1], [], []>, transpose_lhs_hint = false} : vector<128x128xf32>, vector<128x128xf32>, vector<128x128xf32> -> vector<128x128xf32>
      %get3A_97 = arith.constant 0 : index
      %get3A_98 = arith.constant 0 : index
      %get3A_99 = vector.load %arg8[%get3A_97, %get3A_98] : memref<1x128xf32, #tpu.memory_space<vmem>>, vector<1x128xf32>
      %add3A_100 = vector.broadcast %get3A_99 : vector<1x128xf32> to vector<128x128xf32>
      %add3A_101 = arith.addf %dot_general3A_96, %add3A_100 : vector<128x128xf32>
      %add3A_102 = arith.addf %add3A_101, %div3A : vector<128x128xf32>
      %reduce_sum3A = arith.constant dense<0.000000e+00> : vector<128xf32>
      %reduce_sum3A_103 = vector.multi_reduction <add>, %add3A_102, %reduce_sum3A [1] : vector<128x128xf32> to vector<128xf32>
      %broadcast_in_dim3A_104 = vector.shape_cast %reduce_sum3A_103 : vector<128xf32> to vector<128x1xf32>
      %div3A_105 = arith.constant 1.280000e+02 : f32
      %div3A_106 = vector.broadcast %div3A_105 : f32 to vector<128x1xf32>
      %div3A_107 = arith.divf %broadcast_in_dim3A_104, %div3A_106 : vector<128x1xf32>
      %sub3A = vector.broadcast %div3A_107 : vector<128x1xf32> to vector<128x128xf32>
      %sub3A_108 = arith.subf %add3A_102, %sub3A : vector<128x128xf32>
      %sub3A_109 = vector.broadcast %div3A_107 : vector<128x1xf32> to vector<128x128xf32>
      %sub3A_110 = arith.subf %add3A_102, %sub3A_109 : vector<128x128xf32>
      %mul3A_111 = arith.mulf %sub3A_108, %sub3A_110 : vector<128x128xf32>
      %reduce_sum3A_112 = arith.constant dense<0.000000e+00> : vector<128xf32>
      %reduce_sum3A_113 = vector.multi_reduction <add>, %mul3A_111, %reduce_sum3A_112 [1] : vector<128x128xf32> to vector<128xf32>
      %broadcast_in_dim3A_114 = vector.shape_cast %reduce_sum3A_113 : vector<128xf32> to vector<128x1xf32>
      %div3A_115 = arith.constant 1.280000e+02 : f32
      %div3A_116 = vector.broadcast %div3A_115 : f32 to vector<128x1xf32>
      %div3A_117 = arith.divf %broadcast_in_dim3A_114, %div3A_116 : vector<128x1xf32>
      %get3A_118 = arith.constant 0 : index
      %get3A_119 = arith.constant 0 : index
      %get3A_120 = vector.load %arg9[%get3A_118, %get3A_119] : memref<1x128xf32, #tpu.memory_space<vmem>>, vector<1x128xf32>
      %sub3A_121 = vector.broadcast %div3A_107 : vector<128x1xf32> to vector<128x128xf32>
      %sub3A_122 = arith.subf %add3A_102, %sub3A_121 : vector<128x128xf32>
      %mul3A_123 = vector.broadcast %get3A_120 : vector<1x128xf32> to vector<128x128xf32>
      %mul3A_124 = arith.mulf %mul3A_123, %sub3A_122 : vector<128x128xf32>
      %add3A_125 = arith.constant 9.99999997E-7 : f32
      %add3A_126 = vector.broadcast %add3A_125 : f32 to vector<128x1xf32>
      %add3A_127 = arith.addf %div3A_117, %add3A_126 : vector<128x1xf32>
      %rsqrt3A_128 = math.rsqrt %add3A_127 : vector<128x1xf32>
      %mul3A_129 = vector.broadcast %rsqrt3A_128 : vector<128x1xf32> to vector<128x128xf32>
      %mul3A_130 = arith.mulf %mul3A_124, %mul3A_129 : vector<128x128xf32>
      %get3A_131 = arith.constant 0 : index
      %get3A_132 = arith.constant 0 : index
      %get3A_133 = vector.load %arg10[%get3A_131, %get3A_132] : memref<1x128xf32, #tpu.memory_space<vmem>>, vector<1x128xf32>
      %add3A_134 = vector.broadcast %get3A_133 : vector<1x128xf32> to vector<128x128xf32>
      %add3A_135 = arith.addf %mul3A_130, %add3A_134 : vector<128x128xf32>
      %concatenate3A = tpu.concatenate %div3A, %add3A_135 in 1 : vector<128x128xf32>, vector<128x128xf32> -> vector<128x256xf32>
      %get3A_136 = arith.constant 0 : index
      %get3A_137 = arith.constant 0 : index
      %get3A_138 = vector.load %arg5[%get3A_136, %get3A_137] : memref<128x128xf32, #tpu.memory_space<vmem>>, vector<128x128xf32>
      %dot_general3A_139 = arith.constant dense<0.000000e+00> : vector<128x128xf32>
      %dot_general3A_140 = tpu.matmul %div3A_78, %get3A_138, %dot_general3A_139 {dimension_numbers = #tpu.dot_dimension_numbers<[1], [0], [0], [1], [0, 0, 1, 1], [], []>, transpose_lhs_hint = false} : vector<128x128xf32>, vector<128x128xf32>, vector<128x128xf32> -> vector<128x128xf32>
      %get3A_141 = arith.constant 0 : index
      %get3A_142 = arith.constant 0 : index
      %get3A_143 = vector.load %arg6[%get3A_141, %get3A_142] : memref<1x128xf32, #tpu.memory_space<vmem>>, vector<1x128xf32>
      %add3A_144 = vector.broadcast %get3A_143 : vector<1x128xf32> to vector<128x128xf32>
      %add3A_145 = arith.addf %dot_general3A_140, %add3A_144 : vector<128x128xf32>
      %max3A_146 = arith.constant 0.000000e+00 : f32
      %max3A_147 = vector.broadcast %max3A_146 : f32 to vector<128x128xf32>
      %max3A_148 = arith.maximumf %add3A_145, %max3A_147 : vector<128x128xf32>
      %get3A_149 = arith.constant 0 : index
      %get3A_150 = arith.constant 0 : index
      %get3A_151 = vector.load %arg7[%get3A_149, %get3A_150] : memref<128x128xf32, #tpu.memory_space<vmem>>, vector<128x128xf32>
      %dot_general3A_152 = arith.constant dense<0.000000e+00> : vector<128x128xf32>
      %dot_general3A_153 = tpu.matmul %max3A_148, %get3A_151, %dot_general3A_152 {dimension_numbers = #tpu.dot_dimension_numbers<[1], [0], [0], [1], [0, 0, 1, 1], [], []>, transpose_lhs_hint = false} : vector<128x128xf32>, vector<128x128xf32>, vector<128x128xf32> -> vector<128x128xf32>
      %get3A_154 = arith.constant 0 : index
      %get3A_155 = arith.constant 0 : index
      %get3A_156 = vector.load %arg8[%get3A_154, %get3A_155] : memref<1x128xf32, #tpu.memory_space<vmem>>, vector<1x128xf32>
      %add3A_157 = vector.broadcast %get3A_156 : vector<1x128xf32> to vector<128x128xf32>
      %add3A_158 = arith.addf %dot_general3A_153, %add3A_157 : vector<128x128xf32>
      %add3A_159 = arith.addf %add3A_158, %div3A_78 : vector<128x128xf32>
      %reduce_sum3A_160 = arith.constant dense<0.000000e+00> : vector<128xf32>
      %reduce_sum3A_161 = vector.multi_reduction <add>, %add3A_159, %reduce_sum3A_160 [1] : vector<128x128xf32> to vector<128xf32>
      %broadcast_in_dim3A_162 = vector.shape_cast %reduce_sum3A_161 : vector<128xf32> to vector<128x1xf32>
      %div3A_163 = arith.constant 1.280000e+02 : f32
      %div3A_164 = vector.broadcast %div3A_163 : f32 to vector<128x1xf32>
      %div3A_165 = arith.divf %broadcast_in_dim3A_162, %div3A_164 : vector<128x1xf32>
      %sub3A_166 = vector.broadcast %div3A_165 : vector<128x1xf32> to vector<128x128xf32>
      %sub3A_167 = arith.subf %add3A_159, %sub3A_166 : vector<128x128xf32>
      %sub3A_168 = vector.broadcast %div3A_165 : vector<128x1xf32> to vector<128x128xf32>
      %sub3A_169 = arith.subf %add3A_159, %sub3A_168 : vector<128x128xf32>
      %mul3A_170 = arith.mulf %sub3A_167, %sub3A_169 : vector<128x128xf32>
      %reduce_sum3A_171 = arith.constant dense<0.000000e+00> : vector<128xf32>
      %reduce_sum3A_172 = vector.multi_reduction <add>, %mul3A_170, %reduce_sum3A_171 [1] : vector<128x128xf32> to vector<128xf32>
      %broadcast_in_dim3A_173 = vector.shape_cast %reduce_sum3A_172 : vector<128xf32> to vector<128x1xf32>
      %div3A_174 = arith.constant 1.280000e+02 : f32
      %div3A_175 = vector.broadcast %div3A_174 : f32 to vector<128x1xf32>
      %div3A_176 = arith.divf %broadcast_in_dim3A_173, %div3A_175 : vector<128x1xf32>
      %get3A_177 = arith.constant 0 : index
      %get3A_178 = arith.constant 0 : index
      %get3A_179 = vector.load %arg9[%get3A_177, %get3A_178] : memref<1x128xf32, #tpu.memory_space<vmem>>, vector<1x128xf32>
      %sub3A_180 = vector.broadcast %div3A_165 : vector<128x1xf32> to vector<128x128xf32>
      %sub3A_181 = arith.subf %add3A_159, %sub3A_180 : vector<128x128xf32>
      %mul3A_182 = vector.broadcast %get3A_179 : vector<1x128xf32> to vector<128x128xf32>
      %mul3A_183 = arith.mulf %mul3A_182, %sub3A_181 : vector<128x128xf32>
      %add3A_184 = arith.constant 9.99999997E-7 : f32
      %add3A_185 = vector.broadcast %add3A_184 : f32 to vector<128x1xf32>
      %add3A_186 = arith.addf %div3A_176, %add3A_185 : vector<128x1xf32>
      %rsqrt3A_187 = math.rsqrt %add3A_186 : vector<128x1xf32>
      %mul3A_188 = vector.broadcast %rsqrt3A_187 : vector<128x1xf32> to vector<128x128xf32>
      %mul3A_189 = arith.mulf %mul3A_183, %mul3A_188 : vector<128x128xf32>
      %get3A_190 = arith.constant 0 : index
      %get3A_191 = arith.constant 0 : index
      %get3A_192 = vector.load %arg10[%get3A_190, %get3A_191] : memref<1x128xf32, #tpu.memory_space<vmem>>, vector<1x128xf32>
      %add3A_193 = vector.broadcast %get3A_192 : vector<1x128xf32> to vector<128x128xf32>
      %add3A_194 = arith.addf %mul3A_189, %add3A_193 : vector<128x128xf32>
      %concatenate3A_195 = tpu.concatenate %div3A_78, %add3A_194 in 1 : vector<128x128xf32>, vector<128x128xf32> -> vector<128x256xf32>
      %concatenate3A_196 = tpu.concatenate %concatenate3A, %concatenate3A_195 in 0 : vector<128x256xf32>, vector<128x256xf32> -> vector<256x256xf32>
      %dot_general3A_197 = arith.constant dense<0.000000e+00> : vector<256x256xf32>
      %dot_general3A_198 = tpu.matmul %concatenate3A_196, %concatenate3A_196, %dot_general3A_197 {dimension_numbers = #tpu.dot_dimension_numbers<[1], [1], [0], [0], [0, 0, 1, 0], [], []>, transpose_lhs_hint = false} : vector<256x256xf32>, vector<256x256xf32>, vector<256x256xf32> -> vector<256x256xf32>
      %mul3A_199 = arith.mulf %concatenate3A_196, %concatenate3A_196 : vector<256x256xf32>
      %reduce_sum3A_200 = arith.constant dense<0.000000e+00> : vector<256xf32>
      %reduce_sum3A_201 = vector.multi_reduction <add>, %mul3A_199, %reduce_sum3A_200 [1] : vector<256x256xf32> to vector<256xf32>
      %broadcast_in_dim3A_202 = vector.shape_cast %reduce_sum3A_201 : vector<256xf32> to vector<256x1xf32>
      %sqrt3A = math.sqrt %broadcast_in_dim3A_202 : vector<256x1xf32>
      %dot_general3A_203 = arith.constant dense<0.000000e+00> : vector<256x256xf32>
      %dot_general3A_204 = tpu.matmul %sqrt3A, %sqrt3A, %dot_general3A_203 {dimension_numbers = #tpu.dot_dimension_numbers<[1], [1], [0], [0], [0, 0, 1, 0], [], []>, transpose_lhs_hint = false} : vector<256x1xf32>, vector<256x1xf32>, vector<256x256xf32> -> vector<256x256xf32>
      %div3A_205 = arith.divf %dot_general3A_198, %dot_general3A_204 : vector<256x256xf32>
      %div3A_206 = arith.constant 3.000000e-01 : f32
      %div3A_207 = vector.broadcast %div3A_206 : f32 to vector<256x256xf32>
      %div3A_208 = arith.divf %div3A_205, %div3A_207 : vector<256x256xf32>
      %exp3A = math.exp %div3A_208 : vector<256x256xf32>
      %iota3A_209 = tpu.iota {dimensions = array<i32: 0>} : vector<256x256xi32>
      %iota3A_210 = tpu.iota {dimensions = array<i32: 1>} : vector<256x256xi32>
      %eq3A_211 = arith.cmpi eq, %iota3A_209, %iota3A_210 : vector<256x256xi32>
      %jit3A = arith.constant 0.000000e+00 : f32
      %broadcast_in_dim3A_212 = vector.broadcast %jit3A : f32 to vector<256x256xf32>
      %select_n3A = arith.select %eq3A_211, %broadcast_in_dim3A_212, %exp3A : vector<256x256xi1>, vector<256x256xf32>
      %get3A_213 = arith.constant 0 : index
      %get3A_214 = arith.constant 0 : index
      %get3A_215 = vector.load %arg13[%get3A_213, %get3A_214] : memref<256x1xf32, #tpu.memory_space<vmem>>, vector<256x1xf32>
      %get3A_216 = arith.constant 0 : index
      %get3A_217 = arith.constant 0 : index
      %get3A_218 = vector.load %arg14[%get3A_216, %get3A_217] : memref<1x256xf32, #tpu.memory_space<vmem>>, vector<1x256xf32>
      %ne3A_219 = vector.broadcast %get3A_215 : vector<256x1xf32> to vector<256x256xf32>
      %ne3A_220 = vector.broadcast %get3A_218 : vector<1x256xf32> to vector<256x256xf32>
      %ne3A_221 = arith.cmpf one, %ne3A_219, %ne3A_220 : vector<256x256xf32>
      %convert_element_type3A_222 = arith.extui %ne3A_221 : vector<256x256xi1> to vector<256x256xi32>
      %convert_element_type3A_223 = arith.sitofp %convert_element_type3A_222 : vector<256x256xi32> to vector<256x256xf32>
      %mul3A_224 = arith.mulf %select_n3A, %convert_element_type3A_223 : vector<256x256xf32>
      %sub3A_225 = arith.constant 1.000000e+00 : f32
      %sub3A_226 = vector.broadcast %sub3A_225 : f32 to vector<256x256xf32>
      %sub3A_227 = arith.subf %sub3A_226, %convert_element_type3A_223 : vector<256x256xf32>
      %mul3A_228 = arith.mulf %select_n3A, %sub3A_227 : vector<256x256xf32>
      %slice3A = vector.extract_strided_slice %mul3A_228 {offsets = [0, 0], sizes = [128, 256], strides = [1, 1]} : vector<256x256xf32> to vector<128x256xf32>
      %reduce_sum3A_229 = arith.constant dense<0.000000e+00> : vector<256xf32>
      %reduce_sum3A_230 = vector.multi_reduction <add>, %mul3A_224, %reduce_sum3A_229 [1] : vector<256x256xf32> to vector<256xf32>
      %broadcast_in_dim3A_231 = vector.shape_cast %reduce_sum3A_230 : vector<256xf32> to vector<256x1xf32>
      %slice3A_232 = vector.extract_strided_slice %broadcast_in_dim3A_231 {offsets = [0, 0], sizes = [128, 1], strides = [1, 1]} : vector<256x1xf32> to vector<128x1xf32>
      %div3A_233 = vector.broadcast %slice3A_232 : vector<128x1xf32> to vector<128x256xf32>
      %div3A_234 = arith.divf %slice3A, %div3A_233 : vector<128x256xf32>
      %reduce_sum3A_235 = arith.constant dense<0.000000e+00> : vector<128xf32>
      %reduce_sum3A_236 = vector.multi_reduction <add>, %div3A_234, %reduce_sum3A_235 [1] : vector<128x256xf32> to vector<128xf32>
      %broadcast_in_dim3A_237 = vector.shape_cast %reduce_sum3A_236 : vector<128xf32> to vector<128x1xf32>
      %div3A_238 = arith.constant 1.280000e+02 : f32
      %div3A_239 = vector.broadcast %div3A_238 : f32 to vector<128x1xf32>
      %div3A_240 = arith.divf %broadcast_in_dim3A_237, %div3A_239 : vector<128x1xf32>
      %log3A = math.log %div3A_240 : vector<128x1xf32>
      %reduce_sum3A_241 = vector.shape_cast %log3A : vector<128x1xf32> to vector<1x128x1xf32>
      %reduce_sum3A_242 = arith.constant dense<0.000000e+00> : vector<1xf32>
      %reduce_sum3A_243 = vector.multi_reduction <add>, %reduce_sum3A_241, %reduce_sum3A_242 [1, 2] : vector<1x128x1xf32> to vector<1xf32>
      %reduce_sum3A_244 = vector.shape_cast %reduce_sum3A_243 : vector<1xf32> to vector<1x1x1xf32>
      %reduce_sum3A_245 = vector.extract %reduce_sum3A_244[0, 0, 0] : f32 from vector<1x1x1xf32>
      %neg3A = arith.constant 0.000000e+00 : f32
      %neg3A_246 = arith.subf %neg3A, %reduce_sum3A_245 : f32
      %get3A_247 = arith.constant 0 : index
      %get3A_248 = arith.constant 0 : index
      %get3A_249 = vector.load %arg11[%get3A_247, %get3A_248] : memref<256x128xf32, #tpu.memory_space<vmem>>, vector<256x128xf32>
      %dot_general3A_250 = arith.constant dense<0.000000e+00> : vector<256x128xf32>
      %dot_general3A_251 = tpu.matmul %concatenate3A_196, %get3A_249, %dot_general3A_250 {dimension_numbers = #tpu.dot_dimension_numbers<[1], [0], [0], [1], [0, 0, 1, 1], [], []>, transpose_lhs_hint = false} : vector<256x256xf32>, vector<256x128xf32>, vector<256x128xf32> -> vector<256x128xf32>
      %get3A_252 = arith.constant 0 : index
      %get3A_253 = arith.constant 0 : index
      %get3A_254 = vector.load %arg12[%get3A_252, %get3A_253] : memref<1x128xf32, #tpu.memory_space<vmem>>, vector<1x128xf32>
      %add3A_255 = vector.broadcast %get3A_254 : vector<1x128xf32> to vector<256x128xf32>
      %add3A_256 = arith.addf %dot_general3A_251, %add3A_255 : vector<256x128xf32>
      %iota3A_257 = tpu.iota {dimensions = array<i32: 1>} : vector<256x128xi32>
      %lt3A_258 = arith.constant 4 : i32
      %lt3A_259 = vector.broadcast %lt3A_258 : i32 to vector<256x128xi32>
      %lt3A_260 = arith.cmpi slt, %iota3A_257, %lt3A_259 : vector<256x128xi32>
      %jit3A_261 = arith.constant 0xFF800000 : f32
      %broadcast_in_dim3A_262 = vector.broadcast %jit3A_261 : f32 to vector<256x128xf32>
      %select_n3A_263 = arith.select %lt3A_260, %add3A_256, %broadcast_in_dim3A_262 : vector<256x128xi1>, vector<256x128xf32>
      %reduce_max3A = arith.constant dense<0xFF800000> : vector<256xf32>
      %reduce_max3A_264 = vector.multi_reduction <maximumf>, %select_n3A_263, %reduce_max3A [1] : vector<256x128xf32> to vector<256xf32>
      %broadcast_in_dim3A_265 = vector.shape_cast %reduce_max3A_264 : vector<256xf32> to vector<256x1xf32>
      %sub3A_266 = vector.broadcast %broadcast_in_dim3A_265 : vector<256x1xf32> to vector<256x128xf32>
      %sub3A_267 = arith.subf %select_n3A_263, %sub3A_266 : vector<256x128xf32>
      %exp3A_268 = math.exp %sub3A_267 : vector<256x128xf32>
      %jit3A_269 = arith.constant 0.000000e+00 : f32
      %broadcast_in_dim3A_270 = vector.broadcast %jit3A_269 : f32 to vector<256x128xf32>
      %select_n3A_271 = arith.select %lt3A_260, %exp3A_268, %broadcast_in_dim3A_270 : vector<256x128xi1>, vector<256x128xf32>
      %reduce_sum3A_272 = arith.constant dense<0.000000e+00> : vector<256xf32>
      %reduce_sum3A_273 = vector.multi_reduction <add>, %select_n3A_271, %reduce_sum3A_272 [1] : vector<256x128xf32> to vector<256xf32>
      %broadcast_in_dim3A_274 = vector.shape_cast %reduce_sum3A_273 : vector<256xf32> to vector<256x1xf32>
      %log3A_275 = math.log %broadcast_in_dim3A_274 : vector<256x1xf32>
      %add3A_276 = arith.addf %log3A_275, %broadcast_in_dim3A_265 : vector<256x1xf32>
      %sub3A_277 = vector.broadcast %add3A_276 : vector<256x1xf32> to vector<256x128xf32>
      %sub3A_278 = arith.subf %select_n3A_263, %sub3A_277 : vector<256x128xf32>
      %swap3A = arith.constant 0 : index
      %swap3A_279 = arith.constant 0 : index
      %swap3A_280 = vector.load %arg15[%swap3A, %swap3A_279] : memref<256x128xf32, #tpu.memory_space<vmem>>, vector<256x128xf32>
      tpu.vector_store %arg15[%swap3A, %swap3A_279], %sub3A_278 {strides = array<i32>} : memref<256x128xf32, #tpu.memory_space<vmem>>, vector<256x128xf32>,
      %broadcast_in_dim3A_281 = vector.broadcast %neg3A_246 : f32 to vector<8x128xf32>
      %swap3A_282 = arith.constant 0 : index
      %swap3A_283 = arith.constant 0 : index
      %swap3A_284 = vector.load %arg16[%swap3A_282, %swap3A_283] : memref<8x128xf32, #tpu.memory_space<vmem>>, vector<8x128xf32>
      tpu.vector_store %arg16[%swap3A_282, %swap3A_283], %broadcast_in_dim3A_281 {strides = array<i32>} : memref<8x128xf32, #tpu.memory_space<vmem>>, vector<8x128xf32>,
    } else {
    }
    return
  }
  func.func @transform_0(%arg0: i32) -> (i32, i32) {
    %c0_i32 = arith.constant 0 : i32
    %c0_i32_0 = arith.constant 0 : i32
    return %arg0, %c0_i32 : i32, i32
  }
  func.func @transform_1(%arg0: i32) -> (i32, i32) {
    %c0_i32 = arith.constant 0 : i32
    %c0_i32_0 = arith.constant 0 : i32
    return %arg0, %c0_i32 : i32, i32
  }
  func.func @transform_2(%arg0: i32) -> (i32, i32) {
    %c0_i32 = arith.constant 0 : i32
    %c0_i32_0 = arith.constant 0 : i32
    %c0_i32_1 = arith.constant 0 : i32
    return %c0_i32, %c0_i32_0 : i32, i32
  }
  func.func @transform_3(%arg0: i32) -> (i32, i32) {
    %c0_i32 = arith.constant 0 : i32
    %c0_i32_0 = arith.constant 0 : i32
    return %arg0, %c0_i32 : i32, i32
  }
  func.func @transform_4(%arg0: i32) -> (i32, i32) {
    %c0_i32 = arith.constant 0 : i32
    %c0_i32_0 = arith.constant 0 : i32
    %c0_i32_1 = arith.constant 0 : i32
    return %c0_i32, %c0_i32_0 : i32, i32
  }
  func.func @transform_5(%arg0: i32) -> (i32, i32) {
    %c0_i32 = arith.constant 0 : i32
    %c0_i32_0 = arith.constant 0 : i32
    %c0_i32_1 = arith.constant 0 : i32
    return %c0_i32, %c0_i32_0 : i32, i32
  }
  func.func @transform_6(%arg0: i32) -> (i32, i32) {
    %c0_i32 = arith.constant 0 : i32
    %c0_i32_0 = arith.constant 0 : i32
    %c0_i32_1 = arith.constant 0 : i32
    return %c0_i32, %c0_i32_0 : i32, i32
  }
  func.func @transform_7(%arg0: i32) -> (i32, i32) {
    %c0_i32 = arith.constant 0 : i32
    %c0_i32_0 = arith.constant 0 : i32
    %c0_i32_1 = arith.constant 0 : i32
    return %c0_i32, %c0_i32_0 : i32, i32
  }
  func.func @transform_8(%arg0: i32) -> (i32, i32) {
    %c0_i32 = arith.constant 0 : i32
    %c0_i32_0 = arith.constant 0 : i32
    %c0_i32_1 = arith.constant 0 : i32
    return %c0_i32, %c0_i32_0 : i32, i32
  }
  func.func @transform_9(%arg0: i32) -> (i32, i32) {
    %c0_i32 = arith.constant 0 : i32
    %c0_i32_0 = arith.constant 0 : i32
    %c0_i32_1 = arith.constant 0 : i32
    return %c0_i32, %c0_i32_0 : i32, i32
  }
  func.func @transform_10(%arg0: i32) -> (i32, i32) {
    %c0_i32 = arith.constant 0 : i32
    %c0_i32_0 = arith.constant 0 : i32
    %c0_i32_1 = arith.constant 0 : i32
    return %c0_i32, %c0_i32_0 : i32, i32
  }
  func.func @transform_11(%arg0: i32) -> (i32, i32) {
    %c0_i32 = arith.constant 0 : i32
    %c0_i32_0 = arith.constant 0 : i32
    %c0_i32_1 = arith.constant 0 : i32
    return %c0_i32, %c0_i32_0 : i32, i32
  }
  func.func @transform_12(%arg0: i32) -> (i32, i32) {
    %c0_i32 = arith.constant 0 : i32
    %c0_i32_0 = arith.constant 0 : i32
    %c0_i32_1 = arith.constant 0 : i32
    return %c0_i32, %c0_i32_0 : i32, i32
  }
  func.func @transform_13(%arg0: i32) -> (i32, i32) {
    %c0_i32 = arith.constant 0 : i32
    %c0_i32_0 = arith.constant 0 : i32
    %c0_i32_1 = arith.constant 0 : i32
    return %c0_i32, %c0_i32_0 : i32, i32
  }
  func.func @transform_14(%arg0: i32) -> (i32, i32) {
    %c0_i32 = arith.constant 0 : i32
    %c0_i32_0 = arith.constant 0 : i32
    %c0_i32_1 = arith.constant 0 : i32
    return %c0_i32, %c0_i32_0 : i32, i32
  }
  func.func @transform_15(%arg0: i32) -> (i32, i32) {
    %c0_i32 = arith.constant 0 : i32
    %c0_i32_0 = arith.constant 0 : i32
    %c0_i32_1 = arith.constant 0 : i32
    return %c0_i32, %c0_i32_0 : i32, i32
  }
}

</mosaic_0001>

<sc_bundles>
// kernel: kernel.11.cloned.1.call-start
scs
__scs_entry_jumppad:
0x0: {  	(pc) =	sbr.rel $0x88, $3  }
0x1: {  	(tag) =	ssettag $0x0;
	lr =	simm.s32 $0x1  }
0x2: {  	[smem:$0x3F8E] =	sst lr;
	_ =	strace $0xD0000000  }
0x3: {  	_ = 	snop  }
0x4: {  	_ = 	snop  }
0x5: {  	_ = 	snop  }
0x6: {  	_ = 	snop  }
0x7: {  	_ = 	snop  }
__scs_overlays_trampoline_lowered:
0x8: {  	[smem:$0x3F9D] =	sst s0  }
0x9: {  	[smem:$0x3F9E] =	sst s1  }
0xa: {  	[smem:$0x3F9F] =	sst s2  }
0xb: {  	[smem:$0x3FA0] =	sst s3  }
0xc: {  	[smem:$0x3FA1] =	sst s4  }
0xd: {  	[smem:$0x3FA2] =	sst s5  }
0xe: {  	[smem:$0x3FA3] =	sst s6  }
0xf: {  	[smem:$0x3FA4] =	sst s7  }
0x10: {  	[smem:$0x3FA5] =	sst s8  }
0x11: {  	[smem:$0x3FA6] =	sst s9;
	s0 =	simm.s32 @!p0 $0x0  }
0x12: {  	s1 =	sld [smem:$0x3F8C];
	s0 =	simm.s32 @p0 $0x1  }
0x13: {  	[smem:$0x3FA7] =	sst s0;
	s0 =	simm.s32 @!p1 $0x0  }
0x14: {  	s2 =	sld [smem:$0x3F8B];
	s0 =	simm.s32 @p1 $0x1  }
0x15: {  	[smem:$0x3FA8] =	sst s0;
	s0 =	simm.s32 @!p2 $0x0  }
0x16: {  	s3 =	sld [smem:$0x3FDB];
	s0 =	simm.s32 @p2 $0x1  }
0x17: {  	s4 =	simm.s32 $0x1BF5;
	[smem:$0x3FAA] =	sst s0  }
0x18: {  	s0 =	sld [smem:$0x3F8D];
	_ =	swait.ge [sflag:s4], $0x0  }
0x19: {  	s7 =	sld [smem:$0x3F8E]  }
0x1a: {  	s8 =	sadd.s32 $0xFFFFE003, lr  }
0x1b: {  	s9 =	sadd.s32 $0xFFFFFEF7, lr;
	s5 =	simm.s32 $0xFFFFFFFF;
	p2 =	slt.u32 s8, $0xFFFFF086  }
0x1c: {  	p1 =	slt.u32 s9, $0xF7A;
	s5 =	simm.s32 @!p2 $0x0  }
0x1d: {  	s5 =	simm.s32 @p1 $0x1;
	p0 =	seq.s32 s7, s2  }
0x1e: {  	s7 =	smul.u32 @!p0 $0xF7A, s2;
	p2 =	seq.s32 @!p0 s5, $0x0  }
0x1f: {  	s9 =	smul.u32 $0xF7A, s1;
	s8 =	simm.s32 @!p0 $0x1BF5;
	p2 =	por !p2, p0  }
0x20: {  	[sflag:s8] =	ssyncset.s32 @!p0 $0xFFFFF086;
	s6 =	sadd.s32 @!p0 s3, s7;
	s7 =	simm.s32 @!p0 $0x108  }
0x21: {  	s3 =	sadd.s32 s3, s9;
	s6 =	sadd.s32 @!p0 $0x88, s6;
	s7 =	simm.s32 @p2 $0x1082  }
0x22: {  	[simem:s7], [sflag:s8] =	dma.local @!p0 [hbm:s6], $0xF7A  }
0x23: {  	s9 =	sor.u32 $0xD0000000, s2;
	s6 =	simm.s32 $0x108;
	_ =	swait.ge @!p0 [sflag:s8], $0x0  }
0x24: {  	s3 =	sadd.s32 $0x88, s3;
	s6 =	simm.s32 @!p1 $0x1082;
	[sflag:s4] =	ssyncset.s32 $0xFFFFF086  }
0x25: {  	[simem:s6], [sflag:s4] =	dma.local [hbm:s3], $0xF7A  }
0x26: {  	[smem:$0x3F8E] =	sst s1;
	(tag) =	ssettag s2;
	_ =	strace s9  }
0x27: {  	s1 =	sld [smem:$0x3F9E]  }
0x28: {  	s2 =	sld [smem:$0x3F9F]  }
0x29: {  	s4 =	sld [smem:$0x3FA1]  }
0x2a: {  	p0 =	seq.s32 s5, $0x0;
	s5 =	sld [smem:$0x3FA2]  }
0x2b: {  	s6 =	sld [smem:$0x3FA3]  }
0x2c: {  	s7 =	sld [smem:$0x3FA4]  }
0x2d: {  	s3 =	simm.s32 $0x108;
	s8 =	sld [smem:$0x3FA5]  }
0x2e: {  	s3 =	simm.s32 @!p0 $0x1082;
	s9 =	sld [smem:$0x3FA6]  }
0x2f: {  	lr =	sadd.s32 s0, s3;
	s0 =	sld [smem:$0x3F9D]  }
0x30: {  	s3 =	sld [smem:$0x3FA0]  }
0x31: {  	[smem:$0x3FA9] =	sst s10  }
0x32: {  	s10 =	sld [smem:$0x3FA7];
	_ =	sdelay $0x3  }
0x33: {  	p0 =	seq.s32 s10, $0x1;
	s10 =	sld [smem:$0x3FA9];
	_ =	sdelay $0x3  }
0x34: {  	[smem:$0x3FA9] =	sst s10  }
0x35: {  	s10 =	sld [smem:$0x3FA8];
	_ =	sdelay $0x3  }
0x36: {  	p1 =	seq.s32 s10, $0x1;
	s10 =	sld [smem:$0x3FA9];
	_ =	sdelay $0x3  }
0x37: {  	[smem:$0x3FA9] =	sst s10  }
0x38: {  	s10 =	sld [smem:$0x3FAA]  }
0x39: {  	_ = 	snop;
	(pc) =	sbr.ind lr, $3  }
0x3a: {  	_ = 	snop  }
0x3b: {  	_ = 	snop  }
0x3c: {  	p2 =	seq.s32 s10, $0x1;
	s10 =	sld [smem:$0x3FA9]  }
0x3d: {  	_ =	shalt  }
0x3e: {  	_ =	shalt  }
0x3f: {  	_ =	shalt  }
0x40: {  	_ =	shalt  }
0x41: {  	_ =	shalt  }
0x42: {  	_ =	shalt  }
0x43: {  	_ =	shalt  }
0x44: {  	_ =	shalt  }
0x45: {  	_ =	shalt  }
0x46: {  	_ =	shalt  }
0x47: {  	_ =	shalt  }
0x48: {  	_ =	shalt  }
0x49: {  	_ =	shalt  }
0x4a: {  	_ =	shalt  }
0x4b: {  	_ =	shalt  }
0x4c: {  	_ =	shalt  }
0x4d: {  	_ =	shalt  }
0x4e: {  	_ =	shalt  }
0x4f: {  	_ =	shalt  }
0x50: {  	_ =	shalt  }
0x51: {  	_ =	shalt  }
0x52: {  	_ =	shalt  }
0x53: {  	_ =	shalt  }
0x54: {  	_ =	shalt  }
0x55: {  	_ =	shalt  }
0x56: {  	_ =	shalt  }
0x57: {  	_ =	shalt  }
0x58: {  	_ =	shalt  }
0x59: {  	_ =	shalt  }
0x5a: {  	_ =	shalt  }
0x5b: {  	_ =	shalt  }
0x5c: {  	_ =	shalt  }
0x5d: {  	_ =	shalt  }
0x5e: {  	_ =	shalt  }
0x5f: {  	_ =	shalt  }
0x60: {  	_ =	shalt  }
0x61: {  	_ =	shalt  }
0x62: {  	_ =	shalt  }
0x63: {  	_ =	shalt  }
0x64: {  	_ =	shalt  }
0x65: {  	_ =	shalt  }
0x66: {  	_ =	shalt  }
0x67: {  	_ =	shalt  }
0x68: {  	_ =	shalt  }
0x69: {  	_ =	shalt  }
0x6a: {  	_ =	shalt  }
0x6b: {  	_ =	shalt  }
0x6c: {  	_ =	shalt  }
0x6d: {  	_ =	shalt  }
0x6e: {  	_ =	shalt  }
0x6f: {  	_ =	shalt  }
0x70: {  	_ =	shalt  }
0x71: {  	_ =	shalt  }
0x72: {  	_ =	shalt  }
0x73: {  	_ =	shalt  }
0x74: {  	_ =	shalt  }
0x75: {  	_ =	shalt  }
0x76: {  	_ =	shalt  }
0x77: {  	_ =	shalt  }
0x78: {  	_ =	shalt  }
0x79: {  	_ =	shalt  }
0x7a: {  	_ =	shalt  }
0x7b: {  	_ =	shalt  }
0x7c: {  	_ =	shalt  }
0x7d: {  	_ =	shalt  }
0x7e: {  	_ =	shalt  }
0x7f: {  	_ =	shalt  }
0x80: {  	_ =	shalt  }
0x81: {  	_ =	shalt  }
0x82: {  	_ =	shalt  }
0x83: {  	_ =	shalt  }
0x84: {  	_ =	shalt  }
0x85: {  	_ =	shalt  }
0x86: {  	_ =	shalt  }
0x87: {  	_ =	shalt  }
.Lfunc_end0:
.L_simem_size_0:
called_computation.1_lowered:
.L_overlay_start_0:
0x88: {  	s2 =	sld [smem:$0x3FD9]  }
0x89: {  	s3 =	sld [smem:$0x3FFE];
	_ =	sdelay $0x1  }
0x8a: {  	s1 =	srdreg.scid  }
0x8b: {  	s0 =	sand.u32 $0x1, s1  }
0x8c: {  	s16 =	sshll.u32 s0, $0xA;
	s2 =	sadd.s32 s3, s2  }
0x8d: {  	s2 =	sadd.s32 s2, s16  }
0x8e: {  	[smem:$0x3FB5] =	sst s2  }
0x8f: {  	_ = 	snop  }
0x90: {  	(tm) =	ssettm $0x1  }
0x91: {  	s17 =	sld [smem:$0x3FFB];
	_ =	sdelay $0x3  }
0x92: {  	_ =	strace s17  }
0x93: {  	s2 =	sld [smem:$0x3FFC];
	_ =	sdelay $0x3  }
0x94: {  	_ =	strace s2  }
0x95: {  	s2 =	sld [smem:$0x3FFD];
	_ =	sdelay $0x3  }
0x96: {  	_ =	strace s2  }
0x97: {  	_ =	strace $0x8FFFFFFF  }
0x98: {  	s18 =	sld [smem:$0x3FDB];
	_ =	sdelay $0x1  }
0x99: {  	s19 =	simm.s32 $_scs_section_size  }
0x9a: {  	s4 =	simm.s32 $_size__tile_overlayer_lowered;
	s5 =	simm.s32 $_tile_overlayer_lowered  }
0x9b: {  	s22 =	simm.s32 $0x1BFF;
	s21 =	sshll.u32 s5, $0x1;
	s2 =	sadd.s32 s19, s18  }
0x9c: {  	s6 =	simm.s32 $0x0;
	s20 =	sshll.u32 s4, $0x1;
	s4 =	sadd.s32 s21, s2  }
0x9d: {  	[timem:s6], [sflag:s22] =	dma.local [hbm:s4], s20  }
0x9e: {  	_ =	swait.ge [sflag:s22], s20  }
0x9f: {  	s3 =	ssub.s32 $0x0, s20;
	[sflag:s22] =	ssyncset.done $0x0  }
0xa0: {  	[sflag:s22] =	ssyncadd.s32 s3;
	_ =	sdelay $0x1  }
0xa1: {  	s23 =	simm.s32 $0x1B8B  }
0xa2: {  	_ =	swait.ge [sflag:s23], $0x1  }
0xa3: {  	[sflag:s23] =	ssyncset.done $0x0  }
0xa4: {  	s25 =	simm.s32 $0x1B8E;
	s24 =	sld [smem:$0x3FFE];
	[sflag:s23] =	ssyncadd.s32 $0xFFFFFFFF  }
0xa5: {  	s26 =	simm.s32 $execute0_lowered;
	[smem:$0x3FD2] =	sst s25  }
0xa6: {  	s4 =	sshll.u32 s26, $0x1;
	_ =	strace $0x80000049;
	[dreg:$0x1] =	wrdreg $0xFFFFFFFF  }
0xa7: {  	s28 =	simm.s32 $_size_execute0_lowered;
	s2 =	sadd.s32 s2, s4;
	[dreg:$0x0] =	wrdreg $0x0  }
0xa8: {  	s4 =	sshll.u32 s28, $0x1;
	[dreg:$0x2] =	wrdreg s2  }
0xa9: {  	[dreg:$0x3] =	wrdreg s4  }
0xaa: {  	[dreg:$0x4] =	wrdreg $0xC0  }
0xab: {  	_ =	task [dreg:s6], $0x5FFFF  }
0xac: {  	[dreg:$0x1] =	wrdreg $0xFFFFFFFF  }
0xad: {  	[dreg:$0x0] =	wrdreg $0x60  }
0xae: {  	[dreg:$0x2] =	wrdreg s24  }
0xaf: {  	[dreg:$0x3] =	wrdreg $0xA0000  }
0xb0: {  	[dreg:$0x4] =	wrdreg $0x9  }
0xb1: {  	_ =	task.clear_ibuf [dreg:s6], $0x5FFFF;
	_ =	strace $0x90000049  }
0xb2: {  	s29 =	simm.s32 $0x9;
	_ =	strace $0x8000004B  }
0xb3: {  	_ =	swait.ge [sflag:s29], $0x1  }
0xb4: {  	[sflag:s29] =	ssyncadd.s32 $0xFFFFFFFF  }
0xb5: {  	_ =	strace $0x9000004B  }
0xb6: {  	_ =	sfence  }
0xb7: {  	s30 =	sld [smem:$0x0];
	_ =	sdelay $0x2  }
0xb8: {  	s31 =	sshll.u32 s1, $0xD;
	s1 =	sshrl.u32 s1, $0x2  }
0xb9: {  	s3 =	sand.u32 $0x4000, s31;
	s1 =	sadd.s32 s1, s30  }
0xba: {  	s0 =	sor.u32 s3, s0;
	s1 =	sshll.u32 s1, $0x11  }
0xbb: {  	s0 =	sor.u32 s1, s0  }
0xbc: {  	s0 =	sadd.s32 $0x8F2B, s0  }
0xbd: {  	[sflag:s0] =	ssyncadd.remote.s32 $0x1  }
0xbe: {  	_ =	sfence.sel $0xFFFF  }
0xbf: {  	[dreg:$0x0] =	wrdreg $0xFFFFFFFF;
	(pc) =	sbr.abs _section_cstart, $3  }
0xc0: {  	[dreg:$0x1] =	wrdreg $0xFFFFFFFF  }
0xc1: {  	_ =	task.clear_ibuf [dreg:s6], $0x2FFFF;
	_ =	strace $0x9FFFFFFF  }
0xc2: {  	(tm) =	ssettm $0x7FFFFFFF  }
0xc3: {  	_ =	shalt  }
tec
execute0_lowered:
.L_overlay_start_1:
0x0: {  	(tag) =	ssettag $0x1  }
0x1: {  	s0 =	rddreg [dreg:$0x0]  }
0x2: {  	s1 =	rddreg [dreg:$0x1]  }
0x3: {  	s3 =	simm.s32 $0x0;
	s2 =	srdreg.scid;
	s11 =	stileid.u32  }
0x4: {  	s20 =	simm.s32 $0x3;
	s21 =	simm.s32 $0x1000;
	s22 =	simm.s32 $0x80  }
0x5: {  	s28 =	simm.s32 $0xF80;
	s29 =	simm.s32 $0x1F00;
	s30 =	simm.s32 $0x1F80  }
0x6: {  	[smem:$0x7FF] =	sst s3;
	s2 =	sand.u32 $0x1, s2;
	s5 =	smul.u32 $0x14000, s11  }
0x7: {  	s9 =	sadd.s32 $0x7CC00, s0;
	s16 =	sadd.s32 $0x18C00, s0;
	s6 =	smul.u32 $0x50000, s11  }
0x8: {  	s17 =	sadd.s32 $0x3C00, s0;
	s10 =	smul.u32 $0x5000, s11;
	s23 =	sshll.u32 s11, $0x6  }
0x9: {  	s4 =	smul.u32 $0x140000, s2;
	_ =	strace $0x8000004A;
	s7 =	ssub.s32 $0x2, s2  }
0xa: {  	s2 =	smul.u32 $0x50000, s2;
	s8 =	sshrl.u32 s7, $0x1;
	s6 =	sshrl.u32 s6, $0x2  }
0xb: {  	s5 =	sadd.s32 s5, s4;
	s19 =	ssub.s32 s7, s8;
	s6 =	sadd.s32 s6, s1  }
0xc: {  	s2 =	sadd.s32 s10, s2;
	s4 =	sshrl.u32 s4, $0x3;
	s5 =	sshrl.u32 s5, $0x3  }
0xd: {  	[dreg:$0x3] =	wrdreg s6;
	s6 =	sor.u32 $0x1C03, s23;
	s2 =	sshrl.u32 s2, $0x3  }
0xe: {  	s19 =	smax.u32 s19, $0x1;
	s23 =	simm.s32 $0x2000;
	s0 =	sadd.s32 s5, s0  }
0xf: {  	s5 =	sadd.s32 s9, s5;
	s24 =	sadd.s32 s16, s2;
	s25 =	sadd.s32 s17, s2  }
0x10: {  	s9 =	sadd.s32 s9, s4;
	s26 =	sadd.s32 $0x200, s2;
	[dreg:$0x4] =	wrdreg s5  }
0x11: {  	s13 =	sadd.s32 $0x400, s2;
	s31 =	sadd.s32 $0x600, s2;
	[dreg:$0x5] =	wrdreg s24  }
0x12: {  	s2 =	sadd.s32 $0x800, s2;
	[dreg:$0x6] =	wrdreg s25;
	s10 =	sadd.s32 s16, s26  }
0x13: {  	s11 =	sadd.s32 s17, s26;
	s12 =	sadd.s32 s16, s13;
	s13 =	sadd.s32 s17, s13  }
0x14: {  	s14 =	sadd.s32 s16, s31;
	s15 =	sadd.s32 s17, s31;
	s16 =	sadd.s32 s16, s2  }
0x15: {  	s17 =	sadd.s32 s17, s2;
	s18 =	sadd.s32 $0xCCC00, s0;
	s24 =	simm.s32 $0x6000  }
0x16: {  	s25 =	simm.s32 $0x1;
	s26 =	simm.s32 $0x2;
	s0 =	simm.s32 $0x0  }
.LBB2_1:
0x17: {  	s2 =	rddreg [dreg:$0x3]  }
0x18: {  	s4 =	rddreg [dreg:$0x4];
	s2 =	sshrl.u32 s2, $0x3  }
0x19: {  	[spmem:s2], [sflag:s6] =	dma.local [hbm:s4], $0x2800  }
0x1a: {  	_ =	swait.ge [sflag:s20], $0x2800  }
0x1b: {  	[sflag:s20] =	ssyncset.done $0x0  }
0x1c: {  	[sflag:s20] =	ssyncadd.s32 $0xFFFFD800  }
0x1d: {  	[bflag:$0x0] =	sbarrier.arrive $0xFFFF  }
0x1e: {  	s5 =	rddreg [dreg:$0x5]  }
0x1f: {  	[tilespmem:s3], [sflag:$0x3] =	stream.linear.gather [hbm4b:s5+s3], $0x1000, $0x38;
	[tilespmem:$0x1E000] =	vst v63  }
0x20: {  	_ =	swait.ge [sflag:s20], $0x1000  }
0x21: {  	[sflag:s20] =	ssyncset.done $0x0  }
0x22: {  	s7 =	rddreg [dreg:$0x6];
	[sflag:s20] =	ssyncadd.s32 $0xFFFFF000  }
0x23: {  	[tilespmem:s21], [sflag:$0x3] =	stream.linear.gather [hbm4b:s7+s3], $0x1000, $0x38;
	[tilespmem:$0x1E000] =	vst v63  }
0x24: {  	_ =	swait.ge [sflag:s20], $0x1000  }
0x25: {  	[sflag:s20] =	ssyncset.done $0x0  }
0x26: {  	[sflag:s20] =	ssyncadd.s32 $0xFFFFF000  }
0x27: {  	[tilespmem:s23], [sflag:$0x1] =	stream.indirect.gather [hbm4b:s9+s22], $0x80, s3, s22, $0xb8;
	[tilespmem:$0x1E000] =	vst v63  }
0x28: {  	s8 =	simm.s32 $0x80  }
0x29: {  	[tilespmem:s24], [sflag:$0x2] =	stream.indirect.gather [hbm4b:s9+s22], $0x80, s8, s22, $0xb8;
	[tilespmem:$0x1E000] =	vst v63  }
0x2a: {  	_ =	swait.ge [sflag:s25], $0x4000  }
0x2b: {  	[sflag:s25] =	ssyncset.done $0x0  }
0x2c: {  	s5 =	simm.s32 $0x1000;
	[sflag:s25] =	ssyncadd.s32 $0xFFFFC000  }
0x2d: {  	[spmem:s1] =	stream.indirect.scatter.add.f32 [tilespmem:s23], [sflag:$0x3], $0x80, s5, s22, $0xb8;
	[tilespmem:$0x1E000] =	vst v63  }
0x2e: {  	_ =	swait.ge [sflag:s20], $0x4000  }
0x2f: {  	[sflag:s20] =	ssyncset.done $0x0  }
0x30: {  	s7 =	simm.s32 $0x100;
	[sflag:s20] =	ssyncadd.s32 $0xFFFFC000  }
0x31: {  	[tilespmem:s23], [sflag:$0x1] =	stream.indirect.gather [hbm4b:s9+s22], $0x80, s7, s22, $0xb8;
	[tilespmem:$0x1E000] =	vst v63  }
0x32: {  	_ =	swait.ge [sflag:s26], $0x4000  }
0x33: {  	[sflag:s26] =	ssyncset.done $0x0  }
0x34: {  	s8 =	simm.s32 $0x1080;
	[sflag:s26] =	ssyncadd.s32 $0xFFFFC000  }
0x35: {  	[spmem:s1] =	stream.indirect.scatter.add.f32 [tilespmem:s24], [sflag:$0x3], $0x80, s8, s22, $0xb8;
	[tilespmem:$0x1E000] =	vst v63  }
0x36: {  	_ =	swait.ge [sflag:s20], $0x4000  }
0x37: {  	s31 =	simm.s32 $0x100;
	s4 =	simm.s32 $0x800;
	[sflag:s20] =	ssyncset.done $0x0  }
.LBB2_2:
0x38: {  	s5 =	sadd.s32 $0x80, s31  }
0x39: {  	[sflag:s20] =	ssyncadd.s32 $0xFFFFC000;
	s7 =	smov.u32 s4;
	s8 =	sadd.s32 $0x400, s4  }
0x3a: {  	[tilespmem:s24], [sflag:$0x2] =	stream.indirect.gather [hbm4b:s9+s22], $0x80, s5, s22, $0xb8;
	[tilespmem:$0x1E000] =	vst v63  }
0x3b: {  	p0 =	sne.s32 s4, $0x3800;
	_ =	swait.ge [sflag:s25], $0x4000  }
0x3c: {  	[sflag:s25] =	ssyncset.done $0x0  }
0x3d: {  	s4 =	sadd.s32 $0x1000, s31;
	[sflag:s25] =	ssyncadd.s32 $0xFFFFC000  }
0x3e: {  	[spmem:s1] =	stream.indirect.scatter.add.f32 [tilespmem:s23], [sflag:$0x3], $0x80, s4, s22, $0xb8;
	[tilespmem:$0x1E000] =	vst v63  }
0x3f: {  	_ =	swait.ge [sflag:s20], $0x4000  }
0x40: {  	[sflag:s20] =	ssyncset.done $0x0  }
0x41: {  	s4 =	sadd.s32 $0x100, s31;
	[sflag:s20] =	ssyncadd.s32 $0xFFFFC000  }
0x42: {  	[tilespmem:s23], [sflag:$0x1] =	stream.indirect.gather [hbm4b:s9+s22], $0x80, s4, s22, $0xb8;
	[tilespmem:$0x1E000] =	vst v63  }
0x43: {  	_ =	swait.ge [sflag:s26], $0x4000  }
.Ltmp0:
0x44: {  	[sflag:s26] =	ssyncset.done $0x0;
	(pc) =	sbr.rel @p0 .LBB2_2-.Ltmp0, $4  }
0x45: {  	s4 =	sadd.s32 $0x1080, s31;
	[sflag:s26] =	ssyncadd.s32 $0xFFFFC000  }
0x46: {  	[spmem:s1] =	stream.indirect.scatter.add.f32 [tilespmem:s24], [sflag:$0x3], $0x80, s4, s22, $0xb8;
	[tilespmem:$0x1E000] =	vst v63  }
0x47: {  	_ =	swait.ge [sflag:s20], $0x4000  }
0x48: {  	s31 =	sshra.s32 s7, $0x2;
	s4 =	smov.u32 s8;
	[sflag:s20] =	ssyncset.done $0x0  }
0x49: {  	s4 =	sadd.s32 $0x80, s31;
	[sflag:s20] =	ssyncadd.s32 $0xFFFFC000  }
0x4a: {  	[tilespmem:s24], [sflag:$0x2] =	stream.indirect.gather [hbm4b:s9+s22], $0x80, s4, s22, $0xb8;
	[tilespmem:$0x1E000] =	vst v63  }
0x4b: {  	_ =	swait.ge [sflag:s25], $0x4000  }
0x4c: {  	[sflag:s25] =	ssyncset.done $0x0  }
0x4d: {  	s7 =	sadd.s32 $0x1000, s31;
	[sflag:s25] =	ssyncadd.s32 $0xFFFFC000  }
0x4e: {  	[spmem:s1] =	stream.indirect.scatter.add.f32 [tilespmem:s23], [sflag:$0x3], $0x80, s7, s22, $0xb8;
	[tilespmem:$0x1E000] =	vst v63  }
0x4f: {  	_ =	swait.ge [sflag:s20], $0x4000  }
0x50: {  	[sflag:s20] =	ssyncset.done $0x0  }
0x51: {  	s8 =	sadd.s32 $0x100, s31;
	[sflag:s20] =	ssyncadd.s32 $0xFFFFC000  }
0x52: {  	[tilespmem:s23], [sflag:$0x1] =	stream.indirect.gather [hbm4b:s9+s22], $0x80, s8, s22, $0xb8;
	[tilespmem:$0x1E000] =	vst v63  }
0x53: {  	_ =	swait.ge [sflag:s26], $0x4000  }
0x54: {  	[sflag:s26] =	ssyncset.done $0x0  }
0x55: {  	s5 =	sadd.s32 $0x1080, s31;
	[sflag:s26] =	ssyncadd.s32 $0xFFFFC000  }
0x56: {  	[spmem:s1] =	stream.indirect.scatter.add.f32 [tilespmem:s24], [sflag:$0x3], $0x80, s5, s22, $0xb8;
	[tilespmem:$0x1E000] =	vst v63  }
0x57: {  	_ =	swait.ge [sflag:s20], $0x4000  }
0x58: {  	[sflag:s20] =	ssyncset.done $0x0  }
0x59: {  	[sflag:s20] =	ssyncadd.s32 $0xFFFFC000  }
0x5a: {  	[tilespmem:s24], [sflag:$0x2] =	stream.indirect.gather [hbm4b:s9+s22], $0x80, s28, s22, $0xb8;
	[tilespmem:$0x1E000] =	vst v63  }
0x5b: {  	_ =	swait.ge [sflag:s25], $0x4000  }
0x5c: {  	[sflag:s25] =	ssyncset.done $0x0  }
0x5d: {  	[sflag:s25] =	ssyncadd.s32 $0xFFFFC000  }
0x5e: {  	[spmem:s1] =	stream.indirect.scatter.add.f32 [tilespmem:s23], [sflag:$0x3], $0x80, s29, s22, $0xb8;
	[tilespmem:$0x1E000] =	vst v63  }
0x5f: {  	_ =	swait.ge [sflag:s20], $0x4000  }
0x60: {  	[sflag:s20] =	ssyncset.done $0x0  }
0x61: {  	[sflag:s20] =	ssyncadd.s32 $0xFFFFC000  }
0x62: {  	_ =	swait.ge [sflag:s26], $0x4000  }
0x63: {  	[sflag:s26] =	ssyncset.done $0x0  }
0x64: {  	[sflag:s26] =	ssyncadd.s32 $0xFFFFC000  }
0x65: {  	[spmem:s1] =	stream.indirect.scatter.add.f32 [tilespmem:s24], [sflag:$0x3], $0x80, s30, s22, $0xb8;
	[tilespmem:$0x1E000] =	vst v63  }
0x66: {  	_ =	swait.ge [sflag:s20], $0x4000  }
0x67: {  	[sflag:s20] =	ssyncset.done $0x0  }
0x68: {  	s7 =	simm.s32 $0x0;
	[sflag:s20] =	ssyncadd.s32 $0xFFFFC000  }
0x69: {  	[tilespmem:s7], [sflag:$0x3] =	stream.linear.gather [hbm4b:s10+s7], $0x1000, $0x38;
	[tilespmem:$0x1E000] =	vst v63  }
0x6a: {  	_ =	swait.ge [sflag:s20], $0x1000  }
0x6b: {  	[sflag:s20] =	ssyncset.done $0x0  }
0x6c: {  	[sflag:s20] =	ssyncadd.s32 $0xFFFFF000  }
0x6d: {  	[tilespmem:s21], [sflag:$0x3] =	stream.linear.gather [hbm4b:s11+s7], $0x1000, $0x38;
	[tilespmem:$0x1E000] =	vst v63  }
0x6e: {  	_ =	swait.ge [sflag:s20], $0x1000  }
0x6f: {  	[sflag:s20] =	ssyncset.done $0x0  }
0x70: {  	[sflag:s20] =	ssyncadd.s32 $0xFFFFF000  }
0x71: {  	[tilespmem:s23], [sflag:$0x1] =	stream.indirect.gather [hbm4b:s9+s22], $0x80, s7, s22, $0xb8;
	[tilespmem:$0x1E000] =	vst v63  }
0x72: {  	s8 =	simm.s32 $0x80  }
0x73: {  	[tilespmem:s24], [sflag:$0x2] =	stream.indirect.gather [hbm4b:s9+s22], $0x80, s8, s22, $0xb8;
	[tilespmem:$0x1E000] =	vst v63  }
0x74: {  	_ =	swait.ge [sflag:s25], $0x4000  }
0x75: {  	[sflag:s25] =	ssyncset.done $0x0  }
0x76: {  	s5 =	simm.s32 $0x1000;
	[sflag:s25] =	ssyncadd.s32 $0xFFFFC000  }
0x77: {  	[spmem:s1] =	stream.indirect.scatter.add.f32 [tilespmem:s23], [sflag:$0x3], $0x80, s5, s22, $0xb8;
	[tilespmem:$0x1E000] =	vst v63  }
0x78: {  	_ =	swait.ge [sflag:s20], $0x4000  }
0x79: {  	[sflag:s20] =	ssyncset.done $0x0  }
0x7a: {  	s7 =	simm.s32 $0x100;
	[sflag:s20] =	ssyncadd.s32 $0xFFFFC000  }
0x7b: {  	[tilespmem:s23], [sflag:$0x1] =	stream.indirect.gather [hbm4b:s9+s22], $0x80, s7, s22, $0xb8;
	[tilespmem:$0x1E000] =	vst v63  }
0x7c: {  	_ =	swait.ge [sflag:s26], $0x4000  }
0x7d: {  	[sflag:s26] =	ssyncset.done $0x0  }
0x7e: {  	s8 =	simm.s32 $0x1080;
	[sflag:s26] =	ssyncadd.s32 $0xFFFFC000  }
0x7f: {  	[spmem:s1] =	stream.indirect.scatter.add.f32 [tilespmem:s24], [sflag:$0x3], $0x80, s8, s22, $0xb8;
	[tilespmem:$0x1E000] =	vst v63  }
0x80: {  	_ =	swait.ge [sflag:s20], $0x4000  }
0x81: {  	s31 =	simm.s32 $0x100;
	s4 =	simm.s32 $0x800;
	[sflag:s20] =	ssyncset.done $0x0  }
.LBB2_4:
0x82: {  	s5 =	sadd.s32 $0x80, s31  }
0x83: {  	[sflag:s20] =	ssyncadd.s32 $0xFFFFC000;
	s7 =	smov.u32 s4;
	s8 =	sadd.s32 $0x400, s4  }
0x84: {  	[tilespmem:s24], [sflag:$0x2] =	stream.indirect.gather [hbm4b:s9+s22], $0x80, s5, s22, $0xb8;
	[tilespmem:$0x1E000] =	vst v63  }
0x85: {  	p0 =	sne.s32 s4, $0x3800;
	_ =	swait.ge [sflag:s25], $0x4000  }
0x86: {  	[sflag:s25] =	ssyncset.done $0x0  }
0x87: {  	s4 =	sadd.s32 $0x1000, s31;
	[sflag:s25] =	ssyncadd.s32 $0xFFFFC000  }
0x88: {  	[spmem:s1] =	stream.indirect.scatter.add.f32 [tilespmem:s23], [sflag:$0x3], $0x80, s4, s22, $0xb8;
	[tilespmem:$0x1E000] =	vst v63  }
0x89: {  	_ =	swait.ge [sflag:s20], $0x4000  }
0x8a: {  	[sflag:s20] =	ssyncset.done $0x0  }
0x8b: {  	s4 =	sadd.s32 $0x100, s31;
	[sflag:s20] =	ssyncadd.s32 $0xFFFFC000  }
0x8c: {  	[tilespmem:s23], [sflag:$0x1] =	stream.indirect.gather [hbm4b:s9+s22], $0x80, s4, s22, $0xb8;
	[tilespmem:$0x1E000] =	vst v63  }
0x8d: {  	_ =	swait.ge [sflag:s26], $0x4000  }
.Ltmp1:
0x8e: {  	[sflag:s26] =	ssyncset.done $0x0;
	(pc) =	sbr.rel @p0 .LBB2_4-.Ltmp1, $4  }
0x8f: {  	s4 =	sadd.s32 $0x1080, s31;
	[sflag:s26] =	ssyncadd.s32 $0xFFFFC000  }
0x90: {  	[spmem:s1] =	stream.indirect.scatter.add.f32 [tilespmem:s24], [sflag:$0x3], $0x80, s4, s22, $0xb8;
	[tilespmem:$0x1E000] =	vst v63  }
0x91: {  	_ =	swait.ge [sflag:s20], $0x4000  }
0x92: {  	s31 =	sshra.s32 s7, $0x2;
	s4 =	smov.u32 s8;
	[sflag:s20] =	ssyncset.done $0x0  }
0x93: {  	s4 =	sadd.s32 $0x80, s31;
	[sflag:s20] =	ssyncadd.s32 $0xFFFFC000  }
0x94: {  	[tilespmem:s24], [sflag:$0x2] =	stream.indirect.gather [hbm4b:s9+s22], $0x80, s4, s22, $0xb8;
	[tilespmem:$0x1E000] =	vst v63  }
0x95: {  	_ =	swait.ge [sflag:s25], $0x4000  }
0x96: {  	[sflag:s25] =	ssyncset.done $0x0  }
0x97: {  	s7 =	sadd.s32 $0x1000, s31;
	[sflag:s25] =	ssyncadd.s32 $0xFFFFC000  }
0x98: {  	[spmem:s1] =	stream.indirect.scatter.add.f32 [tilespmem:s23], [sflag:$0x3], $0x80, s7, s22, $0xb8;
	[tilespmem:$0x1E000] =	vst v63  }
0x99: {  	_ =	swait.ge [sflag:s20], $0x4000  }
0x9a: {  	[sflag:s20] =	ssyncset.done $0x0  }
0x9b: {  	s8 =	sadd.s32 $0x100, s31;
	[sflag:s20] =	ssyncadd.s32 $0xFFFFC000  }
0x9c: {  	[tilespmem:s23], [sflag:$0x1] =	stream.indirect.gather [hbm4b:s9+s22], $0x80, s8, s22, $0xb8;
	[tilespmem:$0x1E000] =	vst v63  }
0x9d: {  	_ =	swait.ge [sflag:s26], $0x4000  }
0x9e: {  	[sflag:s26] =	ssyncset.done $0x0  }
0x9f: {  	s5 =	sadd.s32 $0x1080, s31;
	[sflag:s26] =	ssyncadd.s32 $0xFFFFC000  }
0xa0: {  	[spmem:s1] =	stream.indirect.scatter.add.f32 [tilespmem:s24], [sflag:$0x3], $0x80, s5, s22, $0xb8;
	[tilespmem:$0x1E000] =	vst v63  }
0xa1: {  	_ =	swait.ge [sflag:s20], $0x4000  }
0xa2: {  	[sflag:s20] =	ssyncset.done $0x0  }
0xa3: {  	[sflag:s20] =	ssyncadd.s32 $0xFFFFC000  }
0xa4: {  	[tilespmem:s24], [sflag:$0x2] =	stream.indirect.gather [hbm4b:s9+s22], $0x80, s28, s22, $0xb8;
	[tilespmem:$0x1E000] =	vst v63  }
0xa5: {  	_ =	swait.ge [sflag:s25], $0x4000  }
0xa6: {  	[sflag:s25] =	ssyncset.done $0x0  }
0xa7: {  	[sflag:s25] =	ssyncadd.s32 $0xFFFFC000  }
0xa8: {  	[spmem:s1] =	stream.indirect.scatter.add.f32 [tilespmem:s23], [sflag:$0x3], $0x80, s29, s22, $0xb8;
	[tilespmem:$0x1E000] =	vst v63  }
0xa9: {  	_ =	swait.ge [sflag:s20], $0x4000  }
0xaa: {  	[sflag:s20] =	ssyncset.done $0x0  }
0xab: {  	[sflag:s20] =	ssyncadd.s32 $0xFFFFC000  }
0xac: {  	_ =	swait.ge [sflag:s26], $0x4000  }
0xad: {  	[sflag:s26] =	ssyncset.done $0x0  }
0xae: {  	[sflag:s26] =	ssyncadd.s32 $0xFFFFC000  }
0xaf: {  	[spmem:s1] =	stream.indirect.scatter.add.f32 [tilespmem:s24], [sflag:$0x3], $0x80, s30, s22, $0xb8;
	[tilespmem:$0x1E000] =	vst v63  }
0xb0: {  	_ =	swait.ge [sflag:s20], $0x4000  }
0xb1: {  	[sflag:s20] =	ssyncset.done $0x0  }
0xb2: {  	s7 =	simm.s32 $0x0;
	[sflag:s20] =	ssyncadd.s32 $0xFFFFC000  }
0xb3: {  	[tilespmem:s7], [sflag:$0x3] =	stream.linear.gather [hbm4b:s12+s7], $0x1000, $0x38;
	[tilespmem:$0x1E000] =	vst v63  }
0xb4: {  	_ =	swait.ge [sflag:s20], $0x1000  }
0xb5: {  	[sflag:s20] =	ssyncset.done $0x0  }
0xb6: {  	[sflag:s20] =	ssyncadd.s32 $0xFFFFF000  }
0xb7: {  	[tilespmem:s21], [sflag:$0x3] =	stream.linear.gather [hbm4b:s13+s7], $0x1000, $0x38;
	[tilespmem:$0x1E000] =	vst v63  }
0xb8: {  	_ =	swait.ge [sflag:s20], $0x1000  }
0xb9: {  	[sflag:s20] =	ssyncset.done $0x0  }
0xba: {  	[sflag:s20] =	ssyncadd.s32 $0xFFFFF000  }
0xbb: {  	[tilespmem:s23], [sflag:$0x1] =	stream.indirect.gather [hbm4b:s9+s22], $0x80, s7, s22, $0xb8;
	[tilespmem:$0x1E000] =	vst v63  }
0xbc: {  	s8 =	simm.s32 $0x80  }
0xbd: {  	[tilespmem:s24], [sflag:$0x2] =	stream.indirect.gather [hbm4b:s9+s22], $0x80, s8, s22, $0xb8;
	[tilespmem:$0x1E000] =	vst v63  }
0xbe: {  	_ =	swait.ge [sflag:s25], $0x4000  }
0xbf: {  	[sflag:s25] =	ssyncset.done $0x0  }
0xc0: {  	s5 =	simm.s32 $0x1000;
	[sflag:s25] =	ssyncadd.s32 $0xFFFFC000  }
0xc1: {  	[spmem:s1] =	stream.indirect.scatter.add.f32 [tilespmem:s23], [sflag:$0x3], $0x80, s5, s22, $0xb8;
	[tilespmem:$0x1E000] =	vst v63  }
0xc2: {  	_ =	swait.ge [sflag:s20], $0x4000  }
0xc3: {  	[sflag:s20] =	ssyncset.done $0x0  }
0xc4: {  	s7 =	simm.s32 $0x100;
	[sflag:s20] =	ssyncadd.s32 $0xFFFFC000  }
0xc5: {  	[tilespmem:s23], [sflag:$0x1] =	stream.indirect.gather [hbm4b:s9+s22], $0x80, s7, s22, $0xb8;
	[tilespmem:$0x1E000] =	vst v63  }
0xc6: {  	_ =	swait.ge [sflag:s26], $0x4000  }
0xc7: {  	[sflag:s26] =	ssyncset.done $0x0  }
0xc8: {  	s8 =	simm.s32 $0x1080;
	[sflag:s26] =	ssyncadd.s32 $0xFFFFC000  }
0xc9: {  	[spmem:s1] =	stream.indirect.scatter.add.f32 [tilespmem:s24], [sflag:$0x3], $0x80, s8, s22, $0xb8;
	[tilespmem:$0x1E000] =	vst v63  }
0xca: {  	_ =	swait.ge [sflag:s20], $0x4000  }
0xcb: {  	s31 =	simm.s32 $0x100;
	s4 =	simm.s32 $0x800;
	[sflag:s20] =	ssyncset.done $0x0  }
.LBB2_6:
0xcc: {  	s5 =	sadd.s32 $0x80, s31  }
0xcd: {  	[sflag:s20] =	ssyncadd.s32 $0xFFFFC000;
	s7 =	smov.u32 s4;
	s8 =	sadd.s32 $0x400, s4  }
0xce: {  	[tilespmem:s24], [sflag:$0x2] =	stream.indirect.gather [hbm4b:s9+s22], $0x80, s5, s22, $0xb8;
	[tilespmem:$0x1E000] =	vst v63  }
0xcf: {  	p0 =	sne.s32 s4, $0x3800;
	_ =	swait.ge [sflag:s25], $0x4000  }
0xd0: {  	[sflag:s25] =	ssyncset.done $0x0  }
0xd1: {  	s4 =	sadd.s32 $0x1000, s31;
	[sflag:s25] =	ssyncadd.s32 $0xFFFFC000  }
0xd2: {  	[spmem:s1] =	stream.indirect.scatter.add.f32 [tilespmem:s23], [sflag:$0x3], $0x80, s4, s22, $0xb8;
	[tilespmem:$0x1E000] =	vst v63  }
0xd3: {  	_ =	swait.ge [sflag:s20], $0x4000  }
0xd4: {  	[sflag:s20] =	ssyncset.done $0x0  }
0xd5: {  	s4 =	sadd.s32 $0x100, s31;
	[sflag:s20] =	ssyncadd.s32 $0xFFFFC000  }
0xd6: {  	[tilespmem:s23], [sflag:$0x1] =	stream.indirect.gather [hbm4b:s9+s22], $0x80, s4, s22, $0xb8;
	[tilespmem:$0x1E000] =	vst v63  }
0xd7: {  	_ =	swait.ge [sflag:s26], $0x4000  }
.Ltmp2:
0xd8: {  	[sflag:s26] =	ssyncset.done $0x0;
	(pc) =	sbr.rel @p0 .LBB2_6-.Ltmp2, $4  }
0xd9: {  	s4 =	sadd.s32 $0x1080, s31;
	[sflag:s26] =	ssyncadd.s32 $0xFFFFC000  }
0xda: {  	[spmem:s1] =	stream.indirect.scatter.add.f32 [tilespmem:s24], [sflag:$0x3], $0x80, s4, s22, $0xb8;
	[tilespmem:$0x1E000] =	vst v63  }
0xdb: {  	_ =	swait.ge [sflag:s20], $0x4000  }
0xdc: {  	s31 =	sshra.s32 s7, $0x2;
	s4 =	smov.u32 s8;
	[sflag:s20] =	ssyncset.done $0x0  }
0xdd: {  	s4 =	sadd.s32 $0x80, s31;
	[sflag:s20] =	ssyncadd.s32 $0xFFFFC000  }
0xde: {  	[tilespmem:s24], [sflag:$0x2] =	stream.indirect.gather [hbm4b:s9+s22], $0x80, s4, s22, $0xb8;
	[tilespmem:$0x1E000] =	vst v63  }
0xdf: {  	_ =	swait.ge [sflag:s25], $0x4000  }
0xe0: {  	[sflag:s25] =	ssyncset.done $0x0  }
0xe1: {  	s7 =	sadd.s32 $0x1000, s31;
	[sflag:s25] =	ssyncadd.s32 $0xFFFFC000  }
0xe2: {  	[spmem:s1] =	stream.indirect.scatter.add.f32 [tilespmem:s23], [sflag:$0x3], $0x80, s7, s22, $0xb8;
	[tilespmem:$0x1E000] =	vst v63  }
0xe3: {  	_ =	swait.ge [sflag:s20], $0x4000  }
0xe4: {  	[sflag:s20] =	ssyncset.done $0x0  }
0xe5: {  	s8 =	sadd.s32 $0x100, s31;
	[sflag:s20] =	ssyncadd.s32 $0xFFFFC000  }
0xe6: {  	[tilespmem:s23], [sflag:$0x1] =	stream.indirect.gather [hbm4b:s9+s22], $0x80, s8, s22, $0xb8;
	[tilespmem:$0x1E000] =	vst v63  }
0xe7: {  	_ =	swait.ge [sflag:s26], $0x4000  }
0xe8: {  	[sflag:s26] =	ssyncset.done $0x0  }
0xe9: {  	s5 =	sadd.s32 $0x1080, s31;
	[sflag:s26] =	ssyncadd.s32 $0xFFFFC000  }
0xea: {  	[spmem:s1] =	stream.indirect.scatter.add.f32 [tilespmem:s24], [sflag:$0x3], $0x80, s5, s22, $0xb8;
	[tilespmem:$0x1E000] =	vst v63  }
0xeb: {  	_ =	swait.ge [sflag:s20], $0x4000  }
0xec: {  	[sflag:s20] =	ssyncset.done $0x0  }
0xed: {  	[sflag:s20] =	ssyncadd.s32 $0xFFFFC000  }
0xee: {  	[tilespmem:s24], [sflag:$0x2] =	stream.indirect.gather [hbm4b:s9+s22], $0x80, s28, s22, $0xb8;
	[tilespmem:$0x1E000] =	vst v63  }
0xef: {  	_ =	swait.ge [sflag:s25], $0x4000  }
0xf0: {  	[sflag:s25] =	ssyncset.done $0x0  }
0xf1: {  	[sflag:s25] =	ssyncadd.s32 $0xFFFFC000  }
0xf2: {  	[spmem:s1] =	stream.indirect.scatter.add.f32 [tilespmem:s23], [sflag:$0x3], $0x80, s29, s22, $0xb8;
	[tilespmem:$0x1E000] =	vst v63  }
0xf3: {  	_ =	swait.ge [sflag:s20], $0x4000  }
0xf4: {  	[sflag:s20] =	ssyncset.done $0x0  }
0xf5: {  	[sflag:s20] =	ssyncadd.s32 $0xFFFFC000  }
0xf6: {  	_ =	swait.ge [sflag:s26], $0x4000  }
0xf7: {  	[sflag:s26] =	ssyncset.done $0x0  }
0xf8: {  	[sflag:s26] =	ssyncadd.s32 $0xFFFFC000  }
0xf9: {  	[spmem:s1] =	stream.indirect.scatter.add.f32 [tilespmem:s24], [sflag:$0x3], $0x80, s30, s22, $0xb8;
	[tilespmem:$0x1E000] =	vst v63  }
0xfa: {  	_ =	swait.ge [sflag:s20], $0x4000  }
0xfb: {  	[sflag:s20] =	ssyncset.done $0x0  }
0xfc: {  	s7 =	simm.s32 $0x0;
	[sflag:s20] =	ssyncadd.s32 $0xFFFFC000  }
0xfd: {  	[tilespmem:s7], [sflag:$0x3] =	stream.linear.gather [hbm4b:s14+s7], $0x1000, $0x38;
	[tilespmem:$0x1E000] =	vst v63  }
0xfe: {  	_ =	swait.ge [sflag:s20], $0x1000  }
0xff: {  	[sflag:s20] =	ssyncset.done $0x0  }
0x100: {  	[sflag:s20] =	ssyncadd.s32 $0xFFFFF000  }
0x101: {  	[tilespmem:s21], [sflag:$0x3] =	stream.linear.gather [hbm4b:s15+s7], $0x1000, $0x38;
	[tilespmem:$0x1E000] =	vst v63  }
0x102: {  	_ =	swait.ge [sflag:s20], $0x1000  }
0x103: {  	[sflag:s20] =	ssyncset.done $0x0  }
0x104: {  	[sflag:s20] =	ssyncadd.s32 $0xFFFFF000  }
0x105: {  	[tilespmem:s23], [sflag:$0x1] =	stream.indirect.gather [hbm4b:s9+s22], $0x80, s7, s22, $0xb8;
	[tilespmem:$0x1E000] =	vst v63  }
0x106: {  	s8 =	simm.s32 $0x80  }
0x107: {  	[tilespmem:s24], [sflag:$0x2] =	stream.indirect.gather [hbm4b:s9+s22], $0x80, s8, s22, $0xb8;
	[tilespmem:$0x1E000] =	vst v63  }
0x108: {  	_ =	swait.ge [sflag:s25], $0x4000  }
0x109: {  	[sflag:s25] =	ssyncset.done $0x0  }
0x10a: {  	s5 =	simm.s32 $0x1000;
	[sflag:s25] =	ssyncadd.s32 $0xFFFFC000  }
0x10b: {  	[spmem:s1] =	stream.indirect.scatter.add.f32 [tilespmem:s23], [sflag:$0x3], $0x80, s5, s22, $0xb8;
	[tilespmem:$0x1E000] =	vst v63  }
0x10c: {  	_ =	swait.ge [sflag:s20], $0x4000  }
0x10d: {  	[sflag:s20] =	ssyncset.done $0x0  }
0x10e: {  	s7 =	simm.s32 $0x100;
	[sflag:s20] =	ssyncadd.s32 $0xFFFFC000  }
0x10f: {  	[tilespmem:s23], [sflag:$0x1] =	stream.indirect.gather [hbm4b:s9+s22], $0x80, s7, s22, $0xb8;
	[tilespmem:$0x1E000] =	vst v63  }
0x110: {  	_ =	swait.ge [sflag:s26], $0x4000  }
0x111: {  	[sflag:s26] =	ssyncset.done $0x0  }
0x112: {  	s8 =	simm.s32 $0x1080;
	[sflag:s26] =	ssyncadd.s32 $0xFFFFC000  }
0x113: {  	[spmem:s1] =	stream.indirect.scatter.add.f32 [tilespmem:s24], [sflag:$0x3], $0x80, s8, s22, $0xb8;
	[tilespmem:$0x1E000] =	vst v63  }
0x114: {  	_ =	swait.ge [sflag:s20], $0x4000  }
0x115: {  	s31 =	simm.s32 $0x100;
	s4 =	simm.s32 $0x800;
	[sflag:s20] =	ssyncset.done $0x0  }
.LBB2_8:
0x116: {  	s5 =	sadd.s32 $0x80, s31  }
0x117: {  	[sflag:s20] =	ssyncadd.s32 $0xFFFFC000;
	s7 =	smov.u32 s4;
	s8 =	sadd.s32 $0x400, s4  }
0x118: {  	[tilespmem:s24], [sflag:$0x2] =	stream.indirect.gather [hbm4b:s9+s22], $0x80, s5, s22, $0xb8;
	[tilespmem:$0x1E000] =	vst v63  }
0x119: {  	p0 =	sne.s32 s4, $0x3800;
	_ =	swait.ge [sflag:s25], $0x4000  }
0x11a: {  	[sflag:s25] =	ssyncset.done $0x0  }
0x11b: {  	s4 =	sadd.s32 $0x1000, s31;
	[sflag:s25] =	ssyncadd.s32 $0xFFFFC000  }
0x11c: {  	[spmem:s1] =	stream.indirect.scatter.add.f32 [tilespmem:s23], [sflag:$0x3], $0x80, s4, s22, $0xb8;
	[tilespmem:$0x1E000] =	vst v63  }
0x11d: {  	_ =	swait.ge [sflag:s20], $0x4000  }
0x11e: {  	[sflag:s20] =	ssyncset.done $0x0  }
0x11f: {  	s4 =	sadd.s32 $0x100, s31;
	[sflag:s20] =	ssyncadd.s32 $0xFFFFC000  }
0x120: {  	[tilespmem:s23], [sflag:$0x1] =	stream.indirect.gather [hbm4b:s9+s22], $0x80, s4, s22, $0xb8;
	[tilespmem:$0x1E000] =	vst v63  }
0x121: {  	_ =	swait.ge [sflag:s26], $0x4000  }
.Ltmp3:
0x122: {  	[sflag:s26] =	ssyncset.done $0x0;
	(pc) =	sbr.rel @p0 .LBB2_8-.Ltmp3, $4  }
0x123: {  	s4 =	sadd.s32 $0x1080, s31;
	[sflag:s26] =	ssyncadd.s32 $0xFFFFC000  }
0x124: {  	[spmem:s1] =	stream.indirect.scatter.add.f32 [tilespmem:s24], [sflag:$0x3], $0x80, s4, s22, $0xb8;
	[tilespmem:$0x1E000] =	vst v63  }
0x125: {  	_ =	swait.ge [sflag:s20], $0x4000  }
0x126: {  	s31 =	sshra.s32 s7, $0x2;
	s4 =	smov.u32 s8;
	[sflag:s20] =	ssyncset.done $0x0  }
0x127: {  	s4 =	sadd.s32 $0x80, s31;
	[sflag:s20] =	ssyncadd.s32 $0xFFFFC000  }
0x128: {  	[tilespmem:s24], [sflag:$0x2] =	stream.indirect.gather [hbm4b:s9+s22], $0x80, s4, s22, $0xb8;
	[tilespmem:$0x1E000] =	vst v63  }
0x129: {  	_ =	swait.ge [sflag:s25], $0x4000  }
0x12a: {  	[sflag:s25] =	ssyncset.done $0x0  }
0x12b: {  	s7 =	sadd.s32 $0x1000, s31;
	[sflag:s25] =	ssyncadd.s32 $0xFFFFC000  }
0x12c: {  	[spmem:s1] =	stream.indirect.scatter.add.f32 [tilespmem:s23], [sflag:$0x3], $0x80, s7, s22, $0xb8;
	[tilespmem:$0x1E000] =	vst v63  }
0x12d: {  	_ =	swait.ge [sflag:s20], $0x4000  }
0x12e: {  	[sflag:s20] =	ssyncset.done $0x0  }
0x12f: {  	s8 =	sadd.s32 $0x100, s31;
	[sflag:s20] =	ssyncadd.s32 $0xFFFFC000  }
0x130: {  	[tilespmem:s23], [sflag:$0x1] =	stream.indirect.gather [hbm4b:s9+s22], $0x80, s8, s22, $0xb8;
	[tilespmem:$0x1E000] =	vst v63  }
0x131: {  	_ =	swait.ge [sflag:s26], $0x4000  }
0x132: {  	[sflag:s26] =	ssyncset.done $0x0  }
0x133: {  	s5 =	sadd.s32 $0x1080, s31;
	[sflag:s26] =	ssyncadd.s32 $0xFFFFC000  }
0x134: {  	[spmem:s1] =	stream.indirect.scatter.add.f32 [tilespmem:s24], [sflag:$0x3], $0x80, s5, s22, $0xb8;
	[tilespmem:$0x1E000] =	vst v63  }
0x135: {  	_ =	swait.ge [sflag:s20], $0x4000  }
0x136: {  	[sflag:s20] =	ssyncset.done $0x0  }
0x137: {  	[sflag:s20] =	ssyncadd.s32 $0xFFFFC000  }
0x138: {  	[tilespmem:s24], [sflag:$0x2] =	stream.indirect.gather [hbm4b:s9+s22], $0x80, s28, s22, $0xb8;
	[tilespmem:$0x1E000] =	vst v63  }
0x139: {  	_ =	swait.ge [sflag:s25], $0x4000  }
0x13a: {  	[sflag:s25] =	ssyncset.done $0x0  }
0x13b: {  	[sflag:s25] =	ssyncadd.s32 $0xFFFFC000  }
0x13c: {  	[spmem:s1] =	stream.indirect.scatter.add.f32 [tilespmem:s23], [sflag:$0x3], $0x80, s29, s22, $0xb8;
	[tilespmem:$0x1E000] =	vst v63  }
0x13d: {  	_ =	swait.ge [sflag:s20], $0x4000  }
0x13e: {  	[sflag:s20] =	ssyncset.done $0x0  }
0x13f: {  	[sflag:s20] =	ssyncadd.s32 $0xFFFFC000  }
0x140: {  	_ =	swait.ge [sflag:s26], $0x4000  }
0x141: {  	[sflag:s26] =	ssyncset.done $0x0  }
0x142: {  	[sflag:s26] =	ssyncadd.s32 $0xFFFFC000  }
0x143: {  	[spmem:s1] =	stream.indirect.scatter.add.f32 [tilespmem:s24], [sflag:$0x3], $0x80, s30, s22, $0xb8;
	[tilespmem:$0x1E000] =	vst v63  }
0x144: {  	_ =	swait.ge [sflag:s20], $0x4000  }
0x145: {  	[sflag:s20] =	ssyncset.done $0x0  }
0x146: {  	s7 =	simm.s32 $0x0;
	[sflag:s20] =	ssyncadd.s32 $0xFFFFC000  }
0x147: {  	[tilespmem:s7], [sflag:$0x3] =	stream.linear.gather [hbm4b:s16+s7], $0xE80, $0x38;
	[tilespmem:$0x1E000] =	vst v63  }
0x148: {  	_ =	swait.ge [sflag:s20], $0xE80  }
0x149: {  	[sflag:s20] =	ssyncset.done $0x0  }
0x14a: {  	[sflag:s20] =	ssyncadd.s32 $0xFFFFF180  }
0x14b: {  	[tilespmem:s21], [sflag:$0x3] =	stream.linear.gather [hbm4b:s17+s7], $0xE80, $0x38;
	[tilespmem:$0x1E000] =	vst v63  }
0x14c: {  	_ =	swait.ge [sflag:s20], $0xE80  }
0x14d: {  	[sflag:s20] =	ssyncset.done $0x0  }
0x14e: {  	[sflag:s20] =	ssyncadd.s32 $0xFFFFF180  }
0x14f: {  	[tilespmem:s23], [sflag:$0x1] =	stream.indirect.gather [hbm4b:s9+s22], $0x80, s7, s22, $0xb8;
	[tilespmem:$0x1E000] =	vst v63  }
0x150: {  	s8 =	simm.s32 $0x80  }
0x151: {  	[tilespmem:s24], [sflag:$0x2] =	stream.indirect.gather [hbm4b:s9+s22], $0x80, s8, s22, $0xb8;
	[tilespmem:$0x1E000] =	vst v63  }
0x152: {  	_ =	swait.ge [sflag:s25], $0x4000  }
0x153: {  	[sflag:s25] =	ssyncset.done $0x0  }
0x154: {  	s5 =	simm.s32 $0x1000;
	[sflag:s25] =	ssyncadd.s32 $0xFFFFC000  }
0x155: {  	[spmem:s1] =	stream.indirect.scatter.add.f32 [tilespmem:s23], [sflag:$0x3], $0x80, s5, s22, $0xb8;
	[tilespmem:$0x1E000] =	vst v63  }
0x156: {  	_ =	swait.ge [sflag:s20], $0x4000  }
0x157: {  	[sflag:s20] =	ssyncset.done $0x0  }
0x158: {  	s7 =	simm.s32 $0x100;
	[sflag:s20] =	ssyncadd.s32 $0xFFFFC000  }
0x159: {  	[tilespmem:s23], [sflag:$0x1] =	stream.indirect.gather [hbm4b:s9+s22], $0x80, s7, s22, $0xb8;
	[tilespmem:$0x1E000] =	vst v63  }
0x15a: {  	_ =	swait.ge [sflag:s26], $0x4000  }
0x15b: {  	[sflag:s26] =	ssyncset.done $0x0  }
0x15c: {  	s8 =	simm.s32 $0x1080;
	[sflag:s26] =	ssyncadd.s32 $0xFFFFC000  }
0x15d: {  	[spmem:s1] =	stream.indirect.scatter.add.f32 [tilespmem:s24], [sflag:$0x3], $0x80, s8, s22, $0xb8;
	[tilespmem:$0x1E000] =	vst v63  }
0x15e: {  	_ =	swait.ge [sflag:s20], $0x4000  }
0x15f: {  	s31 =	simm.s32 $0x100;
	s4 =	simm.s32 $0x800;
	[sflag:s20] =	ssyncset.done $0x0  }
.LBB2_10:
0x160: {  	s5 =	sadd.s32 $0x80, s31  }
0x161: {  	[sflag:s20] =	ssyncadd.s32 $0xFFFFC000;
	s7 =	smov.u32 s4;
	s8 =	sadd.s32 $0x400, s4  }
0x162: {  	[tilespmem:s24], [sflag:$0x2] =	stream.indirect.gather [hbm4b:s9+s22], $0x80, s5, s22, $0xb8;
	[tilespmem:$0x1E000] =	vst v63  }
0x163: {  	p0 =	sne.s32 s4, $0x3400;
	_ =	swait.ge [sflag:s25], $0x4000  }
0x164: {  	[sflag:s25] =	ssyncset.done $0x0  }
0x165: {  	s4 =	sadd.s32 $0x1000, s31;
	[sflag:s25] =	ssyncadd.s32 $0xFFFFC000  }
0x166: {  	[spmem:s1] =	stream.indirect.scatter.add.f32 [tilespmem:s23], [sflag:$0x3], $0x80, s4, s22, $0xb8;
	[tilespmem:$0x1E000] =	vst v63  }
0x167: {  	_ =	swait.ge [sflag:s20], $0x4000  }
0x168: {  	[sflag:s20] =	ssyncset.done $0x0  }
0x169: {  	s4 =	sadd.s32 $0x100, s31;
	[sflag:s20] =	ssyncadd.s32 $0xFFFFC000  }
0x16a: {  	[tilespmem:s23], [sflag:$0x1] =	stream.indirect.gather [hbm4b:s9+s22], $0x80, s4, s22, $0xb8;
	[tilespmem:$0x1E000] =	vst v63  }
0x16b: {  	_ =	swait.ge [sflag:s26], $0x4000  }
.Ltmp4:
0x16c: {  	[sflag:s26] =	ssyncset.done $0x0;
	(pc) =	sbr.rel @p0 .LBB2_10-.Ltmp4, $4  }
0x16d: {  	s4 =	sadd.s32 $0x1080, s31;
	[sflag:s26] =	ssyncadd.s32 $0xFFFFC000  }
0x16e: {  	[spmem:s1] =	stream.indirect.scatter.add.f32 [tilespmem:s24], [sflag:$0x3], $0x80, s4, s22, $0xb8;
	[tilespmem:$0x1E000] =	vst v63  }
0x16f: {  	_ =	swait.ge [sflag:s20], $0x4000  }
0x170: {  	s31 =	sshra.s32 s7, $0x2;
	s4 =	smov.u32 s8;
	[sflag:s20] =	ssyncset.done $0x0  }
0x171: {  	s4 =	sadd.s32 $0x80, s31;
	[sflag:s20] =	ssyncadd.s32 $0xFFFFC000  }
0x172: {  	[tilespmem:s24], [sflag:$0x2] =	stream.indirect.gather [hbm4b:s9+s22], $0x80, s4, s22, $0xb8;
	[tilespmem:$0x1E000] =	vst v63  }
0x173: {  	_ =	swait.ge [sflag:s25], $0x4000  }
0x174: {  	[sflag:s25] =	ssyncset.done $0x0  }
0x175: {  	s5 =	sadd.s32 $0x1000, s31;
	[sflag:s25] =	ssyncadd.s32 $0xFFFFC000  }
0x176: {  	[spmem:s1] =	stream.indirect.scatter.add.f32 [tilespmem:s23], [sflag:$0x3], $0x80, s5, s22, $0xb8;
	[tilespmem:$0x1E000] =	vst v63  }
0x177: {  	_ =	swait.ge [sflag:s20], $0x4000  }
0x178: {  	[sflag:s20] =	ssyncset.done $0x0  }
0x179: {  	s7 =	sadd.s32 $0x100, s31;
	[sflag:s20] =	ssyncadd.s32 $0xFFFFC000  }
0x17a: {  	[tilespmem:s23], [sflag:$0x1] =	stream.indirect.gather [hbm4b:s9+s22], $0x80, s7, s22, $0xb8;
	[tilespmem:$0x1E000] =	vst v63  }
0x17b: {  	_ =	swait.ge [sflag:s26], $0x4000  }
0x17c: {  	[sflag:s26] =	ssyncset.done $0x0  }
0x17d: {  	s8 =	sadd.s32 $0x1080, s31;
	[sflag:s26] =	ssyncadd.s32 $0xFFFFC000  }
0x17e: {  	[spmem:s1] =	stream.indirect.scatter.add.f32 [tilespmem:s24], [sflag:$0x3], $0x80, s8, s22, $0xb8;
	[tilespmem:$0x1E000] =	vst v63  }
0x17f: {  	_ =	swait.ge [sflag:s20], $0x4000  }
0x180: {  	[sflag:s20] =	ssyncset.done $0x0  }
0x181: {  	[sflag:s20] =	ssyncadd.s32 $0xFFFFC000  }
0x182: {  	_ =	swait.ge [sflag:s25], $0x4000  }
0x183: {  	[sflag:s25] =	ssyncset.done $0x0  }
0x184: {  	s31 =	simm.s32 $0x1E00;
	[sflag:s25] =	ssyncadd.s32 $0xFFFFC000  }
0x185: {  	[spmem:s1] =	stream.indirect.scatter.add.f32 [tilespmem:s23], [sflag:$0x3], $0x80, s31, s22, $0xb8;
	[tilespmem:$0x1E000] =	vst v63  }
0x186: {  	_ =	swait.ge [sflag:s20], $0x4000  }
0x187: {  	s0 =	sadd.s32 $0x1, s0;
	[sflag:s20] =	ssyncset.done $0x0  }
0x188: {  	p0 =	sne.s32 s0, s19;
	[sflag:s20] =	ssyncadd.s32 $0xFFFFC000  }
.Ltmp5:
0x189: {  	[bflag:$0x0] =	sbarrier.arrive $0xFFFF;
	(pc) =	sbr.rel @p0 .LBB2_1-.Ltmp5, $4  }
0x18a: {  	[hbm:s18], [sflag:s6] =	dma.local [spmem:s2], $0x2800  }
0x18b: {  	_ =	swait.ge [sflag:s20], $0x2800  }
0x18c: {  	[sflag:s20] =	ssyncset.done $0x0  }
0x18d: {  	[sflag:s20] =	ssyncadd.s32 $0xFFFFD800  }
0x18e: {  	_ =	sfence.sel $0x180000  }
0x18f: {  	[bflag:$0x0] =	sbarrier.arrive $0xFFFF  }
0x190: {  	_ =	strace $0x9000004A  }
0x191: {  	s0 =	stileid.u32;
	[bflag:$0x2] =	sbarrier.arrive $0xFFFF  }
0x192: {  	p0 =	sne.s32 s0, $0x0;
	s0 =	rddreg [dreg:$0x2]  }
0x193: {  	s0 =	sadd.s32 @!p0 $0x100000, s0  }
0x194: {  	[sflag:s0] =	ssyncadd.tile.s32 @!p0 $0x1;
	_ =	shalt  }
.Lfunc_end2:
_tile_overlayer_lowered:
.L_overlay_start_2:
0x195: {  	(tag) =	ssettag $0x2  }
0x196: {  	s0 =	rddreg [dreg:$0x0];
	s2 =	stileid.u32  }
0x197: {  	s1 =	rddreg [dreg:$0x1];
	p0 =	sne.s32 s2, $0x0  }
0x198: {  	s3 =	rddreg [dreg:$0x2];
	[bflag:$0x3] =	sbarrier.arrive $0xFFFF;
	s2 =	simm.s32 @!p0 $0x1C03  }
0x199: {  	[timem:s3], [sflag:s2] =	dma.local @!p0 [hbm:s0], s1  }
0x19a: {  	s0 =	simm.s32 @!p0 $0x3  }
0x19b: {  	_ =	swait.ge @!p0 [sflag:s0], s1  }
0x19c: {  	s1 =	ssub.s32 @!p0 $0x0, s1;
	[sflag:s0] =	ssyncset.done @!p0 $0x0  }
0x19d: {  	[sflag:s0] =	ssyncadd.s32 @!p0 s1  }
0x19e: {  	[bflag:$0x3] =	sbarrier.arrive $0xFFFF  }
0x19f: {  	_ =	shalt  }

// kernel: kernel.14.cloned.1.call-start
scs
__scs_entry_jumppad:
0x0: {  	(pc) =	sbr.rel $0x88, $3  }
0x1: {  	(tag) =	ssettag $0x0;
	lr =	simm.s32 $0x1  }
0x2: {  	[smem:$0x3F8E] =	sst lr;
	_ =	strace $0xD0000000  }
0x3: {  	_ = 	snop  }
0x4: {  	_ = 	snop  }
0x5: {  	_ = 	snop  }
0x6: {  	_ = 	snop  }
0x7: {  	_ = 	snop  }
__scs_overlays_trampoline_lowered:
0x8: {  	[smem:$0x3F9D] =	sst s0  }
0x9: {  	[smem:$0x3F9E] =	sst s1  }
0xa: {  	[smem:$0x3F9F] =	sst s2  }
0xb: {  	[smem:$0x3FA0] =	sst s3  }
0xc: {  	[smem:$0x3FA1] =	sst s4  }
0xd: {  	[smem:$0x3FA2] =	sst s5  }
0xe: {  	[smem:$0x3FA3] =	sst s6  }
0xf: {  	[smem:$0x3FA4] =	sst s7  }
0x10: {  	[smem:$0x3FA5] =	sst s8  }
0x11: {  	[smem:$0x3FA6] =	sst s9;
	s0 =	simm.s32 @!p0 $0x0  }
0x12: {  	s1 =	sld [smem:$0x3F8C];
	s0 =	simm.s32 @p0 $0x1  }
0x13: {  	[smem:$0x3FA7] =	sst s0;
	s0 =	simm.s32 @!p1 $0x0  }
0x14: {  	s2 =	sld [smem:$0x3F8B];
	s0 =	simm.s32 @p1 $0x1  }
0x15: {  	[smem:$0x3FA8] =	sst s0;
	s0 =	simm.s32 @!p2 $0x0  }
0x16: {  	s3 =	sld [smem:$0x3FDB];
	s0 =	simm.s32 @p2 $0x1  }
0x17: {  	s4 =	simm.s32 $0x1BF5;
	[smem:$0x3FAA] =	sst s0  }
0x18: {  	s0 =	sld [smem:$0x3F8D];
	_ =	swait.ge [sflag:s4], $0x0  }
0x19: {  	s7 =	sld [smem:$0x3F8E]  }
0x1a: {  	s8 =	sadd.s32 $0xFFFFE003, lr  }
0x1b: {  	s9 =	sadd.s32 $0xFFFFFEF7, lr;
	s5 =	simm.s32 $0xFFFFFFFF;
	p2 =	slt.u32 s8, $0xFFFFF086  }
0x1c: {  	p1 =	slt.u32 s9, $0xF7A;
	s5 =	simm.s32 @!p2 $0x0  }
0x1d: {  	s5 =	simm.s32 @p1 $0x1;
	p0 =	seq.s32 s7, s2  }
0x1e: {  	s7 =	smul.u32 @!p0 $0xF7A, s2;
	p2 =	seq.s32 @!p0 s5, $0x0  }
0x1f: {  	s9 =	smul.u32 $0xF7A, s1;
	s8 =	simm.s32 @!p0 $0x1BF5;
	p2 =	por !p2, p0  }
0x20: {  	[sflag:s8] =	ssyncset.s32 @!p0 $0xFFFFF086;
	s6 =	sadd.s32 @!p0 s3, s7;
	s7 =	simm.s32 @!p0 $0x108  }
0x21: {  	s3 =	sadd.s32 s3, s9;
	s6 =	sadd.s32 @!p0 $0x88, s6;
	s7 =	simm.s32 @p2 $0x1082  }
0x22: {  	[simem:s7], [sflag:s8] =	dma.local @!p0 [hbm:s6], $0xF7A  }
0x23: {  	s9 =	sor.u32 $0xD0000000, s2;
	s6 =	simm.s32 $0x108;
	_ =	swait.ge @!p0 [sflag:s8], $0x0  }
0x24: {  	s3 =	sadd.s32 $0x88, s3;
	s6 =	simm.s32 @!p1 $0x1082;
	[sflag:s4] =	ssyncset.s32 $0xFFFFF086  }
0x25: {  	[simem:s6], [sflag:s4] =	dma.local [hbm:s3], $0xF7A  }
0x26: {  	[smem:$0x3F8E] =	sst s1;
	(tag) =	ssettag s2;
	_ =	strace s9  }
0x27: {  	s1 =	sld [smem:$0x3F9E]  }
0x28: {  	s2 =	sld [smem:$0x3F9F]  }
0x29: {  	s4 =	sld [smem:$0x3FA1]  }
0x2a: {  	p0 =	seq.s32 s5, $0x0;
	s5 =	sld [smem:$0x3FA2]  }
0x2b: {  	s6 =	sld [smem:$0x3FA3]  }
0x2c: {  	s7 =	sld [smem:$0x3FA4]  }
0x2d: {  	s3 =	simm.s32 $0x108;
	s8 =	sld [smem:$0x3FA5]  }
0x2e: {  	s3 =	simm.s32 @!p0 $0x1082;
	s9 =	sld [smem:$0x3FA6]  }
0x2f: {  	lr =	sadd.s32 s0, s3;
	s0 =	sld [smem:$0x3F9D]  }
0x30: {  	s3 =	sld [smem:$0x3FA0]  }
0x31: {  	[smem:$0x3FA9] =	sst s10  }
0x32: {  	s10 =	sld [smem:$0x3FA7];
	_ =	sdelay $0x3  }
0x33: {  	p0 =	seq.s32 s10, $0x1;
	s10 =	sld [smem:$0x3FA9];
	_ =	sdelay $0x3  }
0x34: {  	[smem:$0x3FA9] =	sst s10  }
0x35: {  	s10 =	sld [smem:$0x3FA8];
	_ =	sdelay $0x3  }
0x36: {  	p1 =	seq.s32 s10, $0x1;
	s10 =	sld [smem:$0x3FA9];
	_ =	sdelay $0x3  }
0x37: {  	[smem:$0x3FA9] =	sst s10  }
0x38: {  	s10 =	sld [smem:$0x3FAA]  }
0x39: {  	_ = 	snop;
	(pc) =	sbr.ind lr, $3  }
0x3a: {  	_ = 	snop  }
0x3b: {  	_ = 	snop  }
0x3c: {  	p2 =	seq.s32 s10, $0x1;
	s10 =	sld [smem:$0x3FA9]  }
0x3d: {  	_ =	shalt  }
0x3e: {  	_ =	shalt  }
0x3f: {  	_ =	shalt  }
0x40: {  	_ =	shalt  }
0x41: {  	_ =	shalt  }
0x42: {  	_ =	shalt  }
0x43: {  	_ =	shalt  }
0x44: {  	_ =	shalt  }
0x45: {  	_ =	shalt  }
0x46: {  	_ =	shalt  }
0x47: {  	_ =	shalt  }
0x48: {  	_ =	shalt  }
0x49: {  	_ =	shalt  }
0x4a: {  	_ =	shalt  }
0x4b: {  	_ =	shalt  }
0x4c: {  	_ =	shalt  }
0x4d: {  	_ =	shalt  }
0x4e: {  	_ =	shalt  }
0x4f: {  	_ =	shalt  }
0x50: {  	_ =	shalt  }
0x51: {  	_ =	shalt  }
0x52: {  	_ =	shalt  }
0x53: {  	_ =	shalt  }
0x54: {  	_ =	shalt  }
0x55: {  	_ =	shalt  }
0x56: {  	_ =	shalt  }
0x57: {  	_ =	shalt  }
0x58: {  	_ =	shalt  }
0x59: {  	_ =	shalt  }
0x5a: {  	_ =	shalt  }
0x5b: {  	_ =	shalt  }
0x5c: {  	_ =	shalt  }
0x5d: {  	_ =	shalt  }
0x5e: {  	_ =	shalt  }
0x5f: {  	_ =	shalt  }
0x60: {  	_ =	shalt  }
0x61: {  	_ =	shalt  }
0x62: {  	_ =	shalt  }
0x63: {  	_ =	shalt  }
0x64: {  	_ =	shalt  }
0x65: {  	_ =	shalt  }
0x66: {  	_ =	shalt  }
0x67: {  	_ =	shalt  }
0x68: {  	_ =	shalt  }
0x69: {  	_ =	shalt  }
0x6a: {  	_ =	shalt  }
0x6b: {  	_ =	shalt  }
0x6c: {  	_ =	shalt  }
0x6d: {  	_ =	shalt  }
0x6e: {  	_ =	shalt  }
0x6f: {  	_ =	shalt  }
0x70: {  	_ =	shalt  }
0x71: {  	_ =	shalt  }
0x72: {  	_ =	shalt  }
0x73: {  	_ =	shalt  }
0x74: {  	_ =	shalt  }
0x75: {  	_ =	shalt  }
0x76: {  	_ =	shalt  }
0x77: {  	_ =	shalt  }
0x78: {  	_ =	shalt  }
0x79: {  	_ =	shalt  }
0x7a: {  	_ =	shalt  }
0x7b: {  	_ =	shalt  }
0x7c: {  	_ =	shalt  }
0x7d: {  	_ =	shalt  }
0x7e: {  	_ =	shalt  }
0x7f: {  	_ =	shalt  }
0x80: {  	_ =	shalt  }
0x81: {  	_ =	shalt  }
0x82: {  	_ =	shalt  }
0x83: {  	_ =	shalt  }
0x84: {  	_ =	shalt  }
0x85: {  	_ =	shalt  }
0x86: {  	_ =	shalt  }
0x87: {  	_ =	shalt  }
.Lfunc_end0:
.L_simem_size_0:
called_computation.2_lowered:
.L_overlay_start_0:
0x88: {  	s2 =	sld [smem:$0x3FD9]  }
0x89: {  	s3 =	sld [smem:$0x3FFE];
	_ =	sdelay $0x1  }
0x8a: {  	s1 =	srdreg.scid  }
0x8b: {  	s0 =	sand.u32 $0x1, s1  }
0x8c: {  	s16 =	sshll.u32 s0, $0xA;
	s2 =	sadd.s32 s3, s2  }
0x8d: {  	s2 =	sadd.s32 s2, s16  }
0x8e: {  	[smem:$0x3FB5] =	sst s2  }
0x8f: {  	_ = 	snop  }
0x90: {  	(tm) =	ssettm $0x1  }
0x91: {  	s17 =	sld [smem:$0x3FFB];
	_ =	sdelay $0x3  }
0x92: {  	_ =	strace s17  }
0x93: {  	s2 =	sld [smem:$0x3FFC];
	_ =	sdelay $0x3  }
0x94: {  	_ =	strace s2  }
0x95: {  	s2 =	sld [smem:$0x3FFD];
	_ =	sdelay $0x3  }
0x96: {  	_ =	strace s2  }
0x97: {  	_ =	strace $0x8FFFFFFF  }
0x98: {  	s18 =	sld [smem:$0x3FDB];
	_ =	sdelay $0x1  }
0x99: {  	s19 =	simm.s32 $_scs_section_size  }
0x9a: {  	s4 =	simm.s32 $_size__tile_overlayer_lowered;
	s5 =	simm.s32 $_tile_overlayer_lowered  }
0x9b: {  	s22 =	simm.s32 $0x1BFF;
	s21 =	sshll.u32 s5, $0x1;
	s2 =	sadd.s32 s19, s18  }
0x9c: {  	s6 =	simm.s32 $0x0;
	s20 =	sshll.u32 s4, $0x1;
	s4 =	sadd.s32 s21, s2  }
0x9d: {  	[timem:s6], [sflag:s22] =	dma.local [hbm:s4], s20  }
0x9e: {  	_ =	swait.ge [sflag:s22], s20  }
0x9f: {  	s3 =	ssub.s32 $0x0, s20;
	[sflag:s22] =	ssyncset.done $0x0  }
0xa0: {  	[sflag:s22] =	ssyncadd.s32 s3;
	_ =	sdelay $0x1  }
0xa1: {  	s23 =	simm.s32 $0x1B8B  }
0xa2: {  	_ =	swait.ge [sflag:s23], $0x1  }
0xa3: {  	[sflag:s23] =	ssyncset.done $0x0  }
0xa4: {  	s25 =	simm.s32 $0x1B8E;
	s24 =	sld [smem:$0x3FFE];
	[sflag:s23] =	ssyncadd.s32 $0xFFFFFFFF  }
0xa5: {  	s26 =	simm.s32 $execute0_lowered;
	[smem:$0x3FD2] =	sst s25  }
0xa6: {  	s4 =	sshll.u32 s26, $0x1;
	_ =	strace $0x8000004C;
	[dreg:$0x1] =	wrdreg $0xFFFFFFFF  }
0xa7: {  	s28 =	simm.s32 $_size_execute0_lowered;
	s2 =	sadd.s32 s2, s4;
	[dreg:$0x0] =	wrdreg $0x0  }
0xa8: {  	s4 =	sshll.u32 s28, $0x1;
	[dreg:$0x2] =	wrdreg s2  }
0xa9: {  	[dreg:$0x3] =	wrdreg s4  }
0xaa: {  	[dreg:$0x4] =	wrdreg $0xC0  }
0xab: {  	_ =	task [dreg:s6], $0x5FFFF  }
0xac: {  	[dreg:$0x1] =	wrdreg $0xFFFFFFFF  }
0xad: {  	[dreg:$0x0] =	wrdreg $0x60  }
0xae: {  	[dreg:$0x2] =	wrdreg s24  }
0xaf: {  	[dreg:$0x3] =	wrdreg $0xA0000  }
0xb0: {  	[dreg:$0x4] =	wrdreg $0x9  }
0xb1: {  	_ =	task.clear_ibuf [dreg:s6], $0x5FFFF;
	_ =	strace $0x9000004C  }
0xb2: {  	s29 =	simm.s32 $0x9;
	_ =	strace $0x8000004E  }
0xb3: {  	_ =	swait.ge [sflag:s29], $0x1  }
0xb4: {  	[sflag:s29] =	ssyncadd.s32 $0xFFFFFFFF  }
0xb5: {  	_ =	strace $0x9000004E  }
0xb6: {  	_ =	sfence  }
0xb7: {  	s30 =	sld [smem:$0x0];
	_ =	sdelay $0x2  }
0xb8: {  	s31 =	sshll.u32 s1, $0xD;
	s1 =	sshrl.u32 s1, $0x2  }
0xb9: {  	s3 =	sand.u32 $0x4000, s31;
	s1 =	sadd.s32 s1, s30  }
0xba: {  	s0 =	sor.u32 s3, s0;
	s1 =	sshll.u32 s1, $0x11  }
0xbb: {  	s0 =	sor.u32 s1, s0  }
0xbc: {  	s0 =	sadd.s32 $0x8F2B, s0  }
0xbd: {  	[sflag:s0] =	ssyncadd.remote.s32 $0x1  }
0xbe: {  	_ =	sfence.sel $0xFFFF  }
0xbf: {  	[dreg:$0x0] =	wrdreg $0xFFFFFFFF;
	(pc) =	sbr.abs _section_cstart, $3  }
0xc0: {  	[dreg:$0x1] =	wrdreg $0xFFFFFFFF  }
0xc1: {  	_ =	task.clear_ibuf [dreg:s6], $0x2FFFF;
	_ =	strace $0x9FFFFFFF  }
0xc2: {  	(tm) =	ssettm $0x7FFFFFFF  }
0xc3: {  	_ =	shalt  }
tec
execute0_lowered:
.L_overlay_start_1:
0x0: {  	(tag) =	ssettag $0x1  }
0x1: {  	s0 =	rddreg [dreg:$0x0]  }
0x2: {  	s1 =	rddreg [dreg:$0x1]  }
0x3: {  	s3 =	simm.s32 $0x0;
	s2 =	srdreg.scid;
	s11 =	stileid.u32  }
0x4: {  	s20 =	simm.s32 $0x3;
	s21 =	simm.s32 $0x1000;
	s22 =	simm.s32 $0x80  }
0x5: {  	s28 =	simm.s32 $0xF80;
	s29 =	simm.s32 $0x1F00;
	s30 =	simm.s32 $0x1F80  }
0x6: {  	[smem:$0x7FF] =	sst s3;
	s2 =	sand.u32 $0x1, s2;
	s5 =	smul.u32 $0x14000, s11  }
0x7: {  	s9 =	sadd.s32 $0x7CC00, s0;
	s16 =	sadd.s32 $0x18C00, s0;
	s6 =	smul.u32 $0x50000, s11  }
0x8: {  	s17 =	sadd.s32 $0x3C00, s0;
	s10 =	smul.u32 $0x5000, s11;
	s23 =	sshll.u32 s11, $0x6  }
0x9: {  	s4 =	smul.u32 $0x140000, s2;
	_ =	strace $0x8000004D;
	s7 =	ssub.s32 $0x2, s2  }
0xa: {  	s2 =	smul.u32 $0x50000, s2;
	s8 =	sshrl.u32 s7, $0x1;
	s6 =	sshrl.u32 s6, $0x2  }
0xb: {  	s5 =	sadd.s32 s5, s4;
	s19 =	ssub.s32 s7, s8;
	s6 =	sadd.s32 s6, s1  }
0xc: {  	s2 =	sadd.s32 s10, s2;
	s4 =	sshrl.u32 s4, $0x3;
	s5 =	sshrl.u32 s5, $0x3  }
0xd: {  	[dreg:$0x3] =	wrdreg s6;
	s6 =	sor.u32 $0x1C03, s23;
	s2 =	sshrl.u32 s2, $0x3  }
0xe: {  	s19 =	smax.u32 s19, $0x1;
	s23 =	simm.s32 $0x2000;
	s0 =	sadd.s32 s5, s0  }
0xf: {  	s5 =	sadd.s32 s9, s5;
	s24 =	sadd.s32 s16, s2;
	s25 =	sadd.s32 s17, s2  }
0x10: {  	s9 =	sadd.s32 s9, s4;
	s26 =	sadd.s32 $0x200, s2;
	[dreg:$0x4] =	wrdreg s5  }
0x11: {  	s13 =	sadd.s32 $0x400, s2;
	s31 =	sadd.s32 $0x600, s2;
	[dreg:$0x5] =	wrdreg s24  }
0x12: {  	s2 =	sadd.s32 $0x800, s2;
	[dreg:$0x6] =	wrdreg s25;
	s10 =	sadd.s32 s16, s26  }
0x13: {  	s11 =	sadd.s32 s17, s26;
	s12 =	sadd.s32 s16, s13;
	s13 =	sadd.s32 s17, s13  }
0x14: {  	s14 =	sadd.s32 s16, s31;
	s15 =	sadd.s32 s17, s31;
	s16 =	sadd.s32 s16, s2  }
0x15: {  	s17 =	sadd.s32 s17, s2;
	s18 =	sadd.s32 $0xCCC00, s0;
	s24 =	simm.s32 $0x6000  }
0x16: {  	s25 =	simm.s32 $0x1;
	s26 =	simm.s32 $0x2;
	s0 =	simm.s32 $0x0  }
.LBB2_1:
0x17: {  	s2 =	rddreg [dreg:$0x3]  }
0x18: {  	s4 =	rddreg [dreg:$0x4];
	s2 =	sshrl.u32 s2, $0x3  }
0x19: {  	[spmem:s2], [sflag:s6] =	dma.local [hbm:s4], $0x2800  }
0x1a: {  	_ =	swait.ge [sflag:s20], $0x2800  }
0x1b: {  	[sflag:s20] =	ssyncset.done $0x0  }
0x1c: {  	[sflag:s20] =	ssyncadd.s32 $0xFFFFD800  }
0x1d: {  	[bflag:$0x0] =	sbarrier.arrive $0xFFFF  }
0x1e: {  	s5 =	rddreg [dreg:$0x5]  }
0x1f: {  	[tilespmem:s3], [sflag:$0x3] =	stream.linear.gather [hbm4b:s5+s3], $0x1000, $0x38;
	[tilespmem:$0x1E000] =	vst v63  }
0x20: {  	_ =	swait.ge [sflag:s20], $0x1000  }
0x21: {  	[sflag:s20] =	ssyncset.done $0x0  }
0x22: {  	s7 =	rddreg [dreg:$0x6];
	[sflag:s20] =	ssyncadd.s32 $0xFFFFF000  }
0x23: {  	[tilespmem:s21], [sflag:$0x3] =	stream.linear.gather [hbm4b:s7+s3], $0x1000, $0x38;
	[tilespmem:$0x1E000] =	vst v63  }
0x24: {  	_ =	swait.ge [sflag:s20], $0x1000  }
0x25: {  	[sflag:s20] =	ssyncset.done $0x0  }
0x26: {  	[sflag:s20] =	ssyncadd.s32 $0xFFFFF000  }
0x27: {  	[tilespmem:s23], [sflag:$0x1] =	stream.indirect.gather [hbm4b:s9+s22], $0x80, s3, s22, $0xb8;
	[tilespmem:$0x1E000] =	vst v63  }
0x28: {  	s8 =	simm.s32 $0x80  }
0x29: {  	[tilespmem:s24], [sflag:$0x2] =	stream.indirect.gather [hbm4b:s9+s22], $0x80, s8, s22, $0xb8;
	[tilespmem:$0x1E000] =	vst v63  }
0x2a: {  	_ =	swait.ge [sflag:s25], $0x4000  }
0x2b: {  	[sflag:s25] =	ssyncset.done $0x0  }
0x2c: {  	s5 =	simm.s32 $0x1000;
	[sflag:s25] =	ssyncadd.s32 $0xFFFFC000  }
0x2d: {  	[spmem:s1] =	stream.indirect.scatter.add.f32 [tilespmem:s23], [sflag:$0x3], $0x80, s5, s22, $0xb8;
	[tilespmem:$0x1E000] =	vst v63  }
0x2e: {  	_ =	swait.ge [sflag:s20], $0x4000  }
0x2f: {  	[sflag:s20] =	ssyncset.done $0x0  }
0x30: {  	s7 =	simm.s32 $0x100;
	[sflag:s20] =	ssyncadd.s32 $0xFFFFC000  }
0x31: {  	[tilespmem:s23], [sflag:$0x1] =	stream.indirect.gather [hbm4b:s9+s22], $0x80, s7, s22, $0xb8;
	[tilespmem:$0x1E000] =	vst v63  }
0x32: {  	_ =	swait.ge [sflag:s26], $0x4000  }
0x33: {  	[sflag:s26] =	ssyncset.done $0x0  }
0x34: {  	s8 =	simm.s32 $0x1080;
	[sflag:s26] =	ssyncadd.s32 $0xFFFFC000  }
0x35: {  	[spmem:s1] =	stream.indirect.scatter.add.f32 [tilespmem:s24], [sflag:$0x3], $0x80, s8, s22, $0xb8;
	[tilespmem:$0x1E000] =	vst v63  }
0x36: {  	_ =	swait.ge [sflag:s20], $0x4000  }
0x37: {  	s31 =	simm.s32 $0x100;
	s4 =	simm.s32 $0x800;
	[sflag:s20] =	ssyncset.done $0x0  }
.LBB2_2:
0x38: {  	s5 =	sadd.s32 $0x80, s31  }
0x39: {  	[sflag:s20] =	ssyncadd.s32 $0xFFFFC000;
	s7 =	smov.u32 s4;
	s8 =	sadd.s32 $0x400, s4  }
0x3a: {  	[tilespmem:s24], [sflag:$0x2] =	stream.indirect.gather [hbm4b:s9+s22], $0x80, s5, s22, $0xb8;
	[tilespmem:$0x1E000] =	vst v63  }
0x3b: {  	p0 =	sne.s32 s4, $0x3800;
	_ =	swait.ge [sflag:s25], $0x4000  }
0x3c: {  	[sflag:s25] =	ssyncset.done $0x0  }
0x3d: {  	s4 =	sadd.s32 $0x1000, s31;
	[sflag:s25] =	ssyncadd.s32 $0xFFFFC000  }
0x3e: {  	[spmem:s1] =	stream.indirect.scatter.add.f32 [tilespmem:s23], [sflag:$0x3], $0x80, s4, s22, $0xb8;
	[tilespmem:$0x1E000] =	vst v63  }
0x3f: {  	_ =	swait.ge [sflag:s20], $0x4000  }
0x40: {  	[sflag:s20] =	ssyncset.done $0x0  }
0x41: {  	s4 =	sadd.s32 $0x100, s31;
	[sflag:s20] =	ssyncadd.s32 $0xFFFFC000  }
0x42: {  	[tilespmem:s23], [sflag:$0x1] =	stream.indirect.gather [hbm4b:s9+s22], $0x80, s4, s22, $0xb8;
	[tilespmem:$0x1E000] =	vst v63  }
0x43: {  	_ =	swait.ge [sflag:s26], $0x4000  }
.Ltmp0:
0x44: {  	[sflag:s26] =	ssyncset.done $0x0;
	(pc) =	sbr.rel @p0 .LBB2_2-.Ltmp0, $4  }
0x45: {  	s4 =	sadd.s32 $0x1080, s31;
	[sflag:s26] =	ssyncadd.s32 $0xFFFFC000  }
0x46: {  	[spmem:s1] =	stream.indirect.scatter.add.f32 [tilespmem:s24], [sflag:$0x3], $0x80, s4, s22, $0xb8;
	[tilespmem:$0x1E000] =	vst v63  }
0x47: {  	_ =	swait.ge [sflag:s20], $0x4000  }
0x48: {  	s31 =	sshra.s32 s7, $0x2;
	s4 =	smov.u32 s8;
	[sflag:s20] =	ssyncset.done $0x0  }
0x49: {  	s4 =	sadd.s32 $0x80, s31;
	[sflag:s20] =	ssyncadd.s32 $0xFFFFC000  }
0x4a: {  	[tilespmem:s24], [sflag:$0x2] =	stream.indirect.gather [hbm4b:s9+s22], $0x80, s4, s22, $0xb8;
	[tilespmem:$0x1E000] =	vst v63  }
0x4b: {  	_ =	swait.ge [sflag:s25], $0x4000  }
0x4c: {  	[sflag:s25] =	ssyncset.done $0x0  }
0x4d: {  	s7 =	sadd.s32 $0x1000, s31;
	[sflag:s25] =	ssyncadd.s32 $0xFFFFC000  }
0x4e: {  	[spmem:s1] =	stream.indirect.scatter.add.f32 [tilespmem:s23], [sflag:$0x3], $0x80, s7, s22, $0xb8;
	[tilespmem:$0x1E000] =	vst v63  }
0x4f: {  	_ =	swait.ge [sflag:s20], $0x4000  }
0x50: {  	[sflag:s20] =	ssyncset.done $0x0  }
0x51: {  	s8 =	sadd.s32 $0x100, s31;
	[sflag:s20] =	ssyncadd.s32 $0xFFFFC000  }
0x52: {  	[tilespmem:s23], [sflag:$0x1] =	stream.indirect.gather [hbm4b:s9+s22], $0x80, s8, s22, $0xb8;
	[tilespmem:$0x1E000] =	vst v63  }
0x53: {  	_ =	swait.ge [sflag:s26], $0x4000  }
0x54: {  	[sflag:s26] =	ssyncset.done $0x0  }
0x55: {  	s5 =	sadd.s32 $0x1080, s31;
	[sflag:s26] =	ssyncadd.s32 $0xFFFFC000  }
0x56: {  	[spmem:s1] =	stream.indirect.scatter.add.f32 [tilespmem:s24], [sflag:$0x3], $0x80, s5, s22, $0xb8;
	[tilespmem:$0x1E000] =	vst v63  }
0x57: {  	_ =	swait.ge [sflag:s20], $0x4000  }
0x58: {  	[sflag:s20] =	ssyncset.done $0x0  }
0x59: {  	[sflag:s20] =	ssyncadd.s32 $0xFFFFC000  }
0x5a: {  	[tilespmem:s24], [sflag:$0x2] =	stream.indirect.gather [hbm4b:s9+s22], $0x80, s28, s22, $0xb8;
	[tilespmem:$0x1E000] =	vst v63  }
0x5b: {  	_ =	swait.ge [sflag:s25], $0x4000  }
0x5c: {  	[sflag:s25] =	ssyncset.done $0x0  }
0x5d: {  	[sflag:s25] =	ssyncadd.s32 $0xFFFFC000  }
0x5e: {  	[spmem:s1] =	stream.indirect.scatter.add.f32 [tilespmem:s23], [sflag:$0x3], $0x80, s29, s22, $0xb8;
	[tilespmem:$0x1E000] =	vst v63  }
0x5f: {  	_ =	swait.ge [sflag:s20], $0x4000  }
0x60: {  	[sflag:s20] =	ssyncset.done $0x0  }
0x61: {  	[sflag:s20] =	ssyncadd.s32 $0xFFFFC000  }
0x62: {  	_ =	swait.ge [sflag:s26], $0x4000  }
0x63: {  	[sflag:s26] =	ssyncset.done $0x0  }
0x64: {  	[sflag:s26] =	ssyncadd.s32 $0xFFFFC000  }
0x65: {  	[spmem:s1] =	stream.indirect.scatter.add.f32 [tilespmem:s24], [sflag:$0x3], $0x80, s30, s22, $0xb8;
	[tilespmem:$0x1E000] =	vst v63  }
0x66: {  	_ =	swait.ge [sflag:s20], $0x4000  }
0x67: {  	[sflag:s20] =	ssyncset.done $0x0  }
0x68: {  	s7 =	simm.s32 $0x0;
	[sflag:s20] =	ssyncadd.s32 $0xFFFFC000  }
0x69: {  	[tilespmem:s7], [sflag:$0x3] =	stream.linear.gather [hbm4b:s10+s7], $0x1000, $0x38;
	[tilespmem:$0x1E000] =	vst v63  }
0x6a: {  	_ =	swait.ge [sflag:s20], $0x1000  }
0x6b: {  	[sflag:s20] =	ssyncset.done $0x0  }
0x6c: {  	[sflag:s20] =	ssyncadd.s32 $0xFFFFF000  }
0x6d: {  	[tilespmem:s21], [sflag:$0x3] =	stream.linear.gather [hbm4b:s11+s7], $0x1000, $0x38;
	[tilespmem:$0x1E000] =	vst v63  }
0x6e: {  	_ =	swait.ge [sflag:s20], $0x1000  }
0x6f: {  	[sflag:s20] =	ssyncset.done $0x0  }
0x70: {  	[sflag:s20] =	ssyncadd.s32 $0xFFFFF000  }
0x71: {  	[tilespmem:s23], [sflag:$0x1] =	stream.indirect.gather [hbm4b:s9+s22], $0x80, s7, s22, $0xb8;
	[tilespmem:$0x1E000] =	vst v63  }
0x72: {  	s8 =	simm.s32 $0x80  }
0x73: {  	[tilespmem:s24], [sflag:$0x2] =	stream.indirect.gather [hbm4b:s9+s22], $0x80, s8, s22, $0xb8;
	[tilespmem:$0x1E000] =	vst v63  }
0x74: {  	_ =	swait.ge [sflag:s25], $0x4000  }
0x75: {  	[sflag:s25] =	ssyncset.done $0x0  }
0x76: {  	s5 =	simm.s32 $0x1000;
	[sflag:s25] =	ssyncadd.s32 $0xFFFFC000  }
0x77: {  	[spmem:s1] =	stream.indirect.scatter.add.f32 [tilespmem:s23], [sflag:$0x3], $0x80, s5, s22, $0xb8;
	[tilespmem:$0x1E000] =	vst v63  }
0x78: {  	_ =	swait.ge [sflag:s20], $0x4000  }
0x79: {  	[sflag:s20] =	ssyncset.done $0x0  }
0x7a: {  	s7 =	simm.s32 $0x100;
	[sflag:s20] =	ssyncadd.s32 $0xFFFFC000  }
0x7b: {  	[tilespmem:s23], [sflag:$0x1] =	stream.indirect.gather [hbm4b:s9+s22], $0x80, s7, s22, $0xb8;
	[tilespmem:$0x1E000] =	vst v63  }
0x7c: {  	_ =	swait.ge [sflag:s26], $0x4000  }
0x7d: {  	[sflag:s26] =	ssyncset.done $0x0  }
0x7e: {  	s8 =	simm.s32 $0x1080;
	[sflag:s26] =	ssyncadd.s32 $0xFFFFC000  }
0x7f: {  	[spmem:s1] =	stream.indirect.scatter.add.f32 [tilespmem:s24], [sflag:$0x3], $0x80, s8, s22, $0xb8;
	[tilespmem:$0x1E000] =	vst v63  }
0x80: {  	_ =	swait.ge [sflag:s20], $0x4000  }
0x81: {  	s31 =	simm.s32 $0x100;
	s4 =	simm.s32 $0x800;
	[sflag:s20] =	ssyncset.done $0x0  }
.LBB2_4:
0x82: {  	s5 =	sadd.s32 $0x80, s31  }
0x83: {  	[sflag:s20] =	ssyncadd.s32 $0xFFFFC000;
	s7 =	smov.u32 s4;
	s8 =	sadd.s32 $0x400, s4  }
0x84: {  	[tilespmem:s24], [sflag:$0x2] =	stream.indirect.gather [hbm4b:s9+s22], $0x80, s5, s22, $0xb8;
	[tilespmem:$0x1E000] =	vst v63  }
0x85: {  	p0 =	sne.s32 s4, $0x3800;
	_ =	swait.ge [sflag:s25], $0x4000  }
0x86: {  	[sflag:s25] =	ssyncset.done $0x0  }
0x87: {  	s4 =	sadd.s32 $0x1000, s31;
	[sflag:s25] =	ssyncadd.s32 $0xFFFFC000  }
0x88: {  	[spmem:s1] =	stream.indirect.scatter.add.f32 [tilespmem:s23], [sflag:$0x3], $0x80, s4, s22, $0xb8;
	[tilespmem:$0x1E000] =	vst v63  }
0x89: {  	_ =	swait.ge [sflag:s20], $0x4000  }
0x8a: {  	[sflag:s20] =	ssyncset.done $0x0  }
0x8b: {  	s4 =	sadd.s32 $0x100, s31;
	[sflag:s20] =	ssyncadd.s32 $0xFFFFC000  }
0x8c: {  	[tilespmem:s23], [sflag:$0x1] =	stream.indirect.gather [hbm4b:s9+s22], $0x80, s4, s22, $0xb8;
	[tilespmem:$0x1E000] =	vst v63  }
0x8d: {  	_ =	swait.ge [sflag:s26], $0x4000  }
.Ltmp1:
0x8e: {  	[sflag:s26] =	ssyncset.done $0x0;
	(pc) =	sbr.rel @p0 .LBB2_4-.Ltmp1, $4  }
0x8f: {  	s4 =	sadd.s32 $0x1080, s31;
	[sflag:s26] =	ssyncadd.s32 $0xFFFFC000  }
0x90: {  	[spmem:s1] =	stream.indirect.scatter.add.f32 [tilespmem:s24], [sflag:$0x3], $0x80, s4, s22, $0xb8;
	[tilespmem:$0x1E000] =	vst v63  }
0x91: {  	_ =	swait.ge [sflag:s20], $0x4000  }
0x92: {  	s31 =	sshra.s32 s7, $0x2;
	s4 =	smov.u32 s8;
	[sflag:s20] =	ssyncset.done $0x0  }
0x93: {  	s4 =	sadd.s32 $0x80, s31;
	[sflag:s20] =	ssyncadd.s32 $0xFFFFC000  }
0x94: {  	[tilespmem:s24], [sflag:$0x2] =	stream.indirect.gather [hbm4b:s9+s22], $0x80, s4, s22, $0xb8;
	[tilespmem:$0x1E000] =	vst v63  }
0x95: {  	_ =	swait.ge [sflag:s25], $0x4000  }
0x96: {  	[sflag:s25] =	ssyncset.done $0x0  }
0x97: {  	s7 =	sadd.s32 $0x1000, s31;
	[sflag:s25] =	ssyncadd.s32 $0xFFFFC000  }
0x98: {  	[spmem:s1] =	stream.indirect.scatter.add.f32 [tilespmem:s23], [sflag:$0x3], $0x80, s7, s22, $0xb8;
	[tilespmem:$0x1E000] =	vst v63  }
0x99: {  	_ =	swait.ge [sflag:s20], $0x4000  }
0x9a: {  	[sflag:s20] =	ssyncset.done $0x0  }
0x9b: {  	s8 =	sadd.s32 $0x100, s31;
	[sflag:s20] =	ssyncadd.s32 $0xFFFFC000  }
0x9c: {  	[tilespmem:s23], [sflag:$0x1] =	stream.indirect.gather [hbm4b:s9+s22], $0x80, s8, s22, $0xb8;
	[tilespmem:$0x1E000] =	vst v63  }
0x9d: {  	_ =	swait.ge [sflag:s26], $0x4000  }
0x9e: {  	[sflag:s26] =	ssyncset.done $0x0  }
0x9f: {  	s5 =	sadd.s32 $0x1080, s31;
	[sflag:s26] =	ssyncadd.s32 $0xFFFFC000  }
0xa0: {  	[spmem:s1] =	stream.indirect.scatter.add.f32 [tilespmem:s24], [sflag:$0x3], $0x80, s5, s22, $0xb8;
	[tilespmem:$0x1E000] =	vst v63  }
0xa1: {  	_ =	swait.ge [sflag:s20], $0x4000  }
0xa2: {  	[sflag:s20] =	ssyncset.done $0x0  }
0xa3: {  	[sflag:s20] =	ssyncadd.s32 $0xFFFFC000  }
0xa4: {  	[tilespmem:s24], [sflag:$0x2] =	stream.indirect.gather [hbm4b:s9+s22], $0x80, s28, s22, $0xb8;
	[tilespmem:$0x1E000] =	vst v63  }
0xa5: {  	_ =	swait.ge [sflag:s25], $0x4000  }
0xa6: {  	[sflag:s25] =	ssyncset.done $0x0  }
0xa7: {  	[sflag:s25] =	ssyncadd.s32 $0xFFFFC000  }
0xa8: {  	[spmem:s1] =	stream.indirect.scatter.add.f32 [tilespmem:s23], [sflag:$0x3], $0x80, s29, s22, $0xb8;
	[tilespmem:$0x1E000] =	vst v63  }
0xa9: {  	_ =	swait.ge [sflag:s20], $0x4000  }
0xaa: {  	[sflag:s20] =	ssyncset.done $0x0  }
0xab: {  	[sflag:s20] =	ssyncadd.s32 $0xFFFFC000  }
0xac: {  	_ =	swait.ge [sflag:s26], $0x4000  }
0xad: {  	[sflag:s26] =	ssyncset.done $0x0  }
0xae: {  	[sflag:s26] =	ssyncadd.s32 $0xFFFFC000  }
0xaf: {  	[spmem:s1] =	stream.indirect.scatter.add.f32 [tilespmem:s24], [sflag:$0x3], $0x80, s30, s22, $0xb8;
	[tilespmem:$0x1E000] =	vst v63  }
0xb0: {  	_ =	swait.ge [sflag:s20], $0x4000  }
0xb1: {  	[sflag:s20] =	ssyncset.done $0x0  }
0xb2: {  	s7 =	simm.s32 $0x0;
	[sflag:s20] =	ssyncadd.s32 $0xFFFFC000  }
0xb3: {  	[tilespmem:s7], [sflag:$0x3] =	stream.linear.gather [hbm4b:s12+s7], $0x1000, $0x38;
	[tilespmem:$0x1E000] =	vst v63  }
0xb4: {  	_ =	swait.ge [sflag:s20], $0x1000  }
0xb5: {  	[sflag:s20] =	ssyncset.done $0x0  }
0xb6: {  	[sflag:s20] =	ssyncadd.s32 $0xFFFFF000  }
0xb7: {  	[tilespmem:s21], [sflag:$0x3] =	stream.linear.gather [hbm4b:s13+s7], $0x1000, $0x38;
	[tilespmem:$0x1E000] =	vst v63  }
0xb8: {  	_ =	swait.ge [sflag:s20], $0x1000  }
0xb9: {  	[sflag:s20] =	ssyncset.done $0x0  }
0xba: {  	[sflag:s20] =	ssyncadd.s32 $0xFFFFF000  }
0xbb: {  	[tilespmem:s23], [sflag:$0x1] =	stream.indirect.gather [hbm4b:s9+s22], $0x80, s7, s22, $0xb8;
	[tilespmem:$0x1E000] =	vst v63  }
0xbc: {  	s8 =	simm.s32 $0x80  }
0xbd: {  	[tilespmem:s24], [sflag:$0x2] =	stream.indirect.gather [hbm4b:s9+s22], $0x80, s8, s22, $0xb8;
	[tilespmem:$0x1E000] =	vst v63  }
0xbe: {  	_ =	swait.ge [sflag:s25], $0x4000  }
0xbf: {  	[sflag:s25] =	ssyncset.done $0x0  }
0xc0: {  	s5 =	simm.s32 $0x1000;
	[sflag:s25] =	ssyncadd.s32 $0xFFFFC000  }
0xc1: {  	[spmem:s1] =	stream.indirect.scatter.add.f32 [tilespmem:s23], [sflag:$0x3], $0x80, s5, s22, $0xb8;
	[tilespmem:$0x1E000] =	vst v63  }
0xc2: {  	_ =	swait.ge [sflag:s20], $0x4000  }
0xc3: {  	[sflag:s20] =	ssyncset.done $0x0  }
0xc4: {  	s7 =	simm.s32 $0x100;
	[sflag:s20] =	ssyncadd.s32 $0xFFFFC000  }
0xc5: {  	[tilespmem:s23], [sflag:$0x1] =	stream.indirect.gather [hbm4b:s9+s22], $0x80, s7, s22, $0xb8;
	[tilespmem:$0x1E000] =	vst v63  }
0xc6: {  	_ =	swait.ge [sflag:s26], $0x4000  }
0xc7: {  	[sflag:s26] =	ssyncset.done $0x0  }
0xc8: {  	s8 =	simm.s32 $0x1080;
	[sflag:s26] =	ssyncadd.s32 $0xFFFFC000  }
0xc9: {  	[spmem:s1] =	stream.indirect.scatter.add.f32 [tilespmem:s24], [sflag:$0x3], $0x80, s8, s22, $0xb8;
	[tilespmem:$0x1E000] =	vst v63  }
0xca: {  	_ =	swait.ge [sflag:s20], $0x4000  }
0xcb: {  	s31 =	simm.s32 $0x100;
	s4 =	simm.s32 $0x800;
	[sflag:s20] =	ssyncset.done $0x0  }
.LBB2_6:
0xcc: {  	s5 =	sadd.s32 $0x80, s31  }
0xcd: {  	[sflag:s20] =	ssyncadd.s32 $0xFFFFC000;
	s7 =	smov.u32 s4;
	s8 =	sadd.s32 $0x400, s4  }
0xce: {  	[tilespmem:s24], [sflag:$0x2] =	stream.indirect.gather [hbm4b:s9+s22], $0x80, s5, s22, $0xb8;
	[tilespmem:$0x1E000] =	vst v63  }
0xcf: {  	p0 =	sne.s32 s4, $0x3800;
	_ =	swait.ge [sflag:s25], $0x4000  }
0xd0: {  	[sflag:s25] =	ssyncset.done $0x0  }
0xd1: {  	s4 =	sadd.s32 $0x1000, s31;
	[sflag:s25] =	ssyncadd.s32 $0xFFFFC000  }
0xd2: {  	[spmem:s1] =	stream.indirect.scatter.add.f32 [tilespmem:s23], [sflag:$0x3], $0x80, s4, s22, $0xb8;
	[tilespmem:$0x1E000] =	vst v63  }
0xd3: {  	_ =	swait.ge [sflag:s20], $0x4000  }
0xd4: {  	[sflag:s20] =	ssyncset.done $0x0  }
0xd5: {  	s4 =	sadd.s32 $0x100, s31;
	[sflag:s20] =	ssyncadd.s32 $0xFFFFC000  }
0xd6: {  	[tilespmem:s23], [sflag:$0x1] =	stream.indirect.gather [hbm4b:s9+s22], $0x80, s4, s22, $0xb8;
	[tilespmem:$0x1E000] =	vst v63  }
0xd7: {  	_ =	swait.ge [sflag:s26], $0x4000  }
.Ltmp2:
0xd8: {  	[sflag:s26] =	ssyncset.done $0x0;
	(pc) =	sbr.rel @p0 .LBB2_6-.Ltmp2, $4  }
0xd9: {  	s4 =	sadd.s32 $0x1080, s31;
	[sflag:s26] =	ssyncadd.s32 $0xFFFFC000  }
0xda: {  	[spmem:s1] =	stream.indirect.scatter.add.f32 [tilespmem:s24], [sflag:$0x3], $0x80, s4, s22, $0xb8;
	[tilespmem:$0x1E000] =	vst v63  }
0xdb: {  	_ =	swait.ge [sflag:s20], $0x4000  }
0xdc: {  	s31 =	sshra.s32 s7, $0x2;
	s4 =	smov.u32 s8;
	[sflag:s20] =	ssyncset.done $0x0  }
0xdd: {  	s4 =	sadd.s32 $0x80, s31;
	[sflag:s20] =	ssyncadd.s32 $0xFFFFC000  }
0xde: {  	[tilespmem:s24], [sflag:$0x2] =	stream.indirect.gather [hbm4b:s9+s22], $0x80, s4, s22, $0xb8;
	[tilespmem:$0x1E000] =	vst v63  }
0xdf: {  	_ =	swait.ge [sflag:s25], $0x4000  }
0xe0: {  	[sflag:s25] =	ssyncset.done $0x0  }
0xe1: {  	s7 =	sadd.s32 $0x1000, s31;
	[sflag:s25] =	ssyncadd.s32 $0xFFFFC000  }
0xe2: {  	[spmem:s1] =	stream.indirect.scatter.add.f32 [tilespmem:s23], [sflag:$0x3], $0x80, s7, s22, $0xb8;
	[tilespmem:$0x1E000] =	vst v63  }
0xe3: {  	_ =	swait.ge [sflag:s20], $0x4000  }
0xe4: {  	[sflag:s20] =	ssyncset.done $0x0  }
0xe5: {  	s8 =	sadd.s32 $0x100, s31;
	[sflag:s20] =	ssyncadd.s32 $0xFFFFC000  }
0xe6: {  	[tilespmem:s23], [sflag:$0x1] =	stream.indirect.gather [hbm4b:s9+s22], $0x80, s8, s22, $0xb8;
	[tilespmem:$0x1E000] =	vst v63  }
0xe7: {  	_ =	swait.ge [sflag:s26], $0x4000  }
0xe8: {  	[sflag:s26] =	ssyncset.done $0x0  }
0xe9: {  	s5 =	sadd.s32 $0x1080, s31;
	[sflag:s26] =	ssyncadd.s32 $0xFFFFC000  }
0xea: {  	[spmem:s1] =	stream.indirect.scatter.add.f32 [tilespmem:s24], [sflag:$0x3], $0x80, s5, s22, $0xb8;
	[tilespmem:$0x1E000] =	vst v63  }
0xeb: {  	_ =	swait.ge [sflag:s20], $0x4000  }
0xec: {  	[sflag:s20] =	ssyncset.done $0x0  }
0xed: {  	[sflag:s20] =	ssyncadd.s32 $0xFFFFC000  }
0xee: {  	[tilespmem:s24], [sflag:$0x2] =	stream.indirect.gather [hbm4b:s9+s22], $0x80, s28, s22, $0xb8;
	[tilespmem:$0x1E000] =	vst v63  }
0xef: {  	_ =	swait.ge [sflag:s25], $0x4000  }
0xf0: {  	[sflag:s25] =	ssyncset.done $0x0  }
0xf1: {  	[sflag:s25] =	ssyncadd.s32 $0xFFFFC000  }
0xf2: {  	[spmem:s1] =	stream.indirect.scatter.add.f32 [tilespmem:s23], [sflag:$0x3], $0x80, s29, s22, $0xb8;
	[tilespmem:$0x1E000] =	vst v63  }
0xf3: {  	_ =	swait.ge [sflag:s20], $0x4000  }
0xf4: {  	[sflag:s20] =	ssyncset.done $0x0  }
0xf5: {  	[sflag:s20] =	ssyncadd.s32 $0xFFFFC000  }
0xf6: {  	_ =	swait.ge [sflag:s26], $0x4000  }
0xf7: {  	[sflag:s26] =	ssyncset.done $0x0  }
0xf8: {  	[sflag:s26] =	ssyncadd.s32 $0xFFFFC000  }
0xf9: {  	[spmem:s1] =	stream.indirect.scatter.add.f32 [tilespmem:s24], [sflag:$0x3], $0x80, s30, s22, $0xb8;
	[tilespmem:$0x1E000] =	vst v63  }
0xfa: {  	_ =	swait.ge [sflag:s20], $0x4000  }
0xfb: {  	[sflag:s20] =	ssyncset.done $0x0  }
0xfc: {  	s7 =	simm.s32 $0x0;
	[sflag:s20] =	ssyncadd.s32 $0xFFFFC000  }
0xfd: {  	[tilespmem:s7], [sflag:$0x3] =	stream.linear.gather [hbm4b:s14+s7], $0x1000, $0x38;
	[tilespmem:$0x1E000] =	vst v63  }
0xfe: {  	_ =	swait.ge [sflag:s20], $0x1000  }
0xff: {  	[sflag:s20] =	ssyncset.done $0x0  }
0x100: {  	[sflag:s20] =	ssyncadd.s32 $0xFFFFF000  }
0x101: {  	[tilespmem:s21], [sflag:$0x3] =	stream.linear.gather [hbm4b:s15+s7], $0x1000, $0x38;
	[tilespmem:$0x1E000] =	vst v63  }
0x102: {  	_ =	swait.ge [sflag:s20], $0x1000  }
0x103: {  	[sflag:s20] =	ssyncset.done $0x0  }
0x104: {  	[sflag:s20] =	ssyncadd.s32 $0xFFFFF000  }
0x105: {  	[tilespmem:s23], [sflag:$0x1] =	stream.indirect.gather [hbm4b:s9+s22], $0x80, s7, s22, $0xb8;
	[tilespmem:$0x1E000] =	vst v63  }
0x106: {  	s8 =	simm.s32 $0x80  }
0x107: {  	[tilespmem:s24], [sflag:$0x2] =	stream.indirect.gather [hbm4b:s9+s22], $0x80, s8, s22, $0xb8;
	[tilespmem:$0x1E000] =	vst v63  }
0x108: {  	_ =	swait.ge [sflag:s25], $0x4000  }
0x109: {  	[sflag:s25] =	ssyncset.done $0x0  }
0x10a: {  	s5 =	simm.s32 $0x1000;
	[sflag:s25] =	ssyncadd.s32 $0xFFFFC000  }
0x10b: {  	[spmem:s1] =	stream.indirect.scatter.add.f32 [tilespmem:s23], [sflag:$0x3], $0x80, s5, s22, $0xb8;
	[tilespmem:$0x1E000] =	vst v63  }
0x10c: {  	_ =	swait.ge [sflag:s20], $0x4000  }
0x10d: {  	[sflag:s20] =	ssyncset.done $0x0  }
0x10e: {  	s7 =	simm.s32 $0x100;
	[sflag:s20] =	ssyncadd.s32 $0xFFFFC000  }
0x10f: {  	[tilespmem:s23], [sflag:$0x1] =	stream.indirect.gather [hbm4b:s9+s22], $0x80, s7, s22, $0xb8;
	[tilespmem:$0x1E000] =	vst v63  }
0x110: {  	_ =	swait.ge [sflag:s26], $0x4000  }
0x111: {  	[sflag:s26] =	ssyncset.done $0x0  }
0x112: {  	s8 =	simm.s32 $0x1080;
	[sflag:s26] =	ssyncadd.s32 $0xFFFFC000  }
0x113: {  	[spmem:s1] =	stream.indirect.scatter.add.f32 [tilespmem:s24], [sflag:$0x3], $0x80, s8, s22, $0xb8;
	[tilespmem:$0x1E000] =	vst v63  }
0x114: {  	_ =	swait.ge [sflag:s20], $0x4000  }
0x115: {  	s31 =	simm.s32 $0x100;
	s4 =	simm.s32 $0x800;
	[sflag:s20] =	ssyncset.done $0x0  }
.LBB2_8:
0x116: {  	s5 =	sadd.s32 $0x80, s31  }
0x117: {  	[sflag:s20] =	ssyncadd.s32 $0xFFFFC000;
	s7 =	smov.u32 s4;
	s8 =	sadd.s32 $0x400, s4  }
0x118: {  	[tilespmem:s24], [sflag:$0x2] =	stream.indirect.gather [hbm4b:s9+s22], $0x80, s5, s22, $0xb8;
	[tilespmem:$0x1E000] =	vst v63  }
0x119: {  	p0 =	sne.s32 s4, $0x3800;
	_ =	swait.ge [sflag:s25], $0x4000  }
0x11a: {  	[sflag:s25] =	ssyncset.done $0x0  }
0x11b: {  	s4 =	sadd.s32 $0x1000, s31;
	[sflag:s25] =	ssyncadd.s32 $0xFFFFC000  }
0x11c: {  	[spmem:s1] =	stream.indirect.scatter.add.f32 [tilespmem:s23], [sflag:$0x3], $0x80, s4, s22, $0xb8;
	[tilespmem:$0x1E000] =	vst v63  }
0x11d: {  	_ =	swait.ge [sflag:s20], $0x4000  }
0x11e: {  	[sflag:s20] =	ssyncset.done $0x0  }
0x11f: {  	s4 =	sadd.s32 $0x100, s31;
	[sflag:s20] =	ssyncadd.s32 $0xFFFFC000  }
0x120: {  	[tilespmem:s23], [sflag:$0x1] =	stream.indirect.gather [hbm4b:s9+s22], $0x80, s4, s22, $0xb8;
	[tilespmem:$0x1E000] =	vst v63  }
0x121: {  	_ =	swait.ge [sflag:s26], $0x4000  }
.Ltmp3:
0x122: {  	[sflag:s26] =	ssyncset.done $0x0;
	(pc) =	sbr.rel @p0 .LBB2_8-.Ltmp3, $4  }
0x123: {  	s4 =	sadd.s32 $0x1080, s31;
	[sflag:s26] =	ssyncadd.s32 $0xFFFFC000  }
0x124: {  	[spmem:s1] =	stream.indirect.scatter.add.f32 [tilespmem:s24], [sflag:$0x3], $0x80, s4, s22, $0xb8;
	[tilespmem:$0x1E000] =	vst v63  }
0x125: {  	_ =	swait.ge [sflag:s20], $0x4000  }
0x126: {  	s31 =	sshra.s32 s7, $0x2;
	s4 =	smov.u32 s8;
	[sflag:s20] =	ssyncset.done $0x0  }
0x127: {  	s4 =	sadd.s32 $0x80, s31;
	[sflag:s20] =	ssyncadd.s32 $0xFFFFC000  }
0x128: {  	[tilespmem:s24], [sflag:$0x2] =	stream.indirect.gather [hbm4b:s9+s22], $0x80, s4, s22, $0xb8;
	[tilespmem:$0x1E000] =	vst v63  }
0x129: {  	_ =	swait.ge [sflag:s25], $0x4000  }
0x12a: {  	[sflag:s25] =	ssyncset.done $0x0  }
0x12b: {  	s7 =	sadd.s32 $0x1000, s31;
	[sflag:s25] =	ssyncadd.s32 $0xFFFFC000  }
0x12c: {  	[spmem:s1] =	stream.indirect.scatter.add.f32 [tilespmem:s23], [sflag:$0x3], $0x80, s7, s22, $0xb8;
	[tilespmem:$0x1E000] =	vst v63  }
0x12d: {  	_ =	swait.ge [sflag:s20], $0x4000  }
0x12e: {  	[sflag:s20] =	ssyncset.done $0x0  }
0x12f: {  	s8 =	sadd.s32 $0x100, s31;
	[sflag:s20] =	ssyncadd.s32 $0xFFFFC000  }
0x130: {  	[tilespmem:s23], [sflag:$0x1] =	stream.indirect.gather [hbm4b:s9+s22], $0x80, s8, s22, $0xb8;
	[tilespmem:$0x1E000] =	vst v63  }
0x131: {  	_ =	swait.ge [sflag:s26], $0x4000  }
0x132: {  	[sflag:s26] =	ssyncset.done $0x0  }
0x133: {  	s5 =	sadd.s32 $0x1080, s31;
	[sflag:s26] =	ssyncadd.s32 $0xFFFFC000  }
0x134: {  	[spmem:s1] =	stream.indirect.scatter.add.f32 [tilespmem:s24], [sflag:$0x3], $0x80, s5, s22, $0xb8;
	[tilespmem:$0x1E000] =	vst v63  }
0x135: {  	_ =	swait.ge [sflag:s20], $0x4000  }
0x136: {  	[sflag:s20] =	ssyncset.done $0x0  }
0x137: {  	[sflag:s20] =	ssyncadd.s32 $0xFFFFC000  }
0x138: {  	[tilespmem:s24], [sflag:$0x2] =	stream.indirect.gather [hbm4b:s9+s22], $0x80, s28, s22, $0xb8;
	[tilespmem:$0x1E000] =	vst v63  }
0x139: {  	_ =	swait.ge [sflag:s25], $0x4000  }
0x13a: {  	[sflag:s25] =	ssyncset.done $0x0  }
0x13b: {  	[sflag:s25] =	ssyncadd.s32 $0xFFFFC000  }
0x13c: {  	[spmem:s1] =	stream.indirect.scatter.add.f32 [tilespmem:s23], [sflag:$0x3], $0x80, s29, s22, $0xb8;
	[tilespmem:$0x1E000] =	vst v63  }
0x13d: {  	_ =	swait.ge [sflag:s20], $0x4000  }
0x13e: {  	[sflag:s20] =	ssyncset.done $0x0  }
0x13f: {  	[sflag:s20] =	ssyncadd.s32 $0xFFFFC000  }
0x140: {  	_ =	swait.ge [sflag:s26], $0x4000  }
0x141: {  	[sflag:s26] =	ssyncset.done $0x0  }
0x142: {  	[sflag:s26] =	ssyncadd.s32 $0xFFFFC000  }
0x143: {  	[spmem:s1] =	stream.indirect.scatter.add.f32 [tilespmem:s24], [sflag:$0x3], $0x80, s30, s22, $0xb8;
	[tilespmem:$0x1E000] =	vst v63  }
0x144: {  	_ =	swait.ge [sflag:s20], $0x4000  }
0x145: {  	[sflag:s20] =	ssyncset.done $0x0  }
0x146: {  	s7 =	simm.s32 $0x0;
	[sflag:s20] =	ssyncadd.s32 $0xFFFFC000  }
0x147: {  	[tilespmem:s7], [sflag:$0x3] =	stream.linear.gather [hbm4b:s16+s7], $0xE80, $0x38;
	[tilespmem:$0x1E000] =	vst v63  }
0x148: {  	_ =	swait.ge [sflag:s20], $0xE80  }
0x149: {  	[sflag:s20] =	ssyncset.done $0x0  }
0x14a: {  	[sflag:s20] =	ssyncadd.s32 $0xFFFFF180  }
0x14b: {  	[tilespmem:s21], [sflag:$0x3] =	stream.linear.gather [hbm4b:s17+s7], $0xE80, $0x38;
	[tilespmem:$0x1E000] =	vst v63  }
0x14c: {  	_ =	swait.ge [sflag:s20], $0xE80  }
0x14d: {  	[sflag:s20] =	ssyncset.done $0x0  }
0x14e: {  	[sflag:s20] =	ssyncadd.s32 $0xFFFFF180  }
0x14f: {  	[tilespmem:s23], [sflag:$0x1] =	stream.indirect.gather [hbm4b:s9+s22], $0x80, s7, s22, $0xb8;
	[tilespmem:$0x1E000] =	vst v63  }
0x150: {  	s8 =	simm.s32 $0x80  }
0x151: {  	[tilespmem:s24], [sflag:$0x2] =	stream.indirect.gather [hbm4b:s9+s22], $0x80, s8, s22, $0xb8;
	[tilespmem:$0x1E000] =	vst v63  }
0x152: {  	_ =	swait.ge [sflag:s25], $0x4000  }
0x153: {  	[sflag:s25] =	ssyncset.done $0x0  }
0x154: {  	s5 =	simm.s32 $0x1000;
	[sflag:s25] =	ssyncadd.s32 $0xFFFFC000  }
0x155: {  	[spmem:s1] =	stream.indirect.scatter.add.f32 [tilespmem:s23], [sflag:$0x3], $0x80, s5, s22, $0xb8;
	[tilespmem:$0x1E000] =	vst v63  }
0x156: {  	_ =	swait.ge [sflag:s20], $0x4000  }
0x157: {  	[sflag:s20] =	ssyncset.done $0x0  }
0x158: {  	s7 =	simm.s32 $0x100;
	[sflag:s20] =	ssyncadd.s32 $0xFFFFC000  }
0x159: {  	[tilespmem:s23], [sflag:$0x1] =	stream.indirect.gather [hbm4b:s9+s22], $0x80, s7, s22, $0xb8;
	[tilespmem:$0x1E000] =	vst v63  }
0x15a: {  	_ =	swait.ge [sflag:s26], $0x4000  }
0x15b: {  	[sflag:s26] =	ssyncset.done $0x0  }
0x15c: {  	s8 =	simm.s32 $0x1080;
	[sflag:s26] =	ssyncadd.s32 $0xFFFFC000  }
0x15d: {  	[spmem:s1] =	stream.indirect.scatter.add.f32 [tilespmem:s24], [sflag:$0x3], $0x80, s8, s22, $0xb8;
	[tilespmem:$0x1E000] =	vst v63  }
0x15e: {  	_ =	swait.ge [sflag:s20], $0x4000  }
0x15f: {  	s31 =	simm.s32 $0x100;
	s4 =	simm.s32 $0x800;
	[sflag:s20] =	ssyncset.done $0x0  }
.LBB2_10:
0x160: {  	s5 =	sadd.s32 $0x80, s31  }
0x161: {  	[sflag:s20] =	ssyncadd.s32 $0xFFFFC000;
	s7 =	smov.u32 s4;
	s8 =	sadd.s32 $0x400, s4  }
0x162: {  	[tilespmem:s24], [sflag:$0x2] =	stream.indirect.gather [hbm4b:s9+s22], $0x80, s5, s22, $0xb8;
	[tilespmem:$0x1E000] =	vst v63  }
0x163: {  	p0 =	sne.s32 s4, $0x3400;
	_ =	swait.ge [sflag:s25], $0x4000  }
0x164: {  	[sflag:s25] =	ssyncset.done $0x0  }
0x165: {  	s4 =	sadd.s32 $0x1000, s31;
	[sflag:s25] =	ssyncadd.s32 $0xFFFFC000  }
0x166: {  	[spmem:s1] =	stream.indirect.scatter.add.f32 [tilespmem:s23], [sflag:$0x3], $0x80, s4, s22, $0xb8;
	[tilespmem:$0x1E000] =	vst v63  }
0x167: {  	_ =	swait.ge [sflag:s20], $0x4000  }
0x168: {  	[sflag:s20] =	ssyncset.done $0x0  }
0x169: {  	s4 =	sadd.s32 $0x100, s31;
	[sflag:s20] =	ssyncadd.s32 $0xFFFFC000  }
0x16a: {  	[tilespmem:s23], [sflag:$0x1] =	stream.indirect.gather [hbm4b:s9+s22], $0x80, s4, s22, $0xb8;
	[tilespmem:$0x1E000] =	vst v63  }
0x16b: {  	_ =	swait.ge [sflag:s26], $0x4000  }
.Ltmp4:
0x16c: {  	[sflag:s26] =	ssyncset.done $0x0;
	(pc) =	sbr.rel @p0 .LBB2_10-.Ltmp4, $4  }
0x16d: {  	s4 =	sadd.s32 $0x1080, s31;
	[sflag:s26] =	ssyncadd.s32 $0xFFFFC000  }
0x16e: {  	[spmem:s1] =	stream.indirect.scatter.add.f32 [tilespmem:s24], [sflag:$0x3], $0x80, s4, s22, $0xb8;
	[tilespmem:$0x1E000] =	vst v63  }
0x16f: {  	_ =	swait.ge [sflag:s20], $0x4000  }
0x170: {  	s31 =	sshra.s32 s7, $0x2;
	s4 =	smov.u32 s8;
	[sflag:s20] =	ssyncset.done $0x0  }
0x171: {  	s4 =	sadd.s32 $0x80, s31;
	[sflag:s20] =	ssyncadd.s32 $0xFFFFC000  }
0x172: {  	[tilespmem:s24], [sflag:$0x2] =	stream.indirect.gather [hbm4b:s9+s22], $0x80, s4, s22, $0xb8;
	[tilespmem:$0x1E000] =	vst v63  }
0x173: {  	_ =	swait.ge [sflag:s25], $0x4000  }
0x174: {  	[sflag:s25] =	ssyncset.done $0x0  }
0x175: {  	s5 =	sadd.s32 $0x1000, s31;
	[sflag:s25] =	ssyncadd.s32 $0xFFFFC000  }
0x176: {  	[spmem:s1] =	stream.indirect.scatter.add.f32 [tilespmem:s23], [sflag:$0x3], $0x80, s5, s22, $0xb8;
	[tilespmem:$0x1E000] =	vst v63  }
0x177: {  	_ =	swait.ge [sflag:s20], $0x4000  }
0x178: {  	[sflag:s20] =	ssyncset.done $0x0  }
0x179: {  	s7 =	sadd.s32 $0x100, s31;
	[sflag:s20] =	ssyncadd.s32 $0xFFFFC000  }
0x17a: {  	[tilespmem:s23], [sflag:$0x1] =	stream.indirect.gather [hbm4b:s9+s22], $0x80, s7, s22, $0xb8;
	[tilespmem:$0x1E000] =	vst v63  }
0x17b: {  	_ =	swait.ge [sflag:s26], $0x4000  }
0x17c: {  	[sflag:s26] =	ssyncset.done $0x0  }
0x17d: {  	s8 =	sadd.s32 $0x1080, s31;
	[sflag:s26] =	ssyncadd.s32 $0xFFFFC000  }
0x17e: {  	[spmem:s1] =	stream.indirect.scatter.add.f32 [tilespmem:s24], [sflag:$0x3], $0x80, s8, s22, $0xb8;
	[tilespmem:$0x1E000] =	vst v63  }
0x17f: {  	_ =	swait.ge [sflag:s20], $0x4000  }
0x180: {  	[sflag:s20] =	ssyncset.done $0x0  }
0x181: {  	[sflag:s20] =	ssyncadd.s32 $0xFFFFC000  }
0x182: {  	_ =	swait.ge [sflag:s25], $0x4000  }
0x183: {  	[sflag:s25] =	ssyncset.done $0x0  }
0x184: {  	s31 =	simm.s32 $0x1E00;
	[sflag:s25] =	ssyncadd.s32 $0xFFFFC000  }
0x185: {  	[spmem:s1] =	stream.indirect.scatter.add.f32 [tilespmem:s23], [sflag:$0x3], $0x80, s31, s22, $0xb8;
	[tilespmem:$0x1E000] =	vst v63  }
0x186: {  	_ =	swait.ge [sflag:s20], $0x4000  }
0x187: {  	s0 =	sadd.s32 $0x1, s0;
	[sflag:s20] =	ssyncset.done $0x0  }
0x188: {  	p0 =	sne.s32 s0, s19;
	[sflag:s20] =	ssyncadd.s32 $0xFFFFC000  }
.Ltmp5:
0x189: {  	[bflag:$0x0] =	sbarrier.arrive $0xFFFF;
	(pc) =	sbr.rel @p0 .LBB2_1-.Ltmp5, $4  }
0x18a: {  	[hbm:s18], [sflag:s6] =	dma.local [spmem:s2], $0x2800  }
0x18b: {  	_ =	swait.ge [sflag:s20], $0x2800  }
0x18c: {  	[sflag:s20] =	ssyncset.done $0x0  }
0x18d: {  	[sflag:s20] =	ssyncadd.s32 $0xFFFFD800  }
0x18e: {  	_ =	sfence.sel $0x180000  }
0x18f: {  	[bflag:$0x0] =	sbarrier.arrive $0xFFFF  }
0x190: {  	_ =	strace $0x9000004D  }
0x191: {  	s0 =	stileid.u32;
	[bflag:$0x2] =	sbarrier.arrive $0xFFFF  }
0x192: {  	p0 =	sne.s32 s0, $0x0;
	s0 =	rddreg [dreg:$0x2]  }
0x193: {  	s0 =	sadd.s32 @!p0 $0x100000, s0  }
0x194: {  	[sflag:s0] =	ssyncadd.tile.s32 @!p0 $0x1;
	_ =	shalt  }
.Lfunc_end2:
_tile_overlayer_lowered:
.L_overlay_start_2:
0x195: {  	(tag) =	ssettag $0x2  }
0x196: {  	s0 =	rddreg [dreg:$0x0];
	s2 =	stileid.u32  }
0x197: {  	s1 =	rddreg [dreg:$0x1];
	p0 =	sne.s32 s2, $0x0  }
0x198: {  	s3 =	rddreg [dreg:$0x2];
	[bflag:$0x3] =	sbarrier.arrive $0xFFFF;
	s2 =	simm.s32 @!p0 $0x1C03  }
0x199: {  	[timem:s3], [sflag:s2] =	dma.local @!p0 [hbm:s0], s1  }
0x19a: {  	s0 =	simm.s32 @!p0 $0x3  }
0x19b: {  	_ =	swait.ge @!p0 [sflag:s0], s1  }
0x19c: {  	s1 =	ssub.s32 @!p0 $0x0, s1;
	[sflag:s0] =	ssyncset.done @!p0 $0x0  }
0x19d: {  	[sflag:s0] =	ssyncadd.s32 @!p0 s1  }
0x19e: {  	[bflag:$0x3] =	sbarrier.arrive $0xFFFF  }
0x19f: {  	_ =	shalt  }

// kernel: kernel.8.cloned.1.call-start
scs
__scs_entry_jumppad:
0x0: {  	(pc) =	sbr.rel $0x88, $3  }
0x1: {  	(tag) =	ssettag $0x0;
	lr =	simm.s32 $0x1  }
0x2: {  	[smem:$0x3F8E] =	sst lr;
	_ =	strace $0xD0000000  }
0x3: {  	_ = 	snop  }
0x4: {  	_ = 	snop  }
0x5: {  	_ = 	snop  }
0x6: {  	_ = 	snop  }
0x7: {  	_ = 	snop  }
__scs_overlays_trampoline_lowered:
0x8: {  	[smem:$0x3F9D] =	sst s0  }
0x9: {  	[smem:$0x3F9E] =	sst s1  }
0xa: {  	[smem:$0x3F9F] =	sst s2  }
0xb: {  	[smem:$0x3FA0] =	sst s3  }
0xc: {  	[smem:$0x3FA1] =	sst s4  }
0xd: {  	[smem:$0x3FA2] =	sst s5  }
0xe: {  	[smem:$0x3FA3] =	sst s6  }
0xf: {  	[smem:$0x3FA4] =	sst s7  }
0x10: {  	[smem:$0x3FA5] =	sst s8  }
0x11: {  	[smem:$0x3FA6] =	sst s9;
	s0 =	simm.s32 @!p0 $0x0  }
0x12: {  	s1 =	sld [smem:$0x3F8C];
	s0 =	simm.s32 @p0 $0x1  }
0x13: {  	[smem:$0x3FA7] =	sst s0;
	s0 =	simm.s32 @!p1 $0x0  }
0x14: {  	s2 =	sld [smem:$0x3F8B];
	s0 =	simm.s32 @p1 $0x1  }
0x15: {  	[smem:$0x3FA8] =	sst s0;
	s0 =	simm.s32 @!p2 $0x0  }
0x16: {  	s3 =	sld [smem:$0x3FDB];
	s0 =	simm.s32 @p2 $0x1  }
0x17: {  	s4 =	simm.s32 $0x1BF5;
	[smem:$0x3FAA] =	sst s0  }
0x18: {  	s0 =	sld [smem:$0x3F8D];
	_ =	swait.ge [sflag:s4], $0x0  }
0x19: {  	s7 =	sld [smem:$0x3F8E]  }
0x1a: {  	s8 =	sadd.s32 $0xFFFFE003, lr  }
0x1b: {  	s9 =	sadd.s32 $0xFFFFFEF7, lr;
	s5 =	simm.s32 $0xFFFFFFFF;
	p2 =	slt.u32 s8, $0xFFFFF086  }
0x1c: {  	p1 =	slt.u32 s9, $0xF7A;
	s5 =	simm.s32 @!p2 $0x0  }
0x1d: {  	s5 =	simm.s32 @p1 $0x1;
	p0 =	seq.s32 s7, s2  }
0x1e: {  	s7 =	smul.u32 @!p0 $0xF7A, s2;
	p2 =	seq.s32 @!p0 s5, $0x0  }
0x1f: {  	s9 =	smul.u32 $0xF7A, s1;
	s8 =	simm.s32 @!p0 $0x1BF5;
	p2 =	por !p2, p0  }
0x20: {  	[sflag:s8] =	ssyncset.s32 @!p0 $0xFFFFF086;
	s6 =	sadd.s32 @!p0 s3, s7;
	s7 =	simm.s32 @!p0 $0x108  }
0x21: {  	s3 =	sadd.s32 s3, s9;
	s6 =	sadd.s32 @!p0 $0x88, s6;
	s7 =	simm.s32 @p2 $0x1082  }
0x22: {  	[simem:s7], [sflag:s8] =	dma.local @!p0 [hbm:s6], $0xF7A  }
0x23: {  	s9 =	sor.u32 $0xD0000000, s2;
	s6 =	simm.s32 $0x108;
	_ =	swait.ge @!p0 [sflag:s8], $0x0  }
0x24: {  	s3 =	sadd.s32 $0x88, s3;
	s6 =	simm.s32 @!p1 $0x1082;
	[sflag:s4] =	ssyncset.s32 $0xFFFFF086  }
0x25: {  	[simem:s6], [sflag:s4] =	dma.local [hbm:s3], $0xF7A  }
0x26: {  	[smem:$0x3F8E] =	sst s1;
	(tag) =	ssettag s2;
	_ =	strace s9  }
0x27: {  	s1 =	sld [smem:$0x3F9E]  }
0x28: {  	s2 =	sld [smem:$0x3F9F]  }
0x29: {  	s4 =	sld [smem:$0x3FA1]  }
0x2a: {  	p0 =	seq.s32 s5, $0x0;
	s5 =	sld [smem:$0x3FA2]  }
0x2b: {  	s6 =	sld [smem:$0x3FA3]  }
0x2c: {  	s7 =	sld [smem:$0x3FA4]  }
0x2d: {  	s3 =	simm.s32 $0x108;
	s8 =	sld [smem:$0x3FA5]  }
0x2e: {  	s3 =	simm.s32 @!p0 $0x1082;
	s9 =	sld [smem:$0x3FA6]  }
0x2f: {  	lr =	sadd.s32 s0, s3;
	s0 =	sld [smem:$0x3F9D]  }
0x30: {  	s3 =	sld [smem:$0x3FA0]  }
0x31: {  	[smem:$0x3FA9] =	sst s10  }
0x32: {  	s10 =	sld [smem:$0x3FA7];
	_ =	sdelay $0x3  }
0x33: {  	p0 =	seq.s32 s10, $0x1;
	s10 =	sld [smem:$0x3FA9];
	_ =	sdelay $0x3  }
0x34: {  	[smem:$0x3FA9] =	sst s10  }
0x35: {  	s10 =	sld [smem:$0x3FA8];
	_ =	sdelay $0x3  }
0x36: {  	p1 =	seq.s32 s10, $0x1;
	s10 =	sld [smem:$0x3FA9];
	_ =	sdelay $0x3  }
0x37: {  	[smem:$0x3FA9] =	sst s10  }
0x38: {  	s10 =	sld [smem:$0x3FAA]  }
0x39: {  	_ = 	snop;
	(pc) =	sbr.ind lr, $3  }
0x3a: {  	_ = 	snop  }
0x3b: {  	_ = 	snop  }
0x3c: {  	p2 =	seq.s32 s10, $0x1;
	s10 =	sld [smem:$0x3FA9]  }
0x3d: {  	_ =	shalt  }
0x3e: {  	_ =	shalt  }
0x3f: {  	_ =	shalt  }
0x40: {  	_ =	shalt  }
0x41: {  	_ =	shalt  }
0x42: {  	_ =	shalt  }
0x43: {  	_ =	shalt  }
0x44: {  	_ =	shalt  }
0x45: {  	_ =	shalt  }
0x46: {  	_ =	shalt  }
0x47: {  	_ =	shalt  }
0x48: {  	_ =	shalt  }
0x49: {  	_ =	shalt  }
0x4a: {  	_ =	shalt  }
0x4b: {  	_ =	shalt  }
0x4c: {  	_ =	shalt  }
0x4d: {  	_ =	shalt  }
0x4e: {  	_ =	shalt  }
0x4f: {  	_ =	shalt  }
0x50: {  	_ =	shalt  }
0x51: {  	_ =	shalt  }
0x52: {  	_ =	shalt  }
0x53: {  	_ =	shalt  }
0x54: {  	_ =	shalt  }
0x55: {  	_ =	shalt  }
0x56: {  	_ =	shalt  }
0x57: {  	_ =	shalt  }
0x58: {  	_ =	shalt  }
0x59: {  	_ =	shalt  }
0x5a: {  	_ =	shalt  }
0x5b: {  	_ =	shalt  }
0x5c: {  	_ =	shalt  }
0x5d: {  	_ =	shalt  }
0x5e: {  	_ =	shalt  }
0x5f: {  	_ =	shalt  }
0x60: {  	_ =	shalt  }
0x61: {  	_ =	shalt  }
0x62: {  	_ =	shalt  }
0x63: {  	_ =	shalt  }
0x64: {  	_ =	shalt  }
0x65: {  	_ =	shalt  }
0x66: {  	_ =	shalt  }
0x67: {  	_ =	shalt  }
0x68: {  	_ =	shalt  }
0x69: {  	_ =	shalt  }
0x6a: {  	_ =	shalt  }
0x6b: {  	_ =	shalt  }
0x6c: {  	_ =	shalt  }
0x6d: {  	_ =	shalt  }
0x6e: {  	_ =	shalt  }
0x6f: {  	_ =	shalt  }
0x70: {  	_ =	shalt  }
0x71: {  	_ =	shalt  }
0x72: {  	_ =	shalt  }
0x73: {  	_ =	shalt  }
0x74: {  	_ =	shalt  }
0x75: {  	_ =	shalt  }
0x76: {  	_ =	shalt  }
0x77: {  	_ =	shalt  }
0x78: {  	_ =	shalt  }
0x79: {  	_ =	shalt  }
0x7a: {  	_ =	shalt  }
0x7b: {  	_ =	shalt  }
0x7c: {  	_ =	shalt  }
0x7d: {  	_ =	shalt  }
0x7e: {  	_ =	shalt  }
0x7f: {  	_ =	shalt  }
0x80: {  	_ =	shalt  }
0x81: {  	_ =	shalt  }
0x82: {  	_ =	shalt  }
0x83: {  	_ =	shalt  }
0x84: {  	_ =	shalt  }
0x85: {  	_ =	shalt  }
0x86: {  	_ =	shalt  }
0x87: {  	_ =	shalt  }
.Lfunc_end0:
.L_simem_size_0:
called_computation_lowered:
.L_overlay_start_0:
0x88: {  	s2 =	sld [smem:$0x3FD9]  }
0x89: {  	s3 =	sld [smem:$0x3FFE];
	_ =	sdelay $0x1  }
0x8a: {  	s1 =	srdreg.scid  }
0x8b: {  	s0 =	sand.u32 $0x1, s1  }
0x8c: {  	s16 =	sshll.u32 s0, $0xA;
	s2 =	sadd.s32 s3, s2  }
0x8d: {  	s2 =	sadd.s32 s2, s16  }
0x8e: {  	[smem:$0x3FB5] =	sst s2  }
0x8f: {  	_ = 	snop  }
0x90: {  	(tm) =	ssettm $0x1  }
0x91: {  	s17 =	sld [smem:$0x3FFB];
	_ =	sdelay $0x3  }
0x92: {  	_ =	strace s17  }
0x93: {  	s2 =	sld [smem:$0x3FFC];
	_ =	sdelay $0x3  }
0x94: {  	_ =	strace s2  }
0x95: {  	s2 =	sld [smem:$0x3FFD];
	_ =	sdelay $0x3  }
0x96: {  	_ =	strace s2  }
0x97: {  	_ =	strace $0x8FFFFFFF  }
0x98: {  	s18 =	sld [smem:$0x3FDB];
	_ =	sdelay $0x1  }
0x99: {  	s19 =	simm.s32 $_scs_section_size  }
0x9a: {  	s4 =	simm.s32 $_size__tile_overlayer_lowered;
	s5 =	simm.s32 $_tile_overlayer_lowered  }
0x9b: {  	s22 =	simm.s32 $0x1BFF;
	s21 =	sshll.u32 s5, $0x1;
	s2 =	sadd.s32 s19, s18  }
0x9c: {  	s6 =	simm.s32 $0x0;
	s20 =	sshll.u32 s4, $0x1;
	s4 =	sadd.s32 s21, s2  }
0x9d: {  	[timem:s6], [sflag:s22] =	dma.local [hbm:s4], s20  }
0x9e: {  	_ =	swait.ge [sflag:s22], s20  }
0x9f: {  	s3 =	ssub.s32 $0x0, s20;
	[sflag:s22] =	ssyncset.done $0x0  }
0xa0: {  	[sflag:s22] =	ssyncadd.s32 s3;
	_ =	sdelay $0x1  }
0xa1: {  	s23 =	simm.s32 $0x1B8B  }
0xa2: {  	_ =	swait.ge [sflag:s23], $0x1  }
0xa3: {  	[sflag:s23] =	ssyncset.done $0x0  }
0xa4: {  	s25 =	simm.s32 $0x1B8E;
	s24 =	sld [smem:$0x3FFE];
	[sflag:s23] =	ssyncadd.s32 $0xFFFFFFFF  }
0xa5: {  	s26 =	simm.s32 $execute0_lowered;
	[smem:$0x3FD2] =	sst s25  }
0xa6: {  	s4 =	sshll.u32 s26, $0x1;
	_ =	strace $0x80000046;
	[dreg:$0x1] =	wrdreg $0xFFFFFFFF  }
0xa7: {  	s28 =	simm.s32 $_size_execute0_lowered;
	s2 =	sadd.s32 s2, s4;
	[dreg:$0x0] =	wrdreg $0x0  }
0xa8: {  	s4 =	sshll.u32 s28, $0x1;
	[dreg:$0x2] =	wrdreg s2  }
0xa9: {  	[dreg:$0x3] =	wrdreg s4  }
0xaa: {  	[dreg:$0x4] =	wrdreg $0xC0  }
0xab: {  	_ =	task [dreg:s6], $0x5FFFF  }
0xac: {  	[dreg:$0x1] =	wrdreg $0xFFFFFFFF  }
0xad: {  	[dreg:$0x0] =	wrdreg $0x60  }
0xae: {  	[dreg:$0x2] =	wrdreg s24  }
0xaf: {  	[dreg:$0x3] =	wrdreg $0x50800  }
0xb0: {  	[dreg:$0x4] =	wrdreg $0x9  }
0xb1: {  	_ =	task.clear_ibuf [dreg:s6], $0x5FFFF;
	_ =	strace $0x90000046  }
0xb2: {  	s29 =	simm.s32 $0x9;
	_ =	strace $0x80000048  }
0xb3: {  	_ =	swait.ge [sflag:s29], $0x1  }
0xb4: {  	[sflag:s29] =	ssyncadd.s32 $0xFFFFFFFF  }
0xb5: {  	_ =	strace $0x90000048  }
0xb6: {  	_ =	sfence  }
0xb7: {  	s30 =	sld [smem:$0x0];
	_ =	sdelay $0x2  }
0xb8: {  	s31 =	sshll.u32 s1, $0xD;
	s1 =	sshrl.u32 s1, $0x2  }
0xb9: {  	s3 =	sand.u32 $0x4000, s31;
	s1 =	sadd.s32 s1, s30  }
0xba: {  	s0 =	sor.u32 s3, s0;
	s1 =	sshll.u32 s1, $0x11  }
0xbb: {  	s0 =	sor.u32 s1, s0  }
0xbc: {  	s0 =	sadd.s32 $0x8F2B, s0  }
0xbd: {  	[sflag:s0] =	ssyncadd.remote.s32 $0x1  }
0xbe: {  	_ =	sfence.sel $0xFFFF  }
0xbf: {  	[dreg:$0x0] =	wrdreg $0xFFFFFFFF;
	(pc) =	sbr.abs _section_cstart, $3  }
0xc0: {  	[dreg:$0x1] =	wrdreg $0xFFFFFFFF  }
0xc1: {  	_ =	task.clear_ibuf [dreg:s6], $0x2FFFF;
	_ =	strace $0x9FFFFFFF  }
0xc2: {  	(tm) =	ssettm $0x7FFFFFFF  }
0xc3: {  	_ =	shalt  }
tec
execute0_lowered:
.L_overlay_start_1:
0x0: {  	(tag) =	ssettag $0x1  }
0x1: {  	s4 =	rddreg [dreg:$0x0]  }
0x2: {  	s0 =	srdreg.scid;
	s2 =	rddreg [dreg:$0x1]  }
0x3: {  	s1 =	rddreg [dreg:$0x2];
	s3 =	simm.s32 $0x0;
	s5 =	sand.u32 $0x1, s0  }
0x4: {  	s12 =	simm.s32 $0x5000;
	s0 =	stileid.u32;
	s6 =	smul.u32 $0x50000, s5  }
0x5: {  	s13 =	simm.s32 $0x20;
	s14 =	simm.s32 $0x10;
	s7 =	smul.u32 $0x5000, s0  }
0x6: {  	s15 =	simm.s32 $0x0;
	[smem:$0x7FF] =	sst s3;
	s28 =	smul.u32 $0x500, s0  }
0x7: {  	s8 =	smul.u32 $0x280, s0;
	s9 =	sshll.u32 s5, $0x7;
	s5 =	ssub.s32 $0x2, s5  }
0x8: {  	_ =	strace $0x80000047;
	s31 =	sshll.u32 s0, $0x6;
	s30 =	sshrl.u32 s5, $0x1  }
0x9: {  	s6 =	sadd.s32 s7, s6;
	s7 =	sor.u32 s9, s28;
	s29 =	sshrl.u32 s8, $0x3  }
0xa: {  	s10 =	ssub.s32 s5, s30;
	s11 =	sadd.s32 s8, s2;
	s8 =	simm.s32 $0x1  }
0xb: {  	s6 =	sshrl.u32 s6, $0x3;
	s7 =	sshrl.u32 s7, $0x3;
	s9 =	sadd.s32 s29, s4  }
0xc: {  	s6 =	sadd.s32 s6, s4;
	s7 =	sadd.s32 s7, s4;
	s5 =	sadd.s32 $0x17C00, s9  }
0xd: {  	s9 =	sor.u32 $0x1C01, s31;
	s4 =	sadd.s32 $0x3C00, s6;
	s6 =	sadd.s32 $0x18200, s7  }
0xe: {  	v0 =	vimm.f32 $1.000000000e+00;
	s7 =	smax.u32 s10, $0x1;
	s10 =	sshrl.u32 s11, $0x3;
	s11 =	simm.s32 $0x80  }
.LBB2_1:
0xf: {  	[tilespmem:s3], [sflag:$0x1] =	stream.linear.gather [hbm4b:s4+s3], $0x4E80, $0x38;
	[tilespmem:$0x5300] =	vst v63  }
0x10: {  	_ =	swait.ge [sflag:s8], $0x4E80  }
0x11: {  	[sflag:s8] =	ssyncset.done $0x0  }
0x12: {  	[sflag:s8] =	ssyncadd.s32 $0xFFFFB180  }
0x13: {  	[spmem:s10], [sflag:s9] =	dma.local [hbm:s5], $0x50  }
0x14: {  	_ =	swait.ge [sflag:s8], $0x50  }
0x15: {  	[sflag:s8] =	ssyncset.done $0x0  }
0x16: {  	[sflag:s8] =	ssyncadd.s32 $0xFFFFFFB0  }
0x17: {  	[tilespmem:$0x5000] =	vst v0  }
0x18: {  	[tilespmem:$0x5010] =	vst v0  }
0x19: {  	[tilespmem:$0x5020] =	vst v0  }
0x1a: {  	[tilespmem:$0x5030] =	vst v0  }
0x1b: {  	[tilespmem:$0x5040] =	vst v0  }
0x1c: {  	[tilespmem:$0x5050] =	vst v0  }
0x1d: {  	[tilespmem:$0x5060] =	vst v0  }
0x1e: {  	[tilespmem:$0x5070] =	vst v0  }
0x1f: {  	s16 =	simm.s32 $0x0;
	[bflag:$0x0] =	sbarrier.arrive $0xFFFF  }
0x20: {  	[spmem:s2] =	stream.indirect.scatter.add.f32 [tilespmem:s12], [sflag:$0x1], $0x1, s16, s11, $0xb8;
	[tilespmem:$0x5300] =	vst v63  }
0x21: {  	_ =	swait.ge [sflag:s8], $0x80  }
0x22: {  	s16 =	simm.s32 $0x200;
	[sflag:s8] =	ssyncset.done $0x0  }
.LBB2_2:
0x23: {  	s17 =	sshra.s32 s16, $0x2;
	[sflag:s8] =	ssyncadd.s32 $0xFFFFFF80;
	p0 =	sne.s32 s16, $0x13800  }
0x24: {  	[spmem:s2] =	stream.indirect.scatter.add.f32 [tilespmem:s12], [sflag:$0x1], $0x1, s17, s11, $0xb8;
	[tilespmem:$0x5300] =	vst v63  }
.Ltmp0:
0x25: {  	_ = 	snop;
	(pc) =	sbr.rel @p0 .LBB2_2-.Ltmp0, $4  }
0x26: {  	_ = 	snop  }
0x27: {  	s16 =	sadd.s32 $0x200, s16  }
0x28: {  	_ =	swait.ge [sflag:s8], $0x80  }
0x29: {  	[sflag:s8] =	ssyncset.done $0x0  }
0x2a: {  	s15 =	sadd.s32 $0x1, s15  }
0x2b: {  	[sflag:s8] =	ssyncadd.s32 $0xFFFFFF80;
	p0 =	sne.s32 s15, s7  }
.Ltmp1:
0x2c: {  	[bflag:$0x0] =	sbarrier.arrive $0xFFFF;
	(pc) =	sbr.rel @p0 .LBB2_1-.Ltmp1, $4  }
0x2d: {  	[hbm:s6@s13], [sflag:s9] =	dma.strided [spmem:s10@s14], $0x50, s8, $0x10   }
0x2e: {  	_ =	swait.ge [sflag:s8], $0x50  }
0x2f: {  	[sflag:s8] =	ssyncset.done $0x0  }
0x30: {  	[sflag:s8] =	ssyncadd.s32 $0xFFFFFFB0  }
0x31: {  	_ =	sfence.sel $0x180000  }
0x32: {  	[bflag:$0x0] =	sbarrier.arrive $0xFFFF  }
0x33: {  	p0 =	sne.s32 s0, $0x0;
	_ =	strace $0x90000047  }
0x34: {  	s0 =	sadd.s32 @!p0 $0x100000, s1;
	[bflag:$0x2] =	sbarrier.arrive $0xFFFF  }
0x35: {  	[sflag:s0] =	ssyncadd.tile.s32 @!p0 $0x1;
	_ =	shalt  }
.Lfunc_end2:
_tile_overlayer_lowered:
.L_overlay_start_2:
0x36: {  	(tag) =	ssettag $0x2  }
0x37: {  	s0 =	rddreg [dreg:$0x0];
	s2 =	stileid.u32  }
0x38: {  	s1 =	rddreg [dreg:$0x1];
	p0 =	sne.s32 s2, $0x0  }
0x39: {  	s3 =	rddreg [dreg:$0x2];
	[bflag:$0x3] =	sbarrier.arrive $0xFFFF;
	s2 =	simm.s32 @!p0 $0x1C01  }
0x3a: {  	[timem:s3], [sflag:s2] =	dma.local @!p0 [hbm:s0], s1  }
0x3b: {  	s0 =	simm.s32 @!p0 $0x1  }
0x3c: {  	_ =	swait.ge @!p0 [sflag:s0], s1  }
0x3d: {  	s1 =	ssub.s32 @!p0 $0x0, s1;
	[sflag:s0] =	ssyncset.done @!p0 $0x0  }
0x3e: {  	[sflag:s0] =	ssyncadd.s32 @!p0 s1  }
0x3f: {  	[bflag:$0x3] =	sbarrier.arrive $0xFFFF  }
0x40: {  	_ =	shalt  }

</sc_bundles>
